<compile_context>
chip_gen: v7x
topology: tpu7x:2x2x1
jax: 0.10.2.dev20260603
libtpu: 0.0.44.dev20260713+nightly
codegen_flags: <defaults>
</compile_context>

<pallas_src>
import functools

import jax
import jax.numpy as jnp
import numpy as np
from jax import lax
from jax.experimental import pallas as pl
from jax.experimental.pallas import tpu as pltpu
from jax.experimental.pallas import tpu_sc as plsc

U32 = jnp.uint32
I32 = jnp.int32
F32 = jnp.float32
_SCALE15625 = np.float32((1.0 - 2.0**-21) / 15625.0)


def _c(v):
    return U32(v)


def _mul64c(lo, hi, c):
    c = _c(c)
    l0 = lo & _c(0xFFFF)
    l1 = lo >> _c(16)
    p0 = l0 * c
    p1 = l1 * c
    nlo = (p1 << _c(16)) + p0
    ch = (p1 + (p0 >> _c(16))) >> _c(16)
    h0 = hi & _c(0xFFFF)
    h1 = hi >> _c(16)
    nhi = ((h1 * c) << _c(16)) + h0 * c + ch
    return nlo, nhi


def _xor_shr(lo, hi, s):
    slo = (lo >> _c(s)) | (hi << _c(32 - s))
    shi = hi >> _c(s)
    return lo ^ slo, hi ^ shi


def _hash_vec(x):
    blo = x << _c(21)
    bhi = x >> _c(11)
    alo = ~x
    lo = alo + blo
    carry = jnp.where(lo < alo, _c(1), _c(0))
    hi = bhi + carry + _c(0xFFFFFFFF)
    lo, hi = _xor_shr(lo, hi, 24)
    lo, hi = _mul64c(lo, hi, 265)
    lo, hi = _xor_shr(lo, hi, 14)
    lo, hi = _mul64c(lo, hi, 21)
    lo, hi = _xor_shr(lo, hi, 28)
    b0m = lo << _c(31)
    nlo = lo ^ b0m
    c7 = (lo & b0m) >> _c(31)
    shi = (hi << _c(31)) | (lo >> _c(1))
    hi = hi + shi + c7
    lo = nlo
    r0 = lo & _c(63)
    qlo = (lo >> _c(6)) | (hi << _c(26))
    qhi = hi >> _c(6)
    w0 = qlo & _c(0xFFFF)
    w1 = qlo >> _c(16)
    w2 = qhi & _c(0xFFFF)
    w3 = qhi >> _c(16)
    s = w0 + w1 * _c(3036) + w2 * _c(14171) + w3 * _c(7531)
    s = s.astype(I32)
    q = (s.astype(F32) * _SCALE15625).astype(I32)
    r = s - q * I32(15625)
    t = r - I32(15625)
    r = t + ((t >> I32(31)) & I32(15625))
    return (r.astype(U32) << _c(6)) | r0


def _make_sc_call(rows, cols, sc_rows):
    info = plsc.get_sparse_core_info()
    nc, ns = info.num_cores, info.num_subcores
    nw = nc * ns
    rows_per_w = sc_rows // nw
    assert rows_per_w * nw == sc_rows
    row0 = rows - sc_rows
    n_full = cols // 16
    has_tail = cols % 16 != 0
    mesh = plsc.VectorSubcoreMesh(core_axis_name="c", subcore_axis_name="s")

    @functools.partial(
        pl.kernel,
        mesh=mesh,
        out_type=jax.ShapeDtypeStruct((sc_rows, cols), jnp.uint32),
        scratch_types=[pltpu.VMEM((rows_per_w, cols), jnp.uint32)],
    )
    def sc_hash(x_hbm, out_hbm, buf):
        wid = lax.axis_index("s") * I32(nc) + lax.axis_index("c")
        rb = wid * I32(rows_per_w)
        src = pl.multiple_of(I32(row0) + rb, rows_per_w)
        pltpu.sync_copy(x_hbm.at[pl.ds(src, rows_per_w)], buf)

        @plsc.parallel_loop(I32(0), I32(rows_per_w), step=I32(1), unroll=1)
        def _(r):
            for k in range(n_full - 1):
                buf[r, pl.ds(16 * k, 16)] = _hash_vec(
                    buf[r, pl.ds(16 * k, 16)])
            o = 16 * (n_full - 1)
            v_last = _hash_vec(buf[r, pl.ds(o, 16)])
            if has_tail:
                v_tail = _hash_vec(buf[r, pl.ds(cols - 16, 16)])
            buf[r, pl.ds(o, 16)] = v_last
            if has_tail:
                buf[r, pl.ds(cols - 16, 16)] = v_tail

        dst = pl.multiple_of(rb, rows_per_w)
        pltpu.sync_copy(buf, out_hbm.at[pl.ds(dst, rows_per_w)])

    return sc_hash


def _make_tc_call(rows, cols, tc_rows, blk_rows):
    assert tc_rows % blk_rows == 0

    def body(x_ref, o_ref):
        o_ref[...] = _hash_vec(x_ref[...])

    def imap(i):
        return (i, jnp.int32(0))

    return pl.pallas_call(
        body,
        grid=(tc_rows // blk_rows,),
        in_specs=[pl.BlockSpec((blk_rows, cols), imap)],
        out_specs=pl.BlockSpec((blk_rows, cols), imap),
        out_shape=jax.ShapeDtypeStruct((tc_rows, cols), jnp.uint32),
    )


@jax.jit
def kernel(raw_ids):
    rows, cols = raw_ids.shape
    sc_rows = (rows // 16) * 3
    tc_rows = rows - sc_rows
    x = raw_ids.astype(jnp.uint32)
    sc_out = _make_sc_call(rows, cols, sc_rows)(x)
    tc_out = _make_tc_call(rows, cols, tc_rows, 1024)(x)
    out = jnp.concatenate([tc_out, sc_out], axis=0)
    return out.astype(jnp.int64)

# --- scband reference (transcript-rebuilt; emitter-appended) ---
"""Pipeline reference for scband-hashing-map-idlist-69423851372959 (READ-ONLY COPY).

The authoritative reference and input builder live on the scoring server;
editing this copy changes nothing except your own understanding.
"""

import jax, jax.numpy as jnp
import numpy as np
jax.config.update("jax_enable_x64", True)

EMBEDDING_TABLE_SIZE = 1000000


def _twang_mix64(key):
    # folly::hash::twang_mix64, the mixer used inside fb's sigrid_hash.
    key = jnp.asarray(key, dtype=jnp.uint64)
    key = (~key) + (key << jnp.uint64(21))
    key = key ^ (key >> jnp.uint64(24))
    key = (key + (key << jnp.uint64(3))) + (key << jnp.uint64(8))
    key = key ^ (key >> jnp.uint64(14))
    key = (key + (key << jnp.uint64(2))) + (key << jnp.uint64(4))
    key = key ^ (key >> jnp.uint64(28))
    key = key + (key << jnp.uint64(31))
    return key


def setup_inputs(seed: int = 0) -> dict:
    key = jax.random.key(seed)
    raw_ids = jax.random.randint(key, (16384, 200), 0, 2000000000, dtype=jnp.int64)
    return {"raw_ids": raw_ids}


def reference(raw_ids):
    # sigrid_hash(raw_ids, salt=0, maxValue=embedding_table_size, hashIntoInt32=False)
    salt = jnp.uint64(0)
    h = _twang_mix64(raw_ids.astype(jnp.uint64) + salt)
    hashed = h % jnp.uint64(EMBEDDING_TABLE_SIZE)
    return hashed.astype(jnp.int64)

if __name__ == "__main__":
    import jax
    _d = setup_inputs()
    print(jax.jit(kernel)(*tuple(_d.values())))

</pallas_src>

<mosaic_0001>
#map = affine_map<(d0, d1) -> (0, 0)>
module attributes {stable_mosaic.version = 14 : i64} {
  func.func @sc_hash(%arg0: i32, %arg1: i32, %arg2: memref<16384x200xi32, #tpu.memory_space<hbm>>, %arg3: memref<3072x200xi32, #tpu.memory_space<hbm>>, %arg4: memref<96x200xi32, #tpu.memory_space<vmem>>) attributes {dimension_semantics = [#tpu.dimension_semantics<core_parallel>, #tpu.dimension_semantics<subcore_parallel>], iteration_bounds = array<i64: 2, 16>, scalar_prefetch = 0 : i64, scratch_operands = 1 : i64, tpu.core_type = #tpu.core_type<sc_vector_subcore>, window_params = [{transform_indices = #map}, {transform_indices = #map}]} {
    %mul3A = arith.constant 2 : i32
    %mul3A_0 = arith.muli %arg1, %mul3A : i32
    %add3A = arith.addi %mul3A_0, %arg0 : i32
    %mul3A_1 = arith.constant 96 : i32
    %mul3A_2 = arith.muli %add3A, %mul3A_1 : i32
    %add3A_3 = arith.constant 13312 : i32
    %add3A_4 = arith.addi %add3A_3, %mul3A_2 : i32
    %multiple_of3A = tpu.assume_multiple %add3A_4, 96 : i32
    "tpu.region"() ({
      %run_scoped3A = tpu.sem_alloc : memref<!tpu.dma_semaphore, #tpu.memory_space<semaphore_mem>>
      %dma_start3A = arith.constant 0 : i32
      %dma_start3A_8 = tpu.memref_slice %arg2[%multiple_of3A, %dma_start3A] : memref<16384x200xi32, #tpu.memory_space<hbm>> -> memref<96x200xi32, #tpu.memory_space<hbm>>
      %dma_start3A_9 = arith.constant 0 : i32
      %dma_start3A_10 = tpu.memref_slice %arg2[%multiple_of3A, %dma_start3A_9] : memref<16384x200xi32, #tpu.memory_space<hbm>> -> memref<96x200xi32, #tpu.memory_space<hbm>>
      tpu.enqueue_dma source(%dma_start3A_10 : memref<96x200xi32, #tpu.memory_space<hbm>>) target(%arg4 : memref<96x200xi32, #tpu.memory_space<vmem>>) target_semaphore(%run_scoped3A : memref<!tpu.dma_semaphore, #tpu.memory_space<semaphore_mem>>)
      %dma_wait3A = arith.constant 0 : i32
      %dma_wait3A_11 = tpu.memref_slice %arg2[%multiple_of3A, %dma_wait3A] : memref<16384x200xi32, #tpu.memory_space<hbm>> -> memref<96x200xi32, #tpu.memory_space<hbm>>
      %dma_wait3A_12 = arith.constant 0 : i32
      %dma_wait3A_13 = tpu.memref_slice %arg2[%multiple_of3A, %dma_wait3A_12] : memref<16384x200xi32, #tpu.memory_space<hbm>> -> memref<96x200xi32, #tpu.memory_space<hbm>>
      tpu.wait_dma2 semaphore(%run_scoped3A : memref<!tpu.dma_semaphore, #tpu.memory_space<semaphore_mem>>) src(%dma_wait3A_13 : memref<96x200xi32, #tpu.memory_space<hbm>>) dst(%arg4 : memref<96x200xi32, #tpu.memory_space<vmem>>)
      tpu.yield
    }) : () -> ()
    %parallel_loop3A = arith.constant 0 : i32
    %parallel_loop3A_5 = arith.constant 96 : i32
    %parallel_loop3A_6 = arith.constant 1 : i32
    scf.for %parallel_loop3A_8 = %parallel_loop3A to %parallel_loop3A_5 step %parallel_loop3A_6  : i32 {
      %parallel_loop3A_9 = arith.index_cast %parallel_loop3A_8 : i32 to index
      %parallel_loop3A_10 = arith.constant 0 : index
      %parallel_loop3A_11 = tpu.vector_load %arg4[%parallel_loop3A_9, %parallel_loop3A_10] {strides = array<i32>} : memref<96x200xi32, #tpu.memory_space<vmem>>, vector<1x16xi32>,
      %parallel_loop3A_12 = vector.shape_cast %parallel_loop3A_11 : vector<1x16xi32> to vector<16xi32>
      %parallel_loop3A_13 = arith.constant 21 : i32
      %parallel_loop3A_14 = vector.broadcast %parallel_loop3A_13 : i32 to vector<16xi32>
      %parallel_loop3A_15 = arith.shli %parallel_loop3A_12, %parallel_loop3A_14 : vector<16xi32>
      %parallel_loop3A_16 = arith.constant 11 : i32
      %parallel_loop3A_17 = vector.broadcast %parallel_loop3A_16 : i32 to vector<16xi32>
      %parallel_loop3A_18 = arith.shrui %parallel_loop3A_12, %parallel_loop3A_17 : vector<16xi32>
      %parallel_loop3A_19 = arith.constant dense<-1> : vector<16xi32>
      %parallel_loop3A_20 = arith.xori %parallel_loop3A_12, %parallel_loop3A_19 : vector<16xi32>
      %parallel_loop3A_21 = arith.addi %parallel_loop3A_20, %parallel_loop3A_15 : vector<16xi32>
      %parallel_loop3A_22 = arith.cmpi ult, %parallel_loop3A_21, %parallel_loop3A_20 : vector<16xi32>
      %parallel_loop3A_23 = arith.constant 1 : i32
      %parallel_loop3A_24 = arith.constant 0 : i32
      %parallel_loop3A_25 = vector.broadcast %parallel_loop3A_23 : i32 to vector<16xi32>
      %parallel_loop3A_26 = vector.broadcast %parallel_loop3A_24 : i32 to vector<16xi32>
      %parallel_loop3A_27 = arith.select %parallel_loop3A_22, %parallel_loop3A_25, %parallel_loop3A_26 : vector<16xi1>, vector<16xi32>
      %parallel_loop3A_28 = arith.addi %parallel_loop3A_18, %parallel_loop3A_27 : vector<16xi32>
      %parallel_loop3A_29 = arith.constant -1 : i32
      %parallel_loop3A_30 = vector.broadcast %parallel_loop3A_29 : i32 to vector<16xi32>
      %parallel_loop3A_31 = arith.addi %parallel_loop3A_28, %parallel_loop3A_30 : vector<16xi32>
      %parallel_loop3A_32 = arith.constant 24 : i32
      %parallel_loop3A_33 = vector.broadcast %parallel_loop3A_32 : i32 to vector<16xi32>
      %parallel_loop3A_34 = arith.shrui %parallel_loop3A_21, %parallel_loop3A_33 : vector<16xi32>
      %parallel_loop3A_35 = arith.constant 8 : i32
      %parallel_loop3A_36 = vector.broadcast %parallel_loop3A_35 : i32 to vector<16xi32>
      %parallel_loop3A_37 = arith.shli %parallel_loop3A_31, %parallel_loop3A_36 : vector<16xi32>
      %parallel_loop3A_38 = arith.ori %parallel_loop3A_34, %parallel_loop3A_37 : vector<16xi32>
      %parallel_loop3A_39 = arith.constant 24 : i32
      %parallel_loop3A_40 = vector.broadcast %parallel_loop3A_39 : i32 to vector<16xi32>
      %parallel_loop3A_41 = arith.shrui %parallel_loop3A_31, %parallel_loop3A_40 : vector<16xi32>
      %parallel_loop3A_42 = arith.xori %parallel_loop3A_21, %parallel_loop3A_38 : vector<16xi32>
      %parallel_loop3A_43 = arith.xori %parallel_loop3A_31, %parallel_loop3A_41 : vector<16xi32>
      %parallel_loop3A_44 = arith.constant 65535 : i32
      %parallel_loop3A_45 = vector.broadcast %parallel_loop3A_44 : i32 to vector<16xi32>
      %parallel_loop3A_46 = arith.andi %parallel_loop3A_42, %parallel_loop3A_45 : vector<16xi32>
      %parallel_loop3A_47 = arith.constant 16 : i32
      %parallel_loop3A_48 = vector.broadcast %parallel_loop3A_47 : i32 to vector<16xi32>
      %parallel_loop3A_49 = arith.shrui %parallel_loop3A_42, %parallel_loop3A_48 : vector<16xi32>
      %parallel_loop3A_50 = arith.constant 265 : i32
      %parallel_loop3A_51 = vector.broadcast %parallel_loop3A_50 : i32 to vector<16xi32>
      %parallel_loop3A_52 = arith.muli %parallel_loop3A_46, %parallel_loop3A_51 : vector<16xi32>
      %parallel_loop3A_53 = arith.constant 265 : i32
      %parallel_loop3A_54 = vector.broadcast %parallel_loop3A_53 : i32 to vector<16xi32>
      %parallel_loop3A_55 = arith.muli %parallel_loop3A_49, %parallel_loop3A_54 : vector<16xi32>
      %parallel_loop3A_56 = arith.constant 16 : i32
      %parallel_loop3A_57 = vector.broadcast %parallel_loop3A_56 : i32 to vector<16xi32>
      %parallel_loop3A_58 = arith.shli %parallel_loop3A_55, %parallel_loop3A_57 : vector<16xi32>
      %parallel_loop3A_59 = arith.addi %parallel_loop3A_58, %parallel_loop3A_52 : vector<16xi32>
      %parallel_loop3A_60 = arith.constant 16 : i32
      %parallel_loop3A_61 = vector.broadcast %parallel_loop3A_60 : i32 to vector<16xi32>
      %parallel_loop3A_62 = arith.shrui %parallel_loop3A_52, %parallel_loop3A_61 : vector<16xi32>
      %parallel_loop3A_63 = arith.addi %parallel_loop3A_55, %parallel_loop3A_62 : vector<16xi32>
      %parallel_loop3A_64 = arith.constant 16 : i32
      %parallel_loop3A_65 = vector.broadcast %parallel_loop3A_64 : i32 to vector<16xi32>
      %parallel_loop3A_66 = arith.shrui %parallel_loop3A_63, %parallel_loop3A_65 : vector<16xi32>
      %parallel_loop3A_67 = arith.constant 65535 : i32
      %parallel_loop3A_68 = vector.broadcast %parallel_loop3A_67 : i32 to vector<16xi32>
      %parallel_loop3A_69 = arith.andi %parallel_loop3A_43, %parallel_loop3A_68 : vector<16xi32>
      %parallel_loop3A_70 = arith.constant 16 : i32
      %parallel_loop3A_71 = vector.broadcast %parallel_loop3A_70 : i32 to vector<16xi32>
      %parallel_loop3A_72 = arith.shrui %parallel_loop3A_43, %parallel_loop3A_71 : vector<16xi32>
      %parallel_loop3A_73 = arith.constant 265 : i32
      %parallel_loop3A_74 = vector.broadcast %parallel_loop3A_73 : i32 to vector<16xi32>
      %parallel_loop3A_75 = arith.muli %parallel_loop3A_72, %parallel_loop3A_74 : vector<16xi32>
      %parallel_loop3A_76 = arith.constant 16 : i32
      %parallel_loop3A_77 = vector.broadcast %parallel_loop3A_76 : i32 to vector<16xi32>
      %parallel_loop3A_78 = arith.shli %parallel_loop3A_75, %parallel_loop3A_77 : vector<16xi32>
      %parallel_loop3A_79 = arith.constant 265 : i32
      %parallel_loop3A_80 = vector.broadcast %parallel_loop3A_79 : i32 to vector<16xi32>
      %parallel_loop3A_81 = arith.muli %parallel_loop3A_69, %parallel_loop3A_80 : vector<16xi32>
      %parallel_loop3A_82 = arith.addi %parallel_loop3A_78, %parallel_loop3A_81 : vector<16xi32>
      %parallel_loop3A_83 = arith.addi %parallel_loop3A_82, %parallel_loop3A_66 : vector<16xi32>
      %parallel_loop3A_84 = arith.constant 14 : i32
      %parallel_loop3A_85 = vector.broadcast %parallel_loop3A_84 : i32 to vector<16xi32>
      %parallel_loop3A_86 = arith.shrui %parallel_loop3A_59, %parallel_loop3A_85 : vector<16xi32>
      %parallel_loop3A_87 = arith.constant 18 : i32
      %parallel_loop3A_88 = vector.broadcast %parallel_loop3A_87 : i32 to vector<16xi32>
      %parallel_loop3A_89 = arith.shli %parallel_loop3A_83, %parallel_loop3A_88 : vector<16xi32>
      %parallel_loop3A_90 = arith.ori %parallel_loop3A_86, %parallel_loop3A_89 : vector<16xi32>
      %parallel_loop3A_91 = arith.constant 14 : i32
      %parallel_loop3A_92 = vector.broadcast %parallel_loop3A_91 : i32 to vector<16xi32>
      %parallel_loop3A_93 = arith.shrui %parallel_loop3A_83, %parallel_loop3A_92 : vector<16xi32>
      %parallel_loop3A_94 = arith.xori %parallel_loop3A_59, %parallel_loop3A_90 : vector<16xi32>
      %parallel_loop3A_95 = arith.xori %parallel_loop3A_83, %parallel_loop3A_93 : vector<16xi32>
      %parallel_loop3A_96 = arith.constant 65535 : i32
      %parallel_loop3A_97 = vector.broadcast %parallel_loop3A_96 : i32 to vector<16xi32>
      %parallel_loop3A_98 = arith.andi %parallel_loop3A_94, %parallel_loop3A_97 : vector<16xi32>
      %parallel_loop3A_99 = arith.constant 16 : i32
      %parallel_loop3A_100 = vector.broadcast %parallel_loop3A_99 : i32 to vector<16xi32>
      %parallel_loop3A_101 = arith.shrui %parallel_loop3A_94, %parallel_loop3A_100 : vector<16xi32>
      %parallel_loop3A_102 = arith.constant 21 : i32
      %parallel_loop3A_103 = vector.broadcast %parallel_loop3A_102 : i32 to vector<16xi32>
      %parallel_loop3A_104 = arith.muli %parallel_loop3A_98, %parallel_loop3A_103 : vector<16xi32>
      %parallel_loop3A_105 = arith.constant 21 : i32
      %parallel_loop3A_106 = vector.broadcast %parallel_loop3A_105 : i32 to vector<16xi32>
      %parallel_loop3A_107 = arith.muli %parallel_loop3A_101, %parallel_loop3A_106 : vector<16xi32>
      %parallel_loop3A_108 = arith.constant 16 : i32
      %parallel_loop3A_109 = vector.broadcast %parallel_loop3A_108 : i32 to vector<16xi32>
      %parallel_loop3A_110 = arith.shli %parallel_loop3A_107, %parallel_loop3A_109 : vector<16xi32>
      %parallel_loop3A_111 = arith.addi %parallel_loop3A_110, %parallel_loop3A_104 : vector<16xi32>
      %parallel_loop3A_112 = arith.constant 16 : i32
      %parallel_loop3A_113 = vector.broadcast %parallel_loop3A_112 : i32 to vector<16xi32>
      %parallel_loop3A_114 = arith.shrui %parallel_loop3A_104, %parallel_loop3A_113 : vector<16xi32>
      %parallel_loop3A_115 = arith.addi %parallel_loop3A_107, %parallel_loop3A_114 : vector<16xi32>
      %parallel_loop3A_116 = arith.constant 16 : i32
      %parallel_loop3A_117 = vector.broadcast %parallel_loop3A_116 : i32 to vector<16xi32>
      %parallel_loop3A_118 = arith.shrui %parallel_loop3A_115, %parallel_loop3A_117 : vector<16xi32>
      %parallel_loop3A_119 = arith.constant 65535 : i32
      %parallel_loop3A_120 = vector.broadcast %parallel_loop3A_119 : i32 to vector<16xi32>
      %parallel_loop3A_121 = arith.andi %parallel_loop3A_95, %parallel_loop3A_120 : vector<16xi32>
      %parallel_loop3A_122 = arith.constant 16 : i32
      %parallel_loop3A_123 = vector.broadcast %parallel_loop3A_122 : i32 to vector<16xi32>
      %parallel_loop3A_124 = arith.shrui %parallel_loop3A_95, %parallel_loop3A_123 : vector<16xi32>
      %parallel_loop3A_125 = arith.constant 21 : i32
      %parallel_loop3A_126 = vector.broadcast %parallel_loop3A_125 : i32 to vector<16xi32>
      %parallel_loop3A_127 = arith.muli %parallel_loop3A_124, %parallel_loop3A_126 : vector<16xi32>
      %parallel_loop3A_128 = arith.constant 16 : i32
      %parallel_loop3A_129 = vector.broadcast %parallel_loop3A_128 : i32 to vector<16xi32>
      %parallel_loop3A_130 = arith.shli %parallel_loop3A_127, %parallel_loop3A_129 : vector<16xi32>
      %parallel_loop3A_131 = arith.constant 21 : i32
      %parallel_loop3A_132 = vector.broadcast %parallel_loop3A_131 : i32 to vector<16xi32>
      %parallel_loop3A_133 = arith.muli %parallel_loop3A_121, %parallel_loop3A_132 : vector<16xi32>
      %parallel_loop3A_134 = arith.addi %parallel_loop3A_130, %parallel_loop3A_133 : vector<16xi32>
      %parallel_loop3A_135 = arith.addi %parallel_loop3A_134, %parallel_loop3A_118 : vector<16xi32>
      %parallel_loop3A_136 = arith.constant 28 : i32
      %parallel_loop3A_137 = vector.broadcast %parallel_loop3A_136 : i32 to vector<16xi32>
      %parallel_loop3A_138 = arith.shrui %parallel_loop3A_111, %parallel_loop3A_137 : vector<16xi32>
      %parallel_loop3A_139 = arith.constant 4 : i32
      %parallel_loop3A_140 = vector.broadcast %parallel_loop3A_139 : i32 to vector<16xi32>
      %parallel_loop3A_141 = arith.shli %parallel_loop3A_135, %parallel_loop3A_140 : vector<16xi32>
      %parallel_loop3A_142 = arith.ori %parallel_loop3A_138, %parallel_loop3A_141 : vector<16xi32>
      %parallel_loop3A_143 = arith.constant 28 : i32
      %parallel_loop3A_144 = vector.broadcast %parallel_loop3A_143 : i32 to vector<16xi32>
      %parallel_loop3A_145 = arith.shrui %parallel_loop3A_135, %parallel_loop3A_144 : vector<16xi32>
      %parallel_loop3A_146 = arith.xori %parallel_loop3A_111, %parallel_loop3A_142 : vector<16xi32>
      %parallel_loop3A_147 = arith.xori %parallel_loop3A_135, %parallel_loop3A_145 : vector<16xi32>
      %parallel_loop3A_148 = arith.constant 31 : i32
      %parallel_loop3A_149 = vector.broadcast %parallel_loop3A_148 : i32 to vector<16xi32>
      %parallel_loop3A_150 = arith.shli %parallel_loop3A_146, %parallel_loop3A_149 : vector<16xi32>
      %parallel_loop3A_151 = arith.xori %parallel_loop3A_146, %parallel_loop3A_150 : vector<16xi32>
      %parallel_loop3A_152 = arith.andi %parallel_loop3A_146, %parallel_loop3A_150 : vector<16xi32>
      %parallel_loop3A_153 = arith.constant 31 : i32
      %parallel_loop3A_154 = vector.broadcast %parallel_loop3A_153 : i32 to vector<16xi32>
      %parallel_loop3A_155 = arith.shrui %parallel_loop3A_152, %parallel_loop3A_154 : vector<16xi32>
      %parallel_loop3A_156 = arith.constant 31 : i32
      %parallel_loop3A_157 = vector.broadcast %parallel_loop3A_156 : i32 to vector<16xi32>
      %parallel_loop3A_158 = arith.shli %parallel_loop3A_147, %parallel_loop3A_157 : vector<16xi32>
      %parallel_loop3A_159 = arith.constant 1 : i32
      %parallel_loop3A_160 = vector.broadcast %parallel_loop3A_159 : i32 to vector<16xi32>
      %parallel_loop3A_161 = arith.shrui %parallel_loop3A_146, %parallel_loop3A_160 : vector<16xi32>
      %parallel_loop3A_162 = arith.ori %parallel_loop3A_158, %parallel_loop3A_161 : vector<16xi32>
      %parallel_loop3A_163 = arith.addi %parallel_loop3A_147, %parallel_loop3A_162 : vector<16xi32>
      %parallel_loop3A_164 = arith.addi %parallel_loop3A_163, %parallel_loop3A_155 : vector<16xi32>
      %parallel_loop3A_165 = arith.constant 63 : i32
      %parallel_loop3A_166 = vector.broadcast %parallel_loop3A_165 : i32 to vector<16xi32>
      %parallel_loop3A_167 = arith.andi %parallel_loop3A_151, %parallel_loop3A_166 : vector<16xi32>
      %parallel_loop3A_168 = arith.constant 6 : i32
      %parallel_loop3A_169 = vector.broadcast %parallel_loop3A_168 : i32 to vector<16xi32>
      %parallel_loop3A_170 = arith.shrui %parallel_loop3A_151, %parallel_loop3A_169 : vector<16xi32>
      %parallel_loop3A_171 = arith.constant 26 : i32
      %parallel_loop3A_172 = vector.broadcast %parallel_loop3A_171 : i32 to vector<16xi32>
      %parallel_loop3A_173 = arith.shli %parallel_loop3A_164, %parallel_loop3A_172 : vector<16xi32>
      %parallel_loop3A_174 = arith.ori %parallel_loop3A_170, %parallel_loop3A_173 : vector<16xi32>
      %parallel_loop3A_175 = arith.constant 6 : i32
      %parallel_loop3A_176 = vector.broadcast %parallel_loop3A_175 : i32 to vector<16xi32>
      %parallel_loop3A_177 = arith.shrui %parallel_loop3A_164, %parallel_loop3A_176 : vector<16xi32>
      %parallel_loop3A_178 = arith.constant 65535 : i32
      %parallel_loop3A_179 = vector.broadcast %parallel_loop3A_178 : i32 to vector<16xi32>
      %parallel_loop3A_180 = arith.andi %parallel_loop3A_174, %parallel_loop3A_179 : vector<16xi32>
      %parallel_loop3A_181 = arith.constant 16 : i32
      %parallel_loop3A_182 = vector.broadcast %parallel_loop3A_181 : i32 to vector<16xi32>
      %parallel_loop3A_183 = arith.shrui %parallel_loop3A_174, %parallel_loop3A_182 : vector<16xi32>
      %parallel_loop3A_184 = arith.constant 65535 : i32
      %parallel_loop3A_185 = vector.broadcast %parallel_loop3A_184 : i32 to vector<16xi32>
      %parallel_loop3A_186 = arith.andi %parallel_loop3A_177, %parallel_loop3A_185 : vector<16xi32>
      %parallel_loop3A_187 = arith.constant 16 : i32
      %parallel_loop3A_188 = vector.broadcast %parallel_loop3A_187 : i32 to vector<16xi32>
      %parallel_loop3A_189 = arith.shrui %parallel_loop3A_177, %parallel_loop3A_188 : vector<16xi32>
      %parallel_loop3A_190 = arith.constant 3036 : i32
      %parallel_loop3A_191 = vector.broadcast %parallel_loop3A_190 : i32 to vector<16xi32>
      %parallel_loop3A_192 = arith.muli %parallel_loop3A_183, %parallel_loop3A_191 : vector<16xi32>
      %parallel_loop3A_193 = arith.addi %parallel_loop3A_180, %parallel_loop3A_192 : vector<16xi32>
      %parallel_loop3A_194 = arith.constant 14171 : i32
      %parallel_loop3A_195 = vector.broadcast %parallel_loop3A_194 : i32 to vector<16xi32>
      %parallel_loop3A_196 = arith.muli %parallel_loop3A_186, %parallel_loop3A_195 : vector<16xi32>
      %parallel_loop3A_197 = arith.addi %parallel_loop3A_193, %parallel_loop3A_196 : vector<16xi32>
      %parallel_loop3A_198 = arith.constant 7531 : i32
      %parallel_loop3A_199 = vector.broadcast %parallel_loop3A_198 : i32 to vector<16xi32>
      %parallel_loop3A_200 = arith.muli %parallel_loop3A_189, %parallel_loop3A_199 : vector<16xi32>
      %parallel_loop3A_201 = arith.addi %parallel_loop3A_197, %parallel_loop3A_200 : vector<16xi32>
      %parallel_loop3A_202 = arith.sitofp %parallel_loop3A_201 : vector<16xi32> to vector<16xf32>
      %parallel_loop3A_203 = arith.constant 6.39999707E-5 : f32
      %parallel_loop3A_204 = vector.broadcast %parallel_loop3A_203 : f32 to vector<16xf32>
      %parallel_loop3A_205 = arith.mulf %parallel_loop3A_202, %parallel_loop3A_204 : vector<16xf32>
      %parallel_loop3A_206 = arith.fptosi %parallel_loop3A_205 : vector<16xf32> to vector<16xi32>
      %parallel_loop3A_207 = arith.constant 15625 : i32
      %parallel_loop3A_208 = vector.broadcast %parallel_loop3A_207 : i32 to vector<16xi32>
      %parallel_loop3A_209 = arith.muli %parallel_loop3A_206, %parallel_loop3A_208 : vector<16xi32>
      %parallel_loop3A_210 = arith.subi %parallel_loop3A_201, %parallel_loop3A_209 : vector<16xi32>
      %parallel_loop3A_211 = arith.constant 15625 : i32
      %parallel_loop3A_212 = vector.broadcast %parallel_loop3A_211 : i32 to vector<16xi32>
      %parallel_loop3A_213 = arith.subi %parallel_loop3A_210, %parallel_loop3A_212 : vector<16xi32>
      %parallel_loop3A_214 = arith.constant 31 : i32
      %parallel_loop3A_215 = vector.broadcast %parallel_loop3A_214 : i32 to vector<16xi32>
      %parallel_loop3A_216 = arith.shrsi %parallel_loop3A_213, %parallel_loop3A_215 : vector<16xi32>
      %parallel_loop3A_217 = arith.constant 15625 : i32
      %parallel_loop3A_218 = vector.broadcast %parallel_loop3A_217 : i32 to vector<16xi32>
      %parallel_loop3A_219 = arith.andi %parallel_loop3A_216, %parallel_loop3A_218 : vector<16xi32>
      %parallel_loop3A_220 = arith.addi %parallel_loop3A_213, %parallel_loop3A_219 : vector<16xi32>
      %parallel_loop3A_221 = arith.constant 6 : i32
      %parallel_loop3A_222 = vector.broadcast %parallel_loop3A_221 : i32 to vector<16xi32>
      %parallel_loop3A_223 = arith.shli %parallel_loop3A_220, %parallel_loop3A_222 : vector<16xi32>
      %parallel_loop3A_224 = arith.ori %parallel_loop3A_223, %parallel_loop3A_167 : vector<16xi32>
      %parallel_loop3A_225 = arith.index_cast %parallel_loop3A_8 : i32 to index
      %parallel_loop3A_226 = arith.constant 0 : index
      %parallel_loop3A_227 = tpu.vector_load %arg4[%parallel_loop3A_225, %parallel_loop3A_226] {strides = array<i32>} : memref<96x200xi32, #tpu.memory_space<vmem>>, vector<1x16xi32>,
      %parallel_loop3A_228 = vector.shape_cast %parallel_loop3A_227 : vector<1x16xi32> to vector<16xi32>
      %parallel_loop3A_229 = vector.shape_cast %parallel_loop3A_224 : vector<16xi32> to vector<1x16xi32>
      tpu.vector_store %arg4[%parallel_loop3A_225, %parallel_loop3A_226], %parallel_loop3A_229 {strides = array<i32>} : memref<96x200xi32, #tpu.memory_space<vmem>>, vector<1x16xi32>,
      %parallel_loop3A_230 = arith.index_cast %parallel_loop3A_8 : i32 to index
      %parallel_loop3A_231 = arith.constant 16 : index
      %parallel_loop3A_232 = tpu.vector_load %arg4[%parallel_loop3A_230, %parallel_loop3A_231] {strides = array<i32>} : memref<96x200xi32, #tpu.memory_space<vmem>>, vector<1x16xi32>,
      %parallel_loop3A_233 = vector.shape_cast %parallel_loop3A_232 : vector<1x16xi32> to vector<16xi32>
      %parallel_loop3A_234 = arith.constant 21 : i32
      %parallel_loop3A_235 = vector.broadcast %parallel_loop3A_234 : i32 to vector<16xi32>
      %parallel_loop3A_236 = arith.shli %parallel_loop3A_233, %parallel_loop3A_235 : vector<16xi32>
      %parallel_loop3A_237 = arith.constant 11 : i32
      %parallel_loop3A_238 = vector.broadcast %parallel_loop3A_237 : i32 to vector<16xi32>
      %parallel_loop3A_239 = arith.shrui %parallel_loop3A_233, %parallel_loop3A_238 : vector<16xi32>
      %parallel_loop3A_240 = arith.constant dense<-1> : vector<16xi32>
      %parallel_loop3A_241 = arith.xori %parallel_loop3A_233, %parallel_loop3A_240 : vector<16xi32>
      %parallel_loop3A_242 = arith.addi %parallel_loop3A_241, %parallel_loop3A_236 : vector<16xi32>
      %parallel_loop3A_243 = arith.cmpi ult, %parallel_loop3A_242, %parallel_loop3A_241 : vector<16xi32>
      %parallel_loop3A_244 = arith.constant 1 : i32
      %parallel_loop3A_245 = arith.constant 0 : i32
      %parallel_loop3A_246 = vector.broadcast %parallel_loop3A_244 : i32 to vector<16xi32>
      %parallel_loop3A_247 = vector.broadcast %parallel_loop3A_245 : i32 to vector<16xi32>
      %parallel_loop3A_248 = arith.select %parallel_loop3A_243, %parallel_loop3A_246, %parallel_loop3A_247 : vector<16xi1>, vector<16xi32>
      %parallel_loop3A_249 = arith.addi %parallel_loop3A_239, %parallel_loop3A_248 : vector<16xi32>
      %parallel_loop3A_250 = arith.constant -1 : i32
      %parallel_loop3A_251 = vector.broadcast %parallel_loop3A_250 : i32 to vector<16xi32>
      %parallel_loop3A_252 = arith.addi %parallel_loop3A_249, %parallel_loop3A_251 : vector<16xi32>
      %parallel_loop3A_253 = arith.constant 24 : i32
      %parallel_loop3A_254 = vector.broadcast %parallel_loop3A_253 : i32 to vector<16xi32>
      %parallel_loop3A_255 = arith.shrui %parallel_loop3A_242, %parallel_loop3A_254 : vector<16xi32>
      %parallel_loop3A_256 = arith.constant 8 : i32
      %parallel_loop3A_257 = vector.broadcast %parallel_loop3A_256 : i32 to vector<16xi32>
      %parallel_loop3A_258 = arith.shli %parallel_loop3A_252, %parallel_loop3A_257 : vector<16xi32>
      %parallel_loop3A_259 = arith.ori %parallel_loop3A_255, %parallel_loop3A_258 : vector<16xi32>
      %parallel_loop3A_260 = arith.constant 24 : i32
      %parallel_loop3A_261 = vector.broadcast %parallel_loop3A_260 : i32 to vector<16xi32>
      %parallel_loop3A_262 = arith.shrui %parallel_loop3A_252, %parallel_loop3A_261 : vector<16xi32>
      %parallel_loop3A_263 = arith.xori %parallel_loop3A_242, %parallel_loop3A_259 : vector<16xi32>
      %parallel_loop3A_264 = arith.xori %parallel_loop3A_252, %parallel_loop3A_262 : vector<16xi32>
      %parallel_loop3A_265 = arith.constant 65535 : i32
      %parallel_loop3A_266 = vector.broadcast %parallel_loop3A_265 : i32 to vector<16xi32>
      %parallel_loop3A_267 = arith.andi %parallel_loop3A_263, %parallel_loop3A_266 : vector<16xi32>
      %parallel_loop3A_268 = arith.constant 16 : i32
      %parallel_loop3A_269 = vector.broadcast %parallel_loop3A_268 : i32 to vector<16xi32>
      %parallel_loop3A_270 = arith.shrui %parallel_loop3A_263, %parallel_loop3A_269 : vector<16xi32>
      %parallel_loop3A_271 = arith.constant 265 : i32
      %parallel_loop3A_272 = vector.broadcast %parallel_loop3A_271 : i32 to vector<16xi32>
      %parallel_loop3A_273 = arith.muli %parallel_loop3A_267, %parallel_loop3A_272 : vector<16xi32>
      %parallel_loop3A_274 = arith.constant 265 : i32
      %parallel_loop3A_275 = vector.broadcast %parallel_loop3A_274 : i32 to vector<16xi32>
      %parallel_loop3A_276 = arith.muli %parallel_loop3A_270, %parallel_loop3A_275 : vector<16xi32>
      %parallel_loop3A_277 = arith.constant 16 : i32
      %parallel_loop3A_278 = vector.broadcast %parallel_loop3A_277 : i32 to vector<16xi32>
      %parallel_loop3A_279 = arith.shli %parallel_loop3A_276, %parallel_loop3A_278 : vector<16xi32>
      %parallel_loop3A_280 = arith.addi %parallel_loop3A_279, %parallel_loop3A_273 : vector<16xi32>
      %parallel_loop3A_281 = arith.constant 16 : i32
      %parallel_loop3A_282 = vector.broadcast %parallel_loop3A_281 : i32 to vector<16xi32>
      %parallel_loop3A_283 = arith.shrui %parallel_loop3A_273, %parallel_loop3A_282 : vector<16xi32>
      %parallel_loop3A_284 = arith.addi %parallel_loop3A_276, %parallel_loop3A_283 : vector<16xi32>
      %parallel_loop3A_285 = arith.constant 16 : i32
      %parallel_loop3A_286 = vector.broadcast %parallel_loop3A_285 : i32 to vector<16xi32>
      %parallel_loop3A_287 = arith.shrui %parallel_loop3A_284, %parallel_loop3A_286 : vector<16xi32>
      %parallel_loop3A_288 = arith.constant 65535 : i32
      %parallel_loop3A_289 = vector.broadcast %parallel_loop3A_288 : i32 to vector<16xi32>
      %parallel_loop3A_290 = arith.andi %parallel_loop3A_264, %parallel_loop3A_289 : vector<16xi32>
      %parallel_loop3A_291 = arith.constant 16 : i32
      %parallel_loop3A_292 = vector.broadcast %parallel_loop3A_291 : i32 to vector<16xi32>
      %parallel_loop3A_293 = arith.shrui %parallel_loop3A_264, %parallel_loop3A_292 : vector<16xi32>
      %parallel_loop3A_294 = arith.constant 265 : i32
      %parallel_loop3A_295 = vector.broadcast %parallel_loop3A_294 : i32 to vector<16xi32>
      %parallel_loop3A_296 = arith.muli %parallel_loop3A_293, %parallel_loop3A_295 : vector<16xi32>
      %parallel_loop3A_297 = arith.constant 16 : i32
      %parallel_loop3A_298 = vector.broadcast %parallel_loop3A_297 : i32 to vector<16xi32>
      %parallel_loop3A_299 = arith.shli %parallel_loop3A_296, %parallel_loop3A_298 : vector<16xi32>
      %parallel_loop3A_300 = arith.constant 265 : i32
      %parallel_loop3A_301 = vector.broadcast %parallel_loop3A_300 : i32 to vector<16xi32>
      %parallel_loop3A_302 = arith.muli %parallel_loop3A_290, %parallel_loop3A_301 : vector<16xi32>
      %parallel_loop3A_303 = arith.addi %parallel_loop3A_299, %parallel_loop3A_302 : vector<16xi32>
      %parallel_loop3A_304 = arith.addi %parallel_loop3A_303, %parallel_loop3A_287 : vector<16xi32>
      %parallel_loop3A_305 = arith.constant 14 : i32
      %parallel_loop3A_306 = vector.broadcast %parallel_loop3A_305 : i32 to vector<16xi32>
      %parallel_loop3A_307 = arith.shrui %parallel_loop3A_280, %parallel_loop3A_306 : vector<16xi32>
      %parallel_loop3A_308 = arith.constant 18 : i32
      %parallel_loop3A_309 = vector.broadcast %parallel_loop3A_308 : i32 to vector<16xi32>
      %parallel_loop3A_310 = arith.shli %parallel_loop3A_304, %parallel_loop3A_309 : vector<16xi32>
      %parallel_loop3A_311 = arith.ori %parallel_loop3A_307, %parallel_loop3A_310 : vector<16xi32>
      %parallel_loop3A_312 = arith.constant 14 : i32
      %parallel_loop3A_313 = vector.broadcast %parallel_loop3A_312 : i32 to vector<16xi32>
      %parallel_loop3A_314 = arith.shrui %parallel_loop3A_304, %parallel_loop3A_313 : vector<16xi32>
      %parallel_loop3A_315 = arith.xori %parallel_loop3A_280, %parallel_loop3A_311 : vector<16xi32>
      %parallel_loop3A_316 = arith.xori %parallel_loop3A_304, %parallel_loop3A_314 : vector<16xi32>
      %parallel_loop3A_317 = arith.constant 65535 : i32
      %parallel_loop3A_318 = vector.broadcast %parallel_loop3A_317 : i32 to vector<16xi32>
      %parallel_loop3A_319 = arith.andi %parallel_loop3A_315, %parallel_loop3A_318 : vector<16xi32>
      %parallel_loop3A_320 = arith.constant 16 : i32
      %parallel_loop3A_321 = vector.broadcast %parallel_loop3A_320 : i32 to vector<16xi32>
      %parallel_loop3A_322 = arith.shrui %parallel_loop3A_315, %parallel_loop3A_321 : vector<16xi32>
      %parallel_loop3A_323 = arith.constant 21 : i32
      %parallel_loop3A_324 = vector.broadcast %parallel_loop3A_323 : i32 to vector<16xi32>
      %parallel_loop3A_325 = arith.muli %parallel_loop3A_319, %parallel_loop3A_324 : vector<16xi32>
      %parallel_loop3A_326 = arith.constant 21 : i32
      %parallel_loop3A_327 = vector.broadcast %parallel_loop3A_326 : i32 to vector<16xi32>
      %parallel_loop3A_328 = arith.muli %parallel_loop3A_322, %parallel_loop3A_327 : vector<16xi32>
      %parallel_loop3A_329 = arith.constant 16 : i32
      %parallel_loop3A_330 = vector.broadcast %parallel_loop3A_329 : i32 to vector<16xi32>
      %parallel_loop3A_331 = arith.shli %parallel_loop3A_328, %parallel_loop3A_330 : vector<16xi32>
      %parallel_loop3A_332 = arith.addi %parallel_loop3A_331, %parallel_loop3A_325 : vector<16xi32>
      %parallel_loop3A_333 = arith.constant 16 : i32
      %parallel_loop3A_334 = vector.broadcast %parallel_loop3A_333 : i32 to vector<16xi32>
      %parallel_loop3A_335 = arith.shrui %parallel_loop3A_325, %parallel_loop3A_334 : vector<16xi32>
      %parallel_loop3A_336 = arith.addi %parallel_loop3A_328, %parallel_loop3A_335 : vector<16xi32>
      %parallel_loop3A_337 = arith.constant 16 : i32
      %parallel_loop3A_338 = vector.broadcast %parallel_loop3A_337 : i32 to vector<16xi32>
      %parallel_loop3A_339 = arith.shrui %parallel_loop3A_336, %parallel_loop3A_338 : vector<16xi32>
      %parallel_loop3A_340 = arith.constant 65535 : i32
      %parallel_loop3A_341 = vector.broadcast %parallel_loop3A_340 : i32 to vector<16xi32>
      %parallel_loop3A_342 = arith.andi %parallel_loop3A_316, %parallel_loop3A_341 : vector<16xi32>
      %parallel_loop3A_343 = arith.constant 16 : i32
      %parallel_loop3A_344 = vector.broadcast %parallel_loop3A_343 : i32 to vector<16xi32>
      %parallel_loop3A_345 = arith.shrui %parallel_loop3A_316, %parallel_loop3A_344 : vector<16xi32>
      %parallel_loop3A_346 = arith.constant 21 : i32
      %parallel_loop3A_347 = vector.broadcast %parallel_loop3A_346 : i32 to vector<16xi32>
      %parallel_loop3A_348 = arith.muli %parallel_loop3A_345, %parallel_loop3A_347 : vector<16xi32>
      %parallel_loop3A_349 = arith.constant 16 : i32
      %parallel_loop3A_350 = vector.broadcast %parallel_loop3A_349 : i32 to vector<16xi32>
      %parallel_loop3A_351 = arith.shli %parallel_loop3A_348, %parallel_loop3A_350 : vector<16xi32>
      %parallel_loop3A_352 = arith.constant 21 : i32
      %parallel_loop3A_353 = vector.broadcast %parallel_loop3A_352 : i32 to vector<16xi32>
      %parallel_loop3A_354 = arith.muli %parallel_loop3A_342, %parallel_loop3A_353 : vector<16xi32>
      %parallel_loop3A_355 = arith.addi %parallel_loop3A_351, %parallel_loop3A_354 : vector<16xi32>
      %parallel_loop3A_356 = arith.addi %parallel_loop3A_355, %parallel_loop3A_339 : vector<16xi32>
      %parallel_loop3A_357 = arith.constant 28 : i32
      %parallel_loop3A_358 = vector.broadcast %parallel_loop3A_357 : i32 to vector<16xi32>
      %parallel_loop3A_359 = arith.shrui %parallel_loop3A_332, %parallel_loop3A_358 : vector<16xi32>
      %parallel_loop3A_360 = arith.constant 4 : i32
      %parallel_loop3A_361 = vector.broadcast %parallel_loop3A_360 : i32 to vector<16xi32>
      %parallel_loop3A_362 = arith.shli %parallel_loop3A_356, %parallel_loop3A_361 : vector<16xi32>
      %parallel_loop3A_363 = arith.ori %parallel_loop3A_359, %parallel_loop3A_362 : vector<16xi32>
      %parallel_loop3A_364 = arith.constant 28 : i32
      %parallel_loop3A_365 = vector.broadcast %parallel_loop3A_364 : i32 to vector<16xi32>
      %parallel_loop3A_366 = arith.shrui %parallel_loop3A_356, %parallel_loop3A_365 : vector<16xi32>
      %parallel_loop3A_367 = arith.xori %parallel_loop3A_332, %parallel_loop3A_363 : vector<16xi32>
      %parallel_loop3A_368 = arith.xori %parallel_loop3A_356, %parallel_loop3A_366 : vector<16xi32>
      %parallel_loop3A_369 = arith.constant 31 : i32
      %parallel_loop3A_370 = vector.broadcast %parallel_loop3A_369 : i32 to vector<16xi32>
      %parallel_loop3A_371 = arith.shli %parallel_loop3A_367, %parallel_loop3A_370 : vector<16xi32>
      %parallel_loop3A_372 = arith.xori %parallel_loop3A_367, %parallel_loop3A_371 : vector<16xi32>
      %parallel_loop3A_373 = arith.andi %parallel_loop3A_367, %parallel_loop3A_371 : vector<16xi32>
      %parallel_loop3A_374 = arith.constant 31 : i32
      %parallel_loop3A_375 = vector.broadcast %parallel_loop3A_374 : i32 to vector<16xi32>
      %parallel_loop3A_376 = arith.shrui %parallel_loop3A_373, %parallel_loop3A_375 : vector<16xi32>
      %parallel_loop3A_377 = arith.constant 31 : i32
      %parallel_loop3A_378 = vector.broadcast %parallel_loop3A_377 : i32 to vector<16xi32>
      %parallel_loop3A_379 = arith.shli %parallel_loop3A_368, %parallel_loop3A_378 : vector<16xi32>
      %parallel_loop3A_380 = arith.constant 1 : i32
      %parallel_loop3A_381 = vector.broadcast %parallel_loop3A_380 : i32 to vector<16xi32>
      %parallel_loop3A_382 = arith.shrui %parallel_loop3A_367, %parallel_loop3A_381 : vector<16xi32>
      %parallel_loop3A_383 = arith.ori %parallel_loop3A_379, %parallel_loop3A_382 : vector<16xi32>
      %parallel_loop3A_384 = arith.addi %parallel_loop3A_368, %parallel_loop3A_383 : vector<16xi32>
      %parallel_loop3A_385 = arith.addi %parallel_loop3A_384, %parallel_loop3A_376 : vector<16xi32>
      %parallel_loop3A_386 = arith.constant 63 : i32
      %parallel_loop3A_387 = vector.broadcast %parallel_loop3A_386 : i32 to vector<16xi32>
      %parallel_loop3A_388 = arith.andi %parallel_loop3A_372, %parallel_loop3A_387 : vector<16xi32>
      %parallel_loop3A_389 = arith.constant 6 : i32
      %parallel_loop3A_390 = vector.broadcast %parallel_loop3A_389 : i32 to vector<16xi32>
      %parallel_loop3A_391 = arith.shrui %parallel_loop3A_372, %parallel_loop3A_390 : vector<16xi32>
      %parallel_loop3A_392 = arith.constant 26 : i32
      %parallel_loop3A_393 = vector.broadcast %parallel_loop3A_392 : i32 to vector<16xi32>
      %parallel_loop3A_394 = arith.shli %parallel_loop3A_385, %parallel_loop3A_393 : vector<16xi32>
      %parallel_loop3A_395 = arith.ori %parallel_loop3A_391, %parallel_loop3A_394 : vector<16xi32>
      %parallel_loop3A_396 = arith.constant 6 : i32
      %parallel_loop3A_397 = vector.broadcast %parallel_loop3A_396 : i32 to vector<16xi32>
      %parallel_loop3A_398 = arith.shrui %parallel_loop3A_385, %parallel_loop3A_397 : vector<16xi32>
      %parallel_loop3A_399 = arith.constant 65535 : i32
      %parallel_loop3A_400 = vector.broadcast %parallel_loop3A_399 : i32 to vector<16xi32>
      %parallel_loop3A_401 = arith.andi %parallel_loop3A_395, %parallel_loop3A_400 : vector<16xi32>
      %parallel_loop3A_402 = arith.constant 16 : i32
      %parallel_loop3A_403 = vector.broadcast %parallel_loop3A_402 : i32 to vector<16xi32>
      %parallel_loop3A_404 = arith.shrui %parallel_loop3A_395, %parallel_loop3A_403 : vector<16xi32>
      %parallel_loop3A_405 = arith.constant 65535 : i32
      %parallel_loop3A_406 = vector.broadcast %parallel_loop3A_405 : i32 to vector<16xi32>
      %parallel_loop3A_407 = arith.andi %parallel_loop3A_398, %parallel_loop3A_406 : vector<16xi32>
      %parallel_loop3A_408 = arith.constant 16 : i32
      %parallel_loop3A_409 = vector.broadcast %parallel_loop3A_408 : i32 to vector<16xi32>
      %parallel_loop3A_410 = arith.shrui %parallel_loop3A_398, %parallel_loop3A_409 : vector<16xi32>
      %parallel_loop3A_411 = arith.constant 3036 : i32
      %parallel_loop3A_412 = vector.broadcast %parallel_loop3A_411 : i32 to vector<16xi32>
      %parallel_loop3A_413 = arith.muli %parallel_loop3A_404, %parallel_loop3A_412 : vector<16xi32>
      %parallel_loop3A_414 = arith.addi %parallel_loop3A_401, %parallel_loop3A_413 : vector<16xi32>
      %parallel_loop3A_415 = arith.constant 14171 : i32
      %parallel_loop3A_416 = vector.broadcast %parallel_loop3A_415 : i32 to vector<16xi32>
      %parallel_loop3A_417 = arith.muli %parallel_loop3A_407, %parallel_loop3A_416 : vector<16xi32>
      %parallel_loop3A_418 = arith.addi %parallel_loop3A_414, %parallel_loop3A_417 : vector<16xi32>
      %parallel_loop3A_419 = arith.constant 7531 : i32
      %parallel_loop3A_420 = vector.broadcast %parallel_loop3A_419 : i32 to vector<16xi32>
      %parallel_loop3A_421 = arith.muli %parallel_loop3A_410, %parallel_loop3A_420 : vector<16xi32>
      %parallel_loop3A_422 = arith.addi %parallel_loop3A_418, %parallel_loop3A_421 : vector<16xi32>
      %parallel_loop3A_423 = arith.sitofp %parallel_loop3A_422 : vector<16xi32> to vector<16xf32>
      %parallel_loop3A_424 = arith.constant 6.39999707E-5 : f32
      %parallel_loop3A_425 = vector.broadcast %parallel_loop3A_424 : f32 to vector<16xf32>
      %parallel_loop3A_426 = arith.mulf %parallel_loop3A_423, %parallel_loop3A_425 : vector<16xf32>
      %parallel_loop3A_427 = arith.fptosi %parallel_loop3A_426 : vector<16xf32> to vector<16xi32>
      %parallel_loop3A_428 = arith.constant 15625 : i32
      %parallel_loop3A_429 = vector.broadcast %parallel_loop3A_428 : i32 to vector<16xi32>
      %parallel_loop3A_430 = arith.muli %parallel_loop3A_427, %parallel_loop3A_429 : vector<16xi32>
      %parallel_loop3A_431 = arith.subi %parallel_loop3A_422, %parallel_loop3A_430 : vector<16xi32>
      %parallel_loop3A_432 = arith.constant 15625 : i32
      %parallel_loop3A_433 = vector.broadcast %parallel_loop3A_432 : i32 to vector<16xi32>
      %parallel_loop3A_434 = arith.subi %parallel_loop3A_431, %parallel_loop3A_433 : vector<16xi32>
      %parallel_loop3A_435 = arith.constant 31 : i32
      %parallel_loop3A_436 = vector.broadcast %parallel_loop3A_435 : i32 to vector<16xi32>
      %parallel_loop3A_437 = arith.shrsi %parallel_loop3A_434, %parallel_loop3A_436 : vector<16xi32>
      %parallel_loop3A_438 = arith.constant 15625 : i32
      %parallel_loop3A_439 = vector.broadcast %parallel_loop3A_438 : i32 to vector<16xi32>
      %parallel_loop3A_440 = arith.andi %parallel_loop3A_437, %parallel_loop3A_439 : vector<16xi32>
      %parallel_loop3A_441 = arith.addi %parallel_loop3A_434, %parallel_loop3A_440 : vector<16xi32>
      %parallel_loop3A_442 = arith.constant 6 : i32
      %parallel_loop3A_443 = vector.broadcast %parallel_loop3A_442 : i32 to vector<16xi32>
      %parallel_loop3A_444 = arith.shli %parallel_loop3A_441, %parallel_loop3A_443 : vector<16xi32>
      %parallel_loop3A_445 = arith.ori %parallel_loop3A_444, %parallel_loop3A_388 : vector<16xi32>
      %parallel_loop3A_446 = arith.index_cast %parallel_loop3A_8 : i32 to index
      %parallel_loop3A_447 = arith.constant 16 : index
      %parallel_loop3A_448 = tpu.vector_load %arg4[%parallel_loop3A_446, %parallel_loop3A_447] {strides = array<i32>} : memref<96x200xi32, #tpu.memory_space<vmem>>, vector<1x16xi32>,
      %parallel_loop3A_449 = vector.shape_cast %parallel_loop3A_448 : vector<1x16xi32> to vector<16xi32>
      %parallel_loop3A_450 = vector.shape_cast %parallel_loop3A_445 : vector<16xi32> to vector<1x16xi32>
      tpu.vector_store %arg4[%parallel_loop3A_446, %parallel_loop3A_447], %parallel_loop3A_450 {strides = array<i32>} : memref<96x200xi32, #tpu.memory_space<vmem>>, vector<1x16xi32>,
      %parallel_loop3A_451 = arith.index_cast %parallel_loop3A_8 : i32 to index
      %parallel_loop3A_452 = arith.constant 32 : index
      %parallel_loop3A_453 = tpu.vector_load %arg4[%parallel_loop3A_451, %parallel_loop3A_452] {strides = array<i32>} : memref<96x200xi32, #tpu.memory_space<vmem>>, vector<1x16xi32>,
      %parallel_loop3A_454 = vector.shape_cast %parallel_loop3A_453 : vector<1x16xi32> to vector<16xi32>
      %parallel_loop3A_455 = arith.constant 21 : i32
      %parallel_loop3A_456 = vector.broadcast %parallel_loop3A_455 : i32 to vector<16xi32>
      %parallel_loop3A_457 = arith.shli %parallel_loop3A_454, %parallel_loop3A_456 : vector<16xi32>
      %parallel_loop3A_458 = arith.constant 11 : i32
      %parallel_loop3A_459 = vector.broadcast %parallel_loop3A_458 : i32 to vector<16xi32>
      %parallel_loop3A_460 = arith.shrui %parallel_loop3A_454, %parallel_loop3A_459 : vector<16xi32>
      %parallel_loop3A_461 = arith.constant dense<-1> : vector<16xi32>
      %parallel_loop3A_462 = arith.xori %parallel_loop3A_454, %parallel_loop3A_461 : vector<16xi32>
      %parallel_loop3A_463 = arith.addi %parallel_loop3A_462, %parallel_loop3A_457 : vector<16xi32>
      %parallel_loop3A_464 = arith.cmpi ult, %parallel_loop3A_463, %parallel_loop3A_462 : vector<16xi32>
      %parallel_loop3A_465 = arith.constant 1 : i32
      %parallel_loop3A_466 = arith.constant 0 : i32
      %parallel_loop3A_467 = vector.broadcast %parallel_loop3A_465 : i32 to vector<16xi32>
      %parallel_loop3A_468 = vector.broadcast %parallel_loop3A_466 : i32 to vector<16xi32>
      %parallel_loop3A_469 = arith.select %parallel_loop3A_464, %parallel_loop3A_467, %parallel_loop3A_468 : vector<16xi1>, vector<16xi32>
      %parallel_loop3A_470 = arith.addi %parallel_loop3A_460, %parallel_loop3A_469 : vector<16xi32>
      %parallel_loop3A_471 = arith.constant -1 : i32
      %parallel_loop3A_472 = vector.broadcast %parallel_loop3A_471 : i32 to vector<16xi32>
      %parallel_loop3A_473 = arith.addi %parallel_loop3A_470, %parallel_loop3A_472 : vector<16xi32>
      %parallel_loop3A_474 = arith.constant 24 : i32
      %parallel_loop3A_475 = vector.broadcast %parallel_loop3A_474 : i32 to vector<16xi32>
      %parallel_loop3A_476 = arith.shrui %parallel_loop3A_463, %parallel_loop3A_475 : vector<16xi32>
      %parallel_loop3A_477 = arith.constant 8 : i32
      %parallel_loop3A_478 = vector.broadcast %parallel_loop3A_477 : i32 to vector<16xi32>
      %parallel_loop3A_479 = arith.shli %parallel_loop3A_473, %parallel_loop3A_478 : vector<16xi32>
      %parallel_loop3A_480 = arith.ori %parallel_loop3A_476, %parallel_loop3A_479 : vector<16xi32>
      %parallel_loop3A_481 = arith.constant 24 : i32
      %parallel_loop3A_482 = vector.broadcast %parallel_loop3A_481 : i32 to vector<16xi32>
      %parallel_loop3A_483 = arith.shrui %parallel_loop3A_473, %parallel_loop3A_482 : vector<16xi32>
      %parallel_loop3A_484 = arith.xori %parallel_loop3A_463, %parallel_loop3A_480 : vector<16xi32>
      %parallel_loop3A_485 = arith.xori %parallel_loop3A_473, %parallel_loop3A_483 : vector<16xi32>
      %parallel_loop3A_486 = arith.constant 65535 : i32
      %parallel_loop3A_487 = vector.broadcast %parallel_loop3A_486 : i32 to vector<16xi32>
      %parallel_loop3A_488 = arith.andi %parallel_loop3A_484, %parallel_loop3A_487 : vector<16xi32>
      %parallel_loop3A_489 = arith.constant 16 : i32
      %parallel_loop3A_490 = vector.broadcast %parallel_loop3A_489 : i32 to vector<16xi32>
      %parallel_loop3A_491 = arith.shrui %parallel_loop3A_484, %parallel_loop3A_490 : vector<16xi32>
      %parallel_loop3A_492 = arith.constant 265 : i32
      %parallel_loop3A_493 = vector.broadcast %parallel_loop3A_492 : i32 to vector<16xi32>
      %parallel_loop3A_494 = arith.muli %parallel_loop3A_488, %parallel_loop3A_493 : vector<16xi32>
      %parallel_loop3A_495 = arith.constant 265 : i32
      %parallel_loop3A_496 = vector.broadcast %parallel_loop3A_495 : i32 to vector<16xi32>
      %parallel_loop3A_497 = arith.muli %parallel_loop3A_491, %parallel_loop3A_496 : vector<16xi32>
      %parallel_loop3A_498 = arith.constant 16 : i32
      %parallel_loop3A_499 = vector.broadcast %parallel_loop3A_498 : i32 to vector<16xi32>
      %parallel_loop3A_500 = arith.shli %parallel_loop3A_497, %parallel_loop3A_499 : vector<16xi32>
      %parallel_loop3A_501 = arith.addi %parallel_loop3A_500, %parallel_loop3A_494 : vector<16xi32>
      %parallel_loop3A_502 = arith.constant 16 : i32
      %parallel_loop3A_503 = vector.broadcast %parallel_loop3A_502 : i32 to vector<16xi32>
      %parallel_loop3A_504 = arith.shrui %parallel_loop3A_494, %parallel_loop3A_503 : vector<16xi32>
      %parallel_loop3A_505 = arith.addi %parallel_loop3A_497, %parallel_loop3A_504 : vector<16xi32>
      %parallel_loop3A_506 = arith.constant 16 : i32
      %parallel_loop3A_507 = vector.broadcast %parallel_loop3A_506 : i32 to vector<16xi32>
      %parallel_loop3A_508 = arith.shrui %parallel_loop3A_505, %parallel_loop3A_507 : vector<16xi32>
      %parallel_loop3A_509 = arith.constant 65535 : i32
      %parallel_loop3A_510 = vector.broadcast %parallel_loop3A_509 : i32 to vector<16xi32>
      %parallel_loop3A_511 = arith.andi %parallel_loop3A_485, %parallel_loop3A_510 : vector<16xi32>
      %parallel_loop3A_512 = arith.constant 16 : i32
      %parallel_loop3A_513 = vector.broadcast %parallel_loop3A_512 : i32 to vector<16xi32>
      %parallel_loop3A_514 = arith.shrui %parallel_loop3A_485, %parallel_loop3A_513 : vector<16xi32>
      %parallel_loop3A_515 = arith.constant 265 : i32
      %parallel_loop3A_516 = vector.broadcast %parallel_loop3A_515 : i32 to vector<16xi32>
      %parallel_loop3A_517 = arith.muli %parallel_loop3A_514, %parallel_loop3A_516 : vector<16xi32>
      %parallel_loop3A_518 = arith.constant 16 : i32
      %parallel_loop3A_519 = vector.broadcast %parallel_loop3A_518 : i32 to vector<16xi32>
      %parallel_loop3A_520 = arith.shli %parallel_loop3A_517, %parallel_loop3A_519 : vector<16xi32>
      %parallel_loop3A_521 = arith.constant 265 : i32
      %parallel_loop3A_522 = vector.broadcast %parallel_loop3A_521 : i32 to vector<16xi32>
      %parallel_loop3A_523 = arith.muli %parallel_loop3A_511, %parallel_loop3A_522 : vector<16xi32>
      %parallel_loop3A_524 = arith.addi %parallel_loop3A_520, %parallel_loop3A_523 : vector<16xi32>
      %parallel_loop3A_525 = arith.addi %parallel_loop3A_524, %parallel_loop3A_508 : vector<16xi32>
      %parallel_loop3A_526 = arith.constant 14 : i32
      %parallel_loop3A_527 = vector.broadcast %parallel_loop3A_526 : i32 to vector<16xi32>
      %parallel_loop3A_528 = arith.shrui %parallel_loop3A_501, %parallel_loop3A_527 : vector<16xi32>
      %parallel_loop3A_529 = arith.constant 18 : i32
      %parallel_loop3A_530 = vector.broadcast %parallel_loop3A_529 : i32 to vector<16xi32>
      %parallel_loop3A_531 = arith.shli %parallel_loop3A_525, %parallel_loop3A_530 : vector<16xi32>
      %parallel_loop3A_532 = arith.ori %parallel_loop3A_528, %parallel_loop3A_531 : vector<16xi32>
      %parallel_loop3A_533 = arith.constant 14 : i32
      %parallel_loop3A_534 = vector.broadcast %parallel_loop3A_533 : i32 to vector<16xi32>
      %parallel_loop3A_535 = arith.shrui %parallel_loop3A_525, %parallel_loop3A_534 : vector<16xi32>
      %parallel_loop3A_536 = arith.xori %parallel_loop3A_501, %parallel_loop3A_532 : vector<16xi32>
      %parallel_loop3A_537 = arith.xori %parallel_loop3A_525, %parallel_loop3A_535 : vector<16xi32>
      %parallel_loop3A_538 = arith.constant 65535 : i32
      %parallel_loop3A_539 = vector.broadcast %parallel_loop3A_538 : i32 to vector<16xi32>
      %parallel_loop3A_540 = arith.andi %parallel_loop3A_536, %parallel_loop3A_539 : vector<16xi32>
      %parallel_loop3A_541 = arith.constant 16 : i32
      %parallel_loop3A_542 = vector.broadcast %parallel_loop3A_541 : i32 to vector<16xi32>
      %parallel_loop3A_543 = arith.shrui %parallel_loop3A_536, %parallel_loop3A_542 : vector<16xi32>
      %parallel_loop3A_544 = arith.constant 21 : i32
      %parallel_loop3A_545 = vector.broadcast %parallel_loop3A_544 : i32 to vector<16xi32>
      %parallel_loop3A_546 = arith.muli %parallel_loop3A_540, %parallel_loop3A_545 : vector<16xi32>
      %parallel_loop3A_547 = arith.constant 21 : i32
      %parallel_loop3A_548 = vector.broadcast %parallel_loop3A_547 : i32 to vector<16xi32>
      %parallel_loop3A_549 = arith.muli %parallel_loop3A_543, %parallel_loop3A_548 : vector<16xi32>
      %parallel_loop3A_550 = arith.constant 16 : i32
      %parallel_loop3A_551 = vector.broadcast %parallel_loop3A_550 : i32 to vector<16xi32>
      %parallel_loop3A_552 = arith.shli %parallel_loop3A_549, %parallel_loop3A_551 : vector<16xi32>
      %parallel_loop3A_553 = arith.addi %parallel_loop3A_552, %parallel_loop3A_546 : vector<16xi32>
      %parallel_loop3A_554 = arith.constant 16 : i32
      %parallel_loop3A_555 = vector.broadcast %parallel_loop3A_554 : i32 to vector<16xi32>
      %parallel_loop3A_556 = arith.shrui %parallel_loop3A_546, %parallel_loop3A_555 : vector<16xi32>
      %parallel_loop3A_557 = arith.addi %parallel_loop3A_549, %parallel_loop3A_556 : vector<16xi32>
      %parallel_loop3A_558 = arith.constant 16 : i32
      %parallel_loop3A_559 = vector.broadcast %parallel_loop3A_558 : i32 to vector<16xi32>
      %parallel_loop3A_560 = arith.shrui %parallel_loop3A_557, %parallel_loop3A_559 : vector<16xi32>
      %parallel_loop3A_561 = arith.constant 65535 : i32
      %parallel_loop3A_562 = vector.broadcast %parallel_loop3A_561 : i32 to vector<16xi32>
      %parallel_loop3A_563 = arith.andi %parallel_loop3A_537, %parallel_loop3A_562 : vector<16xi32>
      %parallel_loop3A_564 = arith.constant 16 : i32
      %parallel_loop3A_565 = vector.broadcast %parallel_loop3A_564 : i32 to vector<16xi32>
      %parallel_loop3A_566 = arith.shrui %parallel_loop3A_537, %parallel_loop3A_565 : vector<16xi32>
      %parallel_loop3A_567 = arith.constant 21 : i32
      %parallel_loop3A_568 = vector.broadcast %parallel_loop3A_567 : i32 to vector<16xi32>
      %parallel_loop3A_569 = arith.muli %parallel_loop3A_566, %parallel_loop3A_568 : vector<16xi32>
      %parallel_loop3A_570 = arith.constant 16 : i32
      %parallel_loop3A_571 = vector.broadcast %parallel_loop3A_570 : i32 to vector<16xi32>
      %parallel_loop3A_572 = arith.shli %parallel_loop3A_569, %parallel_loop3A_571 : vector<16xi32>
      %parallel_loop3A_573 = arith.constant 21 : i32
      %parallel_loop3A_574 = vector.broadcast %parallel_loop3A_573 : i32 to vector<16xi32>
      %parallel_loop3A_575 = arith.muli %parallel_loop3A_563, %parallel_loop3A_574 : vector<16xi32>
      %parallel_loop3A_576 = arith.addi %parallel_loop3A_572, %parallel_loop3A_575 : vector<16xi32>
      %parallel_loop3A_577 = arith.addi %parallel_loop3A_576, %parallel_loop3A_560 : vector<16xi32>
      %parallel_loop3A_578 = arith.constant 28 : i32
      %parallel_loop3A_579 = vector.broadcast %parallel_loop3A_578 : i32 to vector<16xi32>
      %parallel_loop3A_580 = arith.shrui %parallel_loop3A_553, %parallel_loop3A_579 : vector<16xi32>
      %parallel_loop3A_581 = arith.constant 4 : i32
      %parallel_loop3A_582 = vector.broadcast %parallel_loop3A_581 : i32 to vector<16xi32>
      %parallel_loop3A_583 = arith.shli %parallel_loop3A_577, %parallel_loop3A_582 : vector<16xi32>
      %parallel_loop3A_584 = arith.ori %parallel_loop3A_580, %parallel_loop3A_583 : vector<16xi32>
      %parallel_loop3A_585 = arith.constant 28 : i32
      %parallel_loop3A_586 = vector.broadcast %parallel_loop3A_585 : i32 to vector<16xi32>
      %parallel_loop3A_587 = arith.shrui %parallel_loop3A_577, %parallel_loop3A_586 : vector<16xi32>
      %parallel_loop3A_588 = arith.xori %parallel_loop3A_553, %parallel_loop3A_584 : vector<16xi32>
      %parallel_loop3A_589 = arith.xori %parallel_loop3A_577, %parallel_loop3A_587 : vector<16xi32>
      %parallel_loop3A_590 = arith.constant 31 : i32
      %parallel_loop3A_591 = vector.broadcast %parallel_loop3A_590 : i32 to vector<16xi32>
      %parallel_loop3A_592 = arith.shli %parallel_loop3A_588, %parallel_loop3A_591 : vector<16xi32>
      %parallel_loop3A_593 = arith.xori %parallel_loop3A_588, %parallel_loop3A_592 : vector<16xi32>
      %parallel_loop3A_594 = arith.andi %parallel_loop3A_588, %parallel_loop3A_592 : vector<16xi32>
      %parallel_loop3A_595 = arith.constant 31 : i32
      %parallel_loop3A_596 = vector.broadcast %parallel_loop3A_595 : i32 to vector<16xi32>
      %parallel_loop3A_597 = arith.shrui %parallel_loop3A_594, %parallel_loop3A_596 : vector<16xi32>
      %parallel_loop3A_598 = arith.constant 31 : i32
      %parallel_loop3A_599 = vector.broadcast %parallel_loop3A_598 : i32 to vector<16xi32>
      %parallel_loop3A_600 = arith.shli %parallel_loop3A_589, %parallel_loop3A_599 : vector<16xi32>
      %parallel_loop3A_601 = arith.constant 1 : i32
      %parallel_loop3A_602 = vector.broadcast %parallel_loop3A_601 : i32 to vector<16xi32>
      %parallel_loop3A_603 = arith.shrui %parallel_loop3A_588, %parallel_loop3A_602 : vector<16xi32>
      %parallel_loop3A_604 = arith.ori %parallel_loop3A_600, %parallel_loop3A_603 : vector<16xi32>
      %parallel_loop3A_605 = arith.addi %parallel_loop3A_589, %parallel_loop3A_604 : vector<16xi32>
      %parallel_loop3A_606 = arith.addi %parallel_loop3A_605, %parallel_loop3A_597 : vector<16xi32>
      %parallel_loop3A_607 = arith.constant 63 : i32
      %parallel_loop3A_608 = vector.broadcast %parallel_loop3A_607 : i32 to vector<16xi32>
      %parallel_loop3A_609 = arith.andi %parallel_loop3A_593, %parallel_loop3A_608 : vector<16xi32>
      %parallel_loop3A_610 = arith.constant 6 : i32
      %parallel_loop3A_611 = vector.broadcast %parallel_loop3A_610 : i32 to vector<16xi32>
      %parallel_loop3A_612 = arith.shrui %parallel_loop3A_593, %parallel_loop3A_611 : vector<16xi32>
      %parallel_loop3A_613 = arith.constant 26 : i32
      %parallel_loop3A_614 = vector.broadcast %parallel_loop3A_613 : i32 to vector<16xi32>
      %parallel_loop3A_615 = arith.shli %parallel_loop3A_606, %parallel_loop3A_614 : vector<16xi32>
      %parallel_loop3A_616 = arith.ori %parallel_loop3A_612, %parallel_loop3A_615 : vector<16xi32>
      %parallel_loop3A_617 = arith.constant 6 : i32
      %parallel_loop3A_618 = vector.broadcast %parallel_loop3A_617 : i32 to vector<16xi32>
      %parallel_loop3A_619 = arith.shrui %parallel_loop3A_606, %parallel_loop3A_618 : vector<16xi32>
      %parallel_loop3A_620 = arith.constant 65535 : i32
      %parallel_loop3A_621 = vector.broadcast %parallel_loop3A_620 : i32 to vector<16xi32>
      %parallel_loop3A_622 = arith.andi %parallel_loop3A_616, %parallel_loop3A_621 : vector<16xi32>
      %parallel_loop3A_623 = arith.constant 16 : i32
      %parallel_loop3A_624 = vector.broadcast %parallel_loop3A_623 : i32 to vector<16xi32>
      %parallel_loop3A_625 = arith.shrui %parallel_loop3A_616, %parallel_loop3A_624 : vector<16xi32>
      %parallel_loop3A_626 = arith.constant 65535 : i32
      %parallel_loop3A_627 = vector.broadcast %parallel_loop3A_626 : i32 to vector<16xi32>
      %parallel_loop3A_628 = arith.andi %parallel_loop3A_619, %parallel_loop3A_627 : vector<16xi32>
      %parallel_loop3A_629 = arith.constant 16 : i32
      %parallel_loop3A_630 = vector.broadcast %parallel_loop3A_629 : i32 to vector<16xi32>
      %parallel_loop3A_631 = arith.shrui %parallel_loop3A_619, %parallel_loop3A_630 : vector<16xi32>
      %parallel_loop3A_632 = arith.constant 3036 : i32
      %parallel_loop3A_633 = vector.broadcast %parallel_loop3A_632 : i32 to vector<16xi32>
      %parallel_loop3A_634 = arith.muli %parallel_loop3A_625, %parallel_loop3A_633 : vector<16xi32>
      %parallel_loop3A_635 = arith.addi %parallel_loop3A_622, %parallel_loop3A_634 : vector<16xi32>
      %parallel_loop3A_636 = arith.constant 14171 : i32
      %parallel_loop3A_637 = vector.broadcast %parallel_loop3A_636 : i32 to vector<16xi32>
      %parallel_loop3A_638 = arith.muli %parallel_loop3A_628, %parallel_loop3A_637 : vector<16xi32>
      %parallel_loop3A_639 = arith.addi %parallel_loop3A_635, %parallel_loop3A_638 : vector<16xi32>
      %parallel_loop3A_640 = arith.constant 7531 : i32
      %parallel_loop3A_641 = vector.broadcast %parallel_loop3A_640 : i32 to vector<16xi32>
      %parallel_loop3A_642 = arith.muli %parallel_loop3A_631, %parallel_loop3A_641 : vector<16xi32>
      %parallel_loop3A_643 = arith.addi %parallel_loop3A_639, %parallel_loop3A_642 : vector<16xi32>
      %parallel_loop3A_644 = arith.sitofp %parallel_loop3A_643 : vector<16xi32> to vector<16xf32>
      %parallel_loop3A_645 = arith.constant 6.39999707E-5 : f32
      %parallel_loop3A_646 = vector.broadcast %parallel_loop3A_645 : f32 to vector<16xf32>
      %parallel_loop3A_647 = arith.mulf %parallel_loop3A_644, %parallel_loop3A_646 : vector<16xf32>
      %parallel_loop3A_648 = arith.fptosi %parallel_loop3A_647 : vector<16xf32> to vector<16xi32>
      %parallel_loop3A_649 = arith.constant 15625 : i32
      %parallel_loop3A_650 = vector.broadcast %parallel_loop3A_649 : i32 to vector<16xi32>
      %parallel_loop3A_651 = arith.muli %parallel_loop3A_648, %parallel_loop3A_650 : vector<16xi32>
      %parallel_loop3A_652 = arith.subi %parallel_loop3A_643, %parallel_loop3A_651 : vector<16xi32>
      %parallel_loop3A_653 = arith.constant 15625 : i32
      %parallel_loop3A_654 = vector.broadcast %parallel_loop3A_653 : i32 to vector<16xi32>
      %parallel_loop3A_655 = arith.subi %parallel_loop3A_652, %parallel_loop3A_654 : vector<16xi32>
      %parallel_loop3A_656 = arith.constant 31 : i32
      %parallel_loop3A_657 = vector.broadcast %parallel_loop3A_656 : i32 to vector<16xi32>
      %parallel_loop3A_658 = arith.shrsi %parallel_loop3A_655, %parallel_loop3A_657 : vector<16xi32>
      %parallel_loop3A_659 = arith.constant 15625 : i32
      %parallel_loop3A_660 = vector.broadcast %parallel_loop3A_659 : i32 to vector<16xi32>
      %parallel_loop3A_661 = arith.andi %parallel_loop3A_658, %parallel_loop3A_660 : vector<16xi32>
      %parallel_loop3A_662 = arith.addi %parallel_loop3A_655, %parallel_loop3A_661 : vector<16xi32>
      %parallel_loop3A_663 = arith.constant 6 : i32
      %parallel_loop3A_664 = vector.broadcast %parallel_loop3A_663 : i32 to vector<16xi32>
      %parallel_loop3A_665 = arith.shli %parallel_loop3A_662, %parallel_loop3A_664 : vector<16xi32>
      %parallel_loop3A_666 = arith.ori %parallel_loop3A_665, %parallel_loop3A_609 : vector<16xi32>
      %parallel_loop3A_667 = arith.index_cast %parallel_loop3A_8 : i32 to index
      %parallel_loop3A_668 = arith.constant 32 : index
      %parallel_loop3A_669 = tpu.vector_load %arg4[%parallel_loop3A_667, %parallel_loop3A_668] {strides = array<i32>} : memref<96x200xi32, #tpu.memory_space<vmem>>, vector<1x16xi32>,
      %parallel_loop3A_670 = vector.shape_cast %parallel_loop3A_669 : vector<1x16xi32> to vector<16xi32>
      %parallel_loop3A_671 = vector.shape_cast %parallel_loop3A_666 : vector<16xi32> to vector<1x16xi32>
      tpu.vector_store %arg4[%parallel_loop3A_667, %parallel_loop3A_668], %parallel_loop3A_671 {strides = array<i32>} : memref<96x200xi32, #tpu.memory_space<vmem>>, vector<1x16xi32>,
      %parallel_loop3A_672 = arith.index_cast %parallel_loop3A_8 : i32 to index
      %parallel_loop3A_673 = arith.constant 48 : index
      %parallel_loop3A_674 = tpu.vector_load %arg4[%parallel_loop3A_672, %parallel_loop3A_673] {strides = array<i32>} : memref<96x200xi32, #tpu.memory_space<vmem>>, vector<1x16xi32>,
      %parallel_loop3A_675 = vector.shape_cast %parallel_loop3A_674 : vector<1x16xi32> to vector<16xi32>
      %parallel_loop3A_676 = arith.constant 21 : i32
      %parallel_loop3A_677 = vector.broadcast %parallel_loop3A_676 : i32 to vector<16xi32>
      %parallel_loop3A_678 = arith.shli %parallel_loop3A_675, %parallel_loop3A_677 : vector<16xi32>
      %parallel_loop3A_679 = arith.constant 11 : i32
      %parallel_loop3A_680 = vector.broadcast %parallel_loop3A_679 : i32 to vector<16xi32>
      %parallel_loop3A_681 = arith.shrui %parallel_loop3A_675, %parallel_loop3A_680 : vector<16xi32>
      %parallel_loop3A_682 = arith.constant dense<-1> : vector<16xi32>
      %parallel_loop3A_683 = arith.xori %parallel_loop3A_675, %parallel_loop3A_682 : vector<16xi32>
      %parallel_loop3A_684 = arith.addi %parallel_loop3A_683, %parallel_loop3A_678 : vector<16xi32>
      %parallel_loop3A_685 = arith.cmpi ult, %parallel_loop3A_684, %parallel_loop3A_683 : vector<16xi32>
      %parallel_loop3A_686 = arith.constant 1 : i32
      %parallel_loop3A_687 = arith.constant 0 : i32
      %parallel_loop3A_688 = vector.broadcast %parallel_loop3A_686 : i32 to vector<16xi32>
      %parallel_loop3A_689 = vector.broadcast %parallel_loop3A_687 : i32 to vector<16xi32>
      %parallel_loop3A_690 = arith.select %parallel_loop3A_685, %parallel_loop3A_688, %parallel_loop3A_689 : vector<16xi1>, vector<16xi32>
      %parallel_loop3A_691 = arith.addi %parallel_loop3A_681, %parallel_loop3A_690 : vector<16xi32>
      %parallel_loop3A_692 = arith.constant -1 : i32
      %parallel_loop3A_693 = vector.broadcast %parallel_loop3A_692 : i32 to vector<16xi32>
      %parallel_loop3A_694 = arith.addi %parallel_loop3A_691, %parallel_loop3A_693 : vector<16xi32>
      %parallel_loop3A_695 = arith.constant 24 : i32
      %parallel_loop3A_696 = vector.broadcast %parallel_loop3A_695 : i32 to vector<16xi32>
      %parallel_loop3A_697 = arith.shrui %parallel_loop3A_684, %parallel_loop3A_696 : vector<16xi32>
      %parallel_loop3A_698 = arith.constant 8 : i32
      %parallel_loop3A_699 = vector.broadcast %parallel_loop3A_698 : i32 to vector<16xi32>
      %parallel_loop3A_700 = arith.shli %parallel_loop3A_694, %parallel_loop3A_699 : vector<16xi32>
      %parallel_loop3A_701 = arith.ori %parallel_loop3A_697, %parallel_loop3A_700 : vector<16xi32>
      %parallel_loop3A_702 = arith.constant 24 : i32
      %parallel_loop3A_703 = vector.broadcast %parallel_loop3A_702 : i32 to vector<16xi32>
      %parallel_loop3A_704 = arith.shrui %parallel_loop3A_694, %parallel_loop3A_703 : vector<16xi32>
      %parallel_loop3A_705 = arith.xori %parallel_loop3A_684, %parallel_loop3A_701 : vector<16xi32>
      %parallel_loop3A_706 = arith.xori %parallel_loop3A_694, %parallel_loop3A_704 : vector<16xi32>
      %parallel_loop3A_707 = arith.constant 65535 : i32
      %parallel_loop3A_708 = vector.broadcast %parallel_loop3A_707 : i32 to vector<16xi32>
      %parallel_loop3A_709 = arith.andi %parallel_loop3A_705, %parallel_loop3A_708 : vector<16xi32>
      %parallel_loop3A_710 = arith.constant 16 : i32
      %parallel_loop3A_711 = vector.broadcast %parallel_loop3A_710 : i32 to vector<16xi32>
      %parallel_loop3A_712 = arith.shrui %parallel_loop3A_705, %parallel_loop3A_711 : vector<16xi32>
      %parallel_loop3A_713 = arith.constant 265 : i32
      %parallel_loop3A_714 = vector.broadcast %parallel_loop3A_713 : i32 to vector<16xi32>
      %parallel_loop3A_715 = arith.muli %parallel_loop3A_709, %parallel_loop3A_714 : vector<16xi32>
      %parallel_loop3A_716 = arith.constant 265 : i32
      %parallel_loop3A_717 = vector.broadcast %parallel_loop3A_716 : i32 to vector<16xi32>
      %parallel_loop3A_718 = arith.muli %parallel_loop3A_712, %parallel_loop3A_717 : vector<16xi32>
      %parallel_loop3A_719 = arith.constant 16 : i32
      %parallel_loop3A_720 = vector.broadcast %parallel_loop3A_719 : i32 to vector<16xi32>
      %parallel_loop3A_721 = arith.shli %parallel_loop3A_718, %parallel_loop3A_720 : vector<16xi32>
      %parallel_loop3A_722 = arith.addi %parallel_loop3A_721, %parallel_loop3A_715 : vector<16xi32>
      %parallel_loop3A_723 = arith.constant 16 : i32
      %parallel_loop3A_724 = vector.broadcast %parallel_loop3A_723 : i32 to vector<16xi32>
      %parallel_loop3A_725 = arith.shrui %parallel_loop3A_715, %parallel_loop3A_724 : vector<16xi32>
      %parallel_loop3A_726 = arith.addi %parallel_loop3A_718, %parallel_loop3A_725 : vector<16xi32>
      %parallel_loop3A_727 = arith.constant 16 : i32
      %parallel_loop3A_728 = vector.broadcast %parallel_loop3A_727 : i32 to vector<16xi32>
      %parallel_loop3A_729 = arith.shrui %parallel_loop3A_726, %parallel_loop3A_728 : vector<16xi32>
      %parallel_loop3A_730 = arith.constant 65535 : i32
      %parallel_loop3A_731 = vector.broadcast %parallel_loop3A_730 : i32 to vector<16xi32>
      %parallel_loop3A_732 = arith.andi %parallel_loop3A_706, %parallel_loop3A_731 : vector<16xi32>
      %parallel_loop3A_733 = arith.constant 16 : i32
      %parallel_loop3A_734 = vector.broadcast %parallel_loop3A_733 : i32 to vector<16xi32>
      %parallel_loop3A_735 = arith.shrui %parallel_loop3A_706, %parallel_loop3A_734 : vector<16xi32>
      %parallel_loop3A_736 = arith.constant 265 : i32
      %parallel_loop3A_737 = vector.broadcast %parallel_loop3A_736 : i32 to vector<16xi32>
      %parallel_loop3A_738 = arith.muli %parallel_loop3A_735, %parallel_loop3A_737 : vector<16xi32>
      %parallel_loop3A_739 = arith.constant 16 : i32
      %parallel_loop3A_740 = vector.broadcast %parallel_loop3A_739 : i32 to vector<16xi32>
      %parallel_loop3A_741 = arith.shli %parallel_loop3A_738, %parallel_loop3A_740 : vector<16xi32>
      %parallel_loop3A_742 = arith.constant 265 : i32
      %parallel_loop3A_743 = vector.broadcast %parallel_loop3A_742 : i32 to vector<16xi32>
      %parallel_loop3A_744 = arith.muli %parallel_loop3A_732, %parallel_loop3A_743 : vector<16xi32>
      %parallel_loop3A_745 = arith.addi %parallel_loop3A_741, %parallel_loop3A_744 : vector<16xi32>
      %parallel_loop3A_746 = arith.addi %parallel_loop3A_745, %parallel_loop3A_729 : vector<16xi32>
      %parallel_loop3A_747 = arith.constant 14 : i32
      %parallel_loop3A_748 = vector.broadcast %parallel_loop3A_747 : i32 to vector<16xi32>
      %parallel_loop3A_749 = arith.shrui %parallel_loop3A_722, %parallel_loop3A_748 : vector<16xi32>
      %parallel_loop3A_750 = arith.constant 18 : i32
      %parallel_loop3A_751 = vector.broadcast %parallel_loop3A_750 : i32 to vector<16xi32>
      %parallel_loop3A_752 = arith.shli %parallel_loop3A_746, %parallel_loop3A_751 : vector<16xi32>
      %parallel_loop3A_753 = arith.ori %parallel_loop3A_749, %parallel_loop3A_752 : vector<16xi32>
      %parallel_loop3A_754 = arith.constant 14 : i32
      %parallel_loop3A_755 = vector.broadcast %parallel_loop3A_754 : i32 to vector<16xi32>
      %parallel_loop3A_756 = arith.shrui %parallel_loop3A_746, %parallel_loop3A_755 : vector<16xi32>
      %parallel_loop3A_757 = arith.xori %parallel_loop3A_722, %parallel_loop3A_753 : vector<16xi32>
      %parallel_loop3A_758 = arith.xori %parallel_loop3A_746, %parallel_loop3A_756 : vector<16xi32>
      %parallel_loop3A_759 = arith.constant 65535 : i32
      %parallel_loop3A_760 = vector.broadcast %parallel_loop3A_759 : i32 to vector<16xi32>
      %parallel_loop3A_761 = arith.andi %parallel_loop3A_757, %parallel_loop3A_760 : vector<16xi32>
      %parallel_loop3A_762 = arith.constant 16 : i32
      %parallel_loop3A_763 = vector.broadcast %parallel_loop3A_762 : i32 to vector<16xi32>
      %parallel_loop3A_764 = arith.shrui %parallel_loop3A_757, %parallel_loop3A_763 : vector<16xi32>
      %parallel_loop3A_765 = arith.constant 21 : i32
      %parallel_loop3A_766 = vector.broadcast %parallel_loop3A_765 : i32 to vector<16xi32>
      %parallel_loop3A_767 = arith.muli %parallel_loop3A_761, %parallel_loop3A_766 : vector<16xi32>
      %parallel_loop3A_768 = arith.constant 21 : i32
      %parallel_loop3A_769 = vector.broadcast %parallel_loop3A_768 : i32 to vector<16xi32>
      %parallel_loop3A_770 = arith.muli %parallel_loop3A_764, %parallel_loop3A_769 : vector<16xi32>
      %parallel_loop3A_771 = arith.constant 16 : i32
      %parallel_loop3A_772 = vector.broadcast %parallel_loop3A_771 : i32 to vector<16xi32>
      %parallel_loop3A_773 = arith.shli %parallel_loop3A_770, %parallel_loop3A_772 : vector<16xi32>
      %parallel_loop3A_774 = arith.addi %parallel_loop3A_773, %parallel_loop3A_767 : vector<16xi32>
      %parallel_loop3A_775 = arith.constant 16 : i32
      %parallel_loop3A_776 = vector.broadcast %parallel_loop3A_775 : i32 to vector<16xi32>
      %parallel_loop3A_777 = arith.shrui %parallel_loop3A_767, %parallel_loop3A_776 : vector<16xi32>
      %parallel_loop3A_778 = arith.addi %parallel_loop3A_770, %parallel_loop3A_777 : vector<16xi32>
      %parallel_loop3A_779 = arith.constant 16 : i32
      %parallel_loop3A_780 = vector.broadcast %parallel_loop3A_779 : i32 to vector<16xi32>
      %parallel_loop3A_781 = arith.shrui %parallel_loop3A_778, %parallel_loop3A_780 : vector<16xi32>
      %parallel_loop3A_782 = arith.constant 65535 : i32
      %parallel_loop3A_783 = vector.broadcast %parallel_loop3A_782 : i32 to vector<16xi32>
      %parallel_loop3A_784 = arith.andi %parallel_loop3A_758, %parallel_loop3A_783 : vector<16xi32>
      %parallel_loop3A_785 = arith.constant 16 : i32
      %parallel_loop3A_786 = vector.broadcast %parallel_loop3A_785 : i32 to vector<16xi32>
      %parallel_loop3A_787 = arith.shrui %parallel_loop3A_758, %parallel_loop3A_786 : vector<16xi32>
      %parallel_loop3A_788 = arith.constant 21 : i32
      %parallel_loop3A_789 = vector.broadcast %parallel_loop3A_788 : i32 to vector<16xi32>
      %parallel_loop3A_790 = arith.muli %parallel_loop3A_787, %parallel_loop3A_789 : vector<16xi32>
      %parallel_loop3A_791 = arith.constant 16 : i32
      %parallel_loop3A_792 = vector.broadcast %parallel_loop3A_791 : i32 to vector<16xi32>
      %parallel_loop3A_793 = arith.shli %parallel_loop3A_790, %parallel_loop3A_792 : vector<16xi32>
      %parallel_loop3A_794 = arith.constant 21 : i32
      %parallel_loop3A_795 = vector.broadcast %parallel_loop3A_794 : i32 to vector<16xi32>
      %parallel_loop3A_796 = arith.muli %parallel_loop3A_784, %parallel_loop3A_795 : vector<16xi32>
      %parallel_loop3A_797 = arith.addi %parallel_loop3A_793, %parallel_loop3A_796 : vector<16xi32>
      %parallel_loop3A_798 = arith.addi %parallel_loop3A_797, %parallel_loop3A_781 : vector<16xi32>
      %parallel_loop3A_799 = arith.constant 28 : i32
      %parallel_loop3A_800 = vector.broadcast %parallel_loop3A_799 : i32 to vector<16xi32>
      %parallel_loop3A_801 = arith.shrui %parallel_loop3A_774, %parallel_loop3A_800 : vector<16xi32>
      %parallel_loop3A_802 = arith.constant 4 : i32
      %parallel_loop3A_803 = vector.broadcast %parallel_loop3A_802 : i32 to vector<16xi32>
      %parallel_loop3A_804 = arith.shli %parallel_loop3A_798, %parallel_loop3A_803 : vector<16xi32>
      %parallel_loop3A_805 = arith.ori %parallel_loop3A_801, %parallel_loop3A_804 : vector<16xi32>
      %parallel_loop3A_806 = arith.constant 28 : i32
      %parallel_loop3A_807 = vector.broadcast %parallel_loop3A_806 : i32 to vector<16xi32>
      %parallel_loop3A_808 = arith.shrui %parallel_loop3A_798, %parallel_loop3A_807 : vector<16xi32>
      %parallel_loop3A_809 = arith.xori %parallel_loop3A_774, %parallel_loop3A_805 : vector<16xi32>
      %parallel_loop3A_810 = arith.xori %parallel_loop3A_798, %parallel_loop3A_808 : vector<16xi32>
      %parallel_loop3A_811 = arith.constant 31 : i32
      %parallel_loop3A_812 = vector.broadcast %parallel_loop3A_811 : i32 to vector<16xi32>
      %parallel_loop3A_813 = arith.shli %parallel_loop3A_809, %parallel_loop3A_812 : vector<16xi32>
      %parallel_loop3A_814 = arith.xori %parallel_loop3A_809, %parallel_loop3A_813 : vector<16xi32>
      %parallel_loop3A_815 = arith.andi %parallel_loop3A_809, %parallel_loop3A_813 : vector<16xi32>
      %parallel_loop3A_816 = arith.constant 31 : i32
      %parallel_loop3A_817 = vector.broadcast %parallel_loop3A_816 : i32 to vector<16xi32>
      %parallel_loop3A_818 = arith.shrui %parallel_loop3A_815, %parallel_loop3A_817 : vector<16xi32>
      %parallel_loop3A_819 = arith.constant 31 : i32
      %parallel_loop3A_820 = vector.broadcast %parallel_loop3A_819 : i32 to vector<16xi32>
      %parallel_loop3A_821 = arith.shli %parallel_loop3A_810, %parallel_loop3A_820 : vector<16xi32>
      %parallel_loop3A_822 = arith.constant 1 : i32
      %parallel_loop3A_823 = vector.broadcast %parallel_loop3A_822 : i32 to vector<16xi32>
      %parallel_loop3A_824 = arith.shrui %parallel_loop3A_809, %parallel_loop3A_823 : vector<16xi32>
      %parallel_loop3A_825 = arith.ori %parallel_loop3A_821, %parallel_loop3A_824 : vector<16xi32>
      %parallel_loop3A_826 = arith.addi %parallel_loop3A_810, %parallel_loop3A_825 : vector<16xi32>
      %parallel_loop3A_827 = arith.addi %parallel_loop3A_826, %parallel_loop3A_818 : vector<16xi32>
      %parallel_loop3A_828 = arith.constant 63 : i32
      %parallel_loop3A_829 = vector.broadcast %parallel_loop3A_828 : i32 to vector<16xi32>
      %parallel_loop3A_830 = arith.andi %parallel_loop3A_814, %parallel_loop3A_829 : vector<16xi32>
      %parallel_loop3A_831 = arith.constant 6 : i32
      %parallel_loop3A_832 = vector.broadcast %parallel_loop3A_831 : i32 to vector<16xi32>
      %parallel_loop3A_833 = arith.shrui %parallel_loop3A_814, %parallel_loop3A_832 : vector<16xi32>
      %parallel_loop3A_834 = arith.constant 26 : i32
      %parallel_loop3A_835 = vector.broadcast %parallel_loop3A_834 : i32 to vector<16xi32>
      %parallel_loop3A_836 = arith.shli %parallel_loop3A_827, %parallel_loop3A_835 : vector<16xi32>
      %parallel_loop3A_837 = arith.ori %parallel_loop3A_833, %parallel_loop3A_836 : vector<16xi32>
      %parallel_loop3A_838 = arith.constant 6 : i32
      %parallel_loop3A_839 = vector.broadcast %parallel_loop3A_838 : i32 to vector<16xi32>
      %parallel_loop3A_840 = arith.shrui %parallel_loop3A_827, %parallel_loop3A_839 : vector<16xi32>
      %parallel_loop3A_841 = arith.constant 65535 : i32
      %parallel_loop3A_842 = vector.broadcast %parallel_loop3A_841 : i32 to vector<16xi32>
      %parallel_loop3A_843 = arith.andi %parallel_loop3A_837, %parallel_loop3A_842 : vector<16xi32>
      %parallel_loop3A_844 = arith.constant 16 : i32
      %parallel_loop3A_845 = vector.broadcast %parallel_loop3A_844 : i32 to vector<16xi32>
      %parallel_loop3A_846 = arith.shrui %parallel_loop3A_837, %parallel_loop3A_845 : vector<16xi32>
      %parallel_loop3A_847 = arith.constant 65535 : i32
      %parallel_loop3A_848 = vector.broadcast %parallel_loop3A_847 : i32 to vector<16xi32>
      %parallel_loop3A_849 = arith.andi %parallel_loop3A_840, %parallel_loop3A_848 : vector<16xi32>
      %parallel_loop3A_850 = arith.constant 16 : i32
      %parallel_loop3A_851 = vector.broadcast %parallel_loop3A_850 : i32 to vector<16xi32>
      %parallel_loop3A_852 = arith.shrui %parallel_loop3A_840, %parallel_loop3A_851 : vector<16xi32>
      %parallel_loop3A_853 = arith.constant 3036 : i32
      %parallel_loop3A_854 = vector.broadcast %parallel_loop3A_853 : i32 to vector<16xi32>
      %parallel_loop3A_855 = arith.muli %parallel_loop3A_846, %parallel_loop3A_854 : vector<16xi32>
      %parallel_loop3A_856 = arith.addi %parallel_loop3A_843, %parallel_loop3A_855 : vector<16xi32>
      %parallel_loop3A_857 = arith.constant 14171 : i32
      %parallel_loop3A_858 = vector.broadcast %parallel_loop3A_857 : i32 to vector<16xi32>
      %parallel_loop3A_859 = arith.muli %parallel_loop3A_849, %parallel_loop3A_858 : vector<16xi32>
      %parallel_loop3A_860 = arith.addi %parallel_loop3A_856, %parallel_loop3A_859 : vector<16xi32>
      %parallel_loop3A_861 = arith.constant 7531 : i32
      %parallel_loop3A_862 = vector.broadcast %parallel_loop3A_861 : i32 to vector<16xi32>
      %parallel_loop3A_863 = arith.muli %parallel_loop3A_852, %parallel_loop3A_862 : vector<16xi32>
      %parallel_loop3A_864 = arith.addi %parallel_loop3A_860, %parallel_loop3A_863 : vector<16xi32>
      %parallel_loop3A_865 = arith.sitofp %parallel_loop3A_864 : vector<16xi32> to vector<16xf32>
      %parallel_loop3A_866 = arith.constant 6.39999707E-5 : f32
      %parallel_loop3A_867 = vector.broadcast %parallel_loop3A_866 : f32 to vector<16xf32>
      %parallel_loop3A_868 = arith.mulf %parallel_loop3A_865, %parallel_loop3A_867 : vector<16xf32>
      %parallel_loop3A_869 = arith.fptosi %parallel_loop3A_868 : vector<16xf32> to vector<16xi32>
      %parallel_loop3A_870 = arith.constant 15625 : i32
      %parallel_loop3A_871 = vector.broadcast %parallel_loop3A_870 : i32 to vector<16xi32>
      %parallel_loop3A_872 = arith.muli %parallel_loop3A_869, %parallel_loop3A_871 : vector<16xi32>
      %parallel_loop3A_873 = arith.subi %parallel_loop3A_864, %parallel_loop3A_872 : vector<16xi32>
      %parallel_loop3A_874 = arith.constant 15625 : i32
      %parallel_loop3A_875 = vector.broadcast %parallel_loop3A_874 : i32 to vector<16xi32>
      %parallel_loop3A_876 = arith.subi %parallel_loop3A_873, %parallel_loop3A_875 : vector<16xi32>
      %parallel_loop3A_877 = arith.constant 31 : i32
      %parallel_loop3A_878 = vector.broadcast %parallel_loop3A_877 : i32 to vector<16xi32>
      %parallel_loop3A_879 = arith.shrsi %parallel_loop3A_876, %parallel_loop3A_878 : vector<16xi32>
      %parallel_loop3A_880 = arith.constant 15625 : i32
      %parallel_loop3A_881 = vector.broadcast %parallel_loop3A_880 : i32 to vector<16xi32>
      %parallel_loop3A_882 = arith.andi %parallel_loop3A_879, %parallel_loop3A_881 : vector<16xi32>
      %parallel_loop3A_883 = arith.addi %parallel_loop3A_876, %parallel_loop3A_882 : vector<16xi32>
      %parallel_loop3A_884 = arith.constant 6 : i32
      %parallel_loop3A_885 = vector.broadcast %parallel_loop3A_884 : i32 to vector<16xi32>
      %parallel_loop3A_886 = arith.shli %parallel_loop3A_883, %parallel_loop3A_885 : vector<16xi32>
      %parallel_loop3A_887 = arith.ori %parallel_loop3A_886, %parallel_loop3A_830 : vector<16xi32>
      %parallel_loop3A_888 = arith.index_cast %parallel_loop3A_8 : i32 to index
      %parallel_loop3A_889 = arith.constant 48 : index
      %parallel_loop3A_890 = tpu.vector_load %arg4[%parallel_loop3A_888, %parallel_loop3A_889] {strides = array<i32>} : memref<96x200xi32, #tpu.memory_space<vmem>>, vector<1x16xi32>,
      %parallel_loop3A_891 = vector.shape_cast %parallel_loop3A_890 : vector<1x16xi32> to vector<16xi32>
      %parallel_loop3A_892 = vector.shape_cast %parallel_loop3A_887 : vector<16xi32> to vector<1x16xi32>
      tpu.vector_store %arg4[%parallel_loop3A_888, %parallel_loop3A_889], %parallel_loop3A_892 {strides = array<i32>} : memref<96x200xi32, #tpu.memory_space<vmem>>, vector<1x16xi32>,
      %parallel_loop3A_893 = arith.index_cast %parallel_loop3A_8 : i32 to index
      %parallel_loop3A_894 = arith.constant 64 : index
      %parallel_loop3A_895 = tpu.vector_load %arg4[%parallel_loop3A_893, %parallel_loop3A_894] {strides = array<i32>} : memref<96x200xi32, #tpu.memory_space<vmem>>, vector<1x16xi32>,
      %parallel_loop3A_896 = vector.shape_cast %parallel_loop3A_895 : vector<1x16xi32> to vector<16xi32>
      %parallel_loop3A_897 = arith.constant 21 : i32
      %parallel_loop3A_898 = vector.broadcast %parallel_loop3A_897 : i32 to vector<16xi32>
      %parallel_loop3A_899 = arith.shli %parallel_loop3A_896, %parallel_loop3A_898 : vector<16xi32>
      %parallel_loop3A_900 = arith.constant 11 : i32
      %parallel_loop3A_901 = vector.broadcast %parallel_loop3A_900 : i32 to vector<16xi32>
      %parallel_loop3A_902 = arith.shrui %parallel_loop3A_896, %parallel_loop3A_901 : vector<16xi32>
      %parallel_loop3A_903 = arith.constant dense<-1> : vector<16xi32>
      %parallel_loop3A_904 = arith.xori %parallel_loop3A_896, %parallel_loop3A_903 : vector<16xi32>
      %parallel_loop3A_905 = arith.addi %parallel_loop3A_904, %parallel_loop3A_899 : vector<16xi32>
      %parallel_loop3A_906 = arith.cmpi ult, %parallel_loop3A_905, %parallel_loop3A_904 : vector<16xi32>
      %parallel_loop3A_907 = arith.constant 1 : i32
      %parallel_loop3A_908 = arith.constant 0 : i32
      %parallel_loop3A_909 = vector.broadcast %parallel_loop3A_907 : i32 to vector<16xi32>
      %parallel_loop3A_910 = vector.broadcast %parallel_loop3A_908 : i32 to vector<16xi32>
      %parallel_loop3A_911 = arith.select %parallel_loop3A_906, %parallel_loop3A_909, %parallel_loop3A_910 : vector<16xi1>, vector<16xi32>
      %parallel_loop3A_912 = arith.addi %parallel_loop3A_902, %parallel_loop3A_911 : vector<16xi32>
      %parallel_loop3A_913 = arith.constant -1 : i32
      %parallel_loop3A_914 = vector.broadcast %parallel_loop3A_913 : i32 to vector<16xi32>
      %parallel_loop3A_915 = arith.addi %parallel_loop3A_912, %parallel_loop3A_914 : vector<16xi32>
      %parallel_loop3A_916 = arith.constant 24 : i32
      %parallel_loop3A_917 = vector.broadcast %parallel_loop3A_916 : i32 to vector<16xi32>
      %parallel_loop3A_918 = arith.shrui %parallel_loop3A_905, %parallel_loop3A_917 : vector<16xi32>
      %parallel_loop3A_919 = arith.constant 8 : i32
      %parallel_loop3A_920 = vector.broadcast %parallel_loop3A_919 : i32 to vector<16xi32>
      %parallel_loop3A_921 = arith.shli %parallel_loop3A_915, %parallel_loop3A_920 : vector<16xi32>
      %parallel_loop3A_922 = arith.ori %parallel_loop3A_918, %parallel_loop3A_921 : vector<16xi32>
      %parallel_loop3A_923 = arith.constant 24 : i32
      %parallel_loop3A_924 = vector.broadcast %parallel_loop3A_923 : i32 to vector<16xi32>
      %parallel_loop3A_925 = arith.shrui %parallel_loop3A_915, %parallel_loop3A_924 : vector<16xi32>
      %parallel_loop3A_926 = arith.xori %parallel_loop3A_905, %parallel_loop3A_922 : vector<16xi32>
      %parallel_loop3A_927 = arith.xori %parallel_loop3A_915, %parallel_loop3A_925 : vector<16xi32>
      %parallel_loop3A_928 = arith.constant 65535 : i32
      %parallel_loop3A_929 = vector.broadcast %parallel_loop3A_928 : i32 to vector<16xi32>
      %parallel_loop3A_930 = arith.andi %parallel_loop3A_926, %parallel_loop3A_929 : vector<16xi32>
      %parallel_loop3A_931 = arith.constant 16 : i32
      %parallel_loop3A_932 = vector.broadcast %parallel_loop3A_931 : i32 to vector<16xi32>
      %parallel_loop3A_933 = arith.shrui %parallel_loop3A_926, %parallel_loop3A_932 : vector<16xi32>
      %parallel_loop3A_934 = arith.constant 265 : i32
      %parallel_loop3A_935 = vector.broadcast %parallel_loop3A_934 : i32 to vector<16xi32>
      %parallel_loop3A_936 = arith.muli %parallel_loop3A_930, %parallel_loop3A_935 : vector<16xi32>
      %parallel_loop3A_937 = arith.constant 265 : i32
      %parallel_loop3A_938 = vector.broadcast %parallel_loop3A_937 : i32 to vector<16xi32>
      %parallel_loop3A_939 = arith.muli %parallel_loop3A_933, %parallel_loop3A_938 : vector<16xi32>
      %parallel_loop3A_940 = arith.constant 16 : i32
      %parallel_loop3A_941 = vector.broadcast %parallel_loop3A_940 : i32 to vector<16xi32>
      %parallel_loop3A_942 = arith.shli %parallel_loop3A_939, %parallel_loop3A_941 : vector<16xi32>
      %parallel_loop3A_943 = arith.addi %parallel_loop3A_942, %parallel_loop3A_936 : vector<16xi32>
      %parallel_loop3A_944 = arith.constant 16 : i32
      %parallel_loop3A_945 = vector.broadcast %parallel_loop3A_944 : i32 to vector<16xi32>
      %parallel_loop3A_946 = arith.shrui %parallel_loop3A_936, %parallel_loop3A_945 : vector<16xi32>
      %parallel_loop3A_947 = arith.addi %parallel_loop3A_939, %parallel_loop3A_946 : vector<16xi32>
      %parallel_loop3A_948 = arith.constant 16 : i32
      %parallel_loop3A_949 = vector.broadcast %parallel_loop3A_948 : i32 to vector<16xi32>
      %parallel_loop3A_950 = arith.shrui %parallel_loop3A_947, %parallel_loop3A_949 : vector<16xi32>
      %parallel_loop3A_951 = arith.constant 65535 : i32
      %parallel_loop3A_952 = vector.broadcast %parallel_loop3A_951 : i32 to vector<16xi32>
      %parallel_loop3A_953 = arith.andi %parallel_loop3A_927, %parallel_loop3A_952 : vector<16xi32>
      %parallel_loop3A_954 = arith.constant 16 : i32
      %parallel_loop3A_955 = vector.broadcast %parallel_loop3A_954 : i32 to vector<16xi32>
      %parallel_loop3A_956 = arith.shrui %parallel_loop3A_927, %parallel_loop3A_955 : vector<16xi32>
      %parallel_loop3A_957 = arith.constant 265 : i32
      %parallel_loop3A_958 = vector.broadcast %parallel_loop3A_957 : i32 to vector<16xi32>
      %parallel_loop3A_959 = arith.muli %parallel_loop3A_956, %parallel_loop3A_958 : vector<16xi32>
      %parallel_loop3A_960 = arith.constant 16 : i32
      %parallel_loop3A_961 = vector.broadcast %parallel_loop3A_960 : i32 to vector<16xi32>
      %parallel_loop3A_962 = arith.shli %parallel_loop3A_959, %parallel_loop3A_961 : vector<16xi32>
      %parallel_loop3A_963 = arith.constant 265 : i32
      %parallel_loop3A_964 = vector.broadcast %parallel_loop3A_963 : i32 to vector<16xi32>
      %parallel_loop3A_965 = arith.muli %parallel_loop3A_953, %parallel_loop3A_964 : vector<16xi32>
      %parallel_loop3A_966 = arith.addi %parallel_loop3A_962, %parallel_loop3A_965 : vector<16xi32>
      %parallel_loop3A_967 = arith.addi %parallel_loop3A_966, %parallel_loop3A_950 : vector<16xi32>
      %parallel_loop3A_968 = arith.constant 14 : i32
      %parallel_loop3A_969 = vector.broadcast %parallel_loop3A_968 : i32 to vector<16xi32>
      %parallel_loop3A_970 = arith.shrui %parallel_loop3A_943, %parallel_loop3A_969 : vector<16xi32>
      %parallel_loop3A_971 = arith.constant 18 : i32
      %parallel_loop3A_972 = vector.broadcast %parallel_loop3A_971 : i32 to vector<16xi32>
      %parallel_loop3A_973 = arith.shli %parallel_loop3A_967, %parallel_loop3A_972 : vector<16xi32>
      %parallel_loop3A_974 = arith.ori %parallel_loop3A_970, %parallel_loop3A_973 : vector<16xi32>
      %parallel_loop3A_975 = arith.constant 14 : i32
      %parallel_loop3A_976 = vector.broadcast %parallel_loop3A_975 : i32 to vector<16xi32>
      %parallel_loop3A_977 = arith.shrui %parallel_loop3A_967, %parallel_loop3A_976 : vector<16xi32>
      %parallel_loop3A_978 = arith.xori %parallel_loop3A_943, %parallel_loop3A_974 : vector<16xi32>
      %parallel_loop3A_979 = arith.xori %parallel_loop3A_967, %parallel_loop3A_977 : vector<16xi32>
      %parallel_loop3A_980 = arith.constant 65535 : i32
      %parallel_loop3A_981 = vector.broadcast %parallel_loop3A_980 : i32 to vector<16xi32>
      %parallel_loop3A_982 = arith.andi %parallel_loop3A_978, %parallel_loop3A_981 : vector<16xi32>
      %parallel_loop3A_983 = arith.constant 16 : i32
      %parallel_loop3A_984 = vector.broadcast %parallel_loop3A_983 : i32 to vector<16xi32>
      %parallel_loop3A_985 = arith.shrui %parallel_loop3A_978, %parallel_loop3A_984 : vector<16xi32>
      %parallel_loop3A_986 = arith.constant 21 : i32
      %parallel_loop3A_987 = vector.broadcast %parallel_loop3A_986 : i32 to vector<16xi32>
      %parallel_loop3A_988 = arith.muli %parallel_loop3A_982, %parallel_loop3A_987 : vector<16xi32>
      %parallel_loop3A_989 = arith.constant 21 : i32
      %parallel_loop3A_990 = vector.broadcast %parallel_loop3A_989 : i32 to vector<16xi32>
      %parallel_loop3A_991 = arith.muli %parallel_loop3A_985, %parallel_loop3A_990 : vector<16xi32>
      %parallel_loop3A_992 = arith.constant 16 : i32
      %parallel_loop3A_993 = vector.broadcast %parallel_loop3A_992 : i32 to vector<16xi32>
      %parallel_loop3A_994 = arith.shli %parallel_loop3A_991, %parallel_loop3A_993 : vector<16xi32>
      %parallel_loop3A_995 = arith.addi %parallel_loop3A_994, %parallel_loop3A_988 : vector<16xi32>
      %parallel_loop3A_996 = arith.constant 16 : i32
      %parallel_loop3A_997 = vector.broadcast %parallel_loop3A_996 : i32 to vector<16xi32>
      %parallel_loop3A_998 = arith.shrui %parallel_loop3A_988, %parallel_loop3A_997 : vector<16xi32>
      %parallel_loop3A_999 = arith.addi %parallel_loop3A_991, %parallel_loop3A_998 : vector<16xi32>
      %parallel_loop3A_1000 = arith.constant 16 : i32
      %parallel_loop3A_1001 = vector.broadcast %parallel_loop3A_1000 : i32 to vector<16xi32>
      %parallel_loop3A_1002 = arith.shrui %parallel_loop3A_999, %parallel_loop3A_1001 : vector<16xi32>
      %parallel_loop3A_1003 = arith.constant 65535 : i32
      %parallel_loop3A_1004 = vector.broadcast %parallel_loop3A_1003 : i32 to vector<16xi32>
      %parallel_loop3A_1005 = arith.andi %parallel_loop3A_979, %parallel_loop3A_1004 : vector<16xi32>
      %parallel_loop3A_1006 = arith.constant 16 : i32
      %parallel_loop3A_1007 = vector.broadcast %parallel_loop3A_1006 : i32 to vector<16xi32>
      %parallel_loop3A_1008 = arith.shrui %parallel_loop3A_979, %parallel_loop3A_1007 : vector<16xi32>
      %parallel_loop3A_1009 = arith.constant 21 : i32
      %parallel_loop3A_1010 = vector.broadcast %parallel_loop3A_1009 : i32 to vector<16xi32>
      %parallel_loop3A_1011 = arith.muli %parallel_loop3A_1008, %parallel_loop3A_1010 : vector<16xi32>
      %parallel_loop3A_1012 = arith.constant 16 : i32
      %parallel_loop3A_1013 = vector.broadcast %parallel_loop3A_1012 : i32 to vector<16xi32>
      %parallel_loop3A_1014 = arith.shli %parallel_loop3A_1011, %parallel_loop3A_1013 : vector<16xi32>
      %parallel_loop3A_1015 = arith.constant 21 : i32
      %parallel_loop3A_1016 = vector.broadcast %parallel_loop3A_1015 : i32 to vector<16xi32>
      %parallel_loop3A_1017 = arith.muli %parallel_loop3A_1005, %parallel_loop3A_1016 : vector<16xi32>
      %parallel_loop3A_1018 = arith.addi %parallel_loop3A_1014, %parallel_loop3A_1017 : vector<16xi32>
      %parallel_loop3A_1019 = arith.addi %parallel_loop3A_1018, %parallel_loop3A_1002 : vector<16xi32>
      %parallel_loop3A_1020 = arith.constant 28 : i32
      %parallel_loop3A_1021 = vector.broadcast %parallel_loop3A_1020 : i32 to vector<16xi32>
      %parallel_loop3A_1022 = arith.shrui %parallel_loop3A_995, %parallel_loop3A_1021 : vector<16xi32>
      %parallel_loop3A_1023 = arith.constant 4 : i32
      %parallel_loop3A_1024 = vector.broadcast %parallel_loop3A_1023 : i32 to vector<16xi32>
      %parallel_loop3A_1025 = arith.shli %parallel_loop3A_1019, %parallel_loop3A_1024 : vector<16xi32>
      %parallel_loop3A_1026 = arith.ori %parallel_loop3A_1022, %parallel_loop3A_1025 : vector<16xi32>
      %parallel_loop3A_1027 = arith.constant 28 : i32
      %parallel_loop3A_1028 = vector.broadcast %parallel_loop3A_1027 : i32 to vector<16xi32>
      %parallel_loop3A_1029 = arith.shrui %parallel_loop3A_1019, %parallel_loop3A_1028 : vector<16xi32>
      %parallel_loop3A_1030 = arith.xori %parallel_loop3A_995, %parallel_loop3A_1026 : vector<16xi32>
      %parallel_loop3A_1031 = arith.xori %parallel_loop3A_1019, %parallel_loop3A_1029 : vector<16xi32>
      %parallel_loop3A_1032 = arith.constant 31 : i32
      %parallel_loop3A_1033 = vector.broadcast %parallel_loop3A_1032 : i32 to vector<16xi32>
      %parallel_loop3A_1034 = arith.shli %parallel_loop3A_1030, %parallel_loop3A_1033 : vector<16xi32>
      %parallel_loop3A_1035 = arith.xori %parallel_loop3A_1030, %parallel_loop3A_1034 : vector<16xi32>
      %parallel_loop3A_1036 = arith.andi %parallel_loop3A_1030, %parallel_loop3A_1034 : vector<16xi32>
      %parallel_loop3A_1037 = arith.constant 31 : i32
      %parallel_loop3A_1038 = vector.broadcast %parallel_loop3A_1037 : i32 to vector<16xi32>
      %parallel_loop3A_1039 = arith.shrui %parallel_loop3A_1036, %parallel_loop3A_1038 : vector<16xi32>
      %parallel_loop3A_1040 = arith.constant 31 : i32
      %parallel_loop3A_1041 = vector.broadcast %parallel_loop3A_1040 : i32 to vector<16xi32>
      %parallel_loop3A_1042 = arith.shli %parallel_loop3A_1031, %parallel_loop3A_1041 : vector<16xi32>
      %parallel_loop3A_1043 = arith.constant 1 : i32
      %parallel_loop3A_1044 = vector.broadcast %parallel_loop3A_1043 : i32 to vector<16xi32>
      %parallel_loop3A_1045 = arith.shrui %parallel_loop3A_1030, %parallel_loop3A_1044 : vector<16xi32>
      %parallel_loop3A_1046 = arith.ori %parallel_loop3A_1042, %parallel_loop3A_1045 : vector<16xi32>
      %parallel_loop3A_1047 = arith.addi %parallel_loop3A_1031, %parallel_loop3A_1046 : vector<16xi32>
      %parallel_loop3A_1048 = arith.addi %parallel_loop3A_1047, %parallel_loop3A_1039 : vector<16xi32>
      %parallel_loop3A_1049 = arith.constant 63 : i32
      %parallel_loop3A_1050 = vector.broadcast %parallel_loop3A_1049 : i32 to vector<16xi32>
      %parallel_loop3A_1051 = arith.andi %parallel_loop3A_1035, %parallel_loop3A_1050 : vector<16xi32>
      %parallel_loop3A_1052 = arith.constant 6 : i32
      %parallel_loop3A_1053 = vector.broadcast %parallel_loop3A_1052 : i32 to vector<16xi32>
      %parallel_loop3A_1054 = arith.shrui %parallel_loop3A_1035, %parallel_loop3A_1053 : vector<16xi32>
      %parallel_loop3A_1055 = arith.constant 26 : i32
      %parallel_loop3A_1056 = vector.broadcast %parallel_loop3A_1055 : i32 to vector<16xi32>
      %parallel_loop3A_1057 = arith.shli %parallel_loop3A_1048, %parallel_loop3A_1056 : vector<16xi32>
      %parallel_loop3A_1058 = arith.ori %parallel_loop3A_1054, %parallel_loop3A_1057 : vector<16xi32>
      %parallel_loop3A_1059 = arith.constant 6 : i32
      %parallel_loop3A_1060 = vector.broadcast %parallel_loop3A_1059 : i32 to vector<16xi32>
      %parallel_loop3A_1061 = arith.shrui %parallel_loop3A_1048, %parallel_loop3A_1060 : vector<16xi32>
      %parallel_loop3A_1062 = arith.constant 65535 : i32
      %parallel_loop3A_1063 = vector.broadcast %parallel_loop3A_1062 : i32 to vector<16xi32>
      %parallel_loop3A_1064 = arith.andi %parallel_loop3A_1058, %parallel_loop3A_1063 : vector<16xi32>
      %parallel_loop3A_1065 = arith.constant 16 : i32
      %parallel_loop3A_1066 = vector.broadcast %parallel_loop3A_1065 : i32 to vector<16xi32>
      %parallel_loop3A_1067 = arith.shrui %parallel_loop3A_1058, %parallel_loop3A_1066 : vector<16xi32>
      %parallel_loop3A_1068 = arith.constant 65535 : i32
      %parallel_loop3A_1069 = vector.broadcast %parallel_loop3A_1068 : i32 to vector<16xi32>
      %parallel_loop3A_1070 = arith.andi %parallel_loop3A_1061, %parallel_loop3A_1069 : vector<16xi32>
      %parallel_loop3A_1071 = arith.constant 16 : i32
      %parallel_loop3A_1072 = vector.broadcast %parallel_loop3A_1071 : i32 to vector<16xi32>
      %parallel_loop3A_1073 = arith.shrui %parallel_loop3A_1061, %parallel_loop3A_1072 : vector<16xi32>
      %parallel_loop3A_1074 = arith.constant 3036 : i32
      %parallel_loop3A_1075 = vector.broadcast %parallel_loop3A_1074 : i32 to vector<16xi32>
      %parallel_loop3A_1076 = arith.muli %parallel_loop3A_1067, %parallel_loop3A_1075 : vector<16xi32>
      %parallel_loop3A_1077 = arith.addi %parallel_loop3A_1064, %parallel_loop3A_1076 : vector<16xi32>
      %parallel_loop3A_1078 = arith.constant 14171 : i32
      %parallel_loop3A_1079 = vector.broadcast %parallel_loop3A_1078 : i32 to vector<16xi32>
      %parallel_loop3A_1080 = arith.muli %parallel_loop3A_1070, %parallel_loop3A_1079 : vector<16xi32>
      %parallel_loop3A_1081 = arith.addi %parallel_loop3A_1077, %parallel_loop3A_1080 : vector<16xi32>
      %parallel_loop3A_1082 = arith.constant 7531 : i32
      %parallel_loop3A_1083 = vector.broadcast %parallel_loop3A_1082 : i32 to vector<16xi32>
      %parallel_loop3A_1084 = arith.muli %parallel_loop3A_1073, %parallel_loop3A_1083 : vector<16xi32>
      %parallel_loop3A_1085 = arith.addi %parallel_loop3A_1081, %parallel_loop3A_1084 : vector<16xi32>
      %parallel_loop3A_1086 = arith.sitofp %parallel_loop3A_1085 : vector<16xi32> to vector<16xf32>
      %parallel_loop3A_1087 = arith.constant 6.39999707E-5 : f32
      %parallel_loop3A_1088 = vector.broadcast %parallel_loop3A_1087 : f32 to vector<16xf32>
      %parallel_loop3A_1089 = arith.mulf %parallel_loop3A_1086, %parallel_loop3A_1088 : vector<16xf32>
      %parallel_loop3A_1090 = arith.fptosi %parallel_loop3A_1089 : vector<16xf32> to vector<16xi32>
      %parallel_loop3A_1091 = arith.constant 15625 : i32
      %parallel_loop3A_1092 = vector.broadcast %parallel_loop3A_1091 : i32 to vector<16xi32>
      %parallel_loop3A_1093 = arith.muli %parallel_loop3A_1090, %parallel_loop3A_1092 : vector<16xi32>
      %parallel_loop3A_1094 = arith.subi %parallel_loop3A_1085, %parallel_loop3A_1093 : vector<16xi32>
      %parallel_loop3A_1095 = arith.constant 15625 : i32
      %parallel_loop3A_1096 = vector.broadcast %parallel_loop3A_1095 : i32 to vector<16xi32>
      %parallel_loop3A_1097 = arith.subi %parallel_loop3A_1094, %parallel_loop3A_1096 : vector<16xi32>
      %parallel_loop3A_1098 = arith.constant 31 : i32
      %parallel_loop3A_1099 = vector.broadcast %parallel_loop3A_1098 : i32 to vector<16xi32>
      %parallel_loop3A_1100 = arith.shrsi %parallel_loop3A_1097, %parallel_loop3A_1099 : vector<16xi32>
      %parallel_loop3A_1101 = arith.constant 15625 : i32
      %parallel_loop3A_1102 = vector.broadcast %parallel_loop3A_1101 : i32 to vector<16xi32>
      %parallel_loop3A_1103 = arith.andi %parallel_loop3A_1100, %parallel_loop3A_1102 : vector<16xi32>
      %parallel_loop3A_1104 = arith.addi %parallel_loop3A_1097, %parallel_loop3A_1103 : vector<16xi32>
      %parallel_loop3A_1105 = arith.constant 6 : i32
      %parallel_loop3A_1106 = vector.broadcast %parallel_loop3A_1105 : i32 to vector<16xi32>
      %parallel_loop3A_1107 = arith.shli %parallel_loop3A_1104, %parallel_loop3A_1106 : vector<16xi32>
      %parallel_loop3A_1108 = arith.ori %parallel_loop3A_1107, %parallel_loop3A_1051 : vector<16xi32>
      %parallel_loop3A_1109 = arith.index_cast %parallel_loop3A_8 : i32 to index
      %parallel_loop3A_1110 = arith.constant 64 : index
      %parallel_loop3A_1111 = tpu.vector_load %arg4[%parallel_loop3A_1109, %parallel_loop3A_1110] {strides = array<i32>} : memref<96x200xi32, #tpu.memory_space<vmem>>, vector<1x16xi32>,
      %parallel_loop3A_1112 = vector.shape_cast %parallel_loop3A_1111 : vector<1x16xi32> to vector<16xi32>
      %parallel_loop3A_1113 = vector.shape_cast %parallel_loop3A_1108 : vector<16xi32> to vector<1x16xi32>
      tpu.vector_store %arg4[%parallel_loop3A_1109, %parallel_loop3A_1110], %parallel_loop3A_1113 {strides = array<i32>} : memref<96x200xi32, #tpu.memory_space<vmem>>, vector<1x16xi32>,
      %parallel_loop3A_1114 = arith.index_cast %parallel_loop3A_8 : i32 to index
      %parallel_loop3A_1115 = arith.constant 80 : index
      %parallel_loop3A_1116 = tpu.vector_load %arg4[%parallel_loop3A_1114, %parallel_loop3A_1115] {strides = array<i32>} : memref<96x200xi32, #tpu.memory_space<vmem>>, vector<1x16xi32>,
      %parallel_loop3A_1117 = vector.shape_cast %parallel_loop3A_1116 : vector<1x16xi32> to vector<16xi32>
      %parallel_loop3A_1118 = arith.constant 21 : i32
      %parallel_loop3A_1119 = vector.broadcast %parallel_loop3A_1118 : i32 to vector<16xi32>
      %parallel_loop3A_1120 = arith.shli %parallel_loop3A_1117, %parallel_loop3A_1119 : vector<16xi32>
      %parallel_loop3A_1121 = arith.constant 11 : i32
      %parallel_loop3A_1122 = vector.broadcast %parallel_loop3A_1121 : i32 to vector<16xi32>
      %parallel_loop3A_1123 = arith.shrui %parallel_loop3A_1117, %parallel_loop3A_1122 : vector<16xi32>
      %parallel_loop3A_1124 = arith.constant dense<-1> : vector<16xi32>
      %parallel_loop3A_1125 = arith.xori %parallel_loop3A_1117, %parallel_loop3A_1124 : vector<16xi32>
      %parallel_loop3A_1126 = arith.addi %parallel_loop3A_1125, %parallel_loop3A_1120 : vector<16xi32>
      %parallel_loop3A_1127 = arith.cmpi ult, %parallel_loop3A_1126, %parallel_loop3A_1125 : vector<16xi32>
      %parallel_loop3A_1128 = arith.constant 1 : i32
      %parallel_loop3A_1129 = arith.constant 0 : i32
      %parallel_loop3A_1130 = vector.broadcast %parallel_loop3A_1128 : i32 to vector<16xi32>
      %parallel_loop3A_1131 = vector.broadcast %parallel_loop3A_1129 : i32 to vector<16xi32>
      %parallel_loop3A_1132 = arith.select %parallel_loop3A_1127, %parallel_loop3A_1130, %parallel_loop3A_1131 : vector<16xi1>, vector<16xi32>
      %parallel_loop3A_1133 = arith.addi %parallel_loop3A_1123, %parallel_loop3A_1132 : vector<16xi32>
      %parallel_loop3A_1134 = arith.constant -1 : i32
      %parallel_loop3A_1135 = vector.broadcast %parallel_loop3A_1134 : i32 to vector<16xi32>
      %parallel_loop3A_1136 = arith.addi %parallel_loop3A_1133, %parallel_loop3A_1135 : vector<16xi32>
      %parallel_loop3A_1137 = arith.constant 24 : i32
      %parallel_loop3A_1138 = vector.broadcast %parallel_loop3A_1137 : i32 to vector<16xi32>
      %parallel_loop3A_1139 = arith.shrui %parallel_loop3A_1126, %parallel_loop3A_1138 : vector<16xi32>
      %parallel_loop3A_1140 = arith.constant 8 : i32
      %parallel_loop3A_1141 = vector.broadcast %parallel_loop3A_1140 : i32 to vector<16xi32>
      %parallel_loop3A_1142 = arith.shli %parallel_loop3A_1136, %parallel_loop3A_1141 : vector<16xi32>
      %parallel_loop3A_1143 = arith.ori %parallel_loop3A_1139, %parallel_loop3A_1142 : vector<16xi32>
      %parallel_loop3A_1144 = arith.constant 24 : i32
      %parallel_loop3A_1145 = vector.broadcast %parallel_loop3A_1144 : i32 to vector<16xi32>
      %parallel_loop3A_1146 = arith.shrui %parallel_loop3A_1136, %parallel_loop3A_1145 : vector<16xi32>
      %parallel_loop3A_1147 = arith.xori %parallel_loop3A_1126, %parallel_loop3A_1143 : vector<16xi32>
      %parallel_loop3A_1148 = arith.xori %parallel_loop3A_1136, %parallel_loop3A_1146 : vector<16xi32>
      %parallel_loop3A_1149 = arith.constant 65535 : i32
      %parallel_loop3A_1150 = vector.broadcast %parallel_loop3A_1149 : i32 to vector<16xi32>
      %parallel_loop3A_1151 = arith.andi %parallel_loop3A_1147, %parallel_loop3A_1150 : vector<16xi32>
      %parallel_loop3A_1152 = arith.constant 16 : i32
      %parallel_loop3A_1153 = vector.broadcast %parallel_loop3A_1152 : i32 to vector<16xi32>
      %parallel_loop3A_1154 = arith.shrui %parallel_loop3A_1147, %parallel_loop3A_1153 : vector<16xi32>
      %parallel_loop3A_1155 = arith.constant 265 : i32
      %parallel_loop3A_1156 = vector.broadcast %parallel_loop3A_1155 : i32 to vector<16xi32>
      %parallel_loop3A_1157 = arith.muli %parallel_loop3A_1151, %parallel_loop3A_1156 : vector<16xi32>
      %parallel_loop3A_1158 = arith.constant 265 : i32
      %parallel_loop3A_1159 = vector.broadcast %parallel_loop3A_1158 : i32 to vector<16xi32>
      %parallel_loop3A_1160 = arith.muli %parallel_loop3A_1154, %parallel_loop3A_1159 : vector<16xi32>
      %parallel_loop3A_1161 = arith.constant 16 : i32
      %parallel_loop3A_1162 = vector.broadcast %parallel_loop3A_1161 : i32 to vector<16xi32>
      %parallel_loop3A_1163 = arith.shli %parallel_loop3A_1160, %parallel_loop3A_1162 : vector<16xi32>
      %parallel_loop3A_1164 = arith.addi %parallel_loop3A_1163, %parallel_loop3A_1157 : vector<16xi32>
      %parallel_loop3A_1165 = arith.constant 16 : i32
      %parallel_loop3A_1166 = vector.broadcast %parallel_loop3A_1165 : i32 to vector<16xi32>
      %parallel_loop3A_1167 = arith.shrui %parallel_loop3A_1157, %parallel_loop3A_1166 : vector<16xi32>
      %parallel_loop3A_1168 = arith.addi %parallel_loop3A_1160, %parallel_loop3A_1167 : vector<16xi32>
      %parallel_loop3A_1169 = arith.constant 16 : i32
      %parallel_loop3A_1170 = vector.broadcast %parallel_loop3A_1169 : i32 to vector<16xi32>
      %parallel_loop3A_1171 = arith.shrui %parallel_loop3A_1168, %parallel_loop3A_1170 : vector<16xi32>
      %parallel_loop3A_1172 = arith.constant 65535 : i32
      %parallel_loop3A_1173 = vector.broadcast %parallel_loop3A_1172 : i32 to vector<16xi32>
      %parallel_loop3A_1174 = arith.andi %parallel_loop3A_1148, %parallel_loop3A_1173 : vector<16xi32>
      %parallel_loop3A_1175 = arith.constant 16 : i32
      %parallel_loop3A_1176 = vector.broadcast %parallel_loop3A_1175 : i32 to vector<16xi32>
      %parallel_loop3A_1177 = arith.shrui %parallel_loop3A_1148, %parallel_loop3A_1176 : vector<16xi32>
      %parallel_loop3A_1178 = arith.constant 265 : i32
      %parallel_loop3A_1179 = vector.broadcast %parallel_loop3A_1178 : i32 to vector<16xi32>
      %parallel_loop3A_1180 = arith.muli %parallel_loop3A_1177, %parallel_loop3A_1179 : vector<16xi32>
      %parallel_loop3A_1181 = arith.constant 16 : i32
      %parallel_loop3A_1182 = vector.broadcast %parallel_loop3A_1181 : i32 to vector<16xi32>
      %parallel_loop3A_1183 = arith.shli %parallel_loop3A_1180, %parallel_loop3A_1182 : vector<16xi32>
      %parallel_loop3A_1184 = arith.constant 265 : i32
      %parallel_loop3A_1185 = vector.broadcast %parallel_loop3A_1184 : i32 to vector<16xi32>
      %parallel_loop3A_1186 = arith.muli %parallel_loop3A_1174, %parallel_loop3A_1185 : vector<16xi32>
      %parallel_loop3A_1187 = arith.addi %parallel_loop3A_1183, %parallel_loop3A_1186 : vector<16xi32>
      %parallel_loop3A_1188 = arith.addi %parallel_loop3A_1187, %parallel_loop3A_1171 : vector<16xi32>
      %parallel_loop3A_1189 = arith.constant 14 : i32
      %parallel_loop3A_1190 = vector.broadcast %parallel_loop3A_1189 : i32 to vector<16xi32>
      %parallel_loop3A_1191 = arith.shrui %parallel_loop3A_1164, %parallel_loop3A_1190 : vector<16xi32>
      %parallel_loop3A_1192 = arith.constant 18 : i32
      %parallel_loop3A_1193 = vector.broadcast %parallel_loop3A_1192 : i32 to vector<16xi32>
      %parallel_loop3A_1194 = arith.shli %parallel_loop3A_1188, %parallel_loop3A_1193 : vector<16xi32>
      %parallel_loop3A_1195 = arith.ori %parallel_loop3A_1191, %parallel_loop3A_1194 : vector<16xi32>
      %parallel_loop3A_1196 = arith.constant 14 : i32
      %parallel_loop3A_1197 = vector.broadcast %parallel_loop3A_1196 : i32 to vector<16xi32>
      %parallel_loop3A_1198 = arith.shrui %parallel_loop3A_1188, %parallel_loop3A_1197 : vector<16xi32>
      %parallel_loop3A_1199 = arith.xori %parallel_loop3A_1164, %parallel_loop3A_1195 : vector<16xi32>
      %parallel_loop3A_1200 = arith.xori %parallel_loop3A_1188, %parallel_loop3A_1198 : vector<16xi32>
      %parallel_loop3A_1201 = arith.constant 65535 : i32
      %parallel_loop3A_1202 = vector.broadcast %parallel_loop3A_1201 : i32 to vector<16xi32>
      %parallel_loop3A_1203 = arith.andi %parallel_loop3A_1199, %parallel_loop3A_1202 : vector<16xi32>
      %parallel_loop3A_1204 = arith.constant 16 : i32
      %parallel_loop3A_1205 = vector.broadcast %parallel_loop3A_1204 : i32 to vector<16xi32>
      %parallel_loop3A_1206 = arith.shrui %parallel_loop3A_1199, %parallel_loop3A_1205 : vector<16xi32>
      %parallel_loop3A_1207 = arith.constant 21 : i32
      %parallel_loop3A_1208 = vector.broadcast %parallel_loop3A_1207 : i32 to vector<16xi32>
      %parallel_loop3A_1209 = arith.muli %parallel_loop3A_1203, %parallel_loop3A_1208 : vector<16xi32>
      %parallel_loop3A_1210 = arith.constant 21 : i32
      %parallel_loop3A_1211 = vector.broadcast %parallel_loop3A_1210 : i32 to vector<16xi32>
      %parallel_loop3A_1212 = arith.muli %parallel_loop3A_1206, %parallel_loop3A_1211 : vector<16xi32>
      %parallel_loop3A_1213 = arith.constant 16 : i32
      %parallel_loop3A_1214 = vector.broadcast %parallel_loop3A_1213 : i32 to vector<16xi32>
      %parallel_loop3A_1215 = arith.shli %parallel_loop3A_1212, %parallel_loop3A_1214 : vector<16xi32>
      %parallel_loop3A_1216 = arith.addi %parallel_loop3A_1215, %parallel_loop3A_1209 : vector<16xi32>
      %parallel_loop3A_1217 = arith.constant 16 : i32
      %parallel_loop3A_1218 = vector.broadcast %parallel_loop3A_1217 : i32 to vector<16xi32>
      %parallel_loop3A_1219 = arith.shrui %parallel_loop3A_1209, %parallel_loop3A_1218 : vector<16xi32>
      %parallel_loop3A_1220 = arith.addi %parallel_loop3A_1212, %parallel_loop3A_1219 : vector<16xi32>
      %parallel_loop3A_1221 = arith.constant 16 : i32
      %parallel_loop3A_1222 = vector.broadcast %parallel_loop3A_1221 : i32 to vector<16xi32>
      %parallel_loop3A_1223 = arith.shrui %parallel_loop3A_1220, %parallel_loop3A_1222 : vector<16xi32>
      %parallel_loop3A_1224 = arith.constant 65535 : i32
      %parallel_loop3A_1225 = vector.broadcast %parallel_loop3A_1224 : i32 to vector<16xi32>
      %parallel_loop3A_1226 = arith.andi %parallel_loop3A_1200, %parallel_loop3A_1225 : vector<16xi32>
      %parallel_loop3A_1227 = arith.constant 16 : i32
      %parallel_loop3A_1228 = vector.broadcast %parallel_loop3A_1227 : i32 to vector<16xi32>
      %parallel_loop3A_1229 = arith.shrui %parallel_loop3A_1200, %parallel_loop3A_1228 : vector<16xi32>
      %parallel_loop3A_1230 = arith.constant 21 : i32
      %parallel_loop3A_1231 = vector.broadcast %parallel_loop3A_1230 : i32 to vector<16xi32>
      %parallel_loop3A_1232 = arith.muli %parallel_loop3A_1229, %parallel_loop3A_1231 : vector<16xi32>
      %parallel_loop3A_1233 = arith.constant 16 : i32
      %parallel_loop3A_1234 = vector.broadcast %parallel_loop3A_1233 : i32 to vector<16xi32>
      %parallel_loop3A_1235 = arith.shli %parallel_loop3A_1232, %parallel_loop3A_1234 : vector<16xi32>
      %parallel_loop3A_1236 = arith.constant 21 : i32
      %parallel_loop3A_1237 = vector.broadcast %parallel_loop3A_1236 : i32 to vector<16xi32>
      %parallel_loop3A_1238 = arith.muli %parallel_loop3A_1226, %parallel_loop3A_1237 : vector<16xi32>
      %parallel_loop3A_1239 = arith.addi %parallel_loop3A_1235, %parallel_loop3A_1238 : vector<16xi32>
      %parallel_loop3A_1240 = arith.addi %parallel_loop3A_1239, %parallel_loop3A_1223 : vector<16xi32>
      %parallel_loop3A_1241 = arith.constant 28 : i32
      %parallel_loop3A_1242 = vector.broadcast %parallel_loop3A_1241 : i32 to vector<16xi32>
      %parallel_loop3A_1243 = arith.shrui %parallel_loop3A_1216, %parallel_loop3A_1242 : vector<16xi32>
      %parallel_loop3A_1244 = arith.constant 4 : i32
      %parallel_loop3A_1245 = vector.broadcast %parallel_loop3A_1244 : i32 to vector<16xi32>
      %parallel_loop3A_1246 = arith.shli %parallel_loop3A_1240, %parallel_loop3A_1245 : vector<16xi32>
      %parallel_loop3A_1247 = arith.ori %parallel_loop3A_1243, %parallel_loop3A_1246 : vector<16xi32>
      %parallel_loop3A_1248 = arith.constant 28 : i32
      %parallel_loop3A_1249 = vector.broadcast %parallel_loop3A_1248 : i32 to vector<16xi32>
      %parallel_loop3A_1250 = arith.shrui %parallel_loop3A_1240, %parallel_loop3A_1249 : vector<16xi32>
      %parallel_loop3A_1251 = arith.xori %parallel_loop3A_1216, %parallel_loop3A_1247 : vector<16xi32>
      %parallel_loop3A_1252 = arith.xori %parallel_loop3A_1240, %parallel_loop3A_1250 : vector<16xi32>
      %parallel_loop3A_1253 = arith.constant 31 : i32
      %parallel_loop3A_1254 = vector.broadcast %parallel_loop3A_1253 : i32 to vector<16xi32>
      %parallel_loop3A_1255 = arith.shli %parallel_loop3A_1251, %parallel_loop3A_1254 : vector<16xi32>
      %parallel_loop3A_1256 = arith.xori %parallel_loop3A_1251, %parallel_loop3A_1255 : vector<16xi32>
      %parallel_loop3A_1257 = arith.andi %parallel_loop3A_1251, %parallel_loop3A_1255 : vector<16xi32>
      %parallel_loop3A_1258 = arith.constant 31 : i32
      %parallel_loop3A_1259 = vector.broadcast %parallel_loop3A_1258 : i32 to vector<16xi32>
      %parallel_loop3A_1260 = arith.shrui %parallel_loop3A_1257, %parallel_loop3A_1259 : vector<16xi32>
      %parallel_loop3A_1261 = arith.constant 31 : i32
      %parallel_loop3A_1262 = vector.broadcast %parallel_loop3A_1261 : i32 to vector<16xi32>
      %parallel_loop3A_1263 = arith.shli %parallel_loop3A_1252, %parallel_loop3A_1262 : vector<16xi32>
      %parallel_loop3A_1264 = arith.constant 1 : i32
      %parallel_loop3A_1265 = vector.broadcast %parallel_loop3A_1264 : i32 to vector<16xi32>
      %parallel_loop3A_1266 = arith.shrui %parallel_loop3A_1251, %parallel_loop3A_1265 : vector<16xi32>
      %parallel_loop3A_1267 = arith.ori %parallel_loop3A_1263, %parallel_loop3A_1266 : vector<16xi32>
      %parallel_loop3A_1268 = arith.addi %parallel_loop3A_1252, %parallel_loop3A_1267 : vector<16xi32>
      %parallel_loop3A_1269 = arith.addi %parallel_loop3A_1268, %parallel_loop3A_1260 : vector<16xi32>
      %parallel_loop3A_1270 = arith.constant 63 : i32
      %parallel_loop3A_1271 = vector.broadcast %parallel_loop3A_1270 : i32 to vector<16xi32>
      %parallel_loop3A_1272 = arith.andi %parallel_loop3A_1256, %parallel_loop3A_1271 : vector<16xi32>
      %parallel_loop3A_1273 = arith.constant 6 : i32
      %parallel_loop3A_1274 = vector.broadcast %parallel_loop3A_1273 : i32 to vector<16xi32>
      %parallel_loop3A_1275 = arith.shrui %parallel_loop3A_1256, %parallel_loop3A_1274 : vector<16xi32>
      %parallel_loop3A_1276 = arith.constant 26 : i32
      %parallel_loop3A_1277 = vector.broadcast %parallel_loop3A_1276 : i32 to vector<16xi32>
      %parallel_loop3A_1278 = arith.shli %parallel_loop3A_1269, %parallel_loop3A_1277 : vector<16xi32>
      %parallel_loop3A_1279 = arith.ori %parallel_loop3A_1275, %parallel_loop3A_1278 : vector<16xi32>
      %parallel_loop3A_1280 = arith.constant 6 : i32
      %parallel_loop3A_1281 = vector.broadcast %parallel_loop3A_1280 : i32 to vector<16xi32>
      %parallel_loop3A_1282 = arith.shrui %parallel_loop3A_1269, %parallel_loop3A_1281 : vector<16xi32>
      %parallel_loop3A_1283 = arith.constant 65535 : i32
      %parallel_loop3A_1284 = vector.broadcast %parallel_loop3A_1283 : i32 to vector<16xi32>
      %parallel_loop3A_1285 = arith.andi %parallel_loop3A_1279, %parallel_loop3A_1284 : vector<16xi32>
      %parallel_loop3A_1286 = arith.constant 16 : i32
      %parallel_loop3A_1287 = vector.broadcast %parallel_loop3A_1286 : i32 to vector<16xi32>
      %parallel_loop3A_1288 = arith.shrui %parallel_loop3A_1279, %parallel_loop3A_1287 : vector<16xi32>
      %parallel_loop3A_1289 = arith.constant 65535 : i32
      %parallel_loop3A_1290 = vector.broadcast %parallel_loop3A_1289 : i32 to vector<16xi32>
      %parallel_loop3A_1291 = arith.andi %parallel_loop3A_1282, %parallel_loop3A_1290 : vector<16xi32>
      %parallel_loop3A_1292 = arith.constant 16 : i32
      %parallel_loop3A_1293 = vector.broadcast %parallel_loop3A_1292 : i32 to vector<16xi32>
      %parallel_loop3A_1294 = arith.shrui %parallel_loop3A_1282, %parallel_loop3A_1293 : vector<16xi32>
      %parallel_loop3A_1295 = arith.constant 3036 : i32
      %parallel_loop3A_1296 = vector.broadcast %parallel_loop3A_1295 : i32 to vector<16xi32>
      %parallel_loop3A_1297 = arith.muli %parallel_loop3A_1288, %parallel_loop3A_1296 : vector<16xi32>
      %parallel_loop3A_1298 = arith.addi %parallel_loop3A_1285, %parallel_loop3A_1297 : vector<16xi32>
      %parallel_loop3A_1299 = arith.constant 14171 : i32
      %parallel_loop3A_1300 = vector.broadcast %parallel_loop3A_1299 : i32 to vector<16xi32>
      %parallel_loop3A_1301 = arith.muli %parallel_loop3A_1291, %parallel_loop3A_1300 : vector<16xi32>
      %parallel_loop3A_1302 = arith.addi %parallel_loop3A_1298, %parallel_loop3A_1301 : vector<16xi32>
      %parallel_loop3A_1303 = arith.constant 7531 : i32
      %parallel_loop3A_1304 = vector.broadcast %parallel_loop3A_1303 : i32 to vector<16xi32>
      %parallel_loop3A_1305 = arith.muli %parallel_loop3A_1294, %parallel_loop3A_1304 : vector<16xi32>
      %parallel_loop3A_1306 = arith.addi %parallel_loop3A_1302, %parallel_loop3A_1305 : vector<16xi32>
      %parallel_loop3A_1307 = arith.sitofp %parallel_loop3A_1306 : vector<16xi32> to vector<16xf32>
      %parallel_loop3A_1308 = arith.constant 6.39999707E-5 : f32
      %parallel_loop3A_1309 = vector.broadcast %parallel_loop3A_1308 : f32 to vector<16xf32>
      %parallel_loop3A_1310 = arith.mulf %parallel_loop3A_1307, %parallel_loop3A_1309 : vector<16xf32>
      %parallel_loop3A_1311 = arith.fptosi %parallel_loop3A_1310 : vector<16xf32> to vector<16xi32>
      %parallel_loop3A_1312 = arith.constant 15625 : i32
      %parallel_loop3A_1313 = vector.broadcast %parallel_loop3A_1312 : i32 to vector<16xi32>
      %parallel_loop3A_1314 = arith.muli %parallel_loop3A_1311, %parallel_loop3A_1313 : vector<16xi32>
      %parallel_loop3A_1315 = arith.subi %parallel_loop3A_1306, %parallel_loop3A_1314 : vector<16xi32>
      %parallel_loop3A_1316 = arith.constant 15625 : i32
      %parallel_loop3A_1317 = vector.broadcast %parallel_loop3A_1316 : i32 to vector<16xi32>
      %parallel_loop3A_1318 = arith.subi %parallel_loop3A_1315, %parallel_loop3A_1317 : vector<16xi32>
      %parallel_loop3A_1319 = arith.constant 31 : i32
      %parallel_loop3A_1320 = vector.broadcast %parallel_loop3A_1319 : i32 to vector<16xi32>
      %parallel_loop3A_1321 = arith.shrsi %parallel_loop3A_1318, %parallel_loop3A_1320 : vector<16xi32>
      %parallel_loop3A_1322 = arith.constant 15625 : i32
      %parallel_loop3A_1323 = vector.broadcast %parallel_loop3A_1322 : i32 to vector<16xi32>
      %parallel_loop3A_1324 = arith.andi %parallel_loop3A_1321, %parallel_loop3A_1323 : vector<16xi32>
      %parallel_loop3A_1325 = arith.addi %parallel_loop3A_1318, %parallel_loop3A_1324 : vector<16xi32>
      %parallel_loop3A_1326 = arith.constant 6 : i32
      %parallel_loop3A_1327 = vector.broadcast %parallel_loop3A_1326 : i32 to vector<16xi32>
      %parallel_loop3A_1328 = arith.shli %parallel_loop3A_1325, %parallel_loop3A_1327 : vector<16xi32>
      %parallel_loop3A_1329 = arith.ori %parallel_loop3A_1328, %parallel_loop3A_1272 : vector<16xi32>
      %parallel_loop3A_1330 = arith.index_cast %parallel_loop3A_8 : i32 to index
      %parallel_loop3A_1331 = arith.constant 80 : index
      %parallel_loop3A_1332 = tpu.vector_load %arg4[%parallel_loop3A_1330, %parallel_loop3A_1331] {strides = array<i32>} : memref<96x200xi32, #tpu.memory_space<vmem>>, vector<1x16xi32>,
      %parallel_loop3A_1333 = vector.shape_cast %parallel_loop3A_1332 : vector<1x16xi32> to vector<16xi32>
      %parallel_loop3A_1334 = vector.shape_cast %parallel_loop3A_1329 : vector<16xi32> to vector<1x16xi32>
      tpu.vector_store %arg4[%parallel_loop3A_1330, %parallel_loop3A_1331], %parallel_loop3A_1334 {strides = array<i32>} : memref<96x200xi32, #tpu.memory_space<vmem>>, vector<1x16xi32>,
      %parallel_loop3A_1335 = arith.index_cast %parallel_loop3A_8 : i32 to index
      %parallel_loop3A_1336 = arith.constant 96 : index
      %parallel_loop3A_1337 = tpu.vector_load %arg4[%parallel_loop3A_1335, %parallel_loop3A_1336] {strides = array<i32>} : memref<96x200xi32, #tpu.memory_space<vmem>>, vector<1x16xi32>,
      %parallel_loop3A_1338 = vector.shape_cast %parallel_loop3A_1337 : vector<1x16xi32> to vector<16xi32>
      %parallel_loop3A_1339 = arith.constant 21 : i32
      %parallel_loop3A_1340 = vector.broadcast %parallel_loop3A_1339 : i32 to vector<16xi32>
      %parallel_loop3A_1341 = arith.shli %parallel_loop3A_1338, %parallel_loop3A_1340 : vector<16xi32>
      %parallel_loop3A_1342 = arith.constant 11 : i32
      %parallel_loop3A_1343 = vector.broadcast %parallel_loop3A_1342 : i32 to vector<16xi32>
      %parallel_loop3A_1344 = arith.shrui %parallel_loop3A_1338, %parallel_loop3A_1343 : vector<16xi32>
      %parallel_loop3A_1345 = arith.constant dense<-1> : vector<16xi32>
      %parallel_loop3A_1346 = arith.xori %parallel_loop3A_1338, %parallel_loop3A_1345 : vector<16xi32>
      %parallel_loop3A_1347 = arith.addi %parallel_loop3A_1346, %parallel_loop3A_1341 : vector<16xi32>
      %parallel_loop3A_1348 = arith.cmpi ult, %parallel_loop3A_1347, %parallel_loop3A_1346 : vector<16xi32>
      %parallel_loop3A_1349 = arith.constant 1 : i32
      %parallel_loop3A_1350 = arith.constant 0 : i32
      %parallel_loop3A_1351 = vector.broadcast %parallel_loop3A_1349 : i32 to vector<16xi32>
      %parallel_loop3A_1352 = vector.broadcast %parallel_loop3A_1350 : i32 to vector<16xi32>
      %parallel_loop3A_1353 = arith.select %parallel_loop3A_1348, %parallel_loop3A_1351, %parallel_loop3A_1352 : vector<16xi1>, vector<16xi32>
      %parallel_loop3A_1354 = arith.addi %parallel_loop3A_1344, %parallel_loop3A_1353 : vector<16xi32>
      %parallel_loop3A_1355 = arith.constant -1 : i32
      %parallel_loop3A_1356 = vector.broadcast %parallel_loop3A_1355 : i32 to vector<16xi32>
      %parallel_loop3A_1357 = arith.addi %parallel_loop3A_1354, %parallel_loop3A_1356 : vector<16xi32>
      %parallel_loop3A_1358 = arith.constant 24 : i32
      %parallel_loop3A_1359 = vector.broadcast %parallel_loop3A_1358 : i32 to vector<16xi32>
      %parallel_loop3A_1360 = arith.shrui %parallel_loop3A_1347, %parallel_loop3A_1359 : vector<16xi32>
      %parallel_loop3A_1361 = arith.constant 8 : i32
      %parallel_loop3A_1362 = vector.broadcast %parallel_loop3A_1361 : i32 to vector<16xi32>
      %parallel_loop3A_1363 = arith.shli %parallel_loop3A_1357, %parallel_loop3A_1362 : vector<16xi32>
      %parallel_loop3A_1364 = arith.ori %parallel_loop3A_1360, %parallel_loop3A_1363 : vector<16xi32>
      %parallel_loop3A_1365 = arith.constant 24 : i32
      %parallel_loop3A_1366 = vector.broadcast %parallel_loop3A_1365 : i32 to vector<16xi32>
      %parallel_loop3A_1367 = arith.shrui %parallel_loop3A_1357, %parallel_loop3A_1366 : vector<16xi32>
      %parallel_loop3A_1368 = arith.xori %parallel_loop3A_1347, %parallel_loop3A_1364 : vector<16xi32>
      %parallel_loop3A_1369 = arith.xori %parallel_loop3A_1357, %parallel_loop3A_1367 : vector<16xi32>
      %parallel_loop3A_1370 = arith.constant 65535 : i32
      %parallel_loop3A_1371 = vector.broadcast %parallel_loop3A_1370 : i32 to vector<16xi32>
      %parallel_loop3A_1372 = arith.andi %parallel_loop3A_1368, %parallel_loop3A_1371 : vector<16xi32>
      %parallel_loop3A_1373 = arith.constant 16 : i32
      %parallel_loop3A_1374 = vector.broadcast %parallel_loop3A_1373 : i32 to vector<16xi32>
      %parallel_loop3A_1375 = arith.shrui %parallel_loop3A_1368, %parallel_loop3A_1374 : vector<16xi32>
      %parallel_loop3A_1376 = arith.constant 265 : i32
      %parallel_loop3A_1377 = vector.broadcast %parallel_loop3A_1376 : i32 to vector<16xi32>
      %parallel_loop3A_1378 = arith.muli %parallel_loop3A_1372, %parallel_loop3A_1377 : vector<16xi32>
      %parallel_loop3A_1379 = arith.constant 265 : i32
      %parallel_loop3A_1380 = vector.broadcast %parallel_loop3A_1379 : i32 to vector<16xi32>
      %parallel_loop3A_1381 = arith.muli %parallel_loop3A_1375, %parallel_loop3A_1380 : vector<16xi32>
      %parallel_loop3A_1382 = arith.constant 16 : i32
      %parallel_loop3A_1383 = vector.broadcast %parallel_loop3A_1382 : i32 to vector<16xi32>
      %parallel_loop3A_1384 = arith.shli %parallel_loop3A_1381, %parallel_loop3A_1383 : vector<16xi32>
      %parallel_loop3A_1385 = arith.addi %parallel_loop3A_1384, %parallel_loop3A_1378 : vector<16xi32>
      %parallel_loop3A_1386 = arith.constant 16 : i32
      %parallel_loop3A_1387 = vector.broadcast %parallel_loop3A_1386 : i32 to vector<16xi32>
      %parallel_loop3A_1388 = arith.shrui %parallel_loop3A_1378, %parallel_loop3A_1387 : vector<16xi32>
      %parallel_loop3A_1389 = arith.addi %parallel_loop3A_1381, %parallel_loop3A_1388 : vector<16xi32>
      %parallel_loop3A_1390 = arith.constant 16 : i32
      %parallel_loop3A_1391 = vector.broadcast %parallel_loop3A_1390 : i32 to vector<16xi32>
      %parallel_loop3A_1392 = arith.shrui %parallel_loop3A_1389, %parallel_loop3A_1391 : vector<16xi32>
      %parallel_loop3A_1393 = arith.constant 65535 : i32
      %parallel_loop3A_1394 = vector.broadcast %parallel_loop3A_1393 : i32 to vector<16xi32>
      %parallel_loop3A_1395 = arith.andi %parallel_loop3A_1369, %parallel_loop3A_1394 : vector<16xi32>
      %parallel_loop3A_1396 = arith.constant 16 : i32
      %parallel_loop3A_1397 = vector.broadcast %parallel_loop3A_1396 : i32 to vector<16xi32>
      %parallel_loop3A_1398 = arith.shrui %parallel_loop3A_1369, %parallel_loop3A_1397 : vector<16xi32>
      %parallel_loop3A_1399 = arith.constant 265 : i32
      %parallel_loop3A_1400 = vector.broadcast %parallel_loop3A_1399 : i32 to vector<16xi32>
      %parallel_loop3A_1401 = arith.muli %parallel_loop3A_1398, %parallel_loop3A_1400 : vector<16xi32>
      %parallel_loop3A_1402 = arith.constant 16 : i32
      %parallel_loop3A_1403 = vector.broadcast %parallel_loop3A_1402 : i32 to vector<16xi32>
      %parallel_loop3A_1404 = arith.shli %parallel_loop3A_1401, %parallel_loop3A_1403 : vector<16xi32>
      %parallel_loop3A_1405 = arith.constant 265 : i32
      %parallel_loop3A_1406 = vector.broadcast %parallel_loop3A_1405 : i32 to vector<16xi32>
      %parallel_loop3A_1407 = arith.muli %parallel_loop3A_1395, %parallel_loop3A_1406 : vector<16xi32>
      %parallel_loop3A_1408 = arith.addi %parallel_loop3A_1404, %parallel_loop3A_1407 : vector<16xi32>
      %parallel_loop3A_1409 = arith.addi %parallel_loop3A_1408, %parallel_loop3A_1392 : vector<16xi32>
      %parallel_loop3A_1410 = arith.constant 14 : i32
      %parallel_loop3A_1411 = vector.broadcast %parallel_loop3A_1410 : i32 to vector<16xi32>
      %parallel_loop3A_1412 = arith.shrui %parallel_loop3A_1385, %parallel_loop3A_1411 : vector<16xi32>
      %parallel_loop3A_1413 = arith.constant 18 : i32
      %parallel_loop3A_1414 = vector.broadcast %parallel_loop3A_1413 : i32 to vector<16xi32>
      %parallel_loop3A_1415 = arith.shli %parallel_loop3A_1409, %parallel_loop3A_1414 : vector<16xi32>
      %parallel_loop3A_1416 = arith.ori %parallel_loop3A_1412, %parallel_loop3A_1415 : vector<16xi32>
      %parallel_loop3A_1417 = arith.constant 14 : i32
      %parallel_loop3A_1418 = vector.broadcast %parallel_loop3A_1417 : i32 to vector<16xi32>
      %parallel_loop3A_1419 = arith.shrui %parallel_loop3A_1409, %parallel_loop3A_1418 : vector<16xi32>
      %parallel_loop3A_1420 = arith.xori %parallel_loop3A_1385, %parallel_loop3A_1416 : vector<16xi32>
      %parallel_loop3A_1421 = arith.xori %parallel_loop3A_1409, %parallel_loop3A_1419 : vector<16xi32>
      %parallel_loop3A_1422 = arith.constant 65535 : i32
      %parallel_loop3A_1423 = vector.broadcast %parallel_loop3A_1422 : i32 to vector<16xi32>
      %parallel_loop3A_1424 = arith.andi %parallel_loop3A_1420, %parallel_loop3A_1423 : vector<16xi32>
      %parallel_loop3A_1425 = arith.constant 16 : i32
      %parallel_loop3A_1426 = vector.broadcast %parallel_loop3A_1425 : i32 to vector<16xi32>
      %parallel_loop3A_1427 = arith.shrui %parallel_loop3A_1420, %parallel_loop3A_1426 : vector<16xi32>
      %parallel_loop3A_1428 = arith.constant 21 : i32
      %parallel_loop3A_1429 = vector.broadcast %parallel_loop3A_1428 : i32 to vector<16xi32>
      %parallel_loop3A_1430 = arith.muli %parallel_loop3A_1424, %parallel_loop3A_1429 : vector<16xi32>
      %parallel_loop3A_1431 = arith.constant 21 : i32
      %parallel_loop3A_1432 = vector.broadcast %parallel_loop3A_1431 : i32 to vector<16xi32>
      %parallel_loop3A_1433 = arith.muli %parallel_loop3A_1427, %parallel_loop3A_1432 : vector<16xi32>
      %parallel_loop3A_1434 = arith.constant 16 : i32
      %parallel_loop3A_1435 = vector.broadcast %parallel_loop3A_1434 : i32 to vector<16xi32>
      %parallel_loop3A_1436 = arith.shli %parallel_loop3A_1433, %parallel_loop3A_1435 : vector<16xi32>
      %parallel_loop3A_1437 = arith.addi %parallel_loop3A_1436, %parallel_loop3A_1430 : vector<16xi32>
      %parallel_loop3A_1438 = arith.constant 16 : i32
      %parallel_loop3A_1439 = vector.broadcast %parallel_loop3A_1438 : i32 to vector<16xi32>
      %parallel_loop3A_1440 = arith.shrui %parallel_loop3A_1430, %parallel_loop3A_1439 : vector<16xi32>
      %parallel_loop3A_1441 = arith.addi %parallel_loop3A_1433, %parallel_loop3A_1440 : vector<16xi32>
      %parallel_loop3A_1442 = arith.constant 16 : i32
      %parallel_loop3A_1443 = vector.broadcast %parallel_loop3A_1442 : i32 to vector<16xi32>
      %parallel_loop3A_1444 = arith.shrui %parallel_loop3A_1441, %parallel_loop3A_1443 : vector<16xi32>
      %parallel_loop3A_1445 = arith.constant 65535 : i32
      %parallel_loop3A_1446 = vector.broadcast %parallel_loop3A_1445 : i32 to vector<16xi32>
      %parallel_loop3A_1447 = arith.andi %parallel_loop3A_1421, %parallel_loop3A_1446 : vector<16xi32>
      %parallel_loop3A_1448 = arith.constant 16 : i32
      %parallel_loop3A_1449 = vector.broadcast %parallel_loop3A_1448 : i32 to vector<16xi32>
      %parallel_loop3A_1450 = arith.shrui %parallel_loop3A_1421, %parallel_loop3A_1449 : vector<16xi32>
      %parallel_loop3A_1451 = arith.constant 21 : i32
      %parallel_loop3A_1452 = vector.broadcast %parallel_loop3A_1451 : i32 to vector<16xi32>
      %parallel_loop3A_1453 = arith.muli %parallel_loop3A_1450, %parallel_loop3A_1452 : vector<16xi32>
      %parallel_loop3A_1454 = arith.constant 16 : i32
      %parallel_loop3A_1455 = vector.broadcast %parallel_loop3A_1454 : i32 to vector<16xi32>
      %parallel_loop3A_1456 = arith.shli %parallel_loop3A_1453, %parallel_loop3A_1455 : vector<16xi32>
      %parallel_loop3A_1457 = arith.constant 21 : i32
      %parallel_loop3A_1458 = vector.broadcast %parallel_loop3A_1457 : i32 to vector<16xi32>
      %parallel_loop3A_1459 = arith.muli %parallel_loop3A_1447, %parallel_loop3A_1458 : vector<16xi32>
      %parallel_loop3A_1460 = arith.addi %parallel_loop3A_1456, %parallel_loop3A_1459 : vector<16xi32>
      %parallel_loop3A_1461 = arith.addi %parallel_loop3A_1460, %parallel_loop3A_1444 : vector<16xi32>
      %parallel_loop3A_1462 = arith.constant 28 : i32
      %parallel_loop3A_1463 = vector.broadcast %parallel_loop3A_1462 : i32 to vector<16xi32>
      %parallel_loop3A_1464 = arith.shrui %parallel_loop3A_1437, %parallel_loop3A_1463 : vector<16xi32>
      %parallel_loop3A_1465 = arith.constant 4 : i32
      %parallel_loop3A_1466 = vector.broadcast %parallel_loop3A_1465 : i32 to vector<16xi32>
      %parallel_loop3A_1467 = arith.shli %parallel_loop3A_1461, %parallel_loop3A_1466 : vector<16xi32>
      %parallel_loop3A_1468 = arith.ori %parallel_loop3A_1464, %parallel_loop3A_1467 : vector<16xi32>
      %parallel_loop3A_1469 = arith.constant 28 : i32
      %parallel_loop3A_1470 = vector.broadcast %parallel_loop3A_1469 : i32 to vector<16xi32>
      %parallel_loop3A_1471 = arith.shrui %parallel_loop3A_1461, %parallel_loop3A_1470 : vector<16xi32>
      %parallel_loop3A_1472 = arith.xori %parallel_loop3A_1437, %parallel_loop3A_1468 : vector<16xi32>
      %parallel_loop3A_1473 = arith.xori %parallel_loop3A_1461, %parallel_loop3A_1471 : vector<16xi32>
      %parallel_loop3A_1474 = arith.constant 31 : i32
      %parallel_loop3A_1475 = vector.broadcast %parallel_loop3A_1474 : i32 to vector<16xi32>
      %parallel_loop3A_1476 = arith.shli %parallel_loop3A_1472, %parallel_loop3A_1475 : vector<16xi32>
      %parallel_loop3A_1477 = arith.xori %parallel_loop3A_1472, %parallel_loop3A_1476 : vector<16xi32>
      %parallel_loop3A_1478 = arith.andi %parallel_loop3A_1472, %parallel_loop3A_1476 : vector<16xi32>
      %parallel_loop3A_1479 = arith.constant 31 : i32
      %parallel_loop3A_1480 = vector.broadcast %parallel_loop3A_1479 : i32 to vector<16xi32>
      %parallel_loop3A_1481 = arith.shrui %parallel_loop3A_1478, %parallel_loop3A_1480 : vector<16xi32>
      %parallel_loop3A_1482 = arith.constant 31 : i32
      %parallel_loop3A_1483 = vector.broadcast %parallel_loop3A_1482 : i32 to vector<16xi32>
      %parallel_loop3A_1484 = arith.shli %parallel_loop3A_1473, %parallel_loop3A_1483 : vector<16xi32>
      %parallel_loop3A_1485 = arith.constant 1 : i32
      %parallel_loop3A_1486 = vector.broadcast %parallel_loop3A_1485 : i32 to vector<16xi32>
      %parallel_loop3A_1487 = arith.shrui %parallel_loop3A_1472, %parallel_loop3A_1486 : vector<16xi32>
      %parallel_loop3A_1488 = arith.ori %parallel_loop3A_1484, %parallel_loop3A_1487 : vector<16xi32>
      %parallel_loop3A_1489 = arith.addi %parallel_loop3A_1473, %parallel_loop3A_1488 : vector<16xi32>
      %parallel_loop3A_1490 = arith.addi %parallel_loop3A_1489, %parallel_loop3A_1481 : vector<16xi32>
      %parallel_loop3A_1491 = arith.constant 63 : i32
      %parallel_loop3A_1492 = vector.broadcast %parallel_loop3A_1491 : i32 to vector<16xi32>
      %parallel_loop3A_1493 = arith.andi %parallel_loop3A_1477, %parallel_loop3A_1492 : vector<16xi32>
      %parallel_loop3A_1494 = arith.constant 6 : i32
      %parallel_loop3A_1495 = vector.broadcast %parallel_loop3A_1494 : i32 to vector<16xi32>
      %parallel_loop3A_1496 = arith.shrui %parallel_loop3A_1477, %parallel_loop3A_1495 : vector<16xi32>
      %parallel_loop3A_1497 = arith.constant 26 : i32
      %parallel_loop3A_1498 = vector.broadcast %parallel_loop3A_1497 : i32 to vector<16xi32>
      %parallel_loop3A_1499 = arith.shli %parallel_loop3A_1490, %parallel_loop3A_1498 : vector<16xi32>
      %parallel_loop3A_1500 = arith.ori %parallel_loop3A_1496, %parallel_loop3A_1499 : vector<16xi32>
      %parallel_loop3A_1501 = arith.constant 6 : i32
      %parallel_loop3A_1502 = vector.broadcast %parallel_loop3A_1501 : i32 to vector<16xi32>
      %parallel_loop3A_1503 = arith.shrui %parallel_loop3A_1490, %parallel_loop3A_1502 : vector<16xi32>
      %parallel_loop3A_1504 = arith.constant 65535 : i32
      %parallel_loop3A_1505 = vector.broadcast %parallel_loop3A_1504 : i32 to vector<16xi32>
      %parallel_loop3A_1506 = arith.andi %parallel_loop3A_1500, %parallel_loop3A_1505 : vector<16xi32>
      %parallel_loop3A_1507 = arith.constant 16 : i32
      %parallel_loop3A_1508 = vector.broadcast %parallel_loop3A_1507 : i32 to vector<16xi32>
      %parallel_loop3A_1509 = arith.shrui %parallel_loop3A_1500, %parallel_loop3A_1508 : vector<16xi32>
      %parallel_loop3A_1510 = arith.constant 65535 : i32
      %parallel_loop3A_1511 = vector.broadcast %parallel_loop3A_1510 : i32 to vector<16xi32>
      %parallel_loop3A_1512 = arith.andi %parallel_loop3A_1503, %parallel_loop3A_1511 : vector<16xi32>
      %parallel_loop3A_1513 = arith.constant 16 : i32
      %parallel_loop3A_1514 = vector.broadcast %parallel_loop3A_1513 : i32 to vector<16xi32>
      %parallel_loop3A_1515 = arith.shrui %parallel_loop3A_1503, %parallel_loop3A_1514 : vector<16xi32>
      %parallel_loop3A_1516 = arith.constant 3036 : i32
      %parallel_loop3A_1517 = vector.broadcast %parallel_loop3A_1516 : i32 to vector<16xi32>
      %parallel_loop3A_1518 = arith.muli %parallel_loop3A_1509, %parallel_loop3A_1517 : vector<16xi32>
      %parallel_loop3A_1519 = arith.addi %parallel_loop3A_1506, %parallel_loop3A_1518 : vector<16xi32>
      %parallel_loop3A_1520 = arith.constant 14171 : i32
      %parallel_loop3A_1521 = vector.broadcast %parallel_loop3A_1520 : i32 to vector<16xi32>
      %parallel_loop3A_1522 = arith.muli %parallel_loop3A_1512, %parallel_loop3A_1521 : vector<16xi32>
      %parallel_loop3A_1523 = arith.addi %parallel_loop3A_1519, %parallel_loop3A_1522 : vector<16xi32>
      %parallel_loop3A_1524 = arith.constant 7531 : i32
      %parallel_loop3A_1525 = vector.broadcast %parallel_loop3A_1524 : i32 to vector<16xi32>
      %parallel_loop3A_1526 = arith.muli %parallel_loop3A_1515, %parallel_loop3A_1525 : vector<16xi32>
      %parallel_loop3A_1527 = arith.addi %parallel_loop3A_1523, %parallel_loop3A_1526 : vector<16xi32>
      %parallel_loop3A_1528 = arith.sitofp %parallel_loop3A_1527 : vector<16xi32> to vector<16xf32>
      %parallel_loop3A_1529 = arith.constant 6.39999707E-5 : f32
      %parallel_loop3A_1530 = vector.broadcast %parallel_loop3A_1529 : f32 to vector<16xf32>
      %parallel_loop3A_1531 = arith.mulf %parallel_loop3A_1528, %parallel_loop3A_1530 : vector<16xf32>
      %parallel_loop3A_1532 = arith.fptosi %parallel_loop3A_1531 : vector<16xf32> to vector<16xi32>
      %parallel_loop3A_1533 = arith.constant 15625 : i32
      %parallel_loop3A_1534 = vector.broadcast %parallel_loop3A_1533 : i32 to vector<16xi32>
      %parallel_loop3A_1535 = arith.muli %parallel_loop3A_1532, %parallel_loop3A_1534 : vector<16xi32>
      %parallel_loop3A_1536 = arith.subi %parallel_loop3A_1527, %parallel_loop3A_1535 : vector<16xi32>
      %parallel_loop3A_1537 = arith.constant 15625 : i32
      %parallel_loop3A_1538 = vector.broadcast %parallel_loop3A_1537 : i32 to vector<16xi32>
      %parallel_loop3A_1539 = arith.subi %parallel_loop3A_1536, %parallel_loop3A_1538 : vector<16xi32>
      %parallel_loop3A_1540 = arith.constant 31 : i32
      %parallel_loop3A_1541 = vector.broadcast %parallel_loop3A_1540 : i32 to vector<16xi32>
      %parallel_loop3A_1542 = arith.shrsi %parallel_loop3A_1539, %parallel_loop3A_1541 : vector<16xi32>
      %parallel_loop3A_1543 = arith.constant 15625 : i32
      %parallel_loop3A_1544 = vector.broadcast %parallel_loop3A_1543 : i32 to vector<16xi32>
      %parallel_loop3A_1545 = arith.andi %parallel_loop3A_1542, %parallel_loop3A_1544 : vector<16xi32>
      %parallel_loop3A_1546 = arith.addi %parallel_loop3A_1539, %parallel_loop3A_1545 : vector<16xi32>
      %parallel_loop3A_1547 = arith.constant 6 : i32
      %parallel_loop3A_1548 = vector.broadcast %parallel_loop3A_1547 : i32 to vector<16xi32>
      %parallel_loop3A_1549 = arith.shli %parallel_loop3A_1546, %parallel_loop3A_1548 : vector<16xi32>
      %parallel_loop3A_1550 = arith.ori %parallel_loop3A_1549, %parallel_loop3A_1493 : vector<16xi32>
      %parallel_loop3A_1551 = arith.index_cast %parallel_loop3A_8 : i32 to index
      %parallel_loop3A_1552 = arith.constant 96 : index
      %parallel_loop3A_1553 = tpu.vector_load %arg4[%parallel_loop3A_1551, %parallel_loop3A_1552] {strides = array<i32>} : memref<96x200xi32, #tpu.memory_space<vmem>>, vector<1x16xi32>,
      %parallel_loop3A_1554 = vector.shape_cast %parallel_loop3A_1553 : vector<1x16xi32> to vector<16xi32>
      %parallel_loop3A_1555 = vector.shape_cast %parallel_loop3A_1550 : vector<16xi32> to vector<1x16xi32>
      tpu.vector_store %arg4[%parallel_loop3A_1551, %parallel_loop3A_1552], %parallel_loop3A_1555 {strides = array<i32>} : memref<96x200xi32, #tpu.memory_space<vmem>>, vector<1x16xi32>,
      %parallel_loop3A_1556 = arith.index_cast %parallel_loop3A_8 : i32 to index
      %parallel_loop3A_1557 = arith.constant 112 : index
      %parallel_loop3A_1558 = tpu.vector_load %arg4[%parallel_loop3A_1556, %parallel_loop3A_1557] {strides = array<i32>} : memref<96x200xi32, #tpu.memory_space<vmem>>, vector<1x16xi32>,
      %parallel_loop3A_1559 = vector.shape_cast %parallel_loop3A_1558 : vector<1x16xi32> to vector<16xi32>
      %parallel_loop3A_1560 = arith.constant 21 : i32
      %parallel_loop3A_1561 = vector.broadcast %parallel_loop3A_1560 : i32 to vector<16xi32>
      %parallel_loop3A_1562 = arith.shli %parallel_loop3A_1559, %parallel_loop3A_1561 : vector<16xi32>
      %parallel_loop3A_1563 = arith.constant 11 : i32
      %parallel_loop3A_1564 = vector.broadcast %parallel_loop3A_1563 : i32 to vector<16xi32>
      %parallel_loop3A_1565 = arith.shrui %parallel_loop3A_1559, %parallel_loop3A_1564 : vector<16xi32>
      %parallel_loop3A_1566 = arith.constant dense<-1> : vector<16xi32>
      %parallel_loop3A_1567 = arith.xori %parallel_loop3A_1559, %parallel_loop3A_1566 : vector<16xi32>
      %parallel_loop3A_1568 = arith.addi %parallel_loop3A_1567, %parallel_loop3A_1562 : vector<16xi32>
      %parallel_loop3A_1569 = arith.cmpi ult, %parallel_loop3A_1568, %parallel_loop3A_1567 : vector<16xi32>
      %parallel_loop3A_1570 = arith.constant 1 : i32
      %parallel_loop3A_1571 = arith.constant 0 : i32
      %parallel_loop3A_1572 = vector.broadcast %parallel_loop3A_1570 : i32 to vector<16xi32>
      %parallel_loop3A_1573 = vector.broadcast %parallel_loop3A_1571 : i32 to vector<16xi32>
      %parallel_loop3A_1574 = arith.select %parallel_loop3A_1569, %parallel_loop3A_1572, %parallel_loop3A_1573 : vector<16xi1>, vector<16xi32>
      %parallel_loop3A_1575 = arith.addi %parallel_loop3A_1565, %parallel_loop3A_1574 : vector<16xi32>
      %parallel_loop3A_1576 = arith.constant -1 : i32
      %parallel_loop3A_1577 = vector.broadcast %parallel_loop3A_1576 : i32 to vector<16xi32>
      %parallel_loop3A_1578 = arith.addi %parallel_loop3A_1575, %parallel_loop3A_1577 : vector<16xi32>
      %parallel_loop3A_1579 = arith.constant 24 : i32
      %parallel_loop3A_1580 = vector.broadcast %parallel_loop3A_1579 : i32 to vector<16xi32>
      %parallel_loop3A_1581 = arith.shrui %parallel_loop3A_1568, %parallel_loop3A_1580 : vector<16xi32>
      %parallel_loop3A_1582 = arith.constant 8 : i32
      %parallel_loop3A_1583 = vector.broadcast %parallel_loop3A_1582 : i32 to vector<16xi32>
      %parallel_loop3A_1584 = arith.shli %parallel_loop3A_1578, %parallel_loop3A_1583 : vector<16xi32>
      %parallel_loop3A_1585 = arith.ori %parallel_loop3A_1581, %parallel_loop3A_1584 : vector<16xi32>
      %parallel_loop3A_1586 = arith.constant 24 : i32
      %parallel_loop3A_1587 = vector.broadcast %parallel_loop3A_1586 : i32 to vector<16xi32>
      %parallel_loop3A_1588 = arith.shrui %parallel_loop3A_1578, %parallel_loop3A_1587 : vector<16xi32>
      %parallel_loop3A_1589 = arith.xori %parallel_loop3A_1568, %parallel_loop3A_1585 : vector<16xi32>
      %parallel_loop3A_1590 = arith.xori %parallel_loop3A_1578, %parallel_loop3A_1588 : vector<16xi32>
      %parallel_loop3A_1591 = arith.constant 65535 : i32
      %parallel_loop3A_1592 = vector.broadcast %parallel_loop3A_1591 : i32 to vector<16xi32>
      %parallel_loop3A_1593 = arith.andi %parallel_loop3A_1589, %parallel_loop3A_1592 : vector<16xi32>
      %parallel_loop3A_1594 = arith.constant 16 : i32
      %parallel_loop3A_1595 = vector.broadcast %parallel_loop3A_1594 : i32 to vector<16xi32>
      %parallel_loop3A_1596 = arith.shrui %parallel_loop3A_1589, %parallel_loop3A_1595 : vector<16xi32>
      %parallel_loop3A_1597 = arith.constant 265 : i32
      %parallel_loop3A_1598 = vector.broadcast %parallel_loop3A_1597 : i32 to vector<16xi32>
      %parallel_loop3A_1599 = arith.muli %parallel_loop3A_1593, %parallel_loop3A_1598 : vector<16xi32>
      %parallel_loop3A_1600 = arith.constant 265 : i32
      %parallel_loop3A_1601 = vector.broadcast %parallel_loop3A_1600 : i32 to vector<16xi32>
      %parallel_loop3A_1602 = arith.muli %parallel_loop3A_1596, %parallel_loop3A_1601 : vector<16xi32>
      %parallel_loop3A_1603 = arith.constant 16 : i32
      %parallel_loop3A_1604 = vector.broadcast %parallel_loop3A_1603 : i32 to vector<16xi32>
      %parallel_loop3A_1605 = arith.shli %parallel_loop3A_1602, %parallel_loop3A_1604 : vector<16xi32>
      %parallel_loop3A_1606 = arith.addi %parallel_loop3A_1605, %parallel_loop3A_1599 : vector<16xi32>
      %parallel_loop3A_1607 = arith.constant 16 : i32
      %parallel_loop3A_1608 = vector.broadcast %parallel_loop3A_1607 : i32 to vector<16xi32>
      %parallel_loop3A_1609 = arith.shrui %parallel_loop3A_1599, %parallel_loop3A_1608 : vector<16xi32>
      %parallel_loop3A_1610 = arith.addi %parallel_loop3A_1602, %parallel_loop3A_1609 : vector<16xi32>
      %parallel_loop3A_1611 = arith.constant 16 : i32
      %parallel_loop3A_1612 = vector.broadcast %parallel_loop3A_1611 : i32 to vector<16xi32>
      %parallel_loop3A_1613 = arith.shrui %parallel_loop3A_1610, %parallel_loop3A_1612 : vector<16xi32>
      %parallel_loop3A_1614 = arith.constant 65535 : i32
      %parallel_loop3A_1615 = vector.broadcast %parallel_loop3A_1614 : i32 to vector<16xi32>
      %parallel_loop3A_1616 = arith.andi %parallel_loop3A_1590, %parallel_loop3A_1615 : vector<16xi32>
      %parallel_loop3A_1617 = arith.constant 16 : i32
      %parallel_loop3A_1618 = vector.broadcast %parallel_loop3A_1617 : i32 to vector<16xi32>
      %parallel_loop3A_1619 = arith.shrui %parallel_loop3A_1590, %parallel_loop3A_1618 : vector<16xi32>
      %parallel_loop3A_1620 = arith.constant 265 : i32
      %parallel_loop3A_1621 = vector.broadcast %parallel_loop3A_1620 : i32 to vector<16xi32>
      %parallel_loop3A_1622 = arith.muli %parallel_loop3A_1619, %parallel_loop3A_1621 : vector<16xi32>
      %parallel_loop3A_1623 = arith.constant 16 : i32
      %parallel_loop3A_1624 = vector.broadcast %parallel_loop3A_1623 : i32 to vector<16xi32>
      %parallel_loop3A_1625 = arith.shli %parallel_loop3A_1622, %parallel_loop3A_1624 : vector<16xi32>
      %parallel_loop3A_1626 = arith.constant 265 : i32
      %parallel_loop3A_1627 = vector.broadcast %parallel_loop3A_1626 : i32 to vector<16xi32>
      %parallel_loop3A_1628 = arith.muli %parallel_loop3A_1616, %parallel_loop3A_1627 : vector<16xi32>
      %parallel_loop3A_1629 = arith.addi %parallel_loop3A_1625, %parallel_loop3A_1628 : vector<16xi32>
      %parallel_loop3A_1630 = arith.addi %parallel_loop3A_1629, %parallel_loop3A_1613 : vector<16xi32>
      %parallel_loop3A_1631 = arith.constant 14 : i32
      %parallel_loop3A_1632 = vector.broadcast %parallel_loop3A_1631 : i32 to vector<16xi32>
      %parallel_loop3A_1633 = arith.shrui %parallel_loop3A_1606, %parallel_loop3A_1632 : vector<16xi32>
      %parallel_loop3A_1634 = arith.constant 18 : i32
      %parallel_loop3A_1635 = vector.broadcast %parallel_loop3A_1634 : i32 to vector<16xi32>
      %parallel_loop3A_1636 = arith.shli %parallel_loop3A_1630, %parallel_loop3A_1635 : vector<16xi32>
      %parallel_loop3A_1637 = arith.ori %parallel_loop3A_1633, %parallel_loop3A_1636 : vector<16xi32>
      %parallel_loop3A_1638 = arith.constant 14 : i32
      %parallel_loop3A_1639 = vector.broadcast %parallel_loop3A_1638 : i32 to vector<16xi32>
      %parallel_loop3A_1640 = arith.shrui %parallel_loop3A_1630, %parallel_loop3A_1639 : vector<16xi32>
      %parallel_loop3A_1641 = arith.xori %parallel_loop3A_1606, %parallel_loop3A_1637 : vector<16xi32>
      %parallel_loop3A_1642 = arith.xori %parallel_loop3A_1630, %parallel_loop3A_1640 : vector<16xi32>
      %parallel_loop3A_1643 = arith.constant 65535 : i32
      %parallel_loop3A_1644 = vector.broadcast %parallel_loop3A_1643 : i32 to vector<16xi32>
      %parallel_loop3A_1645 = arith.andi %parallel_loop3A_1641, %parallel_loop3A_1644 : vector<16xi32>
      %parallel_loop3A_1646 = arith.constant 16 : i32
      %parallel_loop3A_1647 = vector.broadcast %parallel_loop3A_1646 : i32 to vector<16xi32>
      %parallel_loop3A_1648 = arith.shrui %parallel_loop3A_1641, %parallel_loop3A_1647 : vector<16xi32>
      %parallel_loop3A_1649 = arith.constant 21 : i32
      %parallel_loop3A_1650 = vector.broadcast %parallel_loop3A_1649 : i32 to vector<16xi32>
      %parallel_loop3A_1651 = arith.muli %parallel_loop3A_1645, %parallel_loop3A_1650 : vector<16xi32>
      %parallel_loop3A_1652 = arith.constant 21 : i32
      %parallel_loop3A_1653 = vector.broadcast %parallel_loop3A_1652 : i32 to vector<16xi32>
      %parallel_loop3A_1654 = arith.muli %parallel_loop3A_1648, %parallel_loop3A_1653 : vector<16xi32>
      %parallel_loop3A_1655 = arith.constant 16 : i32
      %parallel_loop3A_1656 = vector.broadcast %parallel_loop3A_1655 : i32 to vector<16xi32>
      %parallel_loop3A_1657 = arith.shli %parallel_loop3A_1654, %parallel_loop3A_1656 : vector<16xi32>
      %parallel_loop3A_1658 = arith.addi %parallel_loop3A_1657, %parallel_loop3A_1651 : vector<16xi32>
      %parallel_loop3A_1659 = arith.constant 16 : i32
      %parallel_loop3A_1660 = vector.broadcast %parallel_loop3A_1659 : i32 to vector<16xi32>
      %parallel_loop3A_1661 = arith.shrui %parallel_loop3A_1651, %parallel_loop3A_1660 : vector<16xi32>
      %parallel_loop3A_1662 = arith.addi %parallel_loop3A_1654, %parallel_loop3A_1661 : vector<16xi32>
      %parallel_loop3A_1663 = arith.constant 16 : i32
      %parallel_loop3A_1664 = vector.broadcast %parallel_loop3A_1663 : i32 to vector<16xi32>
      %parallel_loop3A_1665 = arith.shrui %parallel_loop3A_1662, %parallel_loop3A_1664 : vector<16xi32>
      %parallel_loop3A_1666 = arith.constant 65535 : i32
      %parallel_loop3A_1667 = vector.broadcast %parallel_loop3A_1666 : i32 to vector<16xi32>
      %parallel_loop3A_1668 = arith.andi %parallel_loop3A_1642, %parallel_loop3A_1667 : vector<16xi32>
      %parallel_loop3A_1669 = arith.constant 16 : i32
      %parallel_loop3A_1670 = vector.broadcast %parallel_loop3A_1669 : i32 to vector<16xi32>
      %parallel_loop3A_1671 = arith.shrui %parallel_loop3A_1642, %parallel_loop3A_1670 : vector<16xi32>
      %parallel_loop3A_1672 = arith.constant 21 : i32
      %parallel_loop3A_1673 = vector.broadcast %parallel_loop3A_1672 : i32 to vector<16xi32>
      %parallel_loop3A_1674 = arith.muli %parallel_loop3A_1671, %parallel_loop3A_1673 : vector<16xi32>
      %parallel_loop3A_1675 = arith.constant 16 : i32
      %parallel_loop3A_1676 = vector.broadcast %parallel_loop3A_1675 : i32 to vector<16xi32>
      %parallel_loop3A_1677 = arith.shli %parallel_loop3A_1674, %parallel_loop3A_1676 : vector<16xi32>
      %parallel_loop3A_1678 = arith.constant 21 : i32
      %parallel_loop3A_1679 = vector.broadcast %parallel_loop3A_1678 : i32 to vector<16xi32>
      %parallel_loop3A_1680 = arith.muli %parallel_loop3A_1668, %parallel_loop3A_1679 : vector<16xi32>
      %parallel_loop3A_1681 = arith.addi %parallel_loop3A_1677, %parallel_loop3A_1680 : vector<16xi32>
      %parallel_loop3A_1682 = arith.addi %parallel_loop3A_1681, %parallel_loop3A_1665 : vector<16xi32>
      %parallel_loop3A_1683 = arith.constant 28 : i32
      %parallel_loop3A_1684 = vector.broadcast %parallel_loop3A_1683 : i32 to vector<16xi32>
      %parallel_loop3A_1685 = arith.shrui %parallel_loop3A_1658, %parallel_loop3A_1684 : vector<16xi32>
      %parallel_loop3A_1686 = arith.constant 4 : i32
      %parallel_loop3A_1687 = vector.broadcast %parallel_loop3A_1686 : i32 to vector<16xi32>
      %parallel_loop3A_1688 = arith.shli %parallel_loop3A_1682, %parallel_loop3A_1687 : vector<16xi32>
      %parallel_loop3A_1689 = arith.ori %parallel_loop3A_1685, %parallel_loop3A_1688 : vector<16xi32>
      %parallel_loop3A_1690 = arith.constant 28 : i32
      %parallel_loop3A_1691 = vector.broadcast %parallel_loop3A_1690 : i32 to vector<16xi32>
      %parallel_loop3A_1692 = arith.shrui %parallel_loop3A_1682, %parallel_loop3A_1691 : vector<16xi32>
      %parallel_loop3A_1693 = arith.xori %parallel_loop3A_1658, %parallel_loop3A_1689 : vector<16xi32>
      %parallel_loop3A_1694 = arith.xori %parallel_loop3A_1682, %parallel_loop3A_1692 : vector<16xi32>
      %parallel_loop3A_1695 = arith.constant 31 : i32
      %parallel_loop3A_1696 = vector.broadcast %parallel_loop3A_1695 : i32 to vector<16xi32>
      %parallel_loop3A_1697 = arith.shli %parallel_loop3A_1693, %parallel_loop3A_1696 : vector<16xi32>
      %parallel_loop3A_1698 = arith.xori %parallel_loop3A_1693, %parallel_loop3A_1697 : vector<16xi32>
      %parallel_loop3A_1699 = arith.andi %parallel_loop3A_1693, %parallel_loop3A_1697 : vector<16xi32>
      %parallel_loop3A_1700 = arith.constant 31 : i32
      %parallel_loop3A_1701 = vector.broadcast %parallel_loop3A_1700 : i32 to vector<16xi32>
      %parallel_loop3A_1702 = arith.shrui %parallel_loop3A_1699, %parallel_loop3A_1701 : vector<16xi32>
      %parallel_loop3A_1703 = arith.constant 31 : i32
      %parallel_loop3A_1704 = vector.broadcast %parallel_loop3A_1703 : i32 to vector<16xi32>
      %parallel_loop3A_1705 = arith.shli %parallel_loop3A_1694, %parallel_loop3A_1704 : vector<16xi32>
      %parallel_loop3A_1706 = arith.constant 1 : i32
      %parallel_loop3A_1707 = vector.broadcast %parallel_loop3A_1706 : i32 to vector<16xi32>
      %parallel_loop3A_1708 = arith.shrui %parallel_loop3A_1693, %parallel_loop3A_1707 : vector<16xi32>
      %parallel_loop3A_1709 = arith.ori %parallel_loop3A_1705, %parallel_loop3A_1708 : vector<16xi32>
      %parallel_loop3A_1710 = arith.addi %parallel_loop3A_1694, %parallel_loop3A_1709 : vector<16xi32>
      %parallel_loop3A_1711 = arith.addi %parallel_loop3A_1710, %parallel_loop3A_1702 : vector<16xi32>
      %parallel_loop3A_1712 = arith.constant 63 : i32
      %parallel_loop3A_1713 = vector.broadcast %parallel_loop3A_1712 : i32 to vector<16xi32>
      %parallel_loop3A_1714 = arith.andi %parallel_loop3A_1698, %parallel_loop3A_1713 : vector<16xi32>
      %parallel_loop3A_1715 = arith.constant 6 : i32
      %parallel_loop3A_1716 = vector.broadcast %parallel_loop3A_1715 : i32 to vector<16xi32>
      %parallel_loop3A_1717 = arith.shrui %parallel_loop3A_1698, %parallel_loop3A_1716 : vector<16xi32>
      %parallel_loop3A_1718 = arith.constant 26 : i32
      %parallel_loop3A_1719 = vector.broadcast %parallel_loop3A_1718 : i32 to vector<16xi32>
      %parallel_loop3A_1720 = arith.shli %parallel_loop3A_1711, %parallel_loop3A_1719 : vector<16xi32>
      %parallel_loop3A_1721 = arith.ori %parallel_loop3A_1717, %parallel_loop3A_1720 : vector<16xi32>
      %parallel_loop3A_1722 = arith.constant 6 : i32
      %parallel_loop3A_1723 = vector.broadcast %parallel_loop3A_1722 : i32 to vector<16xi32>
      %parallel_loop3A_1724 = arith.shrui %parallel_loop3A_1711, %parallel_loop3A_1723 : vector<16xi32>
      %parallel_loop3A_1725 = arith.constant 65535 : i32
      %parallel_loop3A_1726 = vector.broadcast %parallel_loop3A_1725 : i32 to vector<16xi32>
      %parallel_loop3A_1727 = arith.andi %parallel_loop3A_1721, %parallel_loop3A_1726 : vector<16xi32>
      %parallel_loop3A_1728 = arith.constant 16 : i32
      %parallel_loop3A_1729 = vector.broadcast %parallel_loop3A_1728 : i32 to vector<16xi32>
      %parallel_loop3A_1730 = arith.shrui %parallel_loop3A_1721, %parallel_loop3A_1729 : vector<16xi32>
      %parallel_loop3A_1731 = arith.constant 65535 : i32
      %parallel_loop3A_1732 = vector.broadcast %parallel_loop3A_1731 : i32 to vector<16xi32>
      %parallel_loop3A_1733 = arith.andi %parallel_loop3A_1724, %parallel_loop3A_1732 : vector<16xi32>
      %parallel_loop3A_1734 = arith.constant 16 : i32
      %parallel_loop3A_1735 = vector.broadcast %parallel_loop3A_1734 : i32 to vector<16xi32>
      %parallel_loop3A_1736 = arith.shrui %parallel_loop3A_1724, %parallel_loop3A_1735 : vector<16xi32>
      %parallel_loop3A_1737 = arith.constant 3036 : i32
      %parallel_loop3A_1738 = vector.broadcast %parallel_loop3A_1737 : i32 to vector<16xi32>
      %parallel_loop3A_1739 = arith.muli %parallel_loop3A_1730, %parallel_loop3A_1738 : vector<16xi32>
      %parallel_loop3A_1740 = arith.addi %parallel_loop3A_1727, %parallel_loop3A_1739 : vector<16xi32>
      %parallel_loop3A_1741 = arith.constant 14171 : i32
      %parallel_loop3A_1742 = vector.broadcast %parallel_loop3A_1741 : i32 to vector<16xi32>
      %parallel_loop3A_1743 = arith.muli %parallel_loop3A_1733, %parallel_loop3A_1742 : vector<16xi32>
      %parallel_loop3A_1744 = arith.addi %parallel_loop3A_1740, %parallel_loop3A_1743 : vector<16xi32>
      %parallel_loop3A_1745 = arith.constant 7531 : i32
      %parallel_loop3A_1746 = vector.broadcast %parallel_loop3A_1745 : i32 to vector<16xi32>
      %parallel_loop3A_1747 = arith.muli %parallel_loop3A_1736, %parallel_loop3A_1746 : vector<16xi32>
      %parallel_loop3A_1748 = arith.addi %parallel_loop3A_1744, %parallel_loop3A_1747 : vector<16xi32>
      %parallel_loop3A_1749 = arith.sitofp %parallel_loop3A_1748 : vector<16xi32> to vector<16xf32>
      %parallel_loop3A_1750 = arith.constant 6.39999707E-5 : f32
      %parallel_loop3A_1751 = vector.broadcast %parallel_loop3A_1750 : f32 to vector<16xf32>
      %parallel_loop3A_1752 = arith.mulf %parallel_loop3A_1749, %parallel_loop3A_1751 : vector<16xf32>
      %parallel_loop3A_1753 = arith.fptosi %parallel_loop3A_1752 : vector<16xf32> to vector<16xi32>
      %parallel_loop3A_1754 = arith.constant 15625 : i32
      %parallel_loop3A_1755 = vector.broadcast %parallel_loop3A_1754 : i32 to vector<16xi32>
      %parallel_loop3A_1756 = arith.muli %parallel_loop3A_1753, %parallel_loop3A_1755 : vector<16xi32>
      %parallel_loop3A_1757 = arith.subi %parallel_loop3A_1748, %parallel_loop3A_1756 : vector<16xi32>
      %parallel_loop3A_1758 = arith.constant 15625 : i32
      %parallel_loop3A_1759 = vector.broadcast %parallel_loop3A_1758 : i32 to vector<16xi32>
      %parallel_loop3A_1760 = arith.subi %parallel_loop3A_1757, %parallel_loop3A_1759 : vector<16xi32>
      %parallel_loop3A_1761 = arith.constant 31 : i32
      %parallel_loop3A_1762 = vector.broadcast %parallel_loop3A_1761 : i32 to vector<16xi32>
      %parallel_loop3A_1763 = arith.shrsi %parallel_loop3A_1760, %parallel_loop3A_1762 : vector<16xi32>
      %parallel_loop3A_1764 = arith.constant 15625 : i32
      %parallel_loop3A_1765 = vector.broadcast %parallel_loop3A_1764 : i32 to vector<16xi32>
      %parallel_loop3A_1766 = arith.andi %parallel_loop3A_1763, %parallel_loop3A_1765 : vector<16xi32>
      %parallel_loop3A_1767 = arith.addi %parallel_loop3A_1760, %parallel_loop3A_1766 : vector<16xi32>
      %parallel_loop3A_1768 = arith.constant 6 : i32
      %parallel_loop3A_1769 = vector.broadcast %parallel_loop3A_1768 : i32 to vector<16xi32>
      %parallel_loop3A_1770 = arith.shli %parallel_loop3A_1767, %parallel_loop3A_1769 : vector<16xi32>
      %parallel_loop3A_1771 = arith.ori %parallel_loop3A_1770, %parallel_loop3A_1714 : vector<16xi32>
      %parallel_loop3A_1772 = arith.index_cast %parallel_loop3A_8 : i32 to index
      %parallel_loop3A_1773 = arith.constant 112 : index
      %parallel_loop3A_1774 = tpu.vector_load %arg4[%parallel_loop3A_1772, %parallel_loop3A_1773] {strides = array<i32>} : memref<96x200xi32, #tpu.memory_space<vmem>>, vector<1x16xi32>,
      %parallel_loop3A_1775 = vector.shape_cast %parallel_loop3A_1774 : vector<1x16xi32> to vector<16xi32>
      %parallel_loop3A_1776 = vector.shape_cast %parallel_loop3A_1771 : vector<16xi32> to vector<1x16xi32>
      tpu.vector_store %arg4[%parallel_loop3A_1772, %parallel_loop3A_1773], %parallel_loop3A_1776 {strides = array<i32>} : memref<96x200xi32, #tpu.memory_space<vmem>>, vector<1x16xi32>,
      %parallel_loop3A_1777 = arith.index_cast %parallel_loop3A_8 : i32 to index
      %parallel_loop3A_1778 = arith.constant 128 : index
      %parallel_loop3A_1779 = tpu.vector_load %arg4[%parallel_loop3A_1777, %parallel_loop3A_1778] {strides = array<i32>} : memref<96x200xi32, #tpu.memory_space<vmem>>, vector<1x16xi32>,
      %parallel_loop3A_1780 = vector.shape_cast %parallel_loop3A_1779 : vector<1x16xi32> to vector<16xi32>
      %parallel_loop3A_1781 = arith.constant 21 : i32
      %parallel_loop3A_1782 = vector.broadcast %parallel_loop3A_1781 : i32 to vector<16xi32>
      %parallel_loop3A_1783 = arith.shli %parallel_loop3A_1780, %parallel_loop3A_1782 : vector<16xi32>
      %parallel_loop3A_1784 = arith.constant 11 : i32
      %parallel_loop3A_1785 = vector.broadcast %parallel_loop3A_1784 : i32 to vector<16xi32>
      %parallel_loop3A_1786 = arith.shrui %parallel_loop3A_1780, %parallel_loop3A_1785 : vector<16xi32>
      %parallel_loop3A_1787 = arith.constant dense<-1> : vector<16xi32>
      %parallel_loop3A_1788 = arith.xori %parallel_loop3A_1780, %parallel_loop3A_1787 : vector<16xi32>
      %parallel_loop3A_1789 = arith.addi %parallel_loop3A_1788, %parallel_loop3A_1783 : vector<16xi32>
      %parallel_loop3A_1790 = arith.cmpi ult, %parallel_loop3A_1789, %parallel_loop3A_1788 : vector<16xi32>
      %parallel_loop3A_1791 = arith.constant 1 : i32
      %parallel_loop3A_1792 = arith.constant 0 : i32
      %parallel_loop3A_1793 = vector.broadcast %parallel_loop3A_1791 : i32 to vector<16xi32>
      %parallel_loop3A_1794 = vector.broadcast %parallel_loop3A_1792 : i32 to vector<16xi32>
      %parallel_loop3A_1795 = arith.select %parallel_loop3A_1790, %parallel_loop3A_1793, %parallel_loop3A_1794 : vector<16xi1>, vector<16xi32>
      %parallel_loop3A_1796 = arith.addi %parallel_loop3A_1786, %parallel_loop3A_1795 : vector<16xi32>
      %parallel_loop3A_1797 = arith.constant -1 : i32
      %parallel_loop3A_1798 = vector.broadcast %parallel_loop3A_1797 : i32 to vector<16xi32>
      %parallel_loop3A_1799 = arith.addi %parallel_loop3A_1796, %parallel_loop3A_1798 : vector<16xi32>
      %parallel_loop3A_1800 = arith.constant 24 : i32
      %parallel_loop3A_1801 = vector.broadcast %parallel_loop3A_1800 : i32 to vector<16xi32>
      %parallel_loop3A_1802 = arith.shrui %parallel_loop3A_1789, %parallel_loop3A_1801 : vector<16xi32>
      %parallel_loop3A_1803 = arith.constant 8 : i32
      %parallel_loop3A_1804 = vector.broadcast %parallel_loop3A_1803 : i32 to vector<16xi32>
      %parallel_loop3A_1805 = arith.shli %parallel_loop3A_1799, %parallel_loop3A_1804 : vector<16xi32>
      %parallel_loop3A_1806 = arith.ori %parallel_loop3A_1802, %parallel_loop3A_1805 : vector<16xi32>
      %parallel_loop3A_1807 = arith.constant 24 : i32
      %parallel_loop3A_1808 = vector.broadcast %parallel_loop3A_1807 : i32 to vector<16xi32>
      %parallel_loop3A_1809 = arith.shrui %parallel_loop3A_1799, %parallel_loop3A_1808 : vector<16xi32>
      %parallel_loop3A_1810 = arith.xori %parallel_loop3A_1789, %parallel_loop3A_1806 : vector<16xi32>
      %parallel_loop3A_1811 = arith.xori %parallel_loop3A_1799, %parallel_loop3A_1809 : vector<16xi32>
      %parallel_loop3A_1812 = arith.constant 65535 : i32
      %parallel_loop3A_1813 = vector.broadcast %parallel_loop3A_1812 : i32 to vector<16xi32>
      %parallel_loop3A_1814 = arith.andi %parallel_loop3A_1810, %parallel_loop3A_1813 : vector<16xi32>
      %parallel_loop3A_1815 = arith.constant 16 : i32
      %parallel_loop3A_1816 = vector.broadcast %parallel_loop3A_1815 : i32 to vector<16xi32>
      %parallel_loop3A_1817 = arith.shrui %parallel_loop3A_1810, %parallel_loop3A_1816 : vector<16xi32>
      %parallel_loop3A_1818 = arith.constant 265 : i32
      %parallel_loop3A_1819 = vector.broadcast %parallel_loop3A_1818 : i32 to vector<16xi32>
      %parallel_loop3A_1820 = arith.muli %parallel_loop3A_1814, %parallel_loop3A_1819 : vector<16xi32>
      %parallel_loop3A_1821 = arith.constant 265 : i32
      %parallel_loop3A_1822 = vector.broadcast %parallel_loop3A_1821 : i32 to vector<16xi32>
      %parallel_loop3A_1823 = arith.muli %parallel_loop3A_1817, %parallel_loop3A_1822 : vector<16xi32>
      %parallel_loop3A_1824 = arith.constant 16 : i32
      %parallel_loop3A_1825 = vector.broadcast %parallel_loop3A_1824 : i32 to vector<16xi32>
      %parallel_loop3A_1826 = arith.shli %parallel_loop3A_1823, %parallel_loop3A_1825 : vector<16xi32>
      %parallel_loop3A_1827 = arith.addi %parallel_loop3A_1826, %parallel_loop3A_1820 : vector<16xi32>
      %parallel_loop3A_1828 = arith.constant 16 : i32
      %parallel_loop3A_1829 = vector.broadcast %parallel_loop3A_1828 : i32 to vector<16xi32>
      %parallel_loop3A_1830 = arith.shrui %parallel_loop3A_1820, %parallel_loop3A_1829 : vector<16xi32>
      %parallel_loop3A_1831 = arith.addi %parallel_loop3A_1823, %parallel_loop3A_1830 : vector<16xi32>
      %parallel_loop3A_1832 = arith.constant 16 : i32
      %parallel_loop3A_1833 = vector.broadcast %parallel_loop3A_1832 : i32 to vector<16xi32>
      %parallel_loop3A_1834 = arith.shrui %parallel_loop3A_1831, %parallel_loop3A_1833 : vector<16xi32>
      %parallel_loop3A_1835 = arith.constant 65535 : i32
      %parallel_loop3A_1836 = vector.broadcast %parallel_loop3A_1835 : i32 to vector<16xi32>
      %parallel_loop3A_1837 = arith.andi %parallel_loop3A_1811, %parallel_loop3A_1836 : vector<16xi32>
      %parallel_loop3A_1838 = arith.constant 16 : i32
      %parallel_loop3A_1839 = vector.broadcast %parallel_loop3A_1838 : i32 to vector<16xi32>
      %parallel_loop3A_1840 = arith.shrui %parallel_loop3A_1811, %parallel_loop3A_1839 : vector<16xi32>
      %parallel_loop3A_1841 = arith.constant 265 : i32
      %parallel_loop3A_1842 = vector.broadcast %parallel_loop3A_1841 : i32 to vector<16xi32>
      %parallel_loop3A_1843 = arith.muli %parallel_loop3A_1840, %parallel_loop3A_1842 : vector<16xi32>
      %parallel_loop3A_1844 = arith.constant 16 : i32
      %parallel_loop3A_1845 = vector.broadcast %parallel_loop3A_1844 : i32 to vector<16xi32>
      %parallel_loop3A_1846 = arith.shli %parallel_loop3A_1843, %parallel_loop3A_1845 : vector<16xi32>
      %parallel_loop3A_1847 = arith.constant 265 : i32
      %parallel_loop3A_1848 = vector.broadcast %parallel_loop3A_1847 : i32 to vector<16xi32>
      %parallel_loop3A_1849 = arith.muli %parallel_loop3A_1837, %parallel_loop3A_1848 : vector<16xi32>
      %parallel_loop3A_1850 = arith.addi %parallel_loop3A_1846, %parallel_loop3A_1849 : vector<16xi32>
      %parallel_loop3A_1851 = arith.addi %parallel_loop3A_1850, %parallel_loop3A_1834 : vector<16xi32>
      %parallel_loop3A_1852 = arith.constant 14 : i32
      %parallel_loop3A_1853 = vector.broadcast %parallel_loop3A_1852 : i32 to vector<16xi32>
      %parallel_loop3A_1854 = arith.shrui %parallel_loop3A_1827, %parallel_loop3A_1853 : vector<16xi32>
      %parallel_loop3A_1855 = arith.constant 18 : i32
      %parallel_loop3A_1856 = vector.broadcast %parallel_loop3A_1855 : i32 to vector<16xi32>
      %parallel_loop3A_1857 = arith.shli %parallel_loop3A_1851, %parallel_loop3A_1856 : vector<16xi32>
      %parallel_loop3A_1858 = arith.ori %parallel_loop3A_1854, %parallel_loop3A_1857 : vector<16xi32>
      %parallel_loop3A_1859 = arith.constant 14 : i32
      %parallel_loop3A_1860 = vector.broadcast %parallel_loop3A_1859 : i32 to vector<16xi32>
      %parallel_loop3A_1861 = arith.shrui %parallel_loop3A_1851, %parallel_loop3A_1860 : vector<16xi32>
      %parallel_loop3A_1862 = arith.xori %parallel_loop3A_1827, %parallel_loop3A_1858 : vector<16xi32>
      %parallel_loop3A_1863 = arith.xori %parallel_loop3A_1851, %parallel_loop3A_1861 : vector<16xi32>
      %parallel_loop3A_1864 = arith.constant 65535 : i32
      %parallel_loop3A_1865 = vector.broadcast %parallel_loop3A_1864 : i32 to vector<16xi32>
      %parallel_loop3A_1866 = arith.andi %parallel_loop3A_1862, %parallel_loop3A_1865 : vector<16xi32>
      %parallel_loop3A_1867 = arith.constant 16 : i32
      %parallel_loop3A_1868 = vector.broadcast %parallel_loop3A_1867 : i32 to vector<16xi32>
      %parallel_loop3A_1869 = arith.shrui %parallel_loop3A_1862, %parallel_loop3A_1868 : vector<16xi32>
      %parallel_loop3A_1870 = arith.constant 21 : i32
      %parallel_loop3A_1871 = vector.broadcast %parallel_loop3A_1870 : i32 to vector<16xi32>
      %parallel_loop3A_1872 = arith.muli %parallel_loop3A_1866, %parallel_loop3A_1871 : vector<16xi32>
      %parallel_loop3A_1873 = arith.constant 21 : i32
      %parallel_loop3A_1874 = vector.broadcast %parallel_loop3A_1873 : i32 to vector<16xi32>
      %parallel_loop3A_1875 = arith.muli %parallel_loop3A_1869, %parallel_loop3A_1874 : vector<16xi32>
      %parallel_loop3A_1876 = arith.constant 16 : i32
      %parallel_loop3A_1877 = vector.broadcast %parallel_loop3A_1876 : i32 to vector<16xi32>
      %parallel_loop3A_1878 = arith.shli %parallel_loop3A_1875, %parallel_loop3A_1877 : vector<16xi32>
      %parallel_loop3A_1879 = arith.addi %parallel_loop3A_1878, %parallel_loop3A_1872 : vector<16xi32>
      %parallel_loop3A_1880 = arith.constant 16 : i32
      %parallel_loop3A_1881 = vector.broadcast %parallel_loop3A_1880 : i32 to vector<16xi32>
      %parallel_loop3A_1882 = arith.shrui %parallel_loop3A_1872, %parallel_loop3A_1881 : vector<16xi32>
      %parallel_loop3A_1883 = arith.addi %parallel_loop3A_1875, %parallel_loop3A_1882 : vector<16xi32>
      %parallel_loop3A_1884 = arith.constant 16 : i32
      %parallel_loop3A_1885 = vector.broadcast %parallel_loop3A_1884 : i32 to vector<16xi32>
      %parallel_loop3A_1886 = arith.shrui %parallel_loop3A_1883, %parallel_loop3A_1885 : vector<16xi32>
      %parallel_loop3A_1887 = arith.constant 65535 : i32
      %parallel_loop3A_1888 = vector.broadcast %parallel_loop3A_1887 : i32 to vector<16xi32>
      %parallel_loop3A_1889 = arith.andi %parallel_loop3A_1863, %parallel_loop3A_1888 : vector<16xi32>
      %parallel_loop3A_1890 = arith.constant 16 : i32
      %parallel_loop3A_1891 = vector.broadcast %parallel_loop3A_1890 : i32 to vector<16xi32>
      %parallel_loop3A_1892 = arith.shrui %parallel_loop3A_1863, %parallel_loop3A_1891 : vector<16xi32>
      %parallel_loop3A_1893 = arith.constant 21 : i32
      %parallel_loop3A_1894 = vector.broadcast %parallel_loop3A_1893 : i32 to vector<16xi32>
      %parallel_loop3A_1895 = arith.muli %parallel_loop3A_1892, %parallel_loop3A_1894 : vector<16xi32>
      %parallel_loop3A_1896 = arith.constant 16 : i32
      %parallel_loop3A_1897 = vector.broadcast %parallel_loop3A_1896 : i32 to vector<16xi32>
      %parallel_loop3A_1898 = arith.shli %parallel_loop3A_1895, %parallel_loop3A_1897 : vector<16xi32>
      %parallel_loop3A_1899 = arith.constant 21 : i32
      %parallel_loop3A_1900 = vector.broadcast %parallel_loop3A_1899 : i32 to vector<16xi32>
      %parallel_loop3A_1901 = arith.muli %parallel_loop3A_1889, %parallel_loop3A_1900 : vector<16xi32>
      %parallel_loop3A_1902 = arith.addi %parallel_loop3A_1898, %parallel_loop3A_1901 : vector<16xi32>
      %parallel_loop3A_1903 = arith.addi %parallel_loop3A_1902, %parallel_loop3A_1886 : vector<16xi32>
      %parallel_loop3A_1904 = arith.constant 28 : i32
      %parallel_loop3A_1905 = vector.broadcast %parallel_loop3A_1904 : i32 to vector<16xi32>
      %parallel_loop3A_1906 = arith.shrui %parallel_loop3A_1879, %parallel_loop3A_1905 : vector<16xi32>
      %parallel_loop3A_1907 = arith.constant 4 : i32
      %parallel_loop3A_1908 = vector.broadcast %parallel_loop3A_1907 : i32 to vector<16xi32>
      %parallel_loop3A_1909 = arith.shli %parallel_loop3A_1903, %parallel_loop3A_1908 : vector<16xi32>
      %parallel_loop3A_1910 = arith.ori %parallel_loop3A_1906, %parallel_loop3A_1909 : vector<16xi32>
      %parallel_loop3A_1911 = arith.constant 28 : i32
      %parallel_loop3A_1912 = vector.broadcast %parallel_loop3A_1911 : i32 to vector<16xi32>
      %parallel_loop3A_1913 = arith.shrui %parallel_loop3A_1903, %parallel_loop3A_1912 : vector<16xi32>
      %parallel_loop3A_1914 = arith.xori %parallel_loop3A_1879, %parallel_loop3A_1910 : vector<16xi32>
      %parallel_loop3A_1915 = arith.xori %parallel_loop3A_1903, %parallel_loop3A_1913 : vector<16xi32>
      %parallel_loop3A_1916 = arith.constant 31 : i32
      %parallel_loop3A_1917 = vector.broadcast %parallel_loop3A_1916 : i32 to vector<16xi32>
      %parallel_loop3A_1918 = arith.shli %parallel_loop3A_1914, %parallel_loop3A_1917 : vector<16xi32>
      %parallel_loop3A_1919 = arith.xori %parallel_loop3A_1914, %parallel_loop3A_1918 : vector<16xi32>
      %parallel_loop3A_1920 = arith.andi %parallel_loop3A_1914, %parallel_loop3A_1918 : vector<16xi32>
      %parallel_loop3A_1921 = arith.constant 31 : i32
      %parallel_loop3A_1922 = vector.broadcast %parallel_loop3A_1921 : i32 to vector<16xi32>
      %parallel_loop3A_1923 = arith.shrui %parallel_loop3A_1920, %parallel_loop3A_1922 : vector<16xi32>
      %parallel_loop3A_1924 = arith.constant 31 : i32
      %parallel_loop3A_1925 = vector.broadcast %parallel_loop3A_1924 : i32 to vector<16xi32>
      %parallel_loop3A_1926 = arith.shli %parallel_loop3A_1915, %parallel_loop3A_1925 : vector<16xi32>
      %parallel_loop3A_1927 = arith.constant 1 : i32
      %parallel_loop3A_1928 = vector.broadcast %parallel_loop3A_1927 : i32 to vector<16xi32>
      %parallel_loop3A_1929 = arith.shrui %parallel_loop3A_1914, %parallel_loop3A_1928 : vector<16xi32>
      %parallel_loop3A_1930 = arith.ori %parallel_loop3A_1926, %parallel_loop3A_1929 : vector<16xi32>
      %parallel_loop3A_1931 = arith.addi %parallel_loop3A_1915, %parallel_loop3A_1930 : vector<16xi32>
      %parallel_loop3A_1932 = arith.addi %parallel_loop3A_1931, %parallel_loop3A_1923 : vector<16xi32>
      %parallel_loop3A_1933 = arith.constant 63 : i32
      %parallel_loop3A_1934 = vector.broadcast %parallel_loop3A_1933 : i32 to vector<16xi32>
      %parallel_loop3A_1935 = arith.andi %parallel_loop3A_1919, %parallel_loop3A_1934 : vector<16xi32>
      %parallel_loop3A_1936 = arith.constant 6 : i32
      %parallel_loop3A_1937 = vector.broadcast %parallel_loop3A_1936 : i32 to vector<16xi32>
      %parallel_loop3A_1938 = arith.shrui %parallel_loop3A_1919, %parallel_loop3A_1937 : vector<16xi32>
      %parallel_loop3A_1939 = arith.constant 26 : i32
      %parallel_loop3A_1940 = vector.broadcast %parallel_loop3A_1939 : i32 to vector<16xi32>
      %parallel_loop3A_1941 = arith.shli %parallel_loop3A_1932, %parallel_loop3A_1940 : vector<16xi32>
      %parallel_loop3A_1942 = arith.ori %parallel_loop3A_1938, %parallel_loop3A_1941 : vector<16xi32>
      %parallel_loop3A_1943 = arith.constant 6 : i32
      %parallel_loop3A_1944 = vector.broadcast %parallel_loop3A_1943 : i32 to vector<16xi32>
      %parallel_loop3A_1945 = arith.shrui %parallel_loop3A_1932, %parallel_loop3A_1944 : vector<16xi32>
      %parallel_loop3A_1946 = arith.constant 65535 : i32
      %parallel_loop3A_1947 = vector.broadcast %parallel_loop3A_1946 : i32 to vector<16xi32>
      %parallel_loop3A_1948 = arith.andi %parallel_loop3A_1942, %parallel_loop3A_1947 : vector<16xi32>
      %parallel_loop3A_1949 = arith.constant 16 : i32
      %parallel_loop3A_1950 = vector.broadcast %parallel_loop3A_1949 : i32 to vector<16xi32>
      %parallel_loop3A_1951 = arith.shrui %parallel_loop3A_1942, %parallel_loop3A_1950 : vector<16xi32>
      %parallel_loop3A_1952 = arith.constant 65535 : i32
      %parallel_loop3A_1953 = vector.broadcast %parallel_loop3A_1952 : i32 to vector<16xi32>
      %parallel_loop3A_1954 = arith.andi %parallel_loop3A_1945, %parallel_loop3A_1953 : vector<16xi32>
      %parallel_loop3A_1955 = arith.constant 16 : i32
      %parallel_loop3A_1956 = vector.broadcast %parallel_loop3A_1955 : i32 to vector<16xi32>
      %parallel_loop3A_1957 = arith.shrui %parallel_loop3A_1945, %parallel_loop3A_1956 : vector<16xi32>
      %parallel_loop3A_1958 = arith.constant 3036 : i32
      %parallel_loop3A_1959 = vector.broadcast %parallel_loop3A_1958 : i32 to vector<16xi32>
      %parallel_loop3A_1960 = arith.muli %parallel_loop3A_1951, %parallel_loop3A_1959 : vector<16xi32>
      %parallel_loop3A_1961 = arith.addi %parallel_loop3A_1948, %parallel_loop3A_1960 : vector<16xi32>
      %parallel_loop3A_1962 = arith.constant 14171 : i32
      %parallel_loop3A_1963 = vector.broadcast %parallel_loop3A_1962 : i32 to vector<16xi32>
      %parallel_loop3A_1964 = arith.muli %parallel_loop3A_1954, %parallel_loop3A_1963 : vector<16xi32>
      %parallel_loop3A_1965 = arith.addi %parallel_loop3A_1961, %parallel_loop3A_1964 : vector<16xi32>
      %parallel_loop3A_1966 = arith.constant 7531 : i32
      %parallel_loop3A_1967 = vector.broadcast %parallel_loop3A_1966 : i32 to vector<16xi32>
      %parallel_loop3A_1968 = arith.muli %parallel_loop3A_1957, %parallel_loop3A_1967 : vector<16xi32>
      %parallel_loop3A_1969 = arith.addi %parallel_loop3A_1965, %parallel_loop3A_1968 : vector<16xi32>
      %parallel_loop3A_1970 = arith.sitofp %parallel_loop3A_1969 : vector<16xi32> to vector<16xf32>
      %parallel_loop3A_1971 = arith.constant 6.39999707E-5 : f32
      %parallel_loop3A_1972 = vector.broadcast %parallel_loop3A_1971 : f32 to vector<16xf32>
      %parallel_loop3A_1973 = arith.mulf %parallel_loop3A_1970, %parallel_loop3A_1972 : vector<16xf32>
      %parallel_loop3A_1974 = arith.fptosi %parallel_loop3A_1973 : vector<16xf32> to vector<16xi32>
      %parallel_loop3A_1975 = arith.constant 15625 : i32
      %parallel_loop3A_1976 = vector.broadcast %parallel_loop3A_1975 : i32 to vector<16xi32>
      %parallel_loop3A_1977 = arith.muli %parallel_loop3A_1974, %parallel_loop3A_1976 : vector<16xi32>
      %parallel_loop3A_1978 = arith.subi %parallel_loop3A_1969, %parallel_loop3A_1977 : vector<16xi32>
      %parallel_loop3A_1979 = arith.constant 15625 : i32
      %parallel_loop3A_1980 = vector.broadcast %parallel_loop3A_1979 : i32 to vector<16xi32>
      %parallel_loop3A_1981 = arith.subi %parallel_loop3A_1978, %parallel_loop3A_1980 : vector<16xi32>
      %parallel_loop3A_1982 = arith.constant 31 : i32
      %parallel_loop3A_1983 = vector.broadcast %parallel_loop3A_1982 : i32 to vector<16xi32>
      %parallel_loop3A_1984 = arith.shrsi %parallel_loop3A_1981, %parallel_loop3A_1983 : vector<16xi32>
      %parallel_loop3A_1985 = arith.constant 15625 : i32
      %parallel_loop3A_1986 = vector.broadcast %parallel_loop3A_1985 : i32 to vector<16xi32>
      %parallel_loop3A_1987 = arith.andi %parallel_loop3A_1984, %parallel_loop3A_1986 : vector<16xi32>
      %parallel_loop3A_1988 = arith.addi %parallel_loop3A_1981, %parallel_loop3A_1987 : vector<16xi32>
      %parallel_loop3A_1989 = arith.constant 6 : i32
      %parallel_loop3A_1990 = vector.broadcast %parallel_loop3A_1989 : i32 to vector<16xi32>
      %parallel_loop3A_1991 = arith.shli %parallel_loop3A_1988, %parallel_loop3A_1990 : vector<16xi32>
      %parallel_loop3A_1992 = arith.ori %parallel_loop3A_1991, %parallel_loop3A_1935 : vector<16xi32>
      %parallel_loop3A_1993 = arith.index_cast %parallel_loop3A_8 : i32 to index
      %parallel_loop3A_1994 = arith.constant 128 : index
      %parallel_loop3A_1995 = tpu.vector_load %arg4[%parallel_loop3A_1993, %parallel_loop3A_1994] {strides = array<i32>} : memref<96x200xi32, #tpu.memory_space<vmem>>, vector<1x16xi32>,
      %parallel_loop3A_1996 = vector.shape_cast %parallel_loop3A_1995 : vector<1x16xi32> to vector<16xi32>
      %parallel_loop3A_1997 = vector.shape_cast %parallel_loop3A_1992 : vector<16xi32> to vector<1x16xi32>
      tpu.vector_store %arg4[%parallel_loop3A_1993, %parallel_loop3A_1994], %parallel_loop3A_1997 {strides = array<i32>} : memref<96x200xi32, #tpu.memory_space<vmem>>, vector<1x16xi32>,
      %parallel_loop3A_1998 = arith.index_cast %parallel_loop3A_8 : i32 to index
      %parallel_loop3A_1999 = arith.constant 144 : index
      %parallel_loop3A_2000 = tpu.vector_load %arg4[%parallel_loop3A_1998, %parallel_loop3A_1999] {strides = array<i32>} : memref<96x200xi32, #tpu.memory_space<vmem>>, vector<1x16xi32>,
      %parallel_loop3A_2001 = vector.shape_cast %parallel_loop3A_2000 : vector<1x16xi32> to vector<16xi32>
      %parallel_loop3A_2002 = arith.constant 21 : i32
      %parallel_loop3A_2003 = vector.broadcast %parallel_loop3A_2002 : i32 to vector<16xi32>
      %parallel_loop3A_2004 = arith.shli %parallel_loop3A_2001, %parallel_loop3A_2003 : vector<16xi32>
      %parallel_loop3A_2005 = arith.constant 11 : i32
      %parallel_loop3A_2006 = vector.broadcast %parallel_loop3A_2005 : i32 to vector<16xi32>
      %parallel_loop3A_2007 = arith.shrui %parallel_loop3A_2001, %parallel_loop3A_2006 : vector<16xi32>
      %parallel_loop3A_2008 = arith.constant dense<-1> : vector<16xi32>
      %parallel_loop3A_2009 = arith.xori %parallel_loop3A_2001, %parallel_loop3A_2008 : vector<16xi32>
      %parallel_loop3A_2010 = arith.addi %parallel_loop3A_2009, %parallel_loop3A_2004 : vector<16xi32>
      %parallel_loop3A_2011 = arith.cmpi ult, %parallel_loop3A_2010, %parallel_loop3A_2009 : vector<16xi32>
      %parallel_loop3A_2012 = arith.constant 1 : i32
      %parallel_loop3A_2013 = arith.constant 0 : i32
      %parallel_loop3A_2014 = vector.broadcast %parallel_loop3A_2012 : i32 to vector<16xi32>
      %parallel_loop3A_2015 = vector.broadcast %parallel_loop3A_2013 : i32 to vector<16xi32>
      %parallel_loop3A_2016 = arith.select %parallel_loop3A_2011, %parallel_loop3A_2014, %parallel_loop3A_2015 : vector<16xi1>, vector<16xi32>
      %parallel_loop3A_2017 = arith.addi %parallel_loop3A_2007, %parallel_loop3A_2016 : vector<16xi32>
      %parallel_loop3A_2018 = arith.constant -1 : i32
      %parallel_loop3A_2019 = vector.broadcast %parallel_loop3A_2018 : i32 to vector<16xi32>
      %parallel_loop3A_2020 = arith.addi %parallel_loop3A_2017, %parallel_loop3A_2019 : vector<16xi32>
      %parallel_loop3A_2021 = arith.constant 24 : i32
      %parallel_loop3A_2022 = vector.broadcast %parallel_loop3A_2021 : i32 to vector<16xi32>
      %parallel_loop3A_2023 = arith.shrui %parallel_loop3A_2010, %parallel_loop3A_2022 : vector<16xi32>
      %parallel_loop3A_2024 = arith.constant 8 : i32
      %parallel_loop3A_2025 = vector.broadcast %parallel_loop3A_2024 : i32 to vector<16xi32>
      %parallel_loop3A_2026 = arith.shli %parallel_loop3A_2020, %parallel_loop3A_2025 : vector<16xi32>
      %parallel_loop3A_2027 = arith.ori %parallel_loop3A_2023, %parallel_loop3A_2026 : vector<16xi32>
      %parallel_loop3A_2028 = arith.constant 24 : i32
      %parallel_loop3A_2029 = vector.broadcast %parallel_loop3A_2028 : i32 to vector<16xi32>
      %parallel_loop3A_2030 = arith.shrui %parallel_loop3A_2020, %parallel_loop3A_2029 : vector<16xi32>
      %parallel_loop3A_2031 = arith.xori %parallel_loop3A_2010, %parallel_loop3A_2027 : vector<16xi32>
      %parallel_loop3A_2032 = arith.xori %parallel_loop3A_2020, %parallel_loop3A_2030 : vector<16xi32>
      %parallel_loop3A_2033 = arith.constant 65535 : i32
      %parallel_loop3A_2034 = vector.broadcast %parallel_loop3A_2033 : i32 to vector<16xi32>
      %parallel_loop3A_2035 = arith.andi %parallel_loop3A_2031, %parallel_loop3A_2034 : vector<16xi32>
      %parallel_loop3A_2036 = arith.constant 16 : i32
      %parallel_loop3A_2037 = vector.broadcast %parallel_loop3A_2036 : i32 to vector<16xi32>
      %parallel_loop3A_2038 = arith.shrui %parallel_loop3A_2031, %parallel_loop3A_2037 : vector<16xi32>
      %parallel_loop3A_2039 = arith.constant 265 : i32
      %parallel_loop3A_2040 = vector.broadcast %parallel_loop3A_2039 : i32 to vector<16xi32>
      %parallel_loop3A_2041 = arith.muli %parallel_loop3A_2035, %parallel_loop3A_2040 : vector<16xi32>
      %parallel_loop3A_2042 = arith.constant 265 : i32
      %parallel_loop3A_2043 = vector.broadcast %parallel_loop3A_2042 : i32 to vector<16xi32>
      %parallel_loop3A_2044 = arith.muli %parallel_loop3A_2038, %parallel_loop3A_2043 : vector<16xi32>
      %parallel_loop3A_2045 = arith.constant 16 : i32
      %parallel_loop3A_2046 = vector.broadcast %parallel_loop3A_2045 : i32 to vector<16xi32>
      %parallel_loop3A_2047 = arith.shli %parallel_loop3A_2044, %parallel_loop3A_2046 : vector<16xi32>
      %parallel_loop3A_2048 = arith.addi %parallel_loop3A_2047, %parallel_loop3A_2041 : vector<16xi32>
      %parallel_loop3A_2049 = arith.constant 16 : i32
      %parallel_loop3A_2050 = vector.broadcast %parallel_loop3A_2049 : i32 to vector<16xi32>
      %parallel_loop3A_2051 = arith.shrui %parallel_loop3A_2041, %parallel_loop3A_2050 : vector<16xi32>
      %parallel_loop3A_2052 = arith.addi %parallel_loop3A_2044, %parallel_loop3A_2051 : vector<16xi32>
      %parallel_loop3A_2053 = arith.constant 16 : i32
      %parallel_loop3A_2054 = vector.broadcast %parallel_loop3A_2053 : i32 to vector<16xi32>
      %parallel_loop3A_2055 = arith.shrui %parallel_loop3A_2052, %parallel_loop3A_2054 : vector<16xi32>
      %parallel_loop3A_2056 = arith.constant 65535 : i32
      %parallel_loop3A_2057 = vector.broadcast %parallel_loop3A_2056 : i32 to vector<16xi32>
      %parallel_loop3A_2058 = arith.andi %parallel_loop3A_2032, %parallel_loop3A_2057 : vector<16xi32>
      %parallel_loop3A_2059 = arith.constant 16 : i32
      %parallel_loop3A_2060 = vector.broadcast %parallel_loop3A_2059 : i32 to vector<16xi32>
      %parallel_loop3A_2061 = arith.shrui %parallel_loop3A_2032, %parallel_loop3A_2060 : vector<16xi32>
      %parallel_loop3A_2062 = arith.constant 265 : i32
      %parallel_loop3A_2063 = vector.broadcast %parallel_loop3A_2062 : i32 to vector<16xi32>
      %parallel_loop3A_2064 = arith.muli %parallel_loop3A_2061, %parallel_loop3A_2063 : vector<16xi32>
      %parallel_loop3A_2065 = arith.constant 16 : i32
      %parallel_loop3A_2066 = vector.broadcast %parallel_loop3A_2065 : i32 to vector<16xi32>
      %parallel_loop3A_2067 = arith.shli %parallel_loop3A_2064, %parallel_loop3A_2066 : vector<16xi32>
      %parallel_loop3A_2068 = arith.constant 265 : i32
      %parallel_loop3A_2069 = vector.broadcast %parallel_loop3A_2068 : i32 to vector<16xi32>
      %parallel_loop3A_2070 = arith.muli %parallel_loop3A_2058, %parallel_loop3A_2069 : vector<16xi32>
      %parallel_loop3A_2071 = arith.addi %parallel_loop3A_2067, %parallel_loop3A_2070 : vector<16xi32>
      %parallel_loop3A_2072 = arith.addi %parallel_loop3A_2071, %parallel_loop3A_2055 : vector<16xi32>
      %parallel_loop3A_2073 = arith.constant 14 : i32
      %parallel_loop3A_2074 = vector.broadcast %parallel_loop3A_2073 : i32 to vector<16xi32>
      %parallel_loop3A_2075 = arith.shrui %parallel_loop3A_2048, %parallel_loop3A_2074 : vector<16xi32>
      %parallel_loop3A_2076 = arith.constant 18 : i32
      %parallel_loop3A_2077 = vector.broadcast %parallel_loop3A_2076 : i32 to vector<16xi32>
      %parallel_loop3A_2078 = arith.shli %parallel_loop3A_2072, %parallel_loop3A_2077 : vector<16xi32>
      %parallel_loop3A_2079 = arith.ori %parallel_loop3A_2075, %parallel_loop3A_2078 : vector<16xi32>
      %parallel_loop3A_2080 = arith.constant 14 : i32
      %parallel_loop3A_2081 = vector.broadcast %parallel_loop3A_2080 : i32 to vector<16xi32>
      %parallel_loop3A_2082 = arith.shrui %parallel_loop3A_2072, %parallel_loop3A_2081 : vector<16xi32>
      %parallel_loop3A_2083 = arith.xori %parallel_loop3A_2048, %parallel_loop3A_2079 : vector<16xi32>
      %parallel_loop3A_2084 = arith.xori %parallel_loop3A_2072, %parallel_loop3A_2082 : vector<16xi32>
      %parallel_loop3A_2085 = arith.constant 65535 : i32
      %parallel_loop3A_2086 = vector.broadcast %parallel_loop3A_2085 : i32 to vector<16xi32>
      %parallel_loop3A_2087 = arith.andi %parallel_loop3A_2083, %parallel_loop3A_2086 : vector<16xi32>
      %parallel_loop3A_2088 = arith.constant 16 : i32
      %parallel_loop3A_2089 = vector.broadcast %parallel_loop3A_2088 : i32 to vector<16xi32>
      %parallel_loop3A_2090 = arith.shrui %parallel_loop3A_2083, %parallel_loop3A_2089 : vector<16xi32>
      %parallel_loop3A_2091 = arith.constant 21 : i32
      %parallel_loop3A_2092 = vector.broadcast %parallel_loop3A_2091 : i32 to vector<16xi32>
      %parallel_loop3A_2093 = arith.muli %parallel_loop3A_2087, %parallel_loop3A_2092 : vector<16xi32>
      %parallel_loop3A_2094 = arith.constant 21 : i32
      %parallel_loop3A_2095 = vector.broadcast %parallel_loop3A_2094 : i32 to vector<16xi32>
      %parallel_loop3A_2096 = arith.muli %parallel_loop3A_2090, %parallel_loop3A_2095 : vector<16xi32>
      %parallel_loop3A_2097 = arith.constant 16 : i32
      %parallel_loop3A_2098 = vector.broadcast %parallel_loop3A_2097 : i32 to vector<16xi32>
      %parallel_loop3A_2099 = arith.shli %parallel_loop3A_2096, %parallel_loop3A_2098 : vector<16xi32>
      %parallel_loop3A_2100 = arith.addi %parallel_loop3A_2099, %parallel_loop3A_2093 : vector<16xi32>
      %parallel_loop3A_2101 = arith.constant 16 : i32
      %parallel_loop3A_2102 = vector.broadcast %parallel_loop3A_2101 : i32 to vector<16xi32>
      %parallel_loop3A_2103 = arith.shrui %parallel_loop3A_2093, %parallel_loop3A_2102 : vector<16xi32>
      %parallel_loop3A_2104 = arith.addi %parallel_loop3A_2096, %parallel_loop3A_2103 : vector<16xi32>
      %parallel_loop3A_2105 = arith.constant 16 : i32
      %parallel_loop3A_2106 = vector.broadcast %parallel_loop3A_2105 : i32 to vector<16xi32>
      %parallel_loop3A_2107 = arith.shrui %parallel_loop3A_2104, %parallel_loop3A_2106 : vector<16xi32>
      %parallel_loop3A_2108 = arith.constant 65535 : i32
      %parallel_loop3A_2109 = vector.broadcast %parallel_loop3A_2108 : i32 to vector<16xi32>
      %parallel_loop3A_2110 = arith.andi %parallel_loop3A_2084, %parallel_loop3A_2109 : vector<16xi32>
      %parallel_loop3A_2111 = arith.constant 16 : i32
      %parallel_loop3A_2112 = vector.broadcast %parallel_loop3A_2111 : i32 to vector<16xi32>
      %parallel_loop3A_2113 = arith.shrui %parallel_loop3A_2084, %parallel_loop3A_2112 : vector<16xi32>
      %parallel_loop3A_2114 = arith.constant 21 : i32
      %parallel_loop3A_2115 = vector.broadcast %parallel_loop3A_2114 : i32 to vector<16xi32>
      %parallel_loop3A_2116 = arith.muli %parallel_loop3A_2113, %parallel_loop3A_2115 : vector<16xi32>
      %parallel_loop3A_2117 = arith.constant 16 : i32
      %parallel_loop3A_2118 = vector.broadcast %parallel_loop3A_2117 : i32 to vector<16xi32>
      %parallel_loop3A_2119 = arith.shli %parallel_loop3A_2116, %parallel_loop3A_2118 : vector<16xi32>
      %parallel_loop3A_2120 = arith.constant 21 : i32
      %parallel_loop3A_2121 = vector.broadcast %parallel_loop3A_2120 : i32 to vector<16xi32>
      %parallel_loop3A_2122 = arith.muli %parallel_loop3A_2110, %parallel_loop3A_2121 : vector<16xi32>
      %parallel_loop3A_2123 = arith.addi %parallel_loop3A_2119, %parallel_loop3A_2122 : vector<16xi32>
      %parallel_loop3A_2124 = arith.addi %parallel_loop3A_2123, %parallel_loop3A_2107 : vector<16xi32>
      %parallel_loop3A_2125 = arith.constant 28 : i32
      %parallel_loop3A_2126 = vector.broadcast %parallel_loop3A_2125 : i32 to vector<16xi32>
      %parallel_loop3A_2127 = arith.shrui %parallel_loop3A_2100, %parallel_loop3A_2126 : vector<16xi32>
      %parallel_loop3A_2128 = arith.constant 4 : i32
      %parallel_loop3A_2129 = vector.broadcast %parallel_loop3A_2128 : i32 to vector<16xi32>
      %parallel_loop3A_2130 = arith.shli %parallel_loop3A_2124, %parallel_loop3A_2129 : vector<16xi32>
      %parallel_loop3A_2131 = arith.ori %parallel_loop3A_2127, %parallel_loop3A_2130 : vector<16xi32>
      %parallel_loop3A_2132 = arith.constant 28 : i32
      %parallel_loop3A_2133 = vector.broadcast %parallel_loop3A_2132 : i32 to vector<16xi32>
      %parallel_loop3A_2134 = arith.shrui %parallel_loop3A_2124, %parallel_loop3A_2133 : vector<16xi32>
      %parallel_loop3A_2135 = arith.xori %parallel_loop3A_2100, %parallel_loop3A_2131 : vector<16xi32>
      %parallel_loop3A_2136 = arith.xori %parallel_loop3A_2124, %parallel_loop3A_2134 : vector<16xi32>
      %parallel_loop3A_2137 = arith.constant 31 : i32
      %parallel_loop3A_2138 = vector.broadcast %parallel_loop3A_2137 : i32 to vector<16xi32>
      %parallel_loop3A_2139 = arith.shli %parallel_loop3A_2135, %parallel_loop3A_2138 : vector<16xi32>
      %parallel_loop3A_2140 = arith.xori %parallel_loop3A_2135, %parallel_loop3A_2139 : vector<16xi32>
      %parallel_loop3A_2141 = arith.andi %parallel_loop3A_2135, %parallel_loop3A_2139 : vector<16xi32>
      %parallel_loop3A_2142 = arith.constant 31 : i32
      %parallel_loop3A_2143 = vector.broadcast %parallel_loop3A_2142 : i32 to vector<16xi32>
      %parallel_loop3A_2144 = arith.shrui %parallel_loop3A_2141, %parallel_loop3A_2143 : vector<16xi32>
      %parallel_loop3A_2145 = arith.constant 31 : i32
      %parallel_loop3A_2146 = vector.broadcast %parallel_loop3A_2145 : i32 to vector<16xi32>
      %parallel_loop3A_2147 = arith.shli %parallel_loop3A_2136, %parallel_loop3A_2146 : vector<16xi32>
      %parallel_loop3A_2148 = arith.constant 1 : i32
      %parallel_loop3A_2149 = vector.broadcast %parallel_loop3A_2148 : i32 to vector<16xi32>
      %parallel_loop3A_2150 = arith.shrui %parallel_loop3A_2135, %parallel_loop3A_2149 : vector<16xi32>
      %parallel_loop3A_2151 = arith.ori %parallel_loop3A_2147, %parallel_loop3A_2150 : vector<16xi32>
      %parallel_loop3A_2152 = arith.addi %parallel_loop3A_2136, %parallel_loop3A_2151 : vector<16xi32>
      %parallel_loop3A_2153 = arith.addi %parallel_loop3A_2152, %parallel_loop3A_2144 : vector<16xi32>
      %parallel_loop3A_2154 = arith.constant 63 : i32
      %parallel_loop3A_2155 = vector.broadcast %parallel_loop3A_2154 : i32 to vector<16xi32>
      %parallel_loop3A_2156 = arith.andi %parallel_loop3A_2140, %parallel_loop3A_2155 : vector<16xi32>
      %parallel_loop3A_2157 = arith.constant 6 : i32
      %parallel_loop3A_2158 = vector.broadcast %parallel_loop3A_2157 : i32 to vector<16xi32>
      %parallel_loop3A_2159 = arith.shrui %parallel_loop3A_2140, %parallel_loop3A_2158 : vector<16xi32>
      %parallel_loop3A_2160 = arith.constant 26 : i32
      %parallel_loop3A_2161 = vector.broadcast %parallel_loop3A_2160 : i32 to vector<16xi32>
      %parallel_loop3A_2162 = arith.shli %parallel_loop3A_2153, %parallel_loop3A_2161 : vector<16xi32>
      %parallel_loop3A_2163 = arith.ori %parallel_loop3A_2159, %parallel_loop3A_2162 : vector<16xi32>
      %parallel_loop3A_2164 = arith.constant 6 : i32
      %parallel_loop3A_2165 = vector.broadcast %parallel_loop3A_2164 : i32 to vector<16xi32>
      %parallel_loop3A_2166 = arith.shrui %parallel_loop3A_2153, %parallel_loop3A_2165 : vector<16xi32>
      %parallel_loop3A_2167 = arith.constant 65535 : i32
      %parallel_loop3A_2168 = vector.broadcast %parallel_loop3A_2167 : i32 to vector<16xi32>
      %parallel_loop3A_2169 = arith.andi %parallel_loop3A_2163, %parallel_loop3A_2168 : vector<16xi32>
      %parallel_loop3A_2170 = arith.constant 16 : i32
      %parallel_loop3A_2171 = vector.broadcast %parallel_loop3A_2170 : i32 to vector<16xi32>
      %parallel_loop3A_2172 = arith.shrui %parallel_loop3A_2163, %parallel_loop3A_2171 : vector<16xi32>
      %parallel_loop3A_2173 = arith.constant 65535 : i32
      %parallel_loop3A_2174 = vector.broadcast %parallel_loop3A_2173 : i32 to vector<16xi32>
      %parallel_loop3A_2175 = arith.andi %parallel_loop3A_2166, %parallel_loop3A_2174 : vector<16xi32>
      %parallel_loop3A_2176 = arith.constant 16 : i32
      %parallel_loop3A_2177 = vector.broadcast %parallel_loop3A_2176 : i32 to vector<16xi32>
      %parallel_loop3A_2178 = arith.shrui %parallel_loop3A_2166, %parallel_loop3A_2177 : vector<16xi32>
      %parallel_loop3A_2179 = arith.constant 3036 : i32
      %parallel_loop3A_2180 = vector.broadcast %parallel_loop3A_2179 : i32 to vector<16xi32>
      %parallel_loop3A_2181 = arith.muli %parallel_loop3A_2172, %parallel_loop3A_2180 : vector<16xi32>
      %parallel_loop3A_2182 = arith.addi %parallel_loop3A_2169, %parallel_loop3A_2181 : vector<16xi32>
      %parallel_loop3A_2183 = arith.constant 14171 : i32
      %parallel_loop3A_2184 = vector.broadcast %parallel_loop3A_2183 : i32 to vector<16xi32>
      %parallel_loop3A_2185 = arith.muli %parallel_loop3A_2175, %parallel_loop3A_2184 : vector<16xi32>
      %parallel_loop3A_2186 = arith.addi %parallel_loop3A_2182, %parallel_loop3A_2185 : vector<16xi32>
      %parallel_loop3A_2187 = arith.constant 7531 : i32
      %parallel_loop3A_2188 = vector.broadcast %parallel_loop3A_2187 : i32 to vector<16xi32>
      %parallel_loop3A_2189 = arith.muli %parallel_loop3A_2178, %parallel_loop3A_2188 : vector<16xi32>
      %parallel_loop3A_2190 = arith.addi %parallel_loop3A_2186, %parallel_loop3A_2189 : vector<16xi32>
      %parallel_loop3A_2191 = arith.sitofp %parallel_loop3A_2190 : vector<16xi32> to vector<16xf32>
      %parallel_loop3A_2192 = arith.constant 6.39999707E-5 : f32
      %parallel_loop3A_2193 = vector.broadcast %parallel_loop3A_2192 : f32 to vector<16xf32>
      %parallel_loop3A_2194 = arith.mulf %parallel_loop3A_2191, %parallel_loop3A_2193 : vector<16xf32>
      %parallel_loop3A_2195 = arith.fptosi %parallel_loop3A_2194 : vector<16xf32> to vector<16xi32>
      %parallel_loop3A_2196 = arith.constant 15625 : i32
      %parallel_loop3A_2197 = vector.broadcast %parallel_loop3A_2196 : i32 to vector<16xi32>
      %parallel_loop3A_2198 = arith.muli %parallel_loop3A_2195, %parallel_loop3A_2197 : vector<16xi32>
      %parallel_loop3A_2199 = arith.subi %parallel_loop3A_2190, %parallel_loop3A_2198 : vector<16xi32>
      %parallel_loop3A_2200 = arith.constant 15625 : i32
      %parallel_loop3A_2201 = vector.broadcast %parallel_loop3A_2200 : i32 to vector<16xi32>
      %parallel_loop3A_2202 = arith.subi %parallel_loop3A_2199, %parallel_loop3A_2201 : vector<16xi32>
      %parallel_loop3A_2203 = arith.constant 31 : i32
      %parallel_loop3A_2204 = vector.broadcast %parallel_loop3A_2203 : i32 to vector<16xi32>
      %parallel_loop3A_2205 = arith.shrsi %parallel_loop3A_2202, %parallel_loop3A_2204 : vector<16xi32>
      %parallel_loop3A_2206 = arith.constant 15625 : i32
      %parallel_loop3A_2207 = vector.broadcast %parallel_loop3A_2206 : i32 to vector<16xi32>
      %parallel_loop3A_2208 = arith.andi %parallel_loop3A_2205, %parallel_loop3A_2207 : vector<16xi32>
      %parallel_loop3A_2209 = arith.addi %parallel_loop3A_2202, %parallel_loop3A_2208 : vector<16xi32>
      %parallel_loop3A_2210 = arith.constant 6 : i32
      %parallel_loop3A_2211 = vector.broadcast %parallel_loop3A_2210 : i32 to vector<16xi32>
      %parallel_loop3A_2212 = arith.shli %parallel_loop3A_2209, %parallel_loop3A_2211 : vector<16xi32>
      %parallel_loop3A_2213 = arith.ori %parallel_loop3A_2212, %parallel_loop3A_2156 : vector<16xi32>
      %parallel_loop3A_2214 = arith.index_cast %parallel_loop3A_8 : i32 to index
      %parallel_loop3A_2215 = arith.constant 144 : index
      %parallel_loop3A_2216 = tpu.vector_load %arg4[%parallel_loop3A_2214, %parallel_loop3A_2215] {strides = array<i32>} : memref<96x200xi32, #tpu.memory_space<vmem>>, vector<1x16xi32>,
      %parallel_loop3A_2217 = vector.shape_cast %parallel_loop3A_2216 : vector<1x16xi32> to vector<16xi32>
      %parallel_loop3A_2218 = vector.shape_cast %parallel_loop3A_2213 : vector<16xi32> to vector<1x16xi32>
      tpu.vector_store %arg4[%parallel_loop3A_2214, %parallel_loop3A_2215], %parallel_loop3A_2218 {strides = array<i32>} : memref<96x200xi32, #tpu.memory_space<vmem>>, vector<1x16xi32>,
      %parallel_loop3A_2219 = arith.index_cast %parallel_loop3A_8 : i32 to index
      %parallel_loop3A_2220 = arith.constant 160 : index
      %parallel_loop3A_2221 = tpu.vector_load %arg4[%parallel_loop3A_2219, %parallel_loop3A_2220] {strides = array<i32>} : memref<96x200xi32, #tpu.memory_space<vmem>>, vector<1x16xi32>,
      %parallel_loop3A_2222 = vector.shape_cast %parallel_loop3A_2221 : vector<1x16xi32> to vector<16xi32>
      %parallel_loop3A_2223 = arith.constant 21 : i32
      %parallel_loop3A_2224 = vector.broadcast %parallel_loop3A_2223 : i32 to vector<16xi32>
      %parallel_loop3A_2225 = arith.shli %parallel_loop3A_2222, %parallel_loop3A_2224 : vector<16xi32>
      %parallel_loop3A_2226 = arith.constant 11 : i32
      %parallel_loop3A_2227 = vector.broadcast %parallel_loop3A_2226 : i32 to vector<16xi32>
      %parallel_loop3A_2228 = arith.shrui %parallel_loop3A_2222, %parallel_loop3A_2227 : vector<16xi32>
      %parallel_loop3A_2229 = arith.constant dense<-1> : vector<16xi32>
      %parallel_loop3A_2230 = arith.xori %parallel_loop3A_2222, %parallel_loop3A_2229 : vector<16xi32>
      %parallel_loop3A_2231 = arith.addi %parallel_loop3A_2230, %parallel_loop3A_2225 : vector<16xi32>
      %parallel_loop3A_2232 = arith.cmpi ult, %parallel_loop3A_2231, %parallel_loop3A_2230 : vector<16xi32>
      %parallel_loop3A_2233 = arith.constant 1 : i32
      %parallel_loop3A_2234 = arith.constant 0 : i32
      %parallel_loop3A_2235 = vector.broadcast %parallel_loop3A_2233 : i32 to vector<16xi32>
      %parallel_loop3A_2236 = vector.broadcast %parallel_loop3A_2234 : i32 to vector<16xi32>
      %parallel_loop3A_2237 = arith.select %parallel_loop3A_2232, %parallel_loop3A_2235, %parallel_loop3A_2236 : vector<16xi1>, vector<16xi32>
      %parallel_loop3A_2238 = arith.addi %parallel_loop3A_2228, %parallel_loop3A_2237 : vector<16xi32>
      %parallel_loop3A_2239 = arith.constant -1 : i32
      %parallel_loop3A_2240 = vector.broadcast %parallel_loop3A_2239 : i32 to vector<16xi32>
      %parallel_loop3A_2241 = arith.addi %parallel_loop3A_2238, %parallel_loop3A_2240 : vector<16xi32>
      %parallel_loop3A_2242 = arith.constant 24 : i32
      %parallel_loop3A_2243 = vector.broadcast %parallel_loop3A_2242 : i32 to vector<16xi32>
      %parallel_loop3A_2244 = arith.shrui %parallel_loop3A_2231, %parallel_loop3A_2243 : vector<16xi32>
      %parallel_loop3A_2245 = arith.constant 8 : i32
      %parallel_loop3A_2246 = vector.broadcast %parallel_loop3A_2245 : i32 to vector<16xi32>
      %parallel_loop3A_2247 = arith.shli %parallel_loop3A_2241, %parallel_loop3A_2246 : vector<16xi32>
      %parallel_loop3A_2248 = arith.ori %parallel_loop3A_2244, %parallel_loop3A_2247 : vector<16xi32>
      %parallel_loop3A_2249 = arith.constant 24 : i32
      %parallel_loop3A_2250 = vector.broadcast %parallel_loop3A_2249 : i32 to vector<16xi32>
      %parallel_loop3A_2251 = arith.shrui %parallel_loop3A_2241, %parallel_loop3A_2250 : vector<16xi32>
      %parallel_loop3A_2252 = arith.xori %parallel_loop3A_2231, %parallel_loop3A_2248 : vector<16xi32>
      %parallel_loop3A_2253 = arith.xori %parallel_loop3A_2241, %parallel_loop3A_2251 : vector<16xi32>
      %parallel_loop3A_2254 = arith.constant 65535 : i32
      %parallel_loop3A_2255 = vector.broadcast %parallel_loop3A_2254 : i32 to vector<16xi32>
      %parallel_loop3A_2256 = arith.andi %parallel_loop3A_2252, %parallel_loop3A_2255 : vector<16xi32>
      %parallel_loop3A_2257 = arith.constant 16 : i32
      %parallel_loop3A_2258 = vector.broadcast %parallel_loop3A_2257 : i32 to vector<16xi32>
      %parallel_loop3A_2259 = arith.shrui %parallel_loop3A_2252, %parallel_loop3A_2258 : vector<16xi32>
      %parallel_loop3A_2260 = arith.constant 265 : i32
      %parallel_loop3A_2261 = vector.broadcast %parallel_loop3A_2260 : i32 to vector<16xi32>
      %parallel_loop3A_2262 = arith.muli %parallel_loop3A_2256, %parallel_loop3A_2261 : vector<16xi32>
      %parallel_loop3A_2263 = arith.constant 265 : i32
      %parallel_loop3A_2264 = vector.broadcast %parallel_loop3A_2263 : i32 to vector<16xi32>
      %parallel_loop3A_2265 = arith.muli %parallel_loop3A_2259, %parallel_loop3A_2264 : vector<16xi32>
      %parallel_loop3A_2266 = arith.constant 16 : i32
      %parallel_loop3A_2267 = vector.broadcast %parallel_loop3A_2266 : i32 to vector<16xi32>
      %parallel_loop3A_2268 = arith.shli %parallel_loop3A_2265, %parallel_loop3A_2267 : vector<16xi32>
      %parallel_loop3A_2269 = arith.addi %parallel_loop3A_2268, %parallel_loop3A_2262 : vector<16xi32>
      %parallel_loop3A_2270 = arith.constant 16 : i32
      %parallel_loop3A_2271 = vector.broadcast %parallel_loop3A_2270 : i32 to vector<16xi32>
      %parallel_loop3A_2272 = arith.shrui %parallel_loop3A_2262, %parallel_loop3A_2271 : vector<16xi32>
      %parallel_loop3A_2273 = arith.addi %parallel_loop3A_2265, %parallel_loop3A_2272 : vector<16xi32>
      %parallel_loop3A_2274 = arith.constant 16 : i32
      %parallel_loop3A_2275 = vector.broadcast %parallel_loop3A_2274 : i32 to vector<16xi32>
      %parallel_loop3A_2276 = arith.shrui %parallel_loop3A_2273, %parallel_loop3A_2275 : vector<16xi32>
      %parallel_loop3A_2277 = arith.constant 65535 : i32
      %parallel_loop3A_2278 = vector.broadcast %parallel_loop3A_2277 : i32 to vector<16xi32>
      %parallel_loop3A_2279 = arith.andi %parallel_loop3A_2253, %parallel_loop3A_2278 : vector<16xi32>
      %parallel_loop3A_2280 = arith.constant 16 : i32
      %parallel_loop3A_2281 = vector.broadcast %parallel_loop3A_2280 : i32 to vector<16xi32>
      %parallel_loop3A_2282 = arith.shrui %parallel_loop3A_2253, %parallel_loop3A_2281 : vector<16xi32>
      %parallel_loop3A_2283 = arith.constant 265 : i32
      %parallel_loop3A_2284 = vector.broadcast %parallel_loop3A_2283 : i32 to vector<16xi32>
      %parallel_loop3A_2285 = arith.muli %parallel_loop3A_2282, %parallel_loop3A_2284 : vector<16xi32>
      %parallel_loop3A_2286 = arith.constant 16 : i32
      %parallel_loop3A_2287 = vector.broadcast %parallel_loop3A_2286 : i32 to vector<16xi32>
      %parallel_loop3A_2288 = arith.shli %parallel_loop3A_2285, %parallel_loop3A_2287 : vector<16xi32>
      %parallel_loop3A_2289 = arith.constant 265 : i32
      %parallel_loop3A_2290 = vector.broadcast %parallel_loop3A_2289 : i32 to vector<16xi32>
      %parallel_loop3A_2291 = arith.muli %parallel_loop3A_2279, %parallel_loop3A_2290 : vector<16xi32>
      %parallel_loop3A_2292 = arith.addi %parallel_loop3A_2288, %parallel_loop3A_2291 : vector<16xi32>
      %parallel_loop3A_2293 = arith.addi %parallel_loop3A_2292, %parallel_loop3A_2276 : vector<16xi32>
      %parallel_loop3A_2294 = arith.constant 14 : i32
      %parallel_loop3A_2295 = vector.broadcast %parallel_loop3A_2294 : i32 to vector<16xi32>
      %parallel_loop3A_2296 = arith.shrui %parallel_loop3A_2269, %parallel_loop3A_2295 : vector<16xi32>
      %parallel_loop3A_2297 = arith.constant 18 : i32
      %parallel_loop3A_2298 = vector.broadcast %parallel_loop3A_2297 : i32 to vector<16xi32>
      %parallel_loop3A_2299 = arith.shli %parallel_loop3A_2293, %parallel_loop3A_2298 : vector<16xi32>
      %parallel_loop3A_2300 = arith.ori %parallel_loop3A_2296, %parallel_loop3A_2299 : vector<16xi32>
      %parallel_loop3A_2301 = arith.constant 14 : i32
      %parallel_loop3A_2302 = vector.broadcast %parallel_loop3A_2301 : i32 to vector<16xi32>
      %parallel_loop3A_2303 = arith.shrui %parallel_loop3A_2293, %parallel_loop3A_2302 : vector<16xi32>
      %parallel_loop3A_2304 = arith.xori %parallel_loop3A_2269, %parallel_loop3A_2300 : vector<16xi32>
      %parallel_loop3A_2305 = arith.xori %parallel_loop3A_2293, %parallel_loop3A_2303 : vector<16xi32>
      %parallel_loop3A_2306 = arith.constant 65535 : i32
      %parallel_loop3A_2307 = vector.broadcast %parallel_loop3A_2306 : i32 to vector<16xi32>
      %parallel_loop3A_2308 = arith.andi %parallel_loop3A_2304, %parallel_loop3A_2307 : vector<16xi32>
      %parallel_loop3A_2309 = arith.constant 16 : i32
      %parallel_loop3A_2310 = vector.broadcast %parallel_loop3A_2309 : i32 to vector<16xi32>
      %parallel_loop3A_2311 = arith.shrui %parallel_loop3A_2304, %parallel_loop3A_2310 : vector<16xi32>
      %parallel_loop3A_2312 = arith.constant 21 : i32
      %parallel_loop3A_2313 = vector.broadcast %parallel_loop3A_2312 : i32 to vector<16xi32>
      %parallel_loop3A_2314 = arith.muli %parallel_loop3A_2308, %parallel_loop3A_2313 : vector<16xi32>
      %parallel_loop3A_2315 = arith.constant 21 : i32
      %parallel_loop3A_2316 = vector.broadcast %parallel_loop3A_2315 : i32 to vector<16xi32>
      %parallel_loop3A_2317 = arith.muli %parallel_loop3A_2311, %parallel_loop3A_2316 : vector<16xi32>
      %parallel_loop3A_2318 = arith.constant 16 : i32
      %parallel_loop3A_2319 = vector.broadcast %parallel_loop3A_2318 : i32 to vector<16xi32>
      %parallel_loop3A_2320 = arith.shli %parallel_loop3A_2317, %parallel_loop3A_2319 : vector<16xi32>
      %parallel_loop3A_2321 = arith.addi %parallel_loop3A_2320, %parallel_loop3A_2314 : vector<16xi32>
      %parallel_loop3A_2322 = arith.constant 16 : i32
      %parallel_loop3A_2323 = vector.broadcast %parallel_loop3A_2322 : i32 to vector<16xi32>
      %parallel_loop3A_2324 = arith.shrui %parallel_loop3A_2314, %parallel_loop3A_2323 : vector<16xi32>
      %parallel_loop3A_2325 = arith.addi %parallel_loop3A_2317, %parallel_loop3A_2324 : vector<16xi32>
      %parallel_loop3A_2326 = arith.constant 16 : i32
      %parallel_loop3A_2327 = vector.broadcast %parallel_loop3A_2326 : i32 to vector<16xi32>
      %parallel_loop3A_2328 = arith.shrui %parallel_loop3A_2325, %parallel_loop3A_2327 : vector<16xi32>
      %parallel_loop3A_2329 = arith.constant 65535 : i32
      %parallel_loop3A_2330 = vector.broadcast %parallel_loop3A_2329 : i32 to vector<16xi32>
      %parallel_loop3A_2331 = arith.andi %parallel_loop3A_2305, %parallel_loop3A_2330 : vector<16xi32>
      %parallel_loop3A_2332 = arith.constant 16 : i32
      %parallel_loop3A_2333 = vector.broadcast %parallel_loop3A_2332 : i32 to vector<16xi32>
      %parallel_loop3A_2334 = arith.shrui %parallel_loop3A_2305, %parallel_loop3A_2333 : vector<16xi32>
      %parallel_loop3A_2335 = arith.constant 21 : i32
      %parallel_loop3A_2336 = vector.broadcast %parallel_loop3A_2335 : i32 to vector<16xi32>
      %parallel_loop3A_2337 = arith.muli %parallel_loop3A_2334, %parallel_loop3A_2336 : vector<16xi32>
      %parallel_loop3A_2338 = arith.constant 16 : i32
      %parallel_loop3A_2339 = vector.broadcast %parallel_loop3A_2338 : i32 to vector<16xi32>
      %parallel_loop3A_2340 = arith.shli %parallel_loop3A_2337, %parallel_loop3A_2339 : vector<16xi32>
      %parallel_loop3A_2341 = arith.constant 21 : i32
      %parallel_loop3A_2342 = vector.broadcast %parallel_loop3A_2341 : i32 to vector<16xi32>
      %parallel_loop3A_2343 = arith.muli %parallel_loop3A_2331, %parallel_loop3A_2342 : vector<16xi32>
      %parallel_loop3A_2344 = arith.addi %parallel_loop3A_2340, %parallel_loop3A_2343 : vector<16xi32>
      %parallel_loop3A_2345 = arith.addi %parallel_loop3A_2344, %parallel_loop3A_2328 : vector<16xi32>
      %parallel_loop3A_2346 = arith.constant 28 : i32
      %parallel_loop3A_2347 = vector.broadcast %parallel_loop3A_2346 : i32 to vector<16xi32>
      %parallel_loop3A_2348 = arith.shrui %parallel_loop3A_2321, %parallel_loop3A_2347 : vector<16xi32>
      %parallel_loop3A_2349 = arith.constant 4 : i32
      %parallel_loop3A_2350 = vector.broadcast %parallel_loop3A_2349 : i32 to vector<16xi32>
      %parallel_loop3A_2351 = arith.shli %parallel_loop3A_2345, %parallel_loop3A_2350 : vector<16xi32>
      %parallel_loop3A_2352 = arith.ori %parallel_loop3A_2348, %parallel_loop3A_2351 : vector<16xi32>
      %parallel_loop3A_2353 = arith.constant 28 : i32
      %parallel_loop3A_2354 = vector.broadcast %parallel_loop3A_2353 : i32 to vector<16xi32>
      %parallel_loop3A_2355 = arith.shrui %parallel_loop3A_2345, %parallel_loop3A_2354 : vector<16xi32>
      %parallel_loop3A_2356 = arith.xori %parallel_loop3A_2321, %parallel_loop3A_2352 : vector<16xi32>
      %parallel_loop3A_2357 = arith.xori %parallel_loop3A_2345, %parallel_loop3A_2355 : vector<16xi32>
      %parallel_loop3A_2358 = arith.constant 31 : i32
      %parallel_loop3A_2359 = vector.broadcast %parallel_loop3A_2358 : i32 to vector<16xi32>
      %parallel_loop3A_2360 = arith.shli %parallel_loop3A_2356, %parallel_loop3A_2359 : vector<16xi32>
      %parallel_loop3A_2361 = arith.xori %parallel_loop3A_2356, %parallel_loop3A_2360 : vector<16xi32>
      %parallel_loop3A_2362 = arith.andi %parallel_loop3A_2356, %parallel_loop3A_2360 : vector<16xi32>
      %parallel_loop3A_2363 = arith.constant 31 : i32
      %parallel_loop3A_2364 = vector.broadcast %parallel_loop3A_2363 : i32 to vector<16xi32>
      %parallel_loop3A_2365 = arith.shrui %parallel_loop3A_2362, %parallel_loop3A_2364 : vector<16xi32>
      %parallel_loop3A_2366 = arith.constant 31 : i32
      %parallel_loop3A_2367 = vector.broadcast %parallel_loop3A_2366 : i32 to vector<16xi32>
      %parallel_loop3A_2368 = arith.shli %parallel_loop3A_2357, %parallel_loop3A_2367 : vector<16xi32>
      %parallel_loop3A_2369 = arith.constant 1 : i32
      %parallel_loop3A_2370 = vector.broadcast %parallel_loop3A_2369 : i32 to vector<16xi32>
      %parallel_loop3A_2371 = arith.shrui %parallel_loop3A_2356, %parallel_loop3A_2370 : vector<16xi32>
      %parallel_loop3A_2372 = arith.ori %parallel_loop3A_2368, %parallel_loop3A_2371 : vector<16xi32>
      %parallel_loop3A_2373 = arith.addi %parallel_loop3A_2357, %parallel_loop3A_2372 : vector<16xi32>
      %parallel_loop3A_2374 = arith.addi %parallel_loop3A_2373, %parallel_loop3A_2365 : vector<16xi32>
      %parallel_loop3A_2375 = arith.constant 63 : i32
      %parallel_loop3A_2376 = vector.broadcast %parallel_loop3A_2375 : i32 to vector<16xi32>
      %parallel_loop3A_2377 = arith.andi %parallel_loop3A_2361, %parallel_loop3A_2376 : vector<16xi32>
      %parallel_loop3A_2378 = arith.constant 6 : i32
      %parallel_loop3A_2379 = vector.broadcast %parallel_loop3A_2378 : i32 to vector<16xi32>
      %parallel_loop3A_2380 = arith.shrui %parallel_loop3A_2361, %parallel_loop3A_2379 : vector<16xi32>
      %parallel_loop3A_2381 = arith.constant 26 : i32
      %parallel_loop3A_2382 = vector.broadcast %parallel_loop3A_2381 : i32 to vector<16xi32>
      %parallel_loop3A_2383 = arith.shli %parallel_loop3A_2374, %parallel_loop3A_2382 : vector<16xi32>
      %parallel_loop3A_2384 = arith.ori %parallel_loop3A_2380, %parallel_loop3A_2383 : vector<16xi32>
      %parallel_loop3A_2385 = arith.constant 6 : i32
      %parallel_loop3A_2386 = vector.broadcast %parallel_loop3A_2385 : i32 to vector<16xi32>
      %parallel_loop3A_2387 = arith.shrui %parallel_loop3A_2374, %parallel_loop3A_2386 : vector<16xi32>
      %parallel_loop3A_2388 = arith.constant 65535 : i32
      %parallel_loop3A_2389 = vector.broadcast %parallel_loop3A_2388 : i32 to vector<16xi32>
      %parallel_loop3A_2390 = arith.andi %parallel_loop3A_2384, %parallel_loop3A_2389 : vector<16xi32>
      %parallel_loop3A_2391 = arith.constant 16 : i32
      %parallel_loop3A_2392 = vector.broadcast %parallel_loop3A_2391 : i32 to vector<16xi32>
      %parallel_loop3A_2393 = arith.shrui %parallel_loop3A_2384, %parallel_loop3A_2392 : vector<16xi32>
      %parallel_loop3A_2394 = arith.constant 65535 : i32
      %parallel_loop3A_2395 = vector.broadcast %parallel_loop3A_2394 : i32 to vector<16xi32>
      %parallel_loop3A_2396 = arith.andi %parallel_loop3A_2387, %parallel_loop3A_2395 : vector<16xi32>
      %parallel_loop3A_2397 = arith.constant 16 : i32
      %parallel_loop3A_2398 = vector.broadcast %parallel_loop3A_2397 : i32 to vector<16xi32>
      %parallel_loop3A_2399 = arith.shrui %parallel_loop3A_2387, %parallel_loop3A_2398 : vector<16xi32>
      %parallel_loop3A_2400 = arith.constant 3036 : i32
      %parallel_loop3A_2401 = vector.broadcast %parallel_loop3A_2400 : i32 to vector<16xi32>
      %parallel_loop3A_2402 = arith.muli %parallel_loop3A_2393, %parallel_loop3A_2401 : vector<16xi32>
      %parallel_loop3A_2403 = arith.addi %parallel_loop3A_2390, %parallel_loop3A_2402 : vector<16xi32>
      %parallel_loop3A_2404 = arith.constant 14171 : i32
      %parallel_loop3A_2405 = vector.broadcast %parallel_loop3A_2404 : i32 to vector<16xi32>
      %parallel_loop3A_2406 = arith.muli %parallel_loop3A_2396, %parallel_loop3A_2405 : vector<16xi32>
      %parallel_loop3A_2407 = arith.addi %parallel_loop3A_2403, %parallel_loop3A_2406 : vector<16xi32>
      %parallel_loop3A_2408 = arith.constant 7531 : i32
      %parallel_loop3A_2409 = vector.broadcast %parallel_loop3A_2408 : i32 to vector<16xi32>
      %parallel_loop3A_2410 = arith.muli %parallel_loop3A_2399, %parallel_loop3A_2409 : vector<16xi32>
      %parallel_loop3A_2411 = arith.addi %parallel_loop3A_2407, %parallel_loop3A_2410 : vector<16xi32>
      %parallel_loop3A_2412 = arith.sitofp %parallel_loop3A_2411 : vector<16xi32> to vector<16xf32>
      %parallel_loop3A_2413 = arith.constant 6.39999707E-5 : f32
      %parallel_loop3A_2414 = vector.broadcast %parallel_loop3A_2413 : f32 to vector<16xf32>
      %parallel_loop3A_2415 = arith.mulf %parallel_loop3A_2412, %parallel_loop3A_2414 : vector<16xf32>
      %parallel_loop3A_2416 = arith.fptosi %parallel_loop3A_2415 : vector<16xf32> to vector<16xi32>
      %parallel_loop3A_2417 = arith.constant 15625 : i32
      %parallel_loop3A_2418 = vector.broadcast %parallel_loop3A_2417 : i32 to vector<16xi32>
      %parallel_loop3A_2419 = arith.muli %parallel_loop3A_2416, %parallel_loop3A_2418 : vector<16xi32>
      %parallel_loop3A_2420 = arith.subi %parallel_loop3A_2411, %parallel_loop3A_2419 : vector<16xi32>
      %parallel_loop3A_2421 = arith.constant 15625 : i32
      %parallel_loop3A_2422 = vector.broadcast %parallel_loop3A_2421 : i32 to vector<16xi32>
      %parallel_loop3A_2423 = arith.subi %parallel_loop3A_2420, %parallel_loop3A_2422 : vector<16xi32>
      %parallel_loop3A_2424 = arith.constant 31 : i32
      %parallel_loop3A_2425 = vector.broadcast %parallel_loop3A_2424 : i32 to vector<16xi32>
      %parallel_loop3A_2426 = arith.shrsi %parallel_loop3A_2423, %parallel_loop3A_2425 : vector<16xi32>
      %parallel_loop3A_2427 = arith.constant 15625 : i32
      %parallel_loop3A_2428 = vector.broadcast %parallel_loop3A_2427 : i32 to vector<16xi32>
      %parallel_loop3A_2429 = arith.andi %parallel_loop3A_2426, %parallel_loop3A_2428 : vector<16xi32>
      %parallel_loop3A_2430 = arith.addi %parallel_loop3A_2423, %parallel_loop3A_2429 : vector<16xi32>
      %parallel_loop3A_2431 = arith.constant 6 : i32
      %parallel_loop3A_2432 = vector.broadcast %parallel_loop3A_2431 : i32 to vector<16xi32>
      %parallel_loop3A_2433 = arith.shli %parallel_loop3A_2430, %parallel_loop3A_2432 : vector<16xi32>
      %parallel_loop3A_2434 = arith.ori %parallel_loop3A_2433, %parallel_loop3A_2377 : vector<16xi32>
      %parallel_loop3A_2435 = arith.index_cast %parallel_loop3A_8 : i32 to index
      %parallel_loop3A_2436 = arith.constant 160 : index
      %parallel_loop3A_2437 = tpu.vector_load %arg4[%parallel_loop3A_2435, %parallel_loop3A_2436] {strides = array<i32>} : memref<96x200xi32, #tpu.memory_space<vmem>>, vector<1x16xi32>,
      %parallel_loop3A_2438 = vector.shape_cast %parallel_loop3A_2437 : vector<1x16xi32> to vector<16xi32>
      %parallel_loop3A_2439 = vector.shape_cast %parallel_loop3A_2434 : vector<16xi32> to vector<1x16xi32>
      tpu.vector_store %arg4[%parallel_loop3A_2435, %parallel_loop3A_2436], %parallel_loop3A_2439 {strides = array<i32>} : memref<96x200xi32, #tpu.memory_space<vmem>>, vector<1x16xi32>,
      %parallel_loop3A_2440 = arith.index_cast %parallel_loop3A_8 : i32 to index
      %parallel_loop3A_2441 = arith.constant 176 : index
      %parallel_loop3A_2442 = tpu.vector_load %arg4[%parallel_loop3A_2440, %parallel_loop3A_2441] {strides = array<i32>} : memref<96x200xi32, #tpu.memory_space<vmem>>, vector<1x16xi32>,
      %parallel_loop3A_2443 = vector.shape_cast %parallel_loop3A_2442 : vector<1x16xi32> to vector<16xi32>
      %parallel_loop3A_2444 = arith.constant 21 : i32
      %parallel_loop3A_2445 = vector.broadcast %parallel_loop3A_2444 : i32 to vector<16xi32>
      %parallel_loop3A_2446 = arith.shli %parallel_loop3A_2443, %parallel_loop3A_2445 : vector<16xi32>
      %parallel_loop3A_2447 = arith.constant 11 : i32
      %parallel_loop3A_2448 = vector.broadcast %parallel_loop3A_2447 : i32 to vector<16xi32>
      %parallel_loop3A_2449 = arith.shrui %parallel_loop3A_2443, %parallel_loop3A_2448 : vector<16xi32>
      %parallel_loop3A_2450 = arith.constant dense<-1> : vector<16xi32>
      %parallel_loop3A_2451 = arith.xori %parallel_loop3A_2443, %parallel_loop3A_2450 : vector<16xi32>
      %parallel_loop3A_2452 = arith.addi %parallel_loop3A_2451, %parallel_loop3A_2446 : vector<16xi32>
      %parallel_loop3A_2453 = arith.cmpi ult, %parallel_loop3A_2452, %parallel_loop3A_2451 : vector<16xi32>
      %parallel_loop3A_2454 = arith.constant 1 : i32
      %parallel_loop3A_2455 = arith.constant 0 : i32
      %parallel_loop3A_2456 = vector.broadcast %parallel_loop3A_2454 : i32 to vector<16xi32>
      %parallel_loop3A_2457 = vector.broadcast %parallel_loop3A_2455 : i32 to vector<16xi32>
      %parallel_loop3A_2458 = arith.select %parallel_loop3A_2453, %parallel_loop3A_2456, %parallel_loop3A_2457 : vector<16xi1>, vector<16xi32>
      %parallel_loop3A_2459 = arith.addi %parallel_loop3A_2449, %parallel_loop3A_2458 : vector<16xi32>
      %parallel_loop3A_2460 = arith.constant -1 : i32
      %parallel_loop3A_2461 = vector.broadcast %parallel_loop3A_2460 : i32 to vector<16xi32>
      %parallel_loop3A_2462 = arith.addi %parallel_loop3A_2459, %parallel_loop3A_2461 : vector<16xi32>
      %parallel_loop3A_2463 = arith.constant 24 : i32
      %parallel_loop3A_2464 = vector.broadcast %parallel_loop3A_2463 : i32 to vector<16xi32>
      %parallel_loop3A_2465 = arith.shrui %parallel_loop3A_2452, %parallel_loop3A_2464 : vector<16xi32>
      %parallel_loop3A_2466 = arith.constant 8 : i32
      %parallel_loop3A_2467 = vector.broadcast %parallel_loop3A_2466 : i32 to vector<16xi32>
      %parallel_loop3A_2468 = arith.shli %parallel_loop3A_2462, %parallel_loop3A_2467 : vector<16xi32>
      %parallel_loop3A_2469 = arith.ori %parallel_loop3A_2465, %parallel_loop3A_2468 : vector<16xi32>
      %parallel_loop3A_2470 = arith.constant 24 : i32
      %parallel_loop3A_2471 = vector.broadcast %parallel_loop3A_2470 : i32 to vector<16xi32>
      %parallel_loop3A_2472 = arith.shrui %parallel_loop3A_2462, %parallel_loop3A_2471 : vector<16xi32>
      %parallel_loop3A_2473 = arith.xori %parallel_loop3A_2452, %parallel_loop3A_2469 : vector<16xi32>
      %parallel_loop3A_2474 = arith.xori %parallel_loop3A_2462, %parallel_loop3A_2472 : vector<16xi32>
      %parallel_loop3A_2475 = arith.constant 65535 : i32
      %parallel_loop3A_2476 = vector.broadcast %parallel_loop3A_2475 : i32 to vector<16xi32>
      %parallel_loop3A_2477 = arith.andi %parallel_loop3A_2473, %parallel_loop3A_2476 : vector<16xi32>
      %parallel_loop3A_2478 = arith.constant 16 : i32
      %parallel_loop3A_2479 = vector.broadcast %parallel_loop3A_2478 : i32 to vector<16xi32>
      %parallel_loop3A_2480 = arith.shrui %parallel_loop3A_2473, %parallel_loop3A_2479 : vector<16xi32>
      %parallel_loop3A_2481 = arith.constant 265 : i32
      %parallel_loop3A_2482 = vector.broadcast %parallel_loop3A_2481 : i32 to vector<16xi32>
      %parallel_loop3A_2483 = arith.muli %parallel_loop3A_2477, %parallel_loop3A_2482 : vector<16xi32>
      %parallel_loop3A_2484 = arith.constant 265 : i32
      %parallel_loop3A_2485 = vector.broadcast %parallel_loop3A_2484 : i32 to vector<16xi32>
      %parallel_loop3A_2486 = arith.muli %parallel_loop3A_2480, %parallel_loop3A_2485 : vector<16xi32>
      %parallel_loop3A_2487 = arith.constant 16 : i32
      %parallel_loop3A_2488 = vector.broadcast %parallel_loop3A_2487 : i32 to vector<16xi32>
      %parallel_loop3A_2489 = arith.shli %parallel_loop3A_2486, %parallel_loop3A_2488 : vector<16xi32>
      %parallel_loop3A_2490 = arith.addi %parallel_loop3A_2489, %parallel_loop3A_2483 : vector<16xi32>
      %parallel_loop3A_2491 = arith.constant 16 : i32
      %parallel_loop3A_2492 = vector.broadcast %parallel_loop3A_2491 : i32 to vector<16xi32>
      %parallel_loop3A_2493 = arith.shrui %parallel_loop3A_2483, %parallel_loop3A_2492 : vector<16xi32>
      %parallel_loop3A_2494 = arith.addi %parallel_loop3A_2486, %parallel_loop3A_2493 : vector<16xi32>
      %parallel_loop3A_2495 = arith.constant 16 : i32
      %parallel_loop3A_2496 = vector.broadcast %parallel_loop3A_2495 : i32 to vector<16xi32>
      %parallel_loop3A_2497 = arith.shrui %parallel_loop3A_2494, %parallel_loop3A_2496 : vector<16xi32>
      %parallel_loop3A_2498 = arith.constant 65535 : i32
      %parallel_loop3A_2499 = vector.broadcast %parallel_loop3A_2498 : i32 to vector<16xi32>
      %parallel_loop3A_2500 = arith.andi %parallel_loop3A_2474, %parallel_loop3A_2499 : vector<16xi32>
      %parallel_loop3A_2501 = arith.constant 16 : i32
      %parallel_loop3A_2502 = vector.broadcast %parallel_loop3A_2501 : i32 to vector<16xi32>
      %parallel_loop3A_2503 = arith.shrui %parallel_loop3A_2474, %parallel_loop3A_2502 : vector<16xi32>
      %parallel_loop3A_2504 = arith.constant 265 : i32
      %parallel_loop3A_2505 = vector.broadcast %parallel_loop3A_2504 : i32 to vector<16xi32>
      %parallel_loop3A_2506 = arith.muli %parallel_loop3A_2503, %parallel_loop3A_2505 : vector<16xi32>
      %parallel_loop3A_2507 = arith.constant 16 : i32
      %parallel_loop3A_2508 = vector.broadcast %parallel_loop3A_2507 : i32 to vector<16xi32>
      %parallel_loop3A_2509 = arith.shli %parallel_loop3A_2506, %parallel_loop3A_2508 : vector<16xi32>
      %parallel_loop3A_2510 = arith.constant 265 : i32
      %parallel_loop3A_2511 = vector.broadcast %parallel_loop3A_2510 : i32 to vector<16xi32>
      %parallel_loop3A_2512 = arith.muli %parallel_loop3A_2500, %parallel_loop3A_2511 : vector<16xi32>
      %parallel_loop3A_2513 = arith.addi %parallel_loop3A_2509, %parallel_loop3A_2512 : vector<16xi32>
      %parallel_loop3A_2514 = arith.addi %parallel_loop3A_2513, %parallel_loop3A_2497 : vector<16xi32>
      %parallel_loop3A_2515 = arith.constant 14 : i32
      %parallel_loop3A_2516 = vector.broadcast %parallel_loop3A_2515 : i32 to vector<16xi32>
      %parallel_loop3A_2517 = arith.shrui %parallel_loop3A_2490, %parallel_loop3A_2516 : vector<16xi32>
      %parallel_loop3A_2518 = arith.constant 18 : i32
      %parallel_loop3A_2519 = vector.broadcast %parallel_loop3A_2518 : i32 to vector<16xi32>
      %parallel_loop3A_2520 = arith.shli %parallel_loop3A_2514, %parallel_loop3A_2519 : vector<16xi32>
      %parallel_loop3A_2521 = arith.ori %parallel_loop3A_2517, %parallel_loop3A_2520 : vector<16xi32>
      %parallel_loop3A_2522 = arith.constant 14 : i32
      %parallel_loop3A_2523 = vector.broadcast %parallel_loop3A_2522 : i32 to vector<16xi32>
      %parallel_loop3A_2524 = arith.shrui %parallel_loop3A_2514, %parallel_loop3A_2523 : vector<16xi32>
      %parallel_loop3A_2525 = arith.xori %parallel_loop3A_2490, %parallel_loop3A_2521 : vector<16xi32>
      %parallel_loop3A_2526 = arith.xori %parallel_loop3A_2514, %parallel_loop3A_2524 : vector<16xi32>
      %parallel_loop3A_2527 = arith.constant 65535 : i32
      %parallel_loop3A_2528 = vector.broadcast %parallel_loop3A_2527 : i32 to vector<16xi32>
      %parallel_loop3A_2529 = arith.andi %parallel_loop3A_2525, %parallel_loop3A_2528 : vector<16xi32>
      %parallel_loop3A_2530 = arith.constant 16 : i32
      %parallel_loop3A_2531 = vector.broadcast %parallel_loop3A_2530 : i32 to vector<16xi32>
      %parallel_loop3A_2532 = arith.shrui %parallel_loop3A_2525, %parallel_loop3A_2531 : vector<16xi32>
      %parallel_loop3A_2533 = arith.constant 21 : i32
      %parallel_loop3A_2534 = vector.broadcast %parallel_loop3A_2533 : i32 to vector<16xi32>
      %parallel_loop3A_2535 = arith.muli %parallel_loop3A_2529, %parallel_loop3A_2534 : vector<16xi32>
      %parallel_loop3A_2536 = arith.constant 21 : i32
      %parallel_loop3A_2537 = vector.broadcast %parallel_loop3A_2536 : i32 to vector<16xi32>
      %parallel_loop3A_2538 = arith.muli %parallel_loop3A_2532, %parallel_loop3A_2537 : vector<16xi32>
      %parallel_loop3A_2539 = arith.constant 16 : i32
      %parallel_loop3A_2540 = vector.broadcast %parallel_loop3A_2539 : i32 to vector<16xi32>
      %parallel_loop3A_2541 = arith.shli %parallel_loop3A_2538, %parallel_loop3A_2540 : vector<16xi32>
      %parallel_loop3A_2542 = arith.addi %parallel_loop3A_2541, %parallel_loop3A_2535 : vector<16xi32>
      %parallel_loop3A_2543 = arith.constant 16 : i32
      %parallel_loop3A_2544 = vector.broadcast %parallel_loop3A_2543 : i32 to vector<16xi32>
      %parallel_loop3A_2545 = arith.shrui %parallel_loop3A_2535, %parallel_loop3A_2544 : vector<16xi32>
      %parallel_loop3A_2546 = arith.addi %parallel_loop3A_2538, %parallel_loop3A_2545 : vector<16xi32>
      %parallel_loop3A_2547 = arith.constant 16 : i32
      %parallel_loop3A_2548 = vector.broadcast %parallel_loop3A_2547 : i32 to vector<16xi32>
      %parallel_loop3A_2549 = arith.shrui %parallel_loop3A_2546, %parallel_loop3A_2548 : vector<16xi32>
      %parallel_loop3A_2550 = arith.constant 65535 : i32
      %parallel_loop3A_2551 = vector.broadcast %parallel_loop3A_2550 : i32 to vector<16xi32>
      %parallel_loop3A_2552 = arith.andi %parallel_loop3A_2526, %parallel_loop3A_2551 : vector<16xi32>
      %parallel_loop3A_2553 = arith.constant 16 : i32
      %parallel_loop3A_2554 = vector.broadcast %parallel_loop3A_2553 : i32 to vector<16xi32>
      %parallel_loop3A_2555 = arith.shrui %parallel_loop3A_2526, %parallel_loop3A_2554 : vector<16xi32>
      %parallel_loop3A_2556 = arith.constant 21 : i32
      %parallel_loop3A_2557 = vector.broadcast %parallel_loop3A_2556 : i32 to vector<16xi32>
      %parallel_loop3A_2558 = arith.muli %parallel_loop3A_2555, %parallel_loop3A_2557 : vector<16xi32>
      %parallel_loop3A_2559 = arith.constant 16 : i32
      %parallel_loop3A_2560 = vector.broadcast %parallel_loop3A_2559 : i32 to vector<16xi32>
      %parallel_loop3A_2561 = arith.shli %parallel_loop3A_2558, %parallel_loop3A_2560 : vector<16xi32>
      %parallel_loop3A_2562 = arith.constant 21 : i32
      %parallel_loop3A_2563 = vector.broadcast %parallel_loop3A_2562 : i32 to vector<16xi32>
      %parallel_loop3A_2564 = arith.muli %parallel_loop3A_2552, %parallel_loop3A_2563 : vector<16xi32>
      %parallel_loop3A_2565 = arith.addi %parallel_loop3A_2561, %parallel_loop3A_2564 : vector<16xi32>
      %parallel_loop3A_2566 = arith.addi %parallel_loop3A_2565, %parallel_loop3A_2549 : vector<16xi32>
      %parallel_loop3A_2567 = arith.constant 28 : i32
      %parallel_loop3A_2568 = vector.broadcast %parallel_loop3A_2567 : i32 to vector<16xi32>
      %parallel_loop3A_2569 = arith.shrui %parallel_loop3A_2542, %parallel_loop3A_2568 : vector<16xi32>
      %parallel_loop3A_2570 = arith.constant 4 : i32
      %parallel_loop3A_2571 = vector.broadcast %parallel_loop3A_2570 : i32 to vector<16xi32>
      %parallel_loop3A_2572 = arith.shli %parallel_loop3A_2566, %parallel_loop3A_2571 : vector<16xi32>
      %parallel_loop3A_2573 = arith.ori %parallel_loop3A_2569, %parallel_loop3A_2572 : vector<16xi32>
      %parallel_loop3A_2574 = arith.constant 28 : i32
      %parallel_loop3A_2575 = vector.broadcast %parallel_loop3A_2574 : i32 to vector<16xi32>
      %parallel_loop3A_2576 = arith.shrui %parallel_loop3A_2566, %parallel_loop3A_2575 : vector<16xi32>
      %parallel_loop3A_2577 = arith.xori %parallel_loop3A_2542, %parallel_loop3A_2573 : vector<16xi32>
      %parallel_loop3A_2578 = arith.xori %parallel_loop3A_2566, %parallel_loop3A_2576 : vector<16xi32>
      %parallel_loop3A_2579 = arith.constant 31 : i32
      %parallel_loop3A_2580 = vector.broadcast %parallel_loop3A_2579 : i32 to vector<16xi32>
      %parallel_loop3A_2581 = arith.shli %parallel_loop3A_2577, %parallel_loop3A_2580 : vector<16xi32>
      %parallel_loop3A_2582 = arith.xori %parallel_loop3A_2577, %parallel_loop3A_2581 : vector<16xi32>
      %parallel_loop3A_2583 = arith.andi %parallel_loop3A_2577, %parallel_loop3A_2581 : vector<16xi32>
      %parallel_loop3A_2584 = arith.constant 31 : i32
      %parallel_loop3A_2585 = vector.broadcast %parallel_loop3A_2584 : i32 to vector<16xi32>
      %parallel_loop3A_2586 = arith.shrui %parallel_loop3A_2583, %parallel_loop3A_2585 : vector<16xi32>
      %parallel_loop3A_2587 = arith.constant 31 : i32
      %parallel_loop3A_2588 = vector.broadcast %parallel_loop3A_2587 : i32 to vector<16xi32>
      %parallel_loop3A_2589 = arith.shli %parallel_loop3A_2578, %parallel_loop3A_2588 : vector<16xi32>
      %parallel_loop3A_2590 = arith.constant 1 : i32
      %parallel_loop3A_2591 = vector.broadcast %parallel_loop3A_2590 : i32 to vector<16xi32>
      %parallel_loop3A_2592 = arith.shrui %parallel_loop3A_2577, %parallel_loop3A_2591 : vector<16xi32>
      %parallel_loop3A_2593 = arith.ori %parallel_loop3A_2589, %parallel_loop3A_2592 : vector<16xi32>
      %parallel_loop3A_2594 = arith.addi %parallel_loop3A_2578, %parallel_loop3A_2593 : vector<16xi32>
      %parallel_loop3A_2595 = arith.addi %parallel_loop3A_2594, %parallel_loop3A_2586 : vector<16xi32>
      %parallel_loop3A_2596 = arith.constant 63 : i32
      %parallel_loop3A_2597 = vector.broadcast %parallel_loop3A_2596 : i32 to vector<16xi32>
      %parallel_loop3A_2598 = arith.andi %parallel_loop3A_2582, %parallel_loop3A_2597 : vector<16xi32>
      %parallel_loop3A_2599 = arith.constant 6 : i32
      %parallel_loop3A_2600 = vector.broadcast %parallel_loop3A_2599 : i32 to vector<16xi32>
      %parallel_loop3A_2601 = arith.shrui %parallel_loop3A_2582, %parallel_loop3A_2600 : vector<16xi32>
      %parallel_loop3A_2602 = arith.constant 26 : i32
      %parallel_loop3A_2603 = vector.broadcast %parallel_loop3A_2602 : i32 to vector<16xi32>
      %parallel_loop3A_2604 = arith.shli %parallel_loop3A_2595, %parallel_loop3A_2603 : vector<16xi32>
      %parallel_loop3A_2605 = arith.ori %parallel_loop3A_2601, %parallel_loop3A_2604 : vector<16xi32>
      %parallel_loop3A_2606 = arith.constant 6 : i32
      %parallel_loop3A_2607 = vector.broadcast %parallel_loop3A_2606 : i32 to vector<16xi32>
      %parallel_loop3A_2608 = arith.shrui %parallel_loop3A_2595, %parallel_loop3A_2607 : vector<16xi32>
      %parallel_loop3A_2609 = arith.constant 65535 : i32
      %parallel_loop3A_2610 = vector.broadcast %parallel_loop3A_2609 : i32 to vector<16xi32>
      %parallel_loop3A_2611 = arith.andi %parallel_loop3A_2605, %parallel_loop3A_2610 : vector<16xi32>
      %parallel_loop3A_2612 = arith.constant 16 : i32
      %parallel_loop3A_2613 = vector.broadcast %parallel_loop3A_2612 : i32 to vector<16xi32>
      %parallel_loop3A_2614 = arith.shrui %parallel_loop3A_2605, %parallel_loop3A_2613 : vector<16xi32>
      %parallel_loop3A_2615 = arith.constant 65535 : i32
      %parallel_loop3A_2616 = vector.broadcast %parallel_loop3A_2615 : i32 to vector<16xi32>
      %parallel_loop3A_2617 = arith.andi %parallel_loop3A_2608, %parallel_loop3A_2616 : vector<16xi32>
      %parallel_loop3A_2618 = arith.constant 16 : i32
      %parallel_loop3A_2619 = vector.broadcast %parallel_loop3A_2618 : i32 to vector<16xi32>
      %parallel_loop3A_2620 = arith.shrui %parallel_loop3A_2608, %parallel_loop3A_2619 : vector<16xi32>
      %parallel_loop3A_2621 = arith.constant 3036 : i32
      %parallel_loop3A_2622 = vector.broadcast %parallel_loop3A_2621 : i32 to vector<16xi32>
      %parallel_loop3A_2623 = arith.muli %parallel_loop3A_2614, %parallel_loop3A_2622 : vector<16xi32>
      %parallel_loop3A_2624 = arith.addi %parallel_loop3A_2611, %parallel_loop3A_2623 : vector<16xi32>
      %parallel_loop3A_2625 = arith.constant 14171 : i32
      %parallel_loop3A_2626 = vector.broadcast %parallel_loop3A_2625 : i32 to vector<16xi32>
      %parallel_loop3A_2627 = arith.muli %parallel_loop3A_2617, %parallel_loop3A_2626 : vector<16xi32>
      %parallel_loop3A_2628 = arith.addi %parallel_loop3A_2624, %parallel_loop3A_2627 : vector<16xi32>
      %parallel_loop3A_2629 = arith.constant 7531 : i32
      %parallel_loop3A_2630 = vector.broadcast %parallel_loop3A_2629 : i32 to vector<16xi32>
      %parallel_loop3A_2631 = arith.muli %parallel_loop3A_2620, %parallel_loop3A_2630 : vector<16xi32>
      %parallel_loop3A_2632 = arith.addi %parallel_loop3A_2628, %parallel_loop3A_2631 : vector<16xi32>
      %parallel_loop3A_2633 = arith.sitofp %parallel_loop3A_2632 : vector<16xi32> to vector<16xf32>
      %parallel_loop3A_2634 = arith.constant 6.39999707E-5 : f32
      %parallel_loop3A_2635 = vector.broadcast %parallel_loop3A_2634 : f32 to vector<16xf32>
      %parallel_loop3A_2636 = arith.mulf %parallel_loop3A_2633, %parallel_loop3A_2635 : vector<16xf32>
      %parallel_loop3A_2637 = arith.fptosi %parallel_loop3A_2636 : vector<16xf32> to vector<16xi32>
      %parallel_loop3A_2638 = arith.constant 15625 : i32
      %parallel_loop3A_2639 = vector.broadcast %parallel_loop3A_2638 : i32 to vector<16xi32>
      %parallel_loop3A_2640 = arith.muli %parallel_loop3A_2637, %parallel_loop3A_2639 : vector<16xi32>
      %parallel_loop3A_2641 = arith.subi %parallel_loop3A_2632, %parallel_loop3A_2640 : vector<16xi32>
      %parallel_loop3A_2642 = arith.constant 15625 : i32
      %parallel_loop3A_2643 = vector.broadcast %parallel_loop3A_2642 : i32 to vector<16xi32>
      %parallel_loop3A_2644 = arith.subi %parallel_loop3A_2641, %parallel_loop3A_2643 : vector<16xi32>
      %parallel_loop3A_2645 = arith.constant 31 : i32
      %parallel_loop3A_2646 = vector.broadcast %parallel_loop3A_2645 : i32 to vector<16xi32>
      %parallel_loop3A_2647 = arith.shrsi %parallel_loop3A_2644, %parallel_loop3A_2646 : vector<16xi32>
      %parallel_loop3A_2648 = arith.constant 15625 : i32
      %parallel_loop3A_2649 = vector.broadcast %parallel_loop3A_2648 : i32 to vector<16xi32>
      %parallel_loop3A_2650 = arith.andi %parallel_loop3A_2647, %parallel_loop3A_2649 : vector<16xi32>
      %parallel_loop3A_2651 = arith.addi %parallel_loop3A_2644, %parallel_loop3A_2650 : vector<16xi32>
      %parallel_loop3A_2652 = arith.constant 6 : i32
      %parallel_loop3A_2653 = vector.broadcast %parallel_loop3A_2652 : i32 to vector<16xi32>
      %parallel_loop3A_2654 = arith.shli %parallel_loop3A_2651, %parallel_loop3A_2653 : vector<16xi32>
      %parallel_loop3A_2655 = arith.ori %parallel_loop3A_2654, %parallel_loop3A_2598 : vector<16xi32>
      %parallel_loop3A_2656 = arith.index_cast %parallel_loop3A_8 : i32 to index
      %parallel_loop3A_2657 = arith.constant 184 : index
      %parallel_loop3A_2658 = tpu.vector_load %arg4[%parallel_loop3A_2656, %parallel_loop3A_2657] {strides = array<i32>} : memref<96x200xi32, #tpu.memory_space<vmem>>, vector<1x16xi32>,
      %parallel_loop3A_2659 = vector.shape_cast %parallel_loop3A_2658 : vector<1x16xi32> to vector<16xi32>
      %parallel_loop3A_2660 = arith.constant 21 : i32
      %parallel_loop3A_2661 = vector.broadcast %parallel_loop3A_2660 : i32 to vector<16xi32>
      %parallel_loop3A_2662 = arith.shli %parallel_loop3A_2659, %parallel_loop3A_2661 : vector<16xi32>
      %parallel_loop3A_2663 = arith.constant 11 : i32
      %parallel_loop3A_2664 = vector.broadcast %parallel_loop3A_2663 : i32 to vector<16xi32>
      %parallel_loop3A_2665 = arith.shrui %parallel_loop3A_2659, %parallel_loop3A_2664 : vector<16xi32>
      %parallel_loop3A_2666 = arith.constant dense<-1> : vector<16xi32>
      %parallel_loop3A_2667 = arith.xori %parallel_loop3A_2659, %parallel_loop3A_2666 : vector<16xi32>
      %parallel_loop3A_2668 = arith.addi %parallel_loop3A_2667, %parallel_loop3A_2662 : vector<16xi32>
      %parallel_loop3A_2669 = arith.cmpi ult, %parallel_loop3A_2668, %parallel_loop3A_2667 : vector<16xi32>
      %parallel_loop3A_2670 = arith.constant 1 : i32
      %parallel_loop3A_2671 = arith.constant 0 : i32
      %parallel_loop3A_2672 = vector.broadcast %parallel_loop3A_2670 : i32 to vector<16xi32>
      %parallel_loop3A_2673 = vector.broadcast %parallel_loop3A_2671 : i32 to vector<16xi32>
      %parallel_loop3A_2674 = arith.select %parallel_loop3A_2669, %parallel_loop3A_2672, %parallel_loop3A_2673 : vector<16xi1>, vector<16xi32>
      %parallel_loop3A_2675 = arith.addi %parallel_loop3A_2665, %parallel_loop3A_2674 : vector<16xi32>
      %parallel_loop3A_2676 = arith.constant -1 : i32
      %parallel_loop3A_2677 = vector.broadcast %parallel_loop3A_2676 : i32 to vector<16xi32>
      %parallel_loop3A_2678 = arith.addi %parallel_loop3A_2675, %parallel_loop3A_2677 : vector<16xi32>
      %parallel_loop3A_2679 = arith.constant 24 : i32
      %parallel_loop3A_2680 = vector.broadcast %parallel_loop3A_2679 : i32 to vector<16xi32>
      %parallel_loop3A_2681 = arith.shrui %parallel_loop3A_2668, %parallel_loop3A_2680 : vector<16xi32>
      %parallel_loop3A_2682 = arith.constant 8 : i32
      %parallel_loop3A_2683 = vector.broadcast %parallel_loop3A_2682 : i32 to vector<16xi32>
      %parallel_loop3A_2684 = arith.shli %parallel_loop3A_2678, %parallel_loop3A_2683 : vector<16xi32>
      %parallel_loop3A_2685 = arith.ori %parallel_loop3A_2681, %parallel_loop3A_2684 : vector<16xi32>
      %parallel_loop3A_2686 = arith.constant 24 : i32
      %parallel_loop3A_2687 = vector.broadcast %parallel_loop3A_2686 : i32 to vector<16xi32>
      %parallel_loop3A_2688 = arith.shrui %parallel_loop3A_2678, %parallel_loop3A_2687 : vector<16xi32>
      %parallel_loop3A_2689 = arith.xori %parallel_loop3A_2668, %parallel_loop3A_2685 : vector<16xi32>
      %parallel_loop3A_2690 = arith.xori %parallel_loop3A_2678, %parallel_loop3A_2688 : vector<16xi32>
      %parallel_loop3A_2691 = arith.constant 65535 : i32
      %parallel_loop3A_2692 = vector.broadcast %parallel_loop3A_2691 : i32 to vector<16xi32>
      %parallel_loop3A_2693 = arith.andi %parallel_loop3A_2689, %parallel_loop3A_2692 : vector<16xi32>
      %parallel_loop3A_2694 = arith.constant 16 : i32
      %parallel_loop3A_2695 = vector.broadcast %parallel_loop3A_2694 : i32 to vector<16xi32>
      %parallel_loop3A_2696 = arith.shrui %parallel_loop3A_2689, %parallel_loop3A_2695 : vector<16xi32>
      %parallel_loop3A_2697 = arith.constant 265 : i32
      %parallel_loop3A_2698 = vector.broadcast %parallel_loop3A_2697 : i32 to vector<16xi32>
      %parallel_loop3A_2699 = arith.muli %parallel_loop3A_2693, %parallel_loop3A_2698 : vector<16xi32>
      %parallel_loop3A_2700 = arith.constant 265 : i32
      %parallel_loop3A_2701 = vector.broadcast %parallel_loop3A_2700 : i32 to vector<16xi32>
      %parallel_loop3A_2702 = arith.muli %parallel_loop3A_2696, %parallel_loop3A_2701 : vector<16xi32>
      %parallel_loop3A_2703 = arith.constant 16 : i32
      %parallel_loop3A_2704 = vector.broadcast %parallel_loop3A_2703 : i32 to vector<16xi32>
      %parallel_loop3A_2705 = arith.shli %parallel_loop3A_2702, %parallel_loop3A_2704 : vector<16xi32>
      %parallel_loop3A_2706 = arith.addi %parallel_loop3A_2705, %parallel_loop3A_2699 : vector<16xi32>
      %parallel_loop3A_2707 = arith.constant 16 : i32
      %parallel_loop3A_2708 = vector.broadcast %parallel_loop3A_2707 : i32 to vector<16xi32>
      %parallel_loop3A_2709 = arith.shrui %parallel_loop3A_2699, %parallel_loop3A_2708 : vector<16xi32>
      %parallel_loop3A_2710 = arith.addi %parallel_loop3A_2702, %parallel_loop3A_2709 : vector<16xi32>
      %parallel_loop3A_2711 = arith.constant 16 : i32
      %parallel_loop3A_2712 = vector.broadcast %parallel_loop3A_2711 : i32 to vector<16xi32>
      %parallel_loop3A_2713 = arith.shrui %parallel_loop3A_2710, %parallel_loop3A_2712 : vector<16xi32>
      %parallel_loop3A_2714 = arith.constant 65535 : i32
      %parallel_loop3A_2715 = vector.broadcast %parallel_loop3A_2714 : i32 to vector<16xi32>
      %parallel_loop3A_2716 = arith.andi %parallel_loop3A_2690, %parallel_loop3A_2715 : vector<16xi32>
      %parallel_loop3A_2717 = arith.constant 16 : i32
      %parallel_loop3A_2718 = vector.broadcast %parallel_loop3A_2717 : i32 to vector<16xi32>
      %parallel_loop3A_2719 = arith.shrui %parallel_loop3A_2690, %parallel_loop3A_2718 : vector<16xi32>
      %parallel_loop3A_2720 = arith.constant 265 : i32
      %parallel_loop3A_2721 = vector.broadcast %parallel_loop3A_2720 : i32 to vector<16xi32>
      %parallel_loop3A_2722 = arith.muli %parallel_loop3A_2719, %parallel_loop3A_2721 : vector<16xi32>
      %parallel_loop3A_2723 = arith.constant 16 : i32
      %parallel_loop3A_2724 = vector.broadcast %parallel_loop3A_2723 : i32 to vector<16xi32>
      %parallel_loop3A_2725 = arith.shli %parallel_loop3A_2722, %parallel_loop3A_2724 : vector<16xi32>
      %parallel_loop3A_2726 = arith.constant 265 : i32
      %parallel_loop3A_2727 = vector.broadcast %parallel_loop3A_2726 : i32 to vector<16xi32>
      %parallel_loop3A_2728 = arith.muli %parallel_loop3A_2716, %parallel_loop3A_2727 : vector<16xi32>
      %parallel_loop3A_2729 = arith.addi %parallel_loop3A_2725, %parallel_loop3A_2728 : vector<16xi32>
      %parallel_loop3A_2730 = arith.addi %parallel_loop3A_2729, %parallel_loop3A_2713 : vector<16xi32>
      %parallel_loop3A_2731 = arith.constant 14 : i32
      %parallel_loop3A_2732 = vector.broadcast %parallel_loop3A_2731 : i32 to vector<16xi32>
      %parallel_loop3A_2733 = arith.shrui %parallel_loop3A_2706, %parallel_loop3A_2732 : vector<16xi32>
      %parallel_loop3A_2734 = arith.constant 18 : i32
      %parallel_loop3A_2735 = vector.broadcast %parallel_loop3A_2734 : i32 to vector<16xi32>
      %parallel_loop3A_2736 = arith.shli %parallel_loop3A_2730, %parallel_loop3A_2735 : vector<16xi32>
      %parallel_loop3A_2737 = arith.ori %parallel_loop3A_2733, %parallel_loop3A_2736 : vector<16xi32>
      %parallel_loop3A_2738 = arith.constant 14 : i32
      %parallel_loop3A_2739 = vector.broadcast %parallel_loop3A_2738 : i32 to vector<16xi32>
      %parallel_loop3A_2740 = arith.shrui %parallel_loop3A_2730, %parallel_loop3A_2739 : vector<16xi32>
      %parallel_loop3A_2741 = arith.xori %parallel_loop3A_2706, %parallel_loop3A_2737 : vector<16xi32>
      %parallel_loop3A_2742 = arith.xori %parallel_loop3A_2730, %parallel_loop3A_2740 : vector<16xi32>
      %parallel_loop3A_2743 = arith.constant 65535 : i32
      %parallel_loop3A_2744 = vector.broadcast %parallel_loop3A_2743 : i32 to vector<16xi32>
      %parallel_loop3A_2745 = arith.andi %parallel_loop3A_2741, %parallel_loop3A_2744 : vector<16xi32>
      %parallel_loop3A_2746 = arith.constant 16 : i32
      %parallel_loop3A_2747 = vector.broadcast %parallel_loop3A_2746 : i32 to vector<16xi32>
      %parallel_loop3A_2748 = arith.shrui %parallel_loop3A_2741, %parallel_loop3A_2747 : vector<16xi32>
      %parallel_loop3A_2749 = arith.constant 21 : i32
      %parallel_loop3A_2750 = vector.broadcast %parallel_loop3A_2749 : i32 to vector<16xi32>
      %parallel_loop3A_2751 = arith.muli %parallel_loop3A_2745, %parallel_loop3A_2750 : vector<16xi32>
      %parallel_loop3A_2752 = arith.constant 21 : i32
      %parallel_loop3A_2753 = vector.broadcast %parallel_loop3A_2752 : i32 to vector<16xi32>
      %parallel_loop3A_2754 = arith.muli %parallel_loop3A_2748, %parallel_loop3A_2753 : vector<16xi32>
      %parallel_loop3A_2755 = arith.constant 16 : i32
      %parallel_loop3A_2756 = vector.broadcast %parallel_loop3A_2755 : i32 to vector<16xi32>
      %parallel_loop3A_2757 = arith.shli %parallel_loop3A_2754, %parallel_loop3A_2756 : vector<16xi32>
      %parallel_loop3A_2758 = arith.addi %parallel_loop3A_2757, %parallel_loop3A_2751 : vector<16xi32>
      %parallel_loop3A_2759 = arith.constant 16 : i32
      %parallel_loop3A_2760 = vector.broadcast %parallel_loop3A_2759 : i32 to vector<16xi32>
      %parallel_loop3A_2761 = arith.shrui %parallel_loop3A_2751, %parallel_loop3A_2760 : vector<16xi32>
      %parallel_loop3A_2762 = arith.addi %parallel_loop3A_2754, %parallel_loop3A_2761 : vector<16xi32>
      %parallel_loop3A_2763 = arith.constant 16 : i32
      %parallel_loop3A_2764 = vector.broadcast %parallel_loop3A_2763 : i32 to vector<16xi32>
      %parallel_loop3A_2765 = arith.shrui %parallel_loop3A_2762, %parallel_loop3A_2764 : vector<16xi32>
      %parallel_loop3A_2766 = arith.constant 65535 : i32
      %parallel_loop3A_2767 = vector.broadcast %parallel_loop3A_2766 : i32 to vector<16xi32>
      %parallel_loop3A_2768 = arith.andi %parallel_loop3A_2742, %parallel_loop3A_2767 : vector<16xi32>
      %parallel_loop3A_2769 = arith.constant 16 : i32
      %parallel_loop3A_2770 = vector.broadcast %parallel_loop3A_2769 : i32 to vector<16xi32>
      %parallel_loop3A_2771 = arith.shrui %parallel_loop3A_2742, %parallel_loop3A_2770 : vector<16xi32>
      %parallel_loop3A_2772 = arith.constant 21 : i32
      %parallel_loop3A_2773 = vector.broadcast %parallel_loop3A_2772 : i32 to vector<16xi32>
      %parallel_loop3A_2774 = arith.muli %parallel_loop3A_2771, %parallel_loop3A_2773 : vector<16xi32>
      %parallel_loop3A_2775 = arith.constant 16 : i32
      %parallel_loop3A_2776 = vector.broadcast %parallel_loop3A_2775 : i32 to vector<16xi32>
      %parallel_loop3A_2777 = arith.shli %parallel_loop3A_2774, %parallel_loop3A_2776 : vector<16xi32>
      %parallel_loop3A_2778 = arith.constant 21 : i32
      %parallel_loop3A_2779 = vector.broadcast %parallel_loop3A_2778 : i32 to vector<16xi32>
      %parallel_loop3A_2780 = arith.muli %parallel_loop3A_2768, %parallel_loop3A_2779 : vector<16xi32>
      %parallel_loop3A_2781 = arith.addi %parallel_loop3A_2777, %parallel_loop3A_2780 : vector<16xi32>
      %parallel_loop3A_2782 = arith.addi %parallel_loop3A_2781, %parallel_loop3A_2765 : vector<16xi32>
      %parallel_loop3A_2783 = arith.constant 28 : i32
      %parallel_loop3A_2784 = vector.broadcast %parallel_loop3A_2783 : i32 to vector<16xi32>
      %parallel_loop3A_2785 = arith.shrui %parallel_loop3A_2758, %parallel_loop3A_2784 : vector<16xi32>
      %parallel_loop3A_2786 = arith.constant 4 : i32
      %parallel_loop3A_2787 = vector.broadcast %parallel_loop3A_2786 : i32 to vector<16xi32>
      %parallel_loop3A_2788 = arith.shli %parallel_loop3A_2782, %parallel_loop3A_2787 : vector<16xi32>
      %parallel_loop3A_2789 = arith.ori %parallel_loop3A_2785, %parallel_loop3A_2788 : vector<16xi32>
      %parallel_loop3A_2790 = arith.constant 28 : i32
      %parallel_loop3A_2791 = vector.broadcast %parallel_loop3A_2790 : i32 to vector<16xi32>
      %parallel_loop3A_2792 = arith.shrui %parallel_loop3A_2782, %parallel_loop3A_2791 : vector<16xi32>
      %parallel_loop3A_2793 = arith.xori %parallel_loop3A_2758, %parallel_loop3A_2789 : vector<16xi32>
      %parallel_loop3A_2794 = arith.xori %parallel_loop3A_2782, %parallel_loop3A_2792 : vector<16xi32>
      %parallel_loop3A_2795 = arith.constant 31 : i32
      %parallel_loop3A_2796 = vector.broadcast %parallel_loop3A_2795 : i32 to vector<16xi32>
      %parallel_loop3A_2797 = arith.shli %parallel_loop3A_2793, %parallel_loop3A_2796 : vector<16xi32>
      %parallel_loop3A_2798 = arith.xori %parallel_loop3A_2793, %parallel_loop3A_2797 : vector<16xi32>
      %parallel_loop3A_2799 = arith.andi %parallel_loop3A_2793, %parallel_loop3A_2797 : vector<16xi32>
      %parallel_loop3A_2800 = arith.constant 31 : i32
      %parallel_loop3A_2801 = vector.broadcast %parallel_loop3A_2800 : i32 to vector<16xi32>
      %parallel_loop3A_2802 = arith.shrui %parallel_loop3A_2799, %parallel_loop3A_2801 : vector<16xi32>
      %parallel_loop3A_2803 = arith.constant 31 : i32
      %parallel_loop3A_2804 = vector.broadcast %parallel_loop3A_2803 : i32 to vector<16xi32>
      %parallel_loop3A_2805 = arith.shli %parallel_loop3A_2794, %parallel_loop3A_2804 : vector<16xi32>
      %parallel_loop3A_2806 = arith.constant 1 : i32
      %parallel_loop3A_2807 = vector.broadcast %parallel_loop3A_2806 : i32 to vector<16xi32>
      %parallel_loop3A_2808 = arith.shrui %parallel_loop3A_2793, %parallel_loop3A_2807 : vector<16xi32>
      %parallel_loop3A_2809 = arith.ori %parallel_loop3A_2805, %parallel_loop3A_2808 : vector<16xi32>
      %parallel_loop3A_2810 = arith.addi %parallel_loop3A_2794, %parallel_loop3A_2809 : vector<16xi32>
      %parallel_loop3A_2811 = arith.addi %parallel_loop3A_2810, %parallel_loop3A_2802 : vector<16xi32>
      %parallel_loop3A_2812 = arith.constant 63 : i32
      %parallel_loop3A_2813 = vector.broadcast %parallel_loop3A_2812 : i32 to vector<16xi32>
      %parallel_loop3A_2814 = arith.andi %parallel_loop3A_2798, %parallel_loop3A_2813 : vector<16xi32>
      %parallel_loop3A_2815 = arith.constant 6 : i32
      %parallel_loop3A_2816 = vector.broadcast %parallel_loop3A_2815 : i32 to vector<16xi32>
      %parallel_loop3A_2817 = arith.shrui %parallel_loop3A_2798, %parallel_loop3A_2816 : vector<16xi32>
      %parallel_loop3A_2818 = arith.constant 26 : i32
      %parallel_loop3A_2819 = vector.broadcast %parallel_loop3A_2818 : i32 to vector<16xi32>
      %parallel_loop3A_2820 = arith.shli %parallel_loop3A_2811, %parallel_loop3A_2819 : vector<16xi32>
      %parallel_loop3A_2821 = arith.ori %parallel_loop3A_2817, %parallel_loop3A_2820 : vector<16xi32>
      %parallel_loop3A_2822 = arith.constant 6 : i32
      %parallel_loop3A_2823 = vector.broadcast %parallel_loop3A_2822 : i32 to vector<16xi32>
      %parallel_loop3A_2824 = arith.shrui %parallel_loop3A_2811, %parallel_loop3A_2823 : vector<16xi32>
      %parallel_loop3A_2825 = arith.constant 65535 : i32
      %parallel_loop3A_2826 = vector.broadcast %parallel_loop3A_2825 : i32 to vector<16xi32>
      %parallel_loop3A_2827 = arith.andi %parallel_loop3A_2821, %parallel_loop3A_2826 : vector<16xi32>
      %parallel_loop3A_2828 = arith.constant 16 : i32
      %parallel_loop3A_2829 = vector.broadcast %parallel_loop3A_2828 : i32 to vector<16xi32>
      %parallel_loop3A_2830 = arith.shrui %parallel_loop3A_2821, %parallel_loop3A_2829 : vector<16xi32>
      %parallel_loop3A_2831 = arith.constant 65535 : i32
      %parallel_loop3A_2832 = vector.broadcast %parallel_loop3A_2831 : i32 to vector<16xi32>
      %parallel_loop3A_2833 = arith.andi %parallel_loop3A_2824, %parallel_loop3A_2832 : vector<16xi32>
      %parallel_loop3A_2834 = arith.constant 16 : i32
      %parallel_loop3A_2835 = vector.broadcast %parallel_loop3A_2834 : i32 to vector<16xi32>
      %parallel_loop3A_2836 = arith.shrui %parallel_loop3A_2824, %parallel_loop3A_2835 : vector<16xi32>
      %parallel_loop3A_2837 = arith.constant 3036 : i32
      %parallel_loop3A_2838 = vector.broadcast %parallel_loop3A_2837 : i32 to vector<16xi32>
      %parallel_loop3A_2839 = arith.muli %parallel_loop3A_2830, %parallel_loop3A_2838 : vector<16xi32>
      %parallel_loop3A_2840 = arith.addi %parallel_loop3A_2827, %parallel_loop3A_2839 : vector<16xi32>
      %parallel_loop3A_2841 = arith.constant 14171 : i32
      %parallel_loop3A_2842 = vector.broadcast %parallel_loop3A_2841 : i32 to vector<16xi32>
      %parallel_loop3A_2843 = arith.muli %parallel_loop3A_2833, %parallel_loop3A_2842 : vector<16xi32>
      %parallel_loop3A_2844 = arith.addi %parallel_loop3A_2840, %parallel_loop3A_2843 : vector<16xi32>
      %parallel_loop3A_2845 = arith.constant 7531 : i32
      %parallel_loop3A_2846 = vector.broadcast %parallel_loop3A_2845 : i32 to vector<16xi32>
      %parallel_loop3A_2847 = arith.muli %parallel_loop3A_2836, %parallel_loop3A_2846 : vector<16xi32>
      %parallel_loop3A_2848 = arith.addi %parallel_loop3A_2844, %parallel_loop3A_2847 : vector<16xi32>
      %parallel_loop3A_2849 = arith.sitofp %parallel_loop3A_2848 : vector<16xi32> to vector<16xf32>
      %parallel_loop3A_2850 = arith.constant 6.39999707E-5 : f32
      %parallel_loop3A_2851 = vector.broadcast %parallel_loop3A_2850 : f32 to vector<16xf32>
      %parallel_loop3A_2852 = arith.mulf %parallel_loop3A_2849, %parallel_loop3A_2851 : vector<16xf32>
      %parallel_loop3A_2853 = arith.fptosi %parallel_loop3A_2852 : vector<16xf32> to vector<16xi32>
      %parallel_loop3A_2854 = arith.constant 15625 : i32
      %parallel_loop3A_2855 = vector.broadcast %parallel_loop3A_2854 : i32 to vector<16xi32>
      %parallel_loop3A_2856 = arith.muli %parallel_loop3A_2853, %parallel_loop3A_2855 : vector<16xi32>
      %parallel_loop3A_2857 = arith.subi %parallel_loop3A_2848, %parallel_loop3A_2856 : vector<16xi32>
      %parallel_loop3A_2858 = arith.constant 15625 : i32
      %parallel_loop3A_2859 = vector.broadcast %parallel_loop3A_2858 : i32 to vector<16xi32>
      %parallel_loop3A_2860 = arith.subi %parallel_loop3A_2857, %parallel_loop3A_2859 : vector<16xi32>
      %parallel_loop3A_2861 = arith.constant 31 : i32
      %parallel_loop3A_2862 = vector.broadcast %parallel_loop3A_2861 : i32 to vector<16xi32>
      %parallel_loop3A_2863 = arith.shrsi %parallel_loop3A_2860, %parallel_loop3A_2862 : vector<16xi32>
      %parallel_loop3A_2864 = arith.constant 15625 : i32
      %parallel_loop3A_2865 = vector.broadcast %parallel_loop3A_2864 : i32 to vector<16xi32>
      %parallel_loop3A_2866 = arith.andi %parallel_loop3A_2863, %parallel_loop3A_2865 : vector<16xi32>
      %parallel_loop3A_2867 = arith.addi %parallel_loop3A_2860, %parallel_loop3A_2866 : vector<16xi32>
      %parallel_loop3A_2868 = arith.constant 6 : i32
      %parallel_loop3A_2869 = vector.broadcast %parallel_loop3A_2868 : i32 to vector<16xi32>
      %parallel_loop3A_2870 = arith.shli %parallel_loop3A_2867, %parallel_loop3A_2869 : vector<16xi32>
      %parallel_loop3A_2871 = arith.ori %parallel_loop3A_2870, %parallel_loop3A_2814 : vector<16xi32>
      %parallel_loop3A_2872 = arith.index_cast %parallel_loop3A_8 : i32 to index
      %parallel_loop3A_2873 = arith.constant 176 : index
      %parallel_loop3A_2874 = tpu.vector_load %arg4[%parallel_loop3A_2872, %parallel_loop3A_2873] {strides = array<i32>} : memref<96x200xi32, #tpu.memory_space<vmem>>, vector<1x16xi32>,
      %parallel_loop3A_2875 = vector.shape_cast %parallel_loop3A_2874 : vector<1x16xi32> to vector<16xi32>
      %parallel_loop3A_2876 = vector.shape_cast %parallel_loop3A_2655 : vector<16xi32> to vector<1x16xi32>
      tpu.vector_store %arg4[%parallel_loop3A_2872, %parallel_loop3A_2873], %parallel_loop3A_2876 {strides = array<i32>} : memref<96x200xi32, #tpu.memory_space<vmem>>, vector<1x16xi32>,
      %parallel_loop3A_2877 = arith.index_cast %parallel_loop3A_8 : i32 to index
      %parallel_loop3A_2878 = arith.constant 184 : index
      %parallel_loop3A_2879 = tpu.vector_load %arg4[%parallel_loop3A_2877, %parallel_loop3A_2878] {strides = array<i32>} : memref<96x200xi32, #tpu.memory_space<vmem>>, vector<1x16xi32>,
      %parallel_loop3A_2880 = vector.shape_cast %parallel_loop3A_2879 : vector<1x16xi32> to vector<16xi32>
      %parallel_loop3A_2881 = vector.shape_cast %parallel_loop3A_2871 : vector<16xi32> to vector<1x16xi32>
      tpu.vector_store %arg4[%parallel_loop3A_2877, %parallel_loop3A_2878], %parallel_loop3A_2881 {strides = array<i32>} : memref<96x200xi32, #tpu.memory_space<vmem>>, vector<1x16xi32>,
    } {sc.loop_unroll_factor = 1 : i64, sc.parallel_access}
    %multiple_of3A_7 = tpu.assume_multiple %mul3A_2, 96 : i32
    "tpu.region"() ({
      %run_scoped3A = tpu.sem_alloc : memref<!tpu.dma_semaphore, #tpu.memory_space<semaphore_mem>>
      %dma_start3A = arith.constant 0 : i32
      %dma_start3A_8 = tpu.memref_slice %arg3[%multiple_of3A_7, %dma_start3A] : memref<3072x200xi32, #tpu.memory_space<hbm>> -> memref<96x200xi32, #tpu.memory_space<hbm>>
      %dma_start3A_9 = arith.constant 0 : i32
      %dma_start3A_10 = tpu.memref_slice %arg3[%multiple_of3A_7, %dma_start3A_9] : memref<3072x200xi32, #tpu.memory_space<hbm>> -> memref<96x200xi32, #tpu.memory_space<hbm>>
      tpu.enqueue_dma source(%arg4 : memref<96x200xi32, #tpu.memory_space<vmem>>) target(%dma_start3A_10 : memref<96x200xi32, #tpu.memory_space<hbm>>) target_semaphore(%run_scoped3A : memref<!tpu.dma_semaphore, #tpu.memory_space<semaphore_mem>>)
      %dma_wait3A = arith.constant 0 : i32
      %dma_wait3A_11 = tpu.memref_slice %arg3[%multiple_of3A_7, %dma_wait3A] : memref<3072x200xi32, #tpu.memory_space<hbm>> -> memref<96x200xi32, #tpu.memory_space<hbm>>
      %dma_wait3A_12 = arith.constant 0 : i32
      %dma_wait3A_13 = tpu.memref_slice %arg3[%multiple_of3A_7, %dma_wait3A_12] : memref<3072x200xi32, #tpu.memory_space<hbm>> -> memref<96x200xi32, #tpu.memory_space<hbm>>
      tpu.wait_dma2 semaphore(%run_scoped3A : memref<!tpu.dma_semaphore, #tpu.memory_space<semaphore_mem>>) src(%arg4 : memref<96x200xi32, #tpu.memory_space<vmem>>) dst(%dma_wait3A_13 : memref<96x200xi32, #tpu.memory_space<hbm>>)
      tpu.yield
    }) : () -> ()
    return
  }
}

module attributes {stable_mosaic.version = 14 : i64} {
  func.func @body(%arg0: i32, %arg1: memref<1024x200xi32, #tpu.memory_space<vmem>>, %arg2: memref<1024x200xi32, #tpu.memory_space<vmem>>) attributes {dimension_semantics = [#tpu.dimension_semantics<arbitrary>], iteration_bounds = array<i64: 13>, scalar_prefetch = 0 : i64, scratch_operands = 0 : i64, tpu.core_type = #tpu.core_type<tc>, window_params = [{transform_indices = @transform_0, window_bounds = array<i64: 1024, 200>}, {transform_indices = @transform_1, window_bounds = array<i64: 1024, 200>}]} {
    %get3A = arith.constant 0 : index
    %get3A_0 = arith.constant 0 : index
    %get3A_1 = vector.load %arg1[%get3A, %get3A_0] : memref<1024x200xi32, #tpu.memory_space<vmem>>, vector<1024x200xi32>
    %shift_left3A = arith.constant 21 : i32
    %shift_left3A_2 = vector.broadcast %shift_left3A : i32 to vector<1024x200xi32>
    %shift_left3A_3 = arith.shli %get3A_1, %shift_left3A_2 : vector<1024x200xi32>
    %shift_right_logical3A = arith.constant 11 : i32
    %shift_right_logical3A_4 = vector.broadcast %shift_right_logical3A : i32 to vector<1024x200xi32>
    %shift_right_logical3A_5 = arith.shrui %get3A_1, %shift_right_logical3A_4 : vector<1024x200xi32>
    %not3A = arith.constant dense<-1> : vector<1024x200xi32>
    %not3A_6 = arith.xori %get3A_1, %not3A : vector<1024x200xi32>
    %add3A = arith.addi %not3A_6, %shift_left3A_3 : vector<1024x200xi32>
    %lt3A = arith.cmpi ult, %add3A, %not3A_6 : vector<1024x200xi32>
    %jit3A = arith.constant 1 : i32
    %jit3A_7 = arith.constant 0 : i32
    %broadcast_in_dim3A = vector.broadcast %jit3A : i32 to vector<1024x200xi32>
    %broadcast_in_dim3A_8 = vector.broadcast %jit3A_7 : i32 to vector<1024x200xi32>
    %select_n3A = arith.select %lt3A, %broadcast_in_dim3A, %broadcast_in_dim3A_8 : vector<1024x200xi1>, vector<1024x200xi32>
    %add3A_9 = arith.addi %shift_right_logical3A_5, %select_n3A : vector<1024x200xi32>
    %add3A_10 = arith.constant -1 : i32
    %add3A_11 = vector.broadcast %add3A_10 : i32 to vector<1024x200xi32>
    %add3A_12 = arith.addi %add3A_9, %add3A_11 : vector<1024x200xi32>
    %shift_right_logical3A_13 = arith.constant 24 : i32
    %shift_right_logical3A_14 = vector.broadcast %shift_right_logical3A_13 : i32 to vector<1024x200xi32>
    %shift_right_logical3A_15 = arith.shrui %add3A, %shift_right_logical3A_14 : vector<1024x200xi32>
    %shift_left3A_16 = arith.constant 8 : i32
    %shift_left3A_17 = vector.broadcast %shift_left3A_16 : i32 to vector<1024x200xi32>
    %shift_left3A_18 = arith.shli %add3A_12, %shift_left3A_17 : vector<1024x200xi32>
    %or3A = arith.ori %shift_right_logical3A_15, %shift_left3A_18 : vector<1024x200xi32>
    %shift_right_logical3A_19 = arith.constant 24 : i32
    %shift_right_logical3A_20 = vector.broadcast %shift_right_logical3A_19 : i32 to vector<1024x200xi32>
    %shift_right_logical3A_21 = arith.shrui %add3A_12, %shift_right_logical3A_20 : vector<1024x200xi32>
    %xor3A = arith.xori %add3A, %or3A : vector<1024x200xi32>
    %xor3A_22 = arith.xori %add3A_12, %shift_right_logical3A_21 : vector<1024x200xi32>
    %and3A = arith.constant 65535 : i32
    %and3A_23 = vector.broadcast %and3A : i32 to vector<1024x200xi32>
    %and3A_24 = arith.andi %xor3A, %and3A_23 : vector<1024x200xi32>
    %shift_right_logical3A_25 = arith.constant 16 : i32
    %shift_right_logical3A_26 = vector.broadcast %shift_right_logical3A_25 : i32 to vector<1024x200xi32>
    %shift_right_logical3A_27 = arith.shrui %xor3A, %shift_right_logical3A_26 : vector<1024x200xi32>
    %mul3A = arith.constant 265 : i32
    %mul3A_28 = vector.broadcast %mul3A : i32 to vector<1024x200xi32>
    %mul3A_29 = arith.muli %and3A_24, %mul3A_28 : vector<1024x200xi32>
    %mul3A_30 = arith.constant 265 : i32
    %mul3A_31 = vector.broadcast %mul3A_30 : i32 to vector<1024x200xi32>
    %mul3A_32 = arith.muli %shift_right_logical3A_27, %mul3A_31 : vector<1024x200xi32>
    %shift_left3A_33 = arith.constant 16 : i32
    %shift_left3A_34 = vector.broadcast %shift_left3A_33 : i32 to vector<1024x200xi32>
    %shift_left3A_35 = arith.shli %mul3A_32, %shift_left3A_34 : vector<1024x200xi32>
    %add3A_36 = arith.addi %shift_left3A_35, %mul3A_29 : vector<1024x200xi32>
    %shift_right_logical3A_37 = arith.constant 16 : i32
    %shift_right_logical3A_38 = vector.broadcast %shift_right_logical3A_37 : i32 to vector<1024x200xi32>
    %shift_right_logical3A_39 = arith.shrui %mul3A_29, %shift_right_logical3A_38 : vector<1024x200xi32>
    %add3A_40 = arith.addi %mul3A_32, %shift_right_logical3A_39 : vector<1024x200xi32>
    %shift_right_logical3A_41 = arith.constant 16 : i32
    %shift_right_logical3A_42 = vector.broadcast %shift_right_logical3A_41 : i32 to vector<1024x200xi32>
    %shift_right_logical3A_43 = arith.shrui %add3A_40, %shift_right_logical3A_42 : vector<1024x200xi32>
    %and3A_44 = arith.constant 65535 : i32
    %and3A_45 = vector.broadcast %and3A_44 : i32 to vector<1024x200xi32>
    %and3A_46 = arith.andi %xor3A_22, %and3A_45 : vector<1024x200xi32>
    %shift_right_logical3A_47 = arith.constant 16 : i32
    %shift_right_logical3A_48 = vector.broadcast %shift_right_logical3A_47 : i32 to vector<1024x200xi32>
    %shift_right_logical3A_49 = arith.shrui %xor3A_22, %shift_right_logical3A_48 : vector<1024x200xi32>
    %mul3A_50 = arith.constant 265 : i32
    %mul3A_51 = vector.broadcast %mul3A_50 : i32 to vector<1024x200xi32>
    %mul3A_52 = arith.muli %shift_right_logical3A_49, %mul3A_51 : vector<1024x200xi32>
    %shift_left3A_53 = arith.constant 16 : i32
    %shift_left3A_54 = vector.broadcast %shift_left3A_53 : i32 to vector<1024x200xi32>
    %shift_left3A_55 = arith.shli %mul3A_52, %shift_left3A_54 : vector<1024x200xi32>
    %mul3A_56 = arith.constant 265 : i32
    %mul3A_57 = vector.broadcast %mul3A_56 : i32 to vector<1024x200xi32>
    %mul3A_58 = arith.muli %and3A_46, %mul3A_57 : vector<1024x200xi32>
    %add3A_59 = arith.addi %shift_left3A_55, %mul3A_58 : vector<1024x200xi32>
    %add3A_60 = arith.addi %add3A_59, %shift_right_logical3A_43 : vector<1024x200xi32>
    %shift_right_logical3A_61 = arith.constant 14 : i32
    %shift_right_logical3A_62 = vector.broadcast %shift_right_logical3A_61 : i32 to vector<1024x200xi32>
    %shift_right_logical3A_63 = arith.shrui %add3A_36, %shift_right_logical3A_62 : vector<1024x200xi32>
    %shift_left3A_64 = arith.constant 18 : i32
    %shift_left3A_65 = vector.broadcast %shift_left3A_64 : i32 to vector<1024x200xi32>
    %shift_left3A_66 = arith.shli %add3A_60, %shift_left3A_65 : vector<1024x200xi32>
    %or3A_67 = arith.ori %shift_right_logical3A_63, %shift_left3A_66 : vector<1024x200xi32>
    %shift_right_logical3A_68 = arith.constant 14 : i32
    %shift_right_logical3A_69 = vector.broadcast %shift_right_logical3A_68 : i32 to vector<1024x200xi32>
    %shift_right_logical3A_70 = arith.shrui %add3A_60, %shift_right_logical3A_69 : vector<1024x200xi32>
    %xor3A_71 = arith.xori %add3A_36, %or3A_67 : vector<1024x200xi32>
    %xor3A_72 = arith.xori %add3A_60, %shift_right_logical3A_70 : vector<1024x200xi32>
    %and3A_73 = arith.constant 65535 : i32
    %and3A_74 = vector.broadcast %and3A_73 : i32 to vector<1024x200xi32>
    %and3A_75 = arith.andi %xor3A_71, %and3A_74 : vector<1024x200xi32>
    %shift_right_logical3A_76 = arith.constant 16 : i32
    %shift_right_logical3A_77 = vector.broadcast %shift_right_logical3A_76 : i32 to vector<1024x200xi32>
    %shift_right_logical3A_78 = arith.shrui %xor3A_71, %shift_right_logical3A_77 : vector<1024x200xi32>
    %mul3A_79 = arith.constant 21 : i32
    %mul3A_80 = vector.broadcast %mul3A_79 : i32 to vector<1024x200xi32>
    %mul3A_81 = arith.muli %and3A_75, %mul3A_80 : vector<1024x200xi32>
    %mul3A_82 = arith.constant 21 : i32
    %mul3A_83 = vector.broadcast %mul3A_82 : i32 to vector<1024x200xi32>
    %mul3A_84 = arith.muli %shift_right_logical3A_78, %mul3A_83 : vector<1024x200xi32>
    %shift_left3A_85 = arith.constant 16 : i32
    %shift_left3A_86 = vector.broadcast %shift_left3A_85 : i32 to vector<1024x200xi32>
    %shift_left3A_87 = arith.shli %mul3A_84, %shift_left3A_86 : vector<1024x200xi32>
    %add3A_88 = arith.addi %shift_left3A_87, %mul3A_81 : vector<1024x200xi32>
    %shift_right_logical3A_89 = arith.constant 16 : i32
    %shift_right_logical3A_90 = vector.broadcast %shift_right_logical3A_89 : i32 to vector<1024x200xi32>
    %shift_right_logical3A_91 = arith.shrui %mul3A_81, %shift_right_logical3A_90 : vector<1024x200xi32>
    %add3A_92 = arith.addi %mul3A_84, %shift_right_logical3A_91 : vector<1024x200xi32>
    %shift_right_logical3A_93 = arith.constant 16 : i32
    %shift_right_logical3A_94 = vector.broadcast %shift_right_logical3A_93 : i32 to vector<1024x200xi32>
    %shift_right_logical3A_95 = arith.shrui %add3A_92, %shift_right_logical3A_94 : vector<1024x200xi32>
    %and3A_96 = arith.constant 65535 : i32
    %and3A_97 = vector.broadcast %and3A_96 : i32 to vector<1024x200xi32>
    %and3A_98 = arith.andi %xor3A_72, %and3A_97 : vector<1024x200xi32>
    %shift_right_logical3A_99 = arith.constant 16 : i32
    %shift_right_logical3A_100 = vector.broadcast %shift_right_logical3A_99 : i32 to vector<1024x200xi32>
    %shift_right_logical3A_101 = arith.shrui %xor3A_72, %shift_right_logical3A_100 : vector<1024x200xi32>
    %mul3A_102 = arith.constant 21 : i32
    %mul3A_103 = vector.broadcast %mul3A_102 : i32 to vector<1024x200xi32>
    %mul3A_104 = arith.muli %shift_right_logical3A_101, %mul3A_103 : vector<1024x200xi32>
    %shift_left3A_105 = arith.constant 16 : i32
    %shift_left3A_106 = vector.broadcast %shift_left3A_105 : i32 to vector<1024x200xi32>
    %shift_left3A_107 = arith.shli %mul3A_104, %shift_left3A_106 : vector<1024x200xi32>
    %mul3A_108 = arith.constant 21 : i32
    %mul3A_109 = vector.broadcast %mul3A_108 : i32 to vector<1024x200xi32>
    %mul3A_110 = arith.muli %and3A_98, %mul3A_109 : vector<1024x200xi32>
    %add3A_111 = arith.addi %shift_left3A_107, %mul3A_110 : vector<1024x200xi32>
    %add3A_112 = arith.addi %add3A_111, %shift_right_logical3A_95 : vector<1024x200xi32>
    %shift_right_logical3A_113 = arith.constant 28 : i32
    %shift_right_logical3A_114 = vector.broadcast %shift_right_logical3A_113 : i32 to vector<1024x200xi32>
    %shift_right_logical3A_115 = arith.shrui %add3A_88, %shift_right_logical3A_114 : vector<1024x200xi32>
    %shift_left3A_116 = arith.constant 4 : i32
    %shift_left3A_117 = vector.broadcast %shift_left3A_116 : i32 to vector<1024x200xi32>
    %shift_left3A_118 = arith.shli %add3A_112, %shift_left3A_117 : vector<1024x200xi32>
    %or3A_119 = arith.ori %shift_right_logical3A_115, %shift_left3A_118 : vector<1024x200xi32>
    %shift_right_logical3A_120 = arith.constant 28 : i32
    %shift_right_logical3A_121 = vector.broadcast %shift_right_logical3A_120 : i32 to vector<1024x200xi32>
    %shift_right_logical3A_122 = arith.shrui %add3A_112, %shift_right_logical3A_121 : vector<1024x200xi32>
    %xor3A_123 = arith.xori %add3A_88, %or3A_119 : vector<1024x200xi32>
    %xor3A_124 = arith.xori %add3A_112, %shift_right_logical3A_122 : vector<1024x200xi32>
    %shift_left3A_125 = arith.constant 31 : i32
    %shift_left3A_126 = vector.broadcast %shift_left3A_125 : i32 to vector<1024x200xi32>
    %shift_left3A_127 = arith.shli %xor3A_123, %shift_left3A_126 : vector<1024x200xi32>
    %xor3A_128 = arith.xori %xor3A_123, %shift_left3A_127 : vector<1024x200xi32>
    %and3A_129 = arith.andi %xor3A_123, %shift_left3A_127 : vector<1024x200xi32>
    %shift_right_logical3A_130 = arith.constant 31 : i32
    %shift_right_logical3A_131 = vector.broadcast %shift_right_logical3A_130 : i32 to vector<1024x200xi32>
    %shift_right_logical3A_132 = arith.shrui %and3A_129, %shift_right_logical3A_131 : vector<1024x200xi32>
    %shift_left3A_133 = arith.constant 31 : i32
    %shift_left3A_134 = vector.broadcast %shift_left3A_133 : i32 to vector<1024x200xi32>
    %shift_left3A_135 = arith.shli %xor3A_124, %shift_left3A_134 : vector<1024x200xi32>
    %shift_right_logical3A_136 = arith.constant 1 : i32
    %shift_right_logical3A_137 = vector.broadcast %shift_right_logical3A_136 : i32 to vector<1024x200xi32>
    %shift_right_logical3A_138 = arith.shrui %xor3A_123, %shift_right_logical3A_137 : vector<1024x200xi32>
    %or3A_139 = arith.ori %shift_left3A_135, %shift_right_logical3A_138 : vector<1024x200xi32>
    %add3A_140 = arith.addi %xor3A_124, %or3A_139 : vector<1024x200xi32>
    %add3A_141 = arith.addi %add3A_140, %shift_right_logical3A_132 : vector<1024x200xi32>
    %and3A_142 = arith.constant 63 : i32
    %and3A_143 = vector.broadcast %and3A_142 : i32 to vector<1024x200xi32>
    %and3A_144 = arith.andi %xor3A_128, %and3A_143 : vector<1024x200xi32>
    %shift_right_logical3A_145 = arith.constant 6 : i32
    %shift_right_logical3A_146 = vector.broadcast %shift_right_logical3A_145 : i32 to vector<1024x200xi32>
    %shift_right_logical3A_147 = arith.shrui %xor3A_128, %shift_right_logical3A_146 : vector<1024x200xi32>
    %shift_left3A_148 = arith.constant 26 : i32
    %shift_left3A_149 = vector.broadcast %shift_left3A_148 : i32 to vector<1024x200xi32>
    %shift_left3A_150 = arith.shli %add3A_141, %shift_left3A_149 : vector<1024x200xi32>
    %or3A_151 = arith.ori %shift_right_logical3A_147, %shift_left3A_150 : vector<1024x200xi32>
    %shift_right_logical3A_152 = arith.constant 6 : i32
    %shift_right_logical3A_153 = vector.broadcast %shift_right_logical3A_152 : i32 to vector<1024x200xi32>
    %shift_right_logical3A_154 = arith.shrui %add3A_141, %shift_right_logical3A_153 : vector<1024x200xi32>
    %and3A_155 = arith.constant 65535 : i32
    %and3A_156 = vector.broadcast %and3A_155 : i32 to vector<1024x200xi32>
    %and3A_157 = arith.andi %or3A_151, %and3A_156 : vector<1024x200xi32>
    %shift_right_logical3A_158 = arith.constant 16 : i32
    %shift_right_logical3A_159 = vector.broadcast %shift_right_logical3A_158 : i32 to vector<1024x200xi32>
    %shift_right_logical3A_160 = arith.shrui %or3A_151, %shift_right_logical3A_159 : vector<1024x200xi32>
    %and3A_161 = arith.constant 65535 : i32
    %and3A_162 = vector.broadcast %and3A_161 : i32 to vector<1024x200xi32>
    %and3A_163 = arith.andi %shift_right_logical3A_154, %and3A_162 : vector<1024x200xi32>
    %shift_right_logical3A_164 = arith.constant 16 : i32
    %shift_right_logical3A_165 = vector.broadcast %shift_right_logical3A_164 : i32 to vector<1024x200xi32>
    %shift_right_logical3A_166 = arith.shrui %shift_right_logical3A_154, %shift_right_logical3A_165 : vector<1024x200xi32>
    %mul3A_167 = arith.constant 3036 : i32
    %mul3A_168 = vector.broadcast %mul3A_167 : i32 to vector<1024x200xi32>
    %mul3A_169 = arith.muli %shift_right_logical3A_160, %mul3A_168 : vector<1024x200xi32>
    %add3A_170 = arith.addi %and3A_157, %mul3A_169 : vector<1024x200xi32>
    %mul3A_171 = arith.constant 14171 : i32
    %mul3A_172 = vector.broadcast %mul3A_171 : i32 to vector<1024x200xi32>
    %mul3A_173 = arith.muli %and3A_163, %mul3A_172 : vector<1024x200xi32>
    %add3A_174 = arith.addi %add3A_170, %mul3A_173 : vector<1024x200xi32>
    %mul3A_175 = arith.constant 7531 : i32
    %mul3A_176 = vector.broadcast %mul3A_175 : i32 to vector<1024x200xi32>
    %mul3A_177 = arith.muli %shift_right_logical3A_166, %mul3A_176 : vector<1024x200xi32>
    %add3A_178 = arith.addi %add3A_174, %mul3A_177 : vector<1024x200xi32>
    %convert_element_type3A = arith.sitofp %add3A_178 : vector<1024x200xi32> to vector<1024x200xf32>
    %mul3A_179 = arith.constant 6.39999707E-5 : f32
    %mul3A_180 = vector.broadcast %mul3A_179 : f32 to vector<1024x200xf32>
    %mul3A_181 = arith.mulf %convert_element_type3A, %mul3A_180 : vector<1024x200xf32>
    %convert_element_type3A_182 = arith.fptosi %mul3A_181 : vector<1024x200xf32> to vector<1024x200xi32>
    %mul3A_183 = arith.constant 15625 : i32
    %mul3A_184 = vector.broadcast %mul3A_183 : i32 to vector<1024x200xi32>
    %mul3A_185 = arith.muli %convert_element_type3A_182, %mul3A_184 : vector<1024x200xi32>
    %sub3A = arith.subi %add3A_178, %mul3A_185 : vector<1024x200xi32>
    %sub3A_186 = arith.constant 15625 : i32
    %sub3A_187 = vector.broadcast %sub3A_186 : i32 to vector<1024x200xi32>
    %sub3A_188 = arith.subi %sub3A, %sub3A_187 : vector<1024x200xi32>
    %shift_right_arithmetic3A = arith.constant 31 : i32
    %shift_right_arithmetic3A_189 = vector.broadcast %shift_right_arithmetic3A : i32 to vector<1024x200xi32>
    %shift_right_arithmetic3A_190 = arith.shrsi %sub3A_188, %shift_right_arithmetic3A_189 : vector<1024x200xi32>
    %and3A_191 = arith.constant 15625 : i32
    %and3A_192 = vector.broadcast %and3A_191 : i32 to vector<1024x200xi32>
    %and3A_193 = arith.andi %shift_right_arithmetic3A_190, %and3A_192 : vector<1024x200xi32>
    %add3A_194 = arith.addi %sub3A_188, %and3A_193 : vector<1024x200xi32>
    %shift_left3A_195 = arith.constant 6 : i32
    %shift_left3A_196 = vector.broadcast %shift_left3A_195 : i32 to vector<1024x200xi32>
    %shift_left3A_197 = arith.shli %add3A_194, %shift_left3A_196 : vector<1024x200xi32>
    %or3A_198 = arith.ori %shift_left3A_197, %and3A_144 : vector<1024x200xi32>
    %swap3A = arith.constant 0 : index
    %swap3A_199 = arith.constant 0 : index
    %swap3A_200 = vector.load %arg2[%swap3A, %swap3A_199] : memref<1024x200xi32, #tpu.memory_space<vmem>>, vector<1024x200xi32>
    tpu.vector_store %arg2[%swap3A, %swap3A_199], %or3A_198 {strides = array<i32>} : memref<1024x200xi32, #tpu.memory_space<vmem>>, vector<1024x200xi32>,
    return
  }
  func.func @transform_0(%arg0: i32) -> (i32, i32) {
    %c0_i32 = arith.constant 0 : i32
    %c0_i32_0 = arith.constant 0 : i32
    return %arg0, %c0_i32 : i32, i32
  }
  func.func @transform_1(%arg0: i32) -> (i32, i32) {
    %c0_i32 = arith.constant 0 : i32
    %c0_i32_0 = arith.constant 0 : i32
    return %arg0, %c0_i32 : i32, i32
  }
}

</mosaic_0001>

<sc_bundles>
// kernel: kernel.4.cloned.1.call-start
scs
__scs_entry_jumppad:
0x0: {  	(pc) =	sbr.rel $0x88, $3  }
0x1: {  	(tag) =	ssettag $0x0;
	lr =	simm.s32 $0x1  }
0x2: {  	[smem:$0x3FA0] =	sst lr;
	_ =	strace $0xD0000000  }
0x3: {  	_ = 	snop  }
0x4: {  	_ = 	snop  }
0x5: {  	_ = 	snop  }
0x6: {  	_ = 	snop  }
0x7: {  	_ = 	snop  }
__scs_overlays_trampoline_lowered:
0x8: {  	[smem:$0x3FAF] =	sst s0  }
0x9: {  	[smem:$0x3FB0] =	sst s1  }
0xa: {  	[smem:$0x3FB1] =	sst s2  }
0xb: {  	[smem:$0x3FB2] =	sst s3  }
0xc: {  	[smem:$0x3FB3] =	sst s4  }
0xd: {  	[smem:$0x3FB4] =	sst s5  }
0xe: {  	[smem:$0x3FB5] =	sst s6  }
0xf: {  	[smem:$0x3FB6] =	sst s7  }
0x10: {  	[smem:$0x3FB7] =	sst s8  }
0x11: {  	[smem:$0x3FB8] =	sst s9;
	s0 =	simm.s32 @!p0 $0x0  }
0x12: {  	s1 =	sld [smem:$0x3F9E];
	s0 =	simm.s32 @p0 $0x1  }
0x13: {  	[smem:$0x3FB9] =	sst s0;
	s0 =	simm.s32 @!p1 $0x0  }
0x14: {  	s2 =	sld [smem:$0x3F9D];
	s0 =	simm.s32 @p1 $0x1  }
0x15: {  	[smem:$0x3FBA] =	sst s0;
	s0 =	simm.s32 @!p2 $0x0  }
0x16: {  	s3 =	sld [smem:$0x3FDB];
	s0 =	simm.s32 @p2 $0x1  }
0x17: {  	s4 =	simm.s32 $0x1BF5;
	[smem:$0x3FBC] =	sst s0  }
0x18: {  	s0 =	sld [smem:$0x3F9F];
	_ =	swait.ge [sflag:s4], $0x0  }
0x19: {  	s7 =	sld [smem:$0x3FA0]  }
0x1a: {  	s8 =	sadd.s32 $0xFFFFE003, lr  }
0x1b: {  	s9 =	sadd.s32 $0xFFFFFEF7, lr;
	s5 =	simm.s32 $0xFFFFFFFF;
	p2 =	slt.u32 s8, $0xFFFFF086  }
0x1c: {  	p1 =	slt.u32 s9, $0xF7A;
	s5 =	simm.s32 @!p2 $0x0  }
0x1d: {  	s5 =	simm.s32 @p1 $0x1;
	p0 =	seq.s32 s7, s2  }
0x1e: {  	s7 =	smul.u32 @!p0 $0xF7A, s2;
	p2 =	seq.s32 @!p0 s5, $0x0  }
0x1f: {  	s9 =	smul.u32 $0xF7A, s1;
	s8 =	simm.s32 @!p0 $0x1BF5;
	p2 =	por !p2, p0  }
0x20: {  	[sflag:s8] =	ssyncset.s32 @!p0 $0xFFFFF086;
	s6 =	sadd.s32 @!p0 s3, s7;
	s7 =	simm.s32 @!p0 $0x108  }
0x21: {  	s3 =	sadd.s32 s3, s9;
	s6 =	sadd.s32 @!p0 $0x88, s6;
	s7 =	simm.s32 @p2 $0x1082  }
0x22: {  	[simem:s7], [sflag:s8] =	dma.local @!p0 [hbm:s6], $0xF7A  }
0x23: {  	s9 =	sor.u32 $0xD0000000, s2;
	s6 =	simm.s32 $0x108;
	_ =	swait.ge @!p0 [sflag:s8], $0x0  }
0x24: {  	s3 =	sadd.s32 $0x88, s3;
	s6 =	simm.s32 @!p1 $0x1082;
	[sflag:s4] =	ssyncset.s32 $0xFFFFF086  }
0x25: {  	[simem:s6], [sflag:s4] =	dma.local [hbm:s3], $0xF7A  }
0x26: {  	[smem:$0x3FA0] =	sst s1;
	(tag) =	ssettag s2;
	_ =	strace s9  }
0x27: {  	s1 =	sld [smem:$0x3FB0]  }
0x28: {  	s2 =	sld [smem:$0x3FB1]  }
0x29: {  	s4 =	sld [smem:$0x3FB3]  }
0x2a: {  	p0 =	seq.s32 s5, $0x0;
	s5 =	sld [smem:$0x3FB4]  }
0x2b: {  	s6 =	sld [smem:$0x3FB5]  }
0x2c: {  	s7 =	sld [smem:$0x3FB6]  }
0x2d: {  	s3 =	simm.s32 $0x108;
	s8 =	sld [smem:$0x3FB7]  }
0x2e: {  	s3 =	simm.s32 @!p0 $0x1082;
	s9 =	sld [smem:$0x3FB8]  }
0x2f: {  	lr =	sadd.s32 s0, s3;
	s0 =	sld [smem:$0x3FAF]  }
0x30: {  	s3 =	sld [smem:$0x3FB2]  }
0x31: {  	[smem:$0x3FBB] =	sst s10  }
0x32: {  	s10 =	sld [smem:$0x3FB9];
	_ =	sdelay $0x3  }
0x33: {  	p0 =	seq.s32 s10, $0x1;
	s10 =	sld [smem:$0x3FBB];
	_ =	sdelay $0x3  }
0x34: {  	[smem:$0x3FBB] =	sst s10  }
0x35: {  	s10 =	sld [smem:$0x3FBA];
	_ =	sdelay $0x3  }
0x36: {  	p1 =	seq.s32 s10, $0x1;
	s10 =	sld [smem:$0x3FBB];
	_ =	sdelay $0x3  }
0x37: {  	[smem:$0x3FBB] =	sst s10  }
0x38: {  	s10 =	sld [smem:$0x3FBC]  }
0x39: {  	_ = 	snop;
	(pc) =	sbr.ind lr, $3  }
0x3a: {  	_ = 	snop  }
0x3b: {  	_ = 	snop  }
0x3c: {  	p2 =	seq.s32 s10, $0x1;
	s10 =	sld [smem:$0x3FBB]  }
0x3d: {  	_ =	shalt  }
0x3e: {  	_ =	shalt  }
0x3f: {  	_ =	shalt  }
0x40: {  	_ =	shalt  }
0x41: {  	_ =	shalt  }
0x42: {  	_ =	shalt  }
0x43: {  	_ =	shalt  }
0x44: {  	_ =	shalt  }
0x45: {  	_ =	shalt  }
0x46: {  	_ =	shalt  }
0x47: {  	_ =	shalt  }
0x48: {  	_ =	shalt  }
0x49: {  	_ =	shalt  }
0x4a: {  	_ =	shalt  }
0x4b: {  	_ =	shalt  }
0x4c: {  	_ =	shalt  }
0x4d: {  	_ =	shalt  }
0x4e: {  	_ =	shalt  }
0x4f: {  	_ =	shalt  }
0x50: {  	_ =	shalt  }
0x51: {  	_ =	shalt  }
0x52: {  	_ =	shalt  }
0x53: {  	_ =	shalt  }
0x54: {  	_ =	shalt  }
0x55: {  	_ =	shalt  }
0x56: {  	_ =	shalt  }
0x57: {  	_ =	shalt  }
0x58: {  	_ =	shalt  }
0x59: {  	_ =	shalt  }
0x5a: {  	_ =	shalt  }
0x5b: {  	_ =	shalt  }
0x5c: {  	_ =	shalt  }
0x5d: {  	_ =	shalt  }
0x5e: {  	_ =	shalt  }
0x5f: {  	_ =	shalt  }
0x60: {  	_ =	shalt  }
0x61: {  	_ =	shalt  }
0x62: {  	_ =	shalt  }
0x63: {  	_ =	shalt  }
0x64: {  	_ =	shalt  }
0x65: {  	_ =	shalt  }
0x66: {  	_ =	shalt  }
0x67: {  	_ =	shalt  }
0x68: {  	_ =	shalt  }
0x69: {  	_ =	shalt  }
0x6a: {  	_ =	shalt  }
0x6b: {  	_ =	shalt  }
0x6c: {  	_ =	shalt  }
0x6d: {  	_ =	shalt  }
0x6e: {  	_ =	shalt  }
0x6f: {  	_ =	shalt  }
0x70: {  	_ =	shalt  }
0x71: {  	_ =	shalt  }
0x72: {  	_ =	shalt  }
0x73: {  	_ =	shalt  }
0x74: {  	_ =	shalt  }
0x75: {  	_ =	shalt  }
0x76: {  	_ =	shalt  }
0x77: {  	_ =	shalt  }
0x78: {  	_ =	shalt  }
0x79: {  	_ =	shalt  }
0x7a: {  	_ =	shalt  }
0x7b: {  	_ =	shalt  }
0x7c: {  	_ =	shalt  }
0x7d: {  	_ =	shalt  }
0x7e: {  	_ =	shalt  }
0x7f: {  	_ =	shalt  }
0x80: {  	_ =	shalt  }
0x81: {  	_ =	shalt  }
0x82: {  	_ =	shalt  }
0x83: {  	_ =	shalt  }
0x84: {  	_ =	shalt  }
0x85: {  	_ =	shalt  }
0x86: {  	_ =	shalt  }
0x87: {  	_ =	shalt  }
.Lfunc_end0:
.L_simem_size_0:
called_computation_lowered:
.L_overlay_start_0:
0x88: {  	s2 =	sld [smem:$0x3FD9]  }
0x89: {  	s3 =	sld [smem:$0x3FFE];
	_ =	sdelay $0x1  }
0x8a: {  	s1 =	srdreg.scid  }
0x8b: {  	s0 =	sand.u32 $0x1, s1  }
0x8c: {  	s17 =	sshll.u32 s0, $0xA;
	s2 =	sadd.s32 s3, s2  }
0x8d: {  	s2 =	sadd.s32 s2, s17  }
0x8e: {  	[smem:$0x3FC7] =	sst s2  }
0x8f: {  	_ = 	snop  }
0x90: {  	s2 =	sld [smem:$0x3FD0];
	(tm) =	ssettm $0x1  }
0x91: {  	s18 =	sld [smem:$0x3FFB];
	_ =	sdelay $0x3  }
0x92: {  	_ =	strace s18  }
0x93: {  	s3 =	sld [smem:$0x3FFC];
	_ =	sdelay $0x3  }
0x94: {  	_ =	strace s3  }
0x95: {  	s3 =	sld [smem:$0x3FFD];
	_ =	sdelay $0x3  }
0x96: {  	_ =	strace s3  }
0x97: {  	_ =	strace $0x8FFFFFFF  }
0x98: {  	s19 =	sld [smem:$0x3FDB];
	_ =	sdelay $0x1  }
0x99: {  	s4 =	simm.s32 $_scs_section_size  }
0x9a: {  	s5 =	simm.s32 $_size__tile_overlayer_lowered;
	s6 =	simm.s32 $_tile_overlayer_lowered  }
0x9b: {  	s22 =	simm.s32 $0x1BFF;
	s21 =	sshll.u32 s6, $0x1;
	s3 =	sadd.s32 s4, s19  }
0x9c: {  	s7 =	simm.s32 $0x0;
	s20 =	sshll.u32 s5, $0x1;
	s5 =	sadd.s32 s21, s3  }
0x9d: {  	[timem:s7], [sflag:s22] =	dma.local [hbm:s5], s20  }
0x9e: {  	_ =	swait.ge [sflag:s22], s20  }
0x9f: {  	s4 =	ssub.s32 $0x0, s20;
	[sflag:s22] =	ssyncset.done $0x0  }
0xa0: {  	[sflag:s22] =	ssyncadd.s32 s4;
	_ =	sdelay $0x1  }
0xa1: {  	s23 =	simm.s32 $0x1B8B  }
0xa2: {  	_ =	swait.ge [sflag:s23], $0x1  }
0xa3: {  	[sflag:s23] =	ssyncset.done $0x0  }
0xa4: {  	s25 =	simm.s32 $0x1B8E;
	s24 =	sld [smem:$0x3FFE];
	[sflag:s23] =	ssyncadd.s32 $0xFFFFFFFF  }
0xa5: {  	s26 =	simm.s32 $execute0_lowered;
	[smem:$0x3FD2] =	sst s25  }
0xa6: {  	s5 =	sshll.u32 s26, $0x1;
	_ =	strace $0x80000046;
	[dreg:$0x1] =	wrdreg $0xFFFFFFFF  }
0xa7: {  	s28 =	simm.s32 $_size_execute0_lowered;
	s3 =	sadd.s32 s3, s5;
	[dreg:$0x0] =	wrdreg $0x0  }
0xa8: {  	s5 =	sshll.u32 s28, $0x1;
	[dreg:$0x2] =	wrdreg s3  }
0xa9: {  	[dreg:$0x3] =	wrdreg s5  }
0xaa: {  	[dreg:$0x4] =	wrdreg $0xC0  }
0xab: {  	_ =	task [dreg:s7], $0x5FFFF  }
0xac: {  	[dreg:$0x1] =	wrdreg $0xFFFFFFFF  }
0xad: {  	[dreg:$0x0] =	wrdreg $0x60  }
0xae: {  	[dreg:$0x2] =	wrdreg s2  }
0xaf: {  	[dreg:$0x3] =	wrdreg s24  }
0xb0: {  	[dreg:$0x4] =	wrdreg $0x9  }
0xb1: {  	_ =	task.clear_ibuf [dreg:s7], $0x5FFFF;
	_ =	strace $0x90000046  }
0xb2: {  	s29 =	simm.s32 $0x9;
	_ =	strace $0x80000048  }
0xb3: {  	_ =	swait.ge [sflag:s29], $0x1  }
0xb4: {  	[sflag:s29] =	ssyncadd.s32 $0xFFFFFFFF  }
0xb5: {  	_ =	strace $0x90000048  }
0xb6: {  	_ =	sfence  }
0xb7: {  	s30 =	sld [smem:$0x0];
	_ =	sdelay $0x2  }
0xb8: {  	s31 =	sshll.u32 s1, $0xD;
	s1 =	sshrl.u32 s1, $0x2  }
0xb9: {  	s3 =	sand.u32 $0x4000, s31;
	s1 =	sadd.s32 s1, s30  }
0xba: {  	s0 =	sor.u32 s3, s0;
	s1 =	sshll.u32 s1, $0x11  }
0xbb: {  	s0 =	sor.u32 s1, s0  }
0xbc: {  	s0 =	sadd.s32 $0x8F2B, s0  }
0xbd: {  	[sflag:s0] =	ssyncadd.remote.s32 $0x1  }
0xbe: {  	_ =	sfence.sel $0xFFFF  }
0xbf: {  	[dreg:$0x0] =	wrdreg $0xFFFFFFFF;
	(pc) =	sbr.abs _section_cstart, $3  }
0xc0: {  	[dreg:$0x1] =	wrdreg $0xFFFFFFFF  }
0xc1: {  	_ =	task.clear_ibuf [dreg:s7], $0x2FFFF;
	_ =	strace $0x9FFFFFFF  }
0xc2: {  	(tm) =	ssettm $0x7FFFFFFF  }
0xc3: {  	_ =	shalt  }
tec
execute0_lowered:
.L_overlay_start_1:
0x0: {  	(tag) =	ssettag $0x1  }
0x1: {  	s3 =	rddreg [dreg:$0x0];
	s1 =	srdreg.scid  }
0x2: {  	s0 =	stileid.u32;
	s4 =	rddreg [dreg:$0x1]  }
0x3: {  	s2 =	simm.s32 $0x0;
	s5 =	sand.u32 $0x1, s1;
	s6 =	sshll.u32 s0, $0x1  }
0x4: {  	s1 =	rddreg [dreg:$0x2];
	s6 =	sor.u32 s5, s6;
	s5 =	ssub.s32 $0x2, s5  }
0x5: {  	[smem:$0x7FF] =	sst s2;
	s6 =	smul.u32 $0xC00, s6;
	s7 =	sshrl.u32 s5, $0x1  }
0x6: {  	_ =	strace $0x80000047;
	s5 =	ssub.s32 s5, s7;
	s7 =	simm.s32 $0x0  }
0x7: {  	s4 =	sadd.s32 s6, s4;
	s3 =	sadd.s32 s3, s6;
	s5 =	smax.u32 s5, $0x1  }
0x8: {  	v0 =	vimm.s32 $0x0;
	s6 =	simm.s32 $0x1;
	s3 =	sadd.s32 $0x68000, s3;
	s4 =	sadd.s32 $0x400, s4  }
.LBB2_1:
0x9: {  	[tilespmem:s2], [sflag:$0x1] =	stream.linear.gather [hbm4b:s3+s2], $0x6000, $0x38;
	[tilespmem:$0x6000] =	vst v63  }
0xa: {  	_ =	swait.ge [sflag:s6], $0x6000  }
0xb: {  	[sflag:s6] =	ssyncset.done $0x0  }
0xc: {  	s8 =	simm.s32 $0x0;
	s9 =	simm.s32 $0x0;
	[sflag:s6] =	ssyncadd.s32 $0xFFFFA000  }
.LBB2_2:
0xd: {  	s10 =	sand.u32 $0x7800, s9;
	s11 =	sand.u32 $0x380, s8  }
0xe: {  	s10 =	sor.u32 s11, s10  }
0xf: {  	v1 =	vld [tilespmem:s10+$0x0];
	_ =	sdelay $0x4  }
0x10: {  	v2 =	vshll.u32 v1, $0x15;
	v3 =	vxor.u32 $0xFFFFFFFF, v1  }
0x11: {  	v2 =	vadd.s32 v3, v2  }
0x12: {  	vm0 =	vlt.u32 v2, v3  }
0x13: {  	v1 =	vshrl.u32 v1, $0xB;
	v3 =	vsel vm0, $0x1, v0  }
0x14: {  	v1 =	vadd.s32 v3, v1  }
0x15: {  	v3 =	vshrl.u32 v2, $0x1;
	v1 =	vadd.s32 $0xFFFFFFFF, v1  }
0x16: {  	v3 =	vshrl.u32 v3, $0x17;
	v4 =	vshll.u32 v1, $0x8  }
0x17: {  	v3 =	vor.u32 v3, v4  }
0x18: {  	v2 =	vxor.u32 v2, v3  }
0x19: {  	v6 =	vand.u32 $0xFFFF, v1;
	v3 =	vshrl.u32 v1, $0x18;
	v47 =	vand.u32 $0xFFFF, v2  }
0x1a: {  	v1 =	vshrl.u32 v1, $0x10;
	v2 =	vshrl.u32 v2, $0x10;
	v4 =	vmul.u32 $0x109, v47  }
0x1b: {  	v3 =	vxor.u32 v3, v6;
	v1 =	vmul.u32 $0x1090000, v1;
	v5 =	vmul.u32 $0x109, v2  }
0x1c: {  	v2 =	vmul.u32 $0x1090000, v2;
	v3 =	vmul.u32 $0x109, v3;
	v48 =	vshrl.u32 v4, $0x10  }
0x1d: {  	v54 =	vld [tilespmem:s10+$0x10];
	v5 =	vadd.s32 v5, v48  }
0x1e: {  	v2 =	vadd.s32 v4, v2;
	v1 =	vadd.s32 v1, v3;
	v49 =	vshrl.u32 v5, $0x10  }
0x1f: {  	v3 =	vshrl.u32 v2, $0x1;
	v1 =	vadd.s32 v49, v1  }
0x20: {  	v3 =	vshrl.u32 v3, $0xD;
	v4 =	vshll.u32 v1, $0x12  }
0x21: {  	v3 =	vor.u32 v3, v4  }
0x22: {  	v37 =	vld [tilespmem:s10+$0x20];
	v57 =	vxor.u32 $0xFFFFFFFF, v54;
	v2 =	vxor.u32 v2, v3  }
0x23: {  	v3 =	vshrl.u32 v1, $0xE;
	v50 =	vand.u32 $0xFFFF, v2;
	v2 =	vshrl.u32 v2, $0x10  }
0x24: {  	v1 =	vxor.u32 v1, v3;
	v3 =	vmul.u32 $0x15, v50;
	v51 =	vmul.u32 $0x15, v2  }
0x25: {  	v2 =	vmul.u32 $0x150000, v2;
	v52 =	vand.u32 $0xFFFF, v1;
	v1 =	vshrl.u32 v1, $0x10  }
0x26: {  	v1 =	vmul.u32 $0x150000, v1;
	v5 =	vmul.u32 $0x15, v52;
	v53 =	vshrl.u32 v3, $0x10  }
0x27: {  	v59 =	vshrl.u32 v54, $0xB;
	v42 =	vshll.u32 v37, $0x15;
	v4 =	vadd.s32 v51, v53  }
0x28: {  	v2 =	vadd.s32 v3, v2;
	v1 =	vadd.s32 v5, v1;
	v3 =	vshrl.u32 v4, $0x10  }
0x29: {  	v43 =	vxor.u32 $0xFFFFFFFF, v37;
	v3 =	vadd.s32 v3, v1;
	v1 =	vshrl.u32 v2, $0x1  }
0x2a: {  	v55 =	vshll.u32 v3, $0x4;
	v1 =	vshrl.u32 v1, $0x1B;
	v56 =	vshrl.u32 v3, $0x1C  }
0x2b: {  	v46 =	vshrl.u32 v37, $0xB;
	v1 =	vor.u32 v1, v55;
	v3 =	vxor.u32 v3, v56  }
0x2c: {  	v1 =	vxor.u32 v2, v1;
	v2 =	vshll.u32 v54, $0x15;
	v8 =	vshll.u32 v3, $0x1F  }
0x2d: {  	v58 =	vshll.u32 v1, $0x1F;
	v2 =	vadd.s32 v57, v2;
	v9 =	vshrl.u32 v1, $0x1  }
0x2e: {  	v7 =	vxor.u32 v1, v58;
	v4 =	vand.u32 v1, v58;
	vm15 =	vlt.u32 v2, v57  }
0x2f: {  	v61 =	vor.u32 v9, v8;
	v62 =	vshrl.u32 v2, $0x1;
	v60 =	vsel vm15, $0x1, v0  }
0x30: {  	v4 =	vshrl.u32 v4, $0x1F;
	v3 =	vadd.s32 v3, v61;
	v5 =	vadd.s32 v60, v59  }
0x31: {  	v63 =	vshrl.u32 v62, $0x17;
	v13 =	vshrl.u32 v7, $0x1;
	v5 =	vadd.s32 $0xFFFFFFFF, v5  }
0x32: {  	v3 =	vadd.s32 v4, v3;
	v4 =	vshrl.u32 v13, $0x5;
	v12 =	vshll.u32 v5, $0x8  }
0x33: {  	v14 =	vshll.u32 v3, $0x1A;
	v20 =	vshrl.u32 v3, $0x6;
	v6 =	vor.u32 v63, v12  }
0x34: {  	v3 =	vshrl.u32 v3, $0x16;
	v15 =	vshrl.u32 v5, $0x18;
	v2 =	vxor.u32 v2, v6  }
0x35: {  	v10 =	vand.u32 $0xFFFF, v5;
	v5 =	vshrl.u32 v5, $0x10;
	v16 =	vand.u32 $0xFFFF, v2  }
0x36: {  	v4 =	vor.u32 v4, v14;
	v2 =	vshrl.u32 v2, $0x10;
	v8 =	vmul.u32 $0x109, v16  }
0x37: {  	v5 =	vmul.u32 $0x1090000, v5;
	v6 =	vxor.u32 v15, v10;
	v17 =	vmul.u32 $0x109, v2  }
0x38: {  	v6 =	vmul.u32 $0x109, v6;
	v2 =	vmul.u32 $0x1090000, v2;
	v18 =	vshrl.u32 v8, $0x10  }
0x39: {  	v3 =	vmul.u32 $0x1D6B, v3;
	v22 =	vand.u32 $0xFFFF, v4;
	v19 =	vadd.s32 v17, v18  }
0x3a: {  	v5 =	vadd.s32 v5, v6;
	v2 =	vadd.s32 v8, v2;
	v7 =	vshrl.u32 v19, $0x10  }
0x3b: {  	v4 =	vshrl.u32 v4, $0x10;
	v21 =	vshrl.u32 v2, $0x1;
	v5 =	vadd.s32 v7, v5  }
0x3c: {  	v4 =	vmul.u32 $0xBDC, v4;
	v7 =	vshrl.u32 v21, $0xD;
	v23 =	vshll.u32 v5, $0x12  }
0x3d: {  	v3 =	vadd.s32 v22, v3;
	v24 =	vshrl.u32 v5, $0xE;
	v7 =	vor.u32 v7, v23  }
0x3e: {  	v3 =	vadd.s32 v4, v3;
	v5 =	vxor.u32 v5, v24;
	v2 =	vxor.u32 v2, v7  }
0x3f: {  	v6 =	vand.u32 $0xFFFF, v20;
	v28 =	vand.u32 $0xFFFF, v5;
	v25 =	vand.u32 $0xFFFF, v2  }
0x40: {  	v5 =	vshrl.u32 v5, $0x10;
	v2 =	vshrl.u32 v2, $0x10;
	v26 =	vmul.u32 $0x15, v25  }
0x41: {  	v6 =	vmul.u32 $0x375B, v6;
	v5 =	vmul.u32 $0x150000, v5;
	v27 =	vmul.u32 $0x15, v2  }
0x42: {  	v10 =	vmul.u32 $0x15, v28;
	v2 =	vmul.u32 $0x150000, v2;
	v11 =	vshrl.u32 v26, $0x10  }
0x43: {  	v1 =	vand.u32 $0x3F, v1;
	v17 =	vld [tilespmem:s10+$0x30];
	v3 =	vadd.s32 v6, v3;
	v9 =	vadd.s32 v27, v11  }
0x44: {  	v5 =	vadd.s32 v10, v5;
	v2 =	vadd.s32 v26, v2;
	v29 =	vshrl.u32 v9, $0x10  }
0x45: {  	v33 =	vcvt.s32.f32 v3;
	v30 =	vshrl.u32 v2, $0x1;
	v5 =	vadd.s32 v29, v5  }
0x46: {  	v7 =	vshrl.u32 v30, $0x1B;
	v31 =	vshll.u32 v5, $0x4;
	v32 =	vshrl.u32 v5, $0x1C  }
0x47: {  	v4 =	vor.u32 v7, v31;
	v34 =	vxor.u32 v5, v32;
	v7 =	vmul.f32 $6.399997070e-05, v33  }
0x48: {  	v21 =	vshll.u32 v17, $0x15;
	v2 =	vxor.u32 v2, v4;
	v6 =	vshll.u32 v34, $0x1F  }
0x49: {  	v35 =	vshll.u32 v2, $0x1F;
	v36 =	vshrl.u32 v2, $0x1;
	v40 =	vtrunc.f32 v7  }
0x4a: {  	v7 =	vadd.s32 v43, v42;
	v38 =	vand.u32 v2, v35;
	v6 =	vor.u32 v36, v6  }
0x4b: {  	v5 =	vxor.u32 v2, v35;
	vm4 =	vlt.u32 v7, v43;
	v49 =	vshrl.u32 v7, $0x1  }
0x4c: {  	v2 =	vand.u32 $0x3F, v2;
	v39 =	vshrl.u32 v38, $0x1F;
	v4 =	vadd.s32 v34, v6  }
0x4d: {  	v5 =	vshrl.u32 v5, $0x1;
	v6 =	vcvt.f32.s32 v40;
	v47 =	vsel vm4, $0x1, v0  }
0x4e: {  	v4 =	vadd.s32 v39, v4;
	v5 =	vshrl.u32 v5, $0x5;
	v8 =	vadd.s32 v47, v46  }
0x4f: {  	v41 =	vshll.u32 v4, $0x1A;
	v44 =	vshrl.u32 v4, $0x6;
	v4 =	vshrl.u32 v4, $0x16  }
0x50: {  	v8 =	vadd.s32 $0xFFFFFFFF, v8;
	v6 =	vmul.u32 $0xFFFFC2F7, v6;
	v5 =	vor.u32 v5, v41  }
0x51: {  	v10 =	vand.u32 $0xFFFF, v44;
	v4 =	vmul.u32 $0x1D6B, v4;
	v50 =	vshll.u32 v8, $0x8  }
0x52: {  	v52 =	vshrl.u32 v8, $0x18;
	v55 =	vand.u32 $0xFFFF, v8;
	v8 =	vshrl.u32 v8, $0x10  }
0x53: {  	v45 =	vand.u32 $0xFFFF, v5;
	v5 =	vshrl.u32 v5, $0x10;
	v48 =	vmul.u32 $0x375B, v10  }
0x54: {  	v10 =	vshrl.u32 v49, $0x17;
	v3 =	vadd.s32 v3, v6;
	v5 =	vmul.u32 $0xBDC, v5  }
0x55: {  	v8 =	vmul.u32 $0x1090000, v8;
	v4 =	vadd.s32 v45, v4;
	v59 =	vadd.s32 $0xFFFFC2F7, v3  }
0x56: {  	v51 =	vor.u32 v10, v50;
	vm5 =	vlt.s32 v59, $0x0;
	v4 =	vadd.s32 v5, v4  }
0x57: {  	v45 =	vld [tilespmem:s10+$0x40];
	v5 =	vxor.u32 v7, v51;
	v7 =	vxor.u32 v52, v55;
	v3 =	vsel vm5, v3, v59  }
0x58: {  	v4 =	vadd.s32 v48, v4;
	v53 =	vand.u32 $0xFFFF, v5;
	v5 =	vshrl.u32 v5, $0x10  }
0x59: {  	v7 =	vmul.u32 $0x109, v7;
	v3 =	vshll.u32 v3, $0x6;
	v9 =	vmul.u32 $0x109, v53  }
0x5a: {  	v54 =	vmul.u32 $0x109, v5;
	v5 =	vmul.u32 $0x1090000, v5;
	v57 =	vcvt.s32.f32 v4  }
0x5b: {  	v1 =	vor.u32 v1, v3;
	v7 =	vadd.s32 v8, v7;
	v8 =	vshrl.u32 v17, $0xB  }
0x5c: {  	v52 =	vshll.u32 v45, $0x15;
	v53 =	vxor.u32 $0xFFFFFFFF, v45;
	v56 =	vshrl.u32 v9, $0x10  }
0x5d: {  	v5 =	vadd.s32 v9, v5;
	v6 =	vmul.f32 $6.399997070e-05, v57;
	v10 =	vadd.s32 v54, v56  }
0x5e: {  	v60 =	vshrl.u32 v5, $0x1;
	v54 =	vadd.s32 v53, v52;
	v58 =	vshrl.u32 v10, $0x10  }
0x5f: {  	v9 =	vshrl.u32 v60, $0xD;
	v6 =	vtrunc.f32 v6;
	v7 =	vadd.s32 v58, v7  }
0x60: {  	v6 =	vcvt.f32.s32 v6;
	v61 =	vshll.u32 v7, $0x12;
	v62 =	vshrl.u32 v7, $0xE  }
0x61: {  	vm8 =	vlt.u32 v54, v53;
	v9 =	vor.u32 v9, v61;
	v7 =	vxor.u32 v7, v62  }
0x62: {  	v6 =	vmul.u32 $0xFFFFC2F7, v6;
	v5 =	vxor.u32 v5, v9;
	v13 =	vand.u32 $0xFFFF, v7  }
0x63: {  	v7 =	vshrl.u32 v7, $0x10;
	v9 =	vand.u32 $0xFFFF, v5;
	v5 =	vshrl.u32 v5, $0x10  }
0x64: {  	v7 =	vmul.u32 $0x150000, v7;
	v10 =	vmul.u32 $0x15, v13;
	v4 =	vadd.s32 v4, v6  }
0x65: {  	v63 =	vmul.u32 $0x15, v9;
	v12 =	vmul.u32 $0x15, v5;
	v5 =	vmul.u32 $0x150000, v5  }
0x66: {  	v57 =	vshrl.u32 v54, $0x1;
	v6 =	vadd.s32 $0xFFFFC2F7, v4;
	v7 =	vadd.s32 v10, v7  }
0x67: {  	vm7 =	vlt.s32 v6, $0x0;
	v14 =	vshrl.u32 v63, $0x10;
	v5 =	vadd.s32 v63, v5  }
0x68: {  	v4 =	vsel vm7, v4, v6;
	v9 =	vadd.s32 v12, v14;
	v16 =	vshrl.u32 v5, $0x1  }
0x69: {  	v12 =	vxor.u32 $0xFFFFFFFF, v17;
	v4 =	vshll.u32 v4, $0x6;
	v15 =	vshrl.u32 v9, $0x10  }
0x6a: {  	v22 =	vadd.s32 v12, v21;
	v2 =	vor.u32 v2, v4;
	v3 =	vadd.s32 v15, v7  }
0x6b: {  	v7 =	vshrl.u32 v16, $0x1B;
	vm6 =	vlt.u32 v22, v12;
	v25 =	vshrl.u32 v22, $0x1  }
0x6c: {  	v18 =	vshll.u32 v3, $0x4;
	v19 =	vshrl.u32 v3, $0x1C;
	v24 =	vsel vm6, $0x1, v0  }
0x6d: {  	v7 =	vor.u32 v7, v18;
	v3 =	vxor.u32 v3, v19;
	v8 =	vadd.s32 v24, v8  }
0x6e: {  	v5 =	vxor.u32 v5, v7;
	v9 =	vshll.u32 v3, $0x1F;
	v8 =	vadd.s32 $0xFFFFFFFF, v8  }
0x6f: {  	v7 =	vshll.u32 v5, $0x1F;
	v20 =	vshrl.u32 v5, $0x1;
	v26 =	vshll.u32 v8, $0x8  }
0x70: {  	v29 =	vshrl.u32 v8, $0x18;
	v15 =	vand.u32 $0xFFFF, v8;
	v8 =	vshrl.u32 v8, $0x10  }
0x71: {  	v13 =	vand.u32 v5, v7;
	v9 =	vor.u32 v20, v9;
	v7 =	vxor.u32 v5, v7  }
0x72: {  	v10 =	vxor.u32 v29, v15;
	v8 =	vmul.u32 $0x1090000, v8;
	v23 =	vshrl.u32 v13, $0x1F  }
0x73: {  	v3 =	vadd.s32 v3, v9;
	v7 =	vshrl.u32 v7, $0x1;
	v9 =	vshrl.u32 v25, $0x17  }
0x74: {  	v10 =	vmul.u32 $0x109, v10;
	v3 =	vadd.s32 v23, v3;
	v7 =	vshrl.u32 v7, $0x5  }
0x75: {  	v9 =	vor.u32 v9, v26;
	v11 =	vshll.u32 v3, $0x1A;
	v27 =	vshrl.u32 v3, $0x6  }
0x76: {  	v9 =	vxor.u32 v22, v9;
	v3 =	vshrl.u32 v3, $0x16;
	v8 =	vadd.s32 v8, v10  }
0x77: {  	v7 =	vor.u32 v7, v11;
	v30 =	vand.u32 $0xFFFF, v9;
	v9 =	vshrl.u32 v9, $0x10  }
0x78: {  	v3 =	vmul.u32 $0x1D6B, v3;
	v11 =	vand.u32 $0xFFFF, v27;
	v13 =	vmul.u32 $0x109, v30  }
0x79: {  	v28 =	vand.u32 $0xFFFF, v7;
	v14 =	vmul.u32 $0x109, v9;
	v9 =	vmul.u32 $0x1090000, v9  }
0x7a: {  	v7 =	vshrl.u32 v7, $0x10;
	v11 =	vmul.u32 $0x375B, v11;
	v31 =	vshrl.u32 v13, $0x10  }
0x7b: {  	v7 =	vmul.u32 $0xBDC, v7;
	v9 =	vadd.s32 v13, v9;
	v14 =	vadd.s32 v14, v31  }
0x7c: {  	v3 =	vadd.s32 v28, v3;
	v33 =	vshrl.u32 v9, $0x1;
	v32 =	vshrl.u32 v14, $0x10  }
0x7d: {  	v3 =	vadd.s32 v7, v3;
	v10 =	vshrl.u32 v33, $0xD;
	v8 =	vadd.s32 v32, v8  }
0x7e: {  	v3 =	vadd.s32 v11, v3;
	v13 =	vshll.u32 v8, $0x12;
	v35 =	vshrl.u32 v8, $0xE  }
0x7f: {  	v41 =	vcvt.s32.f32 v3;
	v10 =	vor.u32 v10, v13;
	v8 =	vxor.u32 v8, v35  }
0x80: {  	v34 =	vxor.u32 v9, v10;
	v38 =	vand.u32 $0xFFFF, v8;
	v8 =	vshrl.u32 v8, $0x10  }
0x81: {  	v9 =	vmul.f32 $6.399997070e-05, v41;
	v10 =	vand.u32 $0xFFFF, v34;
	v7 =	vshrl.u32 v34, $0x10;
	v34 =	vld [tilespmem:s10+$0x50]  }
0x82: {  	v8 =	vmul.u32 $0x150000, v8;
	v12 =	vmul.u32 $0x15, v38;
	v36 =	vmul.u32 $0x15, v10  }
0x83: {  	v5 =	vand.u32 $0x3F, v5;
	v37 =	vmul.u32 $0x15, v7;
	v7 =	vmul.u32 $0x150000, v7  }
0x84: {  	v47 =	vtrunc.f32 v9;
	v8 =	vadd.s32 v12, v8;
	v39 =	vshrl.u32 v36, $0x10  }
0x85: {  	v12 =	vsel vm8, $0x1, v0;
	v7 =	vadd.s32 v36, v7;
	v40 =	vadd.s32 v37, v39  }
0x86: {  	v42 =	vshrl.u32 v7, $0x1;
	v6 =	vshrl.u32 v40, $0x10;
	v39 =	vshll.u32 v34, $0x15  }
0x87: {  	v40 =	vxor.u32 $0xFFFFFFFF, v34;
	v6 =	vadd.s32 v6, v8;
	v8 =	vshrl.u32 v42, $0x1B  }
0x88: {  	v41 =	vadd.s32 v40, v39;
	v42 =	vshrl.u32 v34, $0xB;
	v43 =	vshll.u32 v6, $0x4  }
0x89: {  	v46 =	vshrl.u32 v6, $0x1C;
	vm10 =	vlt.u32 v41, v40;
	v44 =	vor.u32 v8, v43  }
0x8a: {  	v6 =	vxor.u32 v6, v46;
	v8 =	vshrl.u32 v45, $0xB;
	v43 =	vsel vm10, $0x1, v0  }
0x8b: {  	v45 =	vshrl.u32 v41, $0x1;
	v4 =	vxor.u32 v7, v44;
	v50 =	vshll.u32 v6, $0x1F  }
0x8c: {  	v7 =	vcvt.f32.s32 v47;
	v8 =	vadd.s32 v12, v8;
	v12 =	vshrl.u32 v57, $0x17  }
0x8d: {  	v48 =	vshll.u32 v4, $0x1F;
	v51 =	vshrl.u32 v4, $0x1;
	v8 =	vadd.s32 $0xFFFFFFFF, v8  }
0x8e: {  	v49 =	vand.u32 v4, v48;
	v11 =	vor.u32 v51, v50;
	v9 =	vxor.u32 v4, v48  }
0x8f: {  	v7 =	vmul.u32 $0xFFFFC2F7, v7;
	v59 =	vshll.u32 v8, $0x8;
	v60 =	vshrl.u32 v8, $0x18  }
0x90: {  	v16 =	vand.u32 $0xFFFF, v8;
	v8 =	vshrl.u32 v8, $0x10;
	v4 =	vand.u32 $0x3F, v4  }
0x91: {  	v10 =	vshrl.u32 v49, $0x1F;
	v6 =	vadd.s32 v6, v11;
	v9 =	vshrl.u32 v9, $0x1  }
0x92: {  	v12 =	vor.u32 v12, v59;
	v8 =	vmul.u32 $0x1090000, v8;
	v6 =	vadd.s32 v10, v6  }
0x93: {  	v9 =	vshrl.u32 v9, $0x5;
	v10 =	vxor.u32 v54, v12;
	v12 =	vxor.u32 v60, v16  }
0x94: {  	v3 =	vadd.s32 v3, v7;
	v55 =	vshll.u32 v6, $0x1A;
	v56 =	vshrl.u32 v6, $0x6  }
0x95: {  	v6 =	vshrl.u32 v6, $0x16;
	v61 =	vand.u32 $0xFFFF, v10;
	v10 =	vshrl.u32 v10, $0x10  }
0x96: {  	v12 =	vmul.u32 $0x109, v12;
	v23 =	vadd.s32 $0xFFFFC2F7, v3;
	v9 =	vor.u32 v9, v55  }
0x97: {  	v11 =	vand.u32 $0xFFFF, v56;
	v14 =	vmul.u32 $0x109, v61;
	v62 =	vmul.u32 $0x109, v10  }
0x98: {  	v10 =	vmul.u32 $0x1090000, v10;
	v6 =	vmul.u32 $0x1D6B, v6;
	vm9 =	vlt.s32 v23, $0x0  }
0x99: {  	v58 =	vand.u32 $0xFFFF, v9;
	v9 =	vshrl.u32 v9, $0x10;
	v11 =	vmul.u32 $0x375B, v11  }
0x9a: {  	v8 =	vadd.s32 v8, v12;
	v3 =	vsel vm9, v3, v23;
	v63 =	vshrl.u32 v14, $0x10  }
0x9b: {  	v9 =	vmul.u32 $0xBDC, v9;
	v10 =	vadd.s32 v14, v10;
	v15 =	vadd.s32 v62, v63  }
0x9c: {  	v6 =	vadd.s32 v58, v6;
	v19 =	vshrl.u32 v10, $0x1;
	v18 =	vshrl.u32 v15, $0x10  }
0x9d: {  	v6 =	vadd.s32 v9, v6;
	v20 =	vshrl.u32 v19, $0xD;
	v8 =	vadd.s32 v18, v8  }
0x9e: {  	v6 =	vadd.s32 v11, v6;
	v21 =	vshll.u32 v8, $0x12;
	v24 =	vshrl.u32 v8, $0xE  }
0x9f: {  	v11 =	vcvt.s32.f32 v6;
	v22 =	vor.u32 v20, v21;
	v8 =	vxor.u32 v8, v24  }
0xa0: {  	v7 =	vxor.u32 v10, v22;
	v28 =	vand.u32 $0xFFFF, v8;
	v8 =	vshrl.u32 v8, $0x10  }
0xa1: {  	v11 =	vmul.f32 $6.399997070e-05, v11;
	v25 =	vand.u32 $0xFFFF, v7;
	v7 =	vshrl.u32 v7, $0x10  }
0xa2: {  	v8 =	vmul.u32 $0x150000, v8;
	v13 =	vmul.u32 $0x15, v28;
	v26 =	vmul.u32 $0x15, v25  }
0xa3: {  	v27 =	vmul.u32 $0x15, v7;
	v7 =	vmul.u32 $0x150000, v7;
	v32 =	vtrunc.f32 v11  }
0xa4: {  	v3 =	vshll.u32 v3, $0x6;
	v10 =	vcvt.f32.s32 v32;
	v29 =	vshrl.u32 v26, $0x10  }
0xa5: {  	v8 =	vadd.s32 v13, v8;
	v7 =	vadd.s32 v26, v7;
	v26 =	vld [tilespmem:s10+$0x60];
	v12 =	vadd.s32 v27, v29  }
0xa6: {  	v31 =	vshrl.u32 v7, $0x1;
	v36 =	vmul.u32 $0xFFFFC2F7, v10;
	v30 =	vshrl.u32 v12, $0x10  }
0xa7: {  	v3 =	vor.u32 v5, v3;
	v9 =	vshrl.u32 v31, $0x1B;
	v8 =	vadd.s32 v30, v8  }
0xa8: {  	v12 =	vshrl.u32 v45, $0x17;
	v6 =	vadd.s32 v6, v36;
	v33 =	vshll.u32 v8, $0x4  }
0xa9: {  	v35 =	vshrl.u32 v8, $0x1C;
	v18 =	vadd.s32 $0xFFFFC2F7, v6;
	v9 =	vor.u32 v9, v33  }
0xaa: {  	v8 =	vxor.u32 v8, v35;
	vm11 =	vlt.s32 v18, $0x0;
	v30 =	vshll.u32 v26, $0x15  }
0xab: {  	v31 =	vxor.u32 $0xFFFFFFFF, v26;
	v34 =	vshrl.u32 v26, $0xB;
	v5 =	vxor.u32 v7, v9  }
0xac: {  	v11 =	vshll.u32 v8, $0x1F;
	v9 =	vshll.u32 v5, $0x1F;
	v38 =	vshrl.u32 v5, $0x1  }
0xad: {  	v6 =	vsel vm11, v6, v18;
	v37 =	vand.u32 v5, v9;
	v11 =	vor.u32 v38, v11  }
0xae: {  	v9 =	vxor.u32 v5, v9;
	v10 =	vshrl.u32 v37, $0x1F;
	v8 =	vadd.s32 v8, v11  }
0xaf: {  	v9 =	vshrl.u32 v9, $0x1;
	v8 =	vadd.s32 v10, v8;
	v10 =	vadd.s32 v43, v42  }
0xb0: {  	v6 =	vshll.u32 v6, $0x6;
	v9 =	vshrl.u32 v9, $0x5;
	v10 =	vadd.s32 $0xFFFFFFFF, v10  }
0xb1: {  	v44 =	vshll.u32 v8, $0x1A;
	v46 =	vshrl.u32 v8, $0x6;
	v47 =	vshll.u32 v10, $0x8  }
0xb2: {  	v8 =	vshrl.u32 v8, $0x16;
	v9 =	vor.u32 v9, v44;
	v12 =	vor.u32 v12, v47  }
0xb3: {  	v13 =	vand.u32 $0xFFFF, v46;
	v49 =	vshrl.u32 v10, $0x18;
	v11 =	vxor.u32 v41, v12  }
0xb4: {  	v17 =	vand.u32 $0xFFFF, v10;
	v10 =	vshrl.u32 v10, $0x10;
	v50 =	vand.u32 $0xFFFF, v11  }
0xb5: {  	v8 =	vmul.u32 $0x1D6B, v8;
	v11 =	vshrl.u32 v11, $0x10;
	v14 =	vmul.u32 $0x109, v50  }
0xb6: {  	v10 =	vmul.u32 $0x1090000, v10;
	v12 =	vxor.u32 v49, v17;
	v51 =	vmul.u32 $0x109, v11  }
0xb7: {  	v12 =	vmul.u32 $0x109, v12;
	v11 =	vmul.u32 $0x1090000, v11;
	v52 =	vshrl.u32 v14, $0x10  }
0xb8: {  	v48 =	vand.u32 $0xFFFF, v9;
	v9 =	vshrl.u32 v9, $0x10;
	v16 =	vadd.s32 v51, v52  }
0xb9: {  	v10 =	vadd.s32 v10, v12;
	v11 =	vadd.s32 v14, v11;
	v53 =	vshrl.u32 v16, $0x10  }
0xba: {  	v54 =	vmul.u32 $0x375B, v13;
	v55 =	vshrl.u32 v11, $0x1;
	v10 =	vadd.s32 v53, v10  }
0xbb: {  	v9 =	vmul.u32 $0xBDC, v9;
	v13 =	vshrl.u32 v55, $0xD;
	v14 =	vshll.u32 v10, $0x12  }
0xbc: {  	v8 =	vadd.s32 v48, v8;
	v59 =	vshrl.u32 v10, $0xE;
	v56 =	vor.u32 v13, v14  }
0xbd: {  	v8 =	vadd.s32 v9, v8;
	v9 =	vxor.u32 v10, v59;
	v58 =	vxor.u32 v11, v56  }
0xbe: {  	v57 =	vadd.s32 v54, v8;
	v62 =	vand.u32 $0xFFFF, v9;
	v11 =	vand.u32 $0xFFFF, v58  }
0xbf: {  	v9 =	vshrl.u32 v9, $0x10;
	v8 =	vshrl.u32 v58, $0x10;
	v60 =	vmul.u32 $0x15, v11  }
0xc0: {  	v19 =	vcvt.s32.f32 v57;
	v9 =	vmul.u32 $0x150000, v9;
	v61 =	vmul.u32 $0x15, v8  }
0xc1: {  	v12 =	vmul.u32 $0x15, v62;
	v8 =	vmul.u32 $0x150000, v8;
	v63 =	vshrl.u32 v60, $0x10  }
0xc2: {  	v4 =	vor.u32 v4, v6;
	v22 =	vmul.f32 $6.399997070e-05, v19;
	v11 =	vadd.s32 v61, v63  }
0xc3: {  	v9 =	vadd.s32 v12, v9;
	v8 =	vadd.s32 v60, v8;
	v61 =	vld [tilespmem:s10+$0x70];
	v20 =	vshrl.u32 v11, $0x10  }
0xc4: {  	v21 =	vshrl.u32 v8, $0x1;
	v11 =	vtrunc.f32 v22;
	v9 =	vadd.s32 v20, v9  }
0xc5: {  	v10 =	vshrl.u32 v21, $0x1B;
	v11 =	vcvt.f32.s32 v11;
	v23 =	vshll.u32 v9, $0x4  }
0xc6: {  	v5 =	vand.u32 $0x3F, v5;
	v24 =	vshrl.u32 v9, $0x1C;
	v10 =	vor.u32 v10, v23  }
0xc7: {  	v9 =	vxor.u32 v9, v24;
	v11 =	vmul.u32 $0xFFFFC2F7, v11;
	v8 =	vxor.u32 v8, v10  }
0xc8: {  	v12 =	vshll.u32 v9, $0x1F;
	v23 =	vshll.u32 v61, $0x15;
	v24 =	vxor.u32 $0xFFFFFFFF, v61  }
0xc9: {  	v10 =	vshll.u32 v8, $0x1F;
	v25 =	vshrl.u32 v8, $0x1;
	v7 =	vadd.s32 v57, v11  }
0xca: {  	v63 =	vand.u32 $0x3F, v8;
	v27 =	vand.u32 v8, v10;
	v12 =	vor.u32 v25, v12  }
0xcb: {  	v10 =	vxor.u32 v8, v10;
	v46 =	vadd.s32 $0xFFFFC2F7, v7;
	v28 =	vshrl.u32 v27, $0x1F  }
0xcc: {  	v9 =	vadd.s32 v9, v12;
	v10 =	vshrl.u32 v10, $0x1;
	v12 =	vadd.s32 v31, v30  }
0xcd: {  	vm13 =	vlt.s32 v46, $0x0;
	v9 =	vadd.s32 v28, v9;
	v10 =	vshrl.u32 v10, $0x5  }
0xce: {  	vm12 =	vlt.u32 v12, v31;
	v37 =	vshrl.u32 v12, $0x1;
	v29 =	vshll.u32 v9, $0x1A  }
0xcf: {  	v32 =	vshrl.u32 v9, $0x6;
	v9 =	vshrl.u32 v9, $0x16;
	v35 =	vsel vm12, $0x1, v0  }
0xd0: {  	v10 =	vor.u32 v10, v29;
	v15 =	vand.u32 $0xFFFF, v32;
	v9 =	vmul.u32 $0x1D6B, v9  }
0xd1: {  	v13 =	vadd.s32 v35, v34;
	v33 =	vand.u32 $0xFFFF, v10;
	v10 =	vshrl.u32 v10, $0x10  }
0xd2: {  	v36 =	vmul.u32 $0x375B, v15;
	v13 =	vadd.s32 $0xFFFFFFFF, v13;
	v15 =	vshrl.u32 v37, $0x17  }
0xd3: {  	v10 =	vmul.u32 $0xBDC, v10;
	v9 =	vadd.s32 v33, v9;
	v38 =	vshll.u32 v13, $0x8  }
0xd4: {  	v41 =	vshrl.u32 v13, $0x18;
	v44 =	vand.u32 $0xFFFF, v13;
	v40 =	vor.u32 v15, v38  }
0xd5: {  	v13 =	vshrl.u32 v13, $0x10;
	v39 =	vadd.s32 v10, v9;
	v9 =	vxor.u32 v12, v40  }
0xd6: {  	v7 =	vsel vm13, v7, v46;
	v13 =	vmul.u32 $0x1090000, v13;
	v42 =	vand.u32 $0xFFFF, v9  }
0xd7: {  	v10 =	vxor.u32 v41, v44;
	v9 =	vshrl.u32 v9, $0x10;
	v11 =	vmul.u32 $0x109, v42  }
0xd8: {  	v6 =	vadd.s32 v36, v39;
	v10 =	vmul.u32 $0x109, v10;
	v43 =	vmul.u32 $0x109, v9  }
0xd9: {  	v9 =	vmul.u32 $0x1090000, v9;
	v47 =	vcvt.s32.f32 v6;
	v45 =	vshrl.u32 v11, $0x10  }
0xda: {  	v7 =	vshll.u32 v7, $0x6;
	v10 =	vadd.s32 v13, v10;
	v12 =	vadd.s32 v43, v45  }
0xdb: {  	v9 =	vadd.s32 v11, v9;
	v50 =	vmul.f32 $6.399997070e-05, v47;
	v48 =	vshrl.u32 v12, $0x10  }
0xdc: {  	v5 =	vor.u32 v5, v7;
	v49 =	vshrl.u32 v9, $0x1;
	v10 =	vadd.s32 v48, v10  }
0xdd: {  	v11 =	vshrl.u32 v49, $0xD;
	v12 =	vtrunc.f32 v50;
	v51 =	vshll.u32 v10, $0x12  }
0xde: {  	v58 =	vcvt.f32.s32 v12;
	v52 =	vshrl.u32 v10, $0xE;
	v11 =	vor.u32 v11, v51  }
0xdf: {  	v12 =	vshrl.u32 v61, $0xB;
	v10 =	vxor.u32 v10, v52;
	v9 =	vxor.u32 v9, v11  }
0xe0: {  	v7 =	vmul.u32 $0xFFFFC2F7, v58;
	v56 =	vand.u32 $0xFFFF, v10;
	v53 =	vand.u32 $0xFFFF, v9  }
0xe1: {  	v10 =	vshrl.u32 v10, $0x10;
	v9 =	vshrl.u32 v9, $0x10;
	v54 =	vmul.u32 $0x15, v53  }
0xe2: {  	v10 =	vmul.u32 $0x150000, v10;
	v14 =	vmul.u32 $0x15, v56;
	v55 =	vmul.u32 $0x15, v9  }
0xe3: {  	v6 =	vadd.s32 v6, v7;
	v9 =	vmul.u32 $0x150000, v9;
	v57 =	vshrl.u32 v54, $0x10  }
0xe4: {  	v21 =	vadd.s32 $0xFFFFC2F7, v6;
	v10 =	vadd.s32 v14, v10;
	v59 =	vadd.s32 v55, v57  }
0xe5: {  	vm15 =	vlt.s32 v21, $0x0;
	v9 =	vadd.s32 v54, v9;
	v60 =	vshrl.u32 v59, $0x10  }
0xe6: {  	v6 =	vsel vm15, v6, v21;
	v62 =	vshrl.u32 v9, $0x1;
	v10 =	vadd.s32 v60, v10  }
0xe7: {  	v6 =	vshll.u32 v6, $0x6;
	v11 =	vshrl.u32 v62, $0x1B;
	v59 =	vld [tilespmem:s10+$0x400];
	v18 =	vshll.u32 v10, $0x4  }
0xe8: {  	v6 =	vor.u32 v63, v6;
	v20 =	vshrl.u32 v10, $0x1C;
	v19 =	vor.u32 v11, v18  }
0xe9: {  	v22 =	vxor.u32 v10, v20;
	v10 =	vadd.s32 v24, v23;
	v8 =	vxor.u32 v9, v19  }
0xea: {  	v26 =	vshll.u32 v22, $0x1F;
	vm14 =	vlt.u32 v10, v24;
	v32 =	vshrl.u32 v10, $0x1  }
0xeb: {  	v9 =	vshll.u32 v8, $0x1F;
	v27 =	vshrl.u32 v8, $0x1;
	v29 =	vsel vm14, $0x1, v0  }
0xec: {  	v11 =	vshrl.u32 v32, $0x17;
	v62 =	vshll.u32 v59, $0x15;
	v63 =	vxor.u32 $0xFFFFFFFF, v59  }
0xed: {  	v25 =	vxor.u32 v8, v9;
	v9 =	vand.u32 v8, v9;
	v28 =	vor.u32 v27, v26  }
0xee: {  	v30 =	vadd.s32 v29, v12;
	v8 =	vand.u32 $0x3F, v8;
	v9 =	vshrl.u32 v9, $0x1F  }
0xef: {  	v7 =	vadd.s32 v22, v28;
	v31 =	vadd.s32 $0xFFFFFFFF, v30;
	v33 =	vshrl.u32 v25, $0x1  }
0xf0: {  	v7 =	vadd.s32 v9, v7;
	v34 =	vshll.u32 v31, $0x8;
	v12 =	vshrl.u32 v33, $0x5  }
0xf1: {  	v36 =	vshrl.u32 v31, $0x18;
	v39 =	vand.u32 $0xFFFF, v31;
	v9 =	vshrl.u32 v31, $0x10  }
0xf2: {  	v35 =	vshll.u32 v7, $0x1A;
	v11 =	vor.u32 v11, v34;
	v9 =	vmul.u32 $0x1090000, v9  }
0xf3: {  	v18 =	vshrl.u32 v7, $0x6;
	v7 =	vshrl.u32 v7, $0x16;
	v12 =	vor.u32 v12, v35  }
0xf4: {  	v10 =	vxor.u32 v10, v11;
	v11 =	vxor.u32 v36, v39;
	v7 =	vmul.u32 $0x1D6B, v7  }
0xf5: {  	v43 =	vand.u32 $0xFFFF, v18;
	v37 =	vand.u32 $0xFFFF, v10;
	v10 =	vshrl.u32 v10, $0x10  }
0xf6: {  	v11 =	vmul.u32 $0x109, v11;
	v19 =	vand.u32 $0xFFFF, v12;
	v15 =	vmul.u32 $0x109, v37  }
0xf7: {  	v12 =	vshrl.u32 v12, $0x10;
	v38 =	vmul.u32 $0x109, v10;
	v10 =	vmul.u32 $0x1090000, v10  }
0xf8: {  	v12 =	vmul.u32 $0xBDC, v12;
	v7 =	vadd.s32 v19, v7;
	v40 =	vshrl.u32 v15, $0x10  }
0xf9: {  	v9 =	vadd.s32 v9, v11;
	v10 =	vadd.s32 v15, v10;
	v16 =	vadd.s32 v38, v40  }
0xfa: {  	v42 =	vshrl.u32 v10, $0x1;
	v41 =	vshrl.u32 v16, $0x10;
	v16 =	vmul.u32 $0x375B, v43  }
0xfb: {  	v7 =	vadd.s32 v12, v7;
	v11 =	vshrl.u32 v42, $0xD;
	v9 =	vadd.s32 v41, v9  }
0xfc: {  	v15 =	vshll.u32 v9, $0x12;
	v44 =	vshrl.u32 v9, $0xE;
	v52 =	vadd.s32 v16, v7  }
0xfd: {  	v39 =	vld [tilespmem:s10+$0x410];
	v11 =	vor.u32 v11, v15;
	v9 =	vxor.u32 v9, v44;
	v54 =	vcvt.s32.f32 v52  }
0xfe: {  	v15 =	vshrl.u32 v59, $0xB;
	v10 =	vxor.u32 v10, v11;
	v48 =	vand.u32 $0xFFFF, v9  }
0xff: {  	v9 =	vshrl.u32 v9, $0x10;
	v45 =	vand.u32 $0xFFFF, v10;
	v10 =	vshrl.u32 v10, $0x10  }
0x100: {  	v9 =	vmul.u32 $0x150000, v9;
	v11 =	vmul.f32 $6.399997070e-05, v54;
	v46 =	vmul.u32 $0x15, v45  }
0x101: {  	v17 =	vmul.u32 $0x15, v48;
	v47 =	vmul.u32 $0x15, v10;
	v10 =	vmul.u32 $0x150000, v10  }
0x102: {  	v48 =	vshll.u32 v39, $0x15;
	v11 =	vtrunc.f32 v11;
	v49 =	vshrl.u32 v46, $0x10  }
0x103: {  	v10 =	vadd.s32 v46, v10;
	v11 =	vcvt.f32.s32 v11;
	v50 =	vadd.s32 v47, v49  }
0x104: {  	v9 =	vadd.s32 v17, v9;
	v53 =	vshrl.u32 v10, $0x1;
	v51 =	vshrl.u32 v50, $0x10  }
0x105: {  	v49 =	vxor.u32 $0xFFFFFFFF, v39;
	v11 =	vmul.u32 $0xFFFFC2F7, v11;
	v9 =	vadd.s32 v51, v9  }
0x106: {  	v7 =	vshrl.u32 v53, $0x1B;
	v55 =	vshll.u32 v9, $0x4;
	v56 =	vshrl.u32 v9, $0x1C  }
0x107: {  	v11 =	vadd.s32 v52, v11;
	v7 =	vor.u32 v7, v55;
	v9 =	vxor.u32 v9, v56  }
0x108: {  	v12 =	vadd.s32 $0xFFFFC2F7, v11;
	v7 =	vxor.u32 v10, v7;
	v14 =	vshll.u32 v9, $0x1F  }
0x109: {  	vm5 =	vlt.s32 v12, $0x0;
	v10 =	vshll.u32 v7, $0x1F;
	v57 =	vshrl.u32 v7, $0x1  }
0x10a: {  	v58 =	vand.u32 v7, v10;
	v14 =	vor.u32 v57, v14;
	v10 =	vxor.u32 v7, v10  }
0x10b: {  	v16 =	vshrl.u32 v58, $0x1F;
	v9 =	vadd.s32 v9, v14;
	v10 =	vshrl.u32 v10, $0x1  }
0x10c: {  	v14 =	vadd.s32 v63, v62;
	v9 =	vadd.s32 v16, v9;
	v10 =	vshrl.u32 v10, $0x5  }
0x10d: {  	vm4 =	vlt.u32 v14, v63;
	v21 =	vshrl.u32 v14, $0x1;
	v60 =	vshll.u32 v9, $0x1A  }
0x10e: {  	v61 =	vshrl.u32 v9, $0x6;
	v9 =	vshrl.u32 v9, $0x16;
	v16 =	vsel vm4, $0x1, v0  }
0x10f: {  	v22 =	vshrl.u32 v21, $0x17;
	v10 =	vor.u32 v10, v60;
	v9 =	vmul.u32 $0x1D6B, v9  }
0x110: {  	v15 =	vadd.s32 v16, v15;
	v20 =	vand.u32 $0xFFFF, v10;
	v10 =	vshrl.u32 v10, $0x10  }
0x111: {  	v13 =	vand.u32 $0xFFFF, v61;
	v15 =	vadd.s32 $0xFFFFFFFF, v15;
	v10 =	vmul.u32 $0xBDC, v10  }
0x112: {  	v13 =	vmul.u32 $0x375B, v13;
	v9 =	vadd.s32 v20, v9;
	v23 =	vshll.u32 v15, $0x8  }
0x113: {  	v24 =	vshrl.u32 v15, $0x18;
	v9 =	vadd.s32 v10, v9;
	v10 =	vor.u32 v22, v23  }
0x114: {  	v27 =	vand.u32 $0xFFFF, v15;
	v15 =	vshrl.u32 v15, $0x10;
	v10 =	vxor.u32 v14, v10  }
0x115: {  	v11 =	vsel vm5, v11, v12;
	v15 =	vmul.u32 $0x1090000, v15;
	v25 =	vand.u32 $0xFFFF, v10  }
0x116: {  	v9 =	vadd.s32 v13, v9;
	v10 =	vshrl.u32 v10, $0x10;
	v16 =	vmul.u32 $0x109, v25  }
0x117: {  	v14 =	vxor.u32 v24, v27;
	v13 =	vcvt.s32.f32 v9;
	v26 =	vmul.u32 $0x109, v10  }
0x118: {  	v14 =	vmul.u32 $0x109, v14;
	v10 =	vmul.u32 $0x1090000, v10;
	v28 =	vshrl.u32 v16, $0x10  }
0x119: {  	v11 =	vshll.u32 v11, $0x6;
	v13 =	vmul.f32 $6.399997070e-05, v13;
	v17 =	vadd.s32 v26, v28  }
0x11a: {  	v14 =	vadd.s32 v15, v14;
	v10 =	vadd.s32 v16, v10;
	v29 =	vshrl.u32 v17, $0x10  }
0x11b: {  	v7 =	vand.u32 $0x3F, v7;
	v30 =	vshrl.u32 v10, $0x1;
	v14 =	vadd.s32 v29, v14  }
0x11c: {  	v13 =	vtrunc.f32 v13;
	v15 =	vshrl.u32 v30, $0xD;
	v16 =	vshll.u32 v14, $0x12  }
0x11d: {  	v13 =	vcvt.f32.s32 v13;
	v32 =	vshrl.u32 v14, $0xE;
	v31 =	vor.u32 v15, v16  }
0x11e: {  	v8 =	vor.u32 v8, v11;
	v12 =	vxor.u32 v14, v32;
	v10 =	vxor.u32 v10, v31  }
0x11f: {  	v13 =	vmul.u32 $0xFFFFC2F7, v13;
	v36 =	vand.u32 $0xFFFF, v12;
	v33 =	vand.u32 $0xFFFF, v10  }
0x120: {  	v12 =	vshrl.u32 v12, $0x10;
	v10 =	vshrl.u32 v10, $0x10;
	v34 =	vmul.u32 $0x15, v33  }
0x121: {  	v9 =	vadd.s32 v9, v13;
	v12 =	vmul.u32 $0x150000, v12;
	v35 =	vmul.u32 $0x15, v10  }
0x122: {  	v16 =	vmul.u32 $0x15, v36;
	v10 =	vmul.u32 $0x150000, v10;
	v37 =	vshrl.u32 v34, $0x10  }
0x123: {  	v13 =	vshrl.u32 v39, $0xB;
	v42 =	vadd.s32 $0xFFFFC2F7, v9;
	v38 =	vadd.s32 v35, v37  }
0x124: {  	v41 =	vadd.s32 v16, v12;
	v14 =	vadd.s32 v34, v10;
	v40 =	vshrl.u32 v38, $0x10  }
0x125: {  	vm6 =	vlt.s32 v42, $0x0;
	v43 =	vshrl.u32 v14, $0x1;
	v11 =	vadd.s32 v40, v41  }
0x126: {  	v10 =	vsel vm6, v9, v42;
	v45 =	vshrl.u32 v43, $0x1B;
	v44 =	vshll.u32 v11, $0x4  }
0x127: {  	v10 =	vshll.u32 v10, $0x6;
	v47 =	vshrl.u32 v11, $0x1C;
	v46 =	vor.u32 v45, v44  }
0x128: {  	v7 =	vor.u32 v7, v10;
	v11 =	vxor.u32 v11, v47;
	v9 =	vxor.u32 v14, v46  }
0x129: {  	v14 =	vadd.s32 v49, v48;
	v52 =	vshll.u32 v11, $0x1F;
	v50 =	vshll.u32 v9, $0x1F  }
0x12a: {  	vm7 =	vlt.u32 v14, v49;
	v53 =	vshrl.u32 v9, $0x1;
	v55 =	vshrl.u32 v14, $0x1  }
0x12b: {  	v51 =	vxor.u32 v9, v50;
	v12 =	vand.u32 v9, v50;
	v15 =	vsel vm7, $0x1, v0  }
0x12c: {  	v54 =	vor.u32 v53, v52;
	v56 =	vshrl.u32 v55, $0x17;
	v9 =	vand.u32 $0x3F, v9  }
0x12d: {  	v12 =	vshrl.u32 v12, $0x1F;
	v13 =	vadd.s32 v15, v13;
	v11 =	vadd.s32 v11, v54  }
0x12e: {  	v58 =	vshrl.u32 v51, $0x1;
	v13 =	vadd.s32 $0xFFFFFFFF, v13;
	v11 =	vadd.s32 v12, v11  }
0x12f: {  	v12 =	vshrl.u32 v58, $0x5;
	v57 =	vshll.u32 v13, $0x8;
	v59 =	vshll.u32 v11, $0x1A  }
0x130: {  	v60 =	vshrl.u32 v13, $0x18;
	v63 =	vand.u32 $0xFFFF, v13;
	v13 =	vshrl.u32 v13, $0x10  }
0x131: {  	v22 =	vshrl.u32 v11, $0x6;
	v11 =	vshrl.u32 v11, $0x16;
	v15 =	vor.u32 v56, v57  }
0x132: {  	v13 =	vmul.u32 $0x1090000, v13;
	v12 =	vor.u32 v12, v59;
	v14 =	vxor.u32 v14, v15  }
0x133: {  	v16 =	vand.u32 $0xFFFF, v22;
	v11 =	vmul.u32 $0x1D6B, v11;
	v61 =	vand.u32 $0xFFFF, v14  }
0x134: {  	v15 =	vxor.u32 v60, v63;
	v14 =	vshrl.u32 v14, $0x10;
	v17 =	vmul.u32 $0x109, v61  }
0x135: {  	v24 =	vand.u32 $0xFFFF, v12;
	v12 =	vshrl.u32 v12, $0x10;
	v62 =	vmul.u32 $0x109, v14  }
0x136: {  	v15 =	vmul.u32 $0x109, v15;
	v14 =	vmul.u32 $0x1090000, v14;
	v21 =	vshrl.u32 v17, $0x10  }
0x137: {  	v16 =	vmul.u32 $0x375B, v16;
	v12 =	vmul.u32 $0xBDC, v12;
	v18 =	vadd.s32 v62, v21  }
0x138: {  	v13 =	vadd.s32 v13, v15;
	v14 =	vadd.s32 v17, v14;
	v21 =	vld [tilespmem:s10+$0x420];
	v23 =	vshrl.u32 v18, $0x10  }
0x139: {  	v11 =	vadd.s32 v24, v11;
	v25 =	vshrl.u32 v14, $0x1;
	v13 =	vadd.s32 v23, v13  }
0x13a: {  	v11 =	vadd.s32 v12, v11;
	v17 =	vshrl.u32 v25, $0xD;
	v26 =	vshll.u32 v13, $0x12  }
0x13b: {  	v34 =	vadd.s32 v16, v11;
	v27 =	vshrl.u32 v13, $0xE;
	v17 =	vor.u32 v17, v26  }
0x13c: {  	v36 =	vcvt.s32.f32 v34;
	v13 =	vxor.u32 v13, v27;
	v14 =	vxor.u32 v14, v17  }
0x13d: {  	v31 =	vand.u32 $0xFFFF, v13;
	v13 =	vshrl.u32 v13, $0x10;
	v39 =	vshll.u32 v21, $0x15  }
0x13e: {  	v40 =	vxor.u32 $0xFFFFFFFF, v21;
	v42 =	vshrl.u32 v21, $0xB;
	v28 =	vand.u32 $0xFFFF, v14  }
0x13f: {  	v14 =	vshrl.u32 v14, $0x10;
	v13 =	vmul.u32 $0x150000, v13;
	v29 =	vmul.u32 $0x15, v28  }
0x140: {  	v17 =	vadd.s32 v40, v39;
	v30 =	vmul.u32 $0x15, v14;
	v14 =	vmul.u32 $0x150000, v14  }
0x141: {  	v19 =	vmul.u32 $0x15, v31;
	vm8 =	vlt.u32 v17, v40;
	v20 =	vshrl.u32 v29, $0x10  }
0x142: {  	v46 =	vshrl.u32 v17, $0x1;
	v35 =	vadd.s32 v29, v14;
	v32 =	vadd.s32 v30, v20  }
0x143: {  	v13 =	vadd.s32 v19, v13;
	v38 =	vshrl.u32 v35, $0x1;
	v33 =	vshrl.u32 v32, $0x10  }
0x144: {  	v18 =	vsel vm8, $0x1, v0;
	v16 =	vshrl.u32 v38, $0x1B;
	v12 =	vadd.s32 v33, v13  }
0x145: {  	v13 =	vmul.f32 $6.399997070e-05, v36;
	v37 =	vshll.u32 v12, $0x4;
	v41 =	vshrl.u32 v12, $0x1C  }
0x146: {  	v47 =	vshrl.u32 v46, $0x17;
	v14 =	vor.u32 v16, v37;
	v12 =	vxor.u32 v12, v41  }
0x147: {  	v16 =	vadd.s32 v18, v42;
	v13 =	vtrunc.f32 v13;
	v11 =	vxor.u32 v35, v14  }
0x148: {  	v44 =	vshll.u32 v12, $0x1F;
	v16 =	vadd.s32 $0xFFFFFFFF, v16;
	v13 =	vcvt.f32.s32 v13  }
0x149: {  	v14 =	vshll.u32 v11, $0x1F;
	v45 =	vshrl.u32 v11, $0x1;
	v48 =	vshll.u32 v16, $0x8  }
0x14a: {  	v50 =	vshrl.u32 v16, $0x18;
	v53 =	vand.u32 $0xFFFF, v16;
	v16 =	vshrl.u32 v16, $0x10  }
0x14b: {  	v46 =	vand.u32 $0x3F, v11;
	v43 =	vand.u32 v11, v14;
	v18 =	vor.u32 v45, v44  }
0x14c: {  	v49 =	vor.u32 v47, v48;
	v16 =	vmul.u32 $0x1090000, v16;
	v14 =	vxor.u32 v11, v14  }
0x14d: {  	v13 =	vmul.u32 $0xFFFFC2F7, v13;
	v19 =	vshrl.u32 v43, $0x1F;
	v12 =	vadd.s32 v12, v18  }
0x14e: {  	v35 =	vld [tilespmem:s10+$0x430];
	v17 =	vxor.u32 v17, v49;
	v18 =	vxor.u32 v50, v53;
	v14 =	vshrl.u32 v14, $0x1  }
0x14f: {  	v12 =	vadd.s32 v19, v12;
	v51 =	vand.u32 $0xFFFF, v17;
	v17 =	vshrl.u32 v17, $0x10  }
0x150: {  	v18 =	vmul.u32 $0x109, v18;
	v14 =	vshrl.u32 v14, $0x5;
	v13 =	vadd.s32 v34, v13  }
0x151: {  	v19 =	vmul.u32 $0x109, v51;
	v52 =	vmul.u32 $0x109, v17;
	v17 =	vmul.u32 $0x1090000, v17  }
0x152: {  	v22 =	vshll.u32 v12, $0x1A;
	v57 =	vshrl.u32 v12, $0x16;
	v12 =	vshrl.u32 v12, $0x6  }
0x153: {  	v36 =	vadd.s32 $0xFFFFC2F7, v13;
	v41 =	vshll.u32 v35, $0x15;
	v42 =	vxor.u32 $0xFFFFFFFF, v35  }
0x154: {  	v44 =	vshrl.u32 v35, $0xB;
	v16 =	vadd.s32 v16, v18;
	v54 =	vshrl.u32 v19, $0x10  }
0x155: {  	v14 =	vor.u32 v14, v22;
	v12 =	vand.u32 $0xFFFF, v12;
	v20 =	vadd.s32 v52, v54  }
0x156: {  	vm9 =	vlt.s32 v36, $0x0;
	v17 =	vadd.s32 v19, v17;
	v55 =	vshrl.u32 v20, $0x10  }
0x157: {  	v43 =	vadd.s32 v42, v41;
	v56 =	vshrl.u32 v17, $0x1;
	v16 =	vadd.s32 v55, v16  }
0x158: {  	v58 =	vand.u32 $0xFFFF, v14;
	v18 =	vshrl.u32 v56, $0xD;
	v19 =	vshll.u32 v16, $0x12  }
0x159: {  	v14 =	vshrl.u32 v14, $0x10;
	v59 =	vshrl.u32 v16, $0xE;
	v18 =	vor.u32 v18, v19  }
0x15a: {  	v12 =	vmul.u32 $0x375B, v12;
	v16 =	vxor.u32 v16, v59;
	v17 =	vxor.u32 v17, v18  }
0x15b: {  	v39 =	vsel vm9, v13, v36;
	v63 =	vand.u32 $0xFFFF, v16;
	v60 =	vand.u32 $0xFFFF, v17  }
0x15c: {  	v16 =	vshrl.u32 v16, $0x10;
	v17 =	vshrl.u32 v17, $0x10;
	v61 =	vmul.u32 $0x15, v60  }
0x15d: {  	vm11 =	vlt.u32 v43, v42;
	v16 =	vmul.u32 $0x150000, v16;
	v62 =	vmul.u32 $0x15, v17  }
0x15e: {  	v22 =	vmul.u32 $0x15, v63;
	v17 =	vmul.u32 $0x150000, v17;
	v23 =	vshrl.u32 v61, $0x10  }
0x15f: {  	v14 =	vmul.u32 $0xBDC, v14;
	v20 =	vmul.u32 $0x1D6B, v57;
	v21 =	vadd.s32 v62, v23  }
0x160: {  	v16 =	vadd.s32 v22, v16;
	v17 =	vadd.s32 v61, v17;
	v18 =	vshrl.u32 v21, $0x10  }
0x161: {  	v19 =	vadd.s32 v58, v20;
	v23 =	vshrl.u32 v17, $0x1;
	v16 =	vadd.s32 v18, v16  }
0x162: {  	v14 =	vadd.s32 v14, v19;
	v18 =	vshrl.u32 v23, $0x1B;
	v24 =	vshll.u32 v16, $0x4  }
0x163: {  	v12 =	vadd.s32 v12, v14;
	v25 =	vshrl.u32 v16, $0x1C;
	v18 =	vor.u32 v18, v24  }
0x164: {  	v27 =	vcvt.s32.f32 v12;
	v16 =	vxor.u32 v16, v25;
	v17 =	vxor.u32 v17, v18  }
0x165: {  	v26 =	vshll.u32 v16, $0x1F;
	v18 =	vshrl.u32 v17, $0x1;
	v28 =	vshll.u32 v17, $0x1F  }
0x166: {  	v19 =	vmul.f32 $6.399997070e-05, v27;
	v14 =	vor.u32 v18, v26;
	v29 =	vand.u32 v17, v28  }
0x167: {  	v18 =	vxor.u32 v17, v28;
	v14 =	vadd.s32 v16, v14;
	v16 =	vshrl.u32 v29, $0x1F  }
0x168: {  	v48 =	vshrl.u32 v43, $0x1;
	v30 =	vshrl.u32 v18, $0x1;
	v14 =	vadd.s32 v16, v14  }
0x169: {  	v31 =	vtrunc.f32 v19;
	v15 =	vshrl.u32 v30, $0x5;
	v32 =	vshll.u32 v14, $0x1A  }
0x16a: {  	v16 =	vcvt.f32.s32 v31;
	v33 =	vshrl.u32 v14, $0x16;
	v15 =	vor.u32 v15, v32  }
0x16b: {  	v14 =	vshrl.u32 v14, $0x6;
	v18 =	vmul.u32 $0x1D6B, v33;
	v34 =	vshrl.u32 v15, $0x10  }
0x16c: {  	v14 =	vand.u32 $0xFFFF, v14;
	v15 =	vand.u32 $0xFFFF, v15;
	v19 =	vmul.u32 $0xBDC, v34  }
0x16d: {  	v45 =	vsel vm11, $0x1, v0;
	v14 =	vmul.u32 $0x375B, v14;
	v15 =	vadd.s32 v15, v18  }
0x16e: {  	v47 =	vadd.s32 v45, v44;
	v16 =	vmul.u32 $0xFFFFC2F7, v16;
	v15 =	vadd.s32 v19, v15  }
0x16f: {  	v10 =	vshll.u32 v39, $0x6;
	v11 =	vadd.s32 $0xFFFFFFFF, v47;
	v14 =	vadd.s32 v14, v15  }
0x170: {  	v49 =	vshll.u32 v11, $0x8;
	v12 =	vadd.s32 v12, v16;
	v38 =	vcvt.s32.f32 v14  }
0x171: {  	[tilespmem:s10+$0x10] =	vst v2;
	v2 =	vshrl.u32 v11, $0x18;
	v52 =	vand.u32 $0xFFFF, v11;
	v37 =	vadd.s32 $0xFFFFC2F7, v12  }
0x172: {  	v11 =	vshrl.u32 v11, $0x10;
	vm10 =	vlt.s32 v37, $0x0;
	v40 =	vmul.f32 $6.399997070e-05, v38  }
0x173: {  	v2 =	vxor.u32 v2, v52;
	v16 =	vshrl.u32 v48, $0x17;
	v12 =	vsel vm10, v12, v37  }
0x174: {  	v51 =	vor.u32 v16, v49;
	v12 =	vshll.u32 v12, $0x6;
	v13 =	vtrunc.f32 v40  }
0x175: {  	[tilespmem:s10+$0x0] =	vst v1;
	v1 =	vor.u32 v46, v12;
	v12 =	vxor.u32 v43, v51;
	v13 =	vcvt.f32.s32 v13  }
0x176: {  	v11 =	vmul.u32 $0x1090000, v11;
	v2 =	vmul.u32 $0x109, v2;
	v53 =	vand.u32 $0xFFFF, v12  }
0x177: {  	[tilespmem:s10+$0x20] =	vst v3;
	v54 =	vshrl.u32 v12, $0x10;
	v55 =	vmul.u32 $0x109, v53;
	v13 =	vmul.u32 $0xFFFFC2F7, v13  }
0x178: {  	[tilespmem:s10+$0x30] =	vst v4;
	v9 =	vor.u32 v9, v10;
	v2 =	vadd.s32 v11, v2;
	v56 =	vmul.u32 $0x109, v54  }
0x179: {  	[tilespmem:s10+$0x40] =	vst v5;
	v4 =	vmul.u32 $0x1090000, v54;
	v57 =	vshrl.u32 v55, $0x10;
	v50 =	vadd.s32 v14, v13  }
0x17a: {  	[tilespmem:s10+$0x50] =	vst v6;
	v58 =	vand.u32 $0x3F, v17;
	v5 =	vadd.s32 v56, v57;
	v3 =	vadd.s32 $0xFFFFC2F7, v50  }
0x17b: {  	[tilespmem:s10+$0x60] =	vst v8;
	v4 =	vadd.s32 v55, v4;
	v5 =	vshrl.u32 v5, $0x10;
	vm12 =	vlt.s32 v3, $0x0  }
0x17c: {  	[tilespmem:s10+$0x70] =	vst v7;
	v59 =	vshrl.u32 v4, $0x1;
	v2 =	vadd.s32 v5, v2;
	v3 =	vsel vm12, v50, v3  }
0x17d: {  	[tilespmem:s10+$0x400] =	vst v9;
	v60 =	vshll.u32 v2, $0x12;
	v61 =	vshrl.u32 v2, $0xE;
	v3 =	vshll.u32 v3, $0x6  }
0x17e: {  	[tilespmem:s10+$0x410] =	vst v1;
	v2 =	vxor.u32 v2, v61;
	v1 =	vor.u32 v58, v3;
	v3 =	vshrl.u32 v59, $0xD  }
0x17f: {  	s11 =	sor.u32 $0x440, s10;
	v13 =	vshrl.u32 v2, $0x10;
	[tilespmem:s10+$0x420] =	vst v1;
	v1 =	vor.u32 v3, v60  }
0x180: {  	v2 =	vand.u32 $0xFFFF, v2;
	v6 =	vmul.u32 $0x150000, v13;
	v1 =	vxor.u32 v4, v1;
	v3 =	vld.msk [tilespmem:s11+$0x0], $0xff  }
0x181: {  	v2 =	vmul.u32 $0x15, v2;
	v62 =	vand.u32 $0xFFFF, v1;
	v1 =	vshrl.u32 v1, $0x10  }
0x182: {  	v63 =	vmul.u32 $0x15, v62;
	v12 =	vmul.u32 $0x15, v1;
	v1 =	vmul.u32 $0x150000, v1;
	_ =	sdelay $0x1  }
0x183: {  	v2 =	vadd.s32 v2, v6;
	v14 =	vshrl.u32 v63, $0x10;
	v1 =	vadd.s32 v63, v1  }
0x184: {  	v15 =	vshll.u32 v3, $0x15;
	v16 =	vxor.u32 $0xFFFFFFFF, v3;
	v17 =	vadd.s32 v12, v14  }
0x185: {  	v3 =	vshrl.u32 v3, $0xB;
	v21 =	vshrl.u32 v1, $0x1;
	v18 =	vadd.s32 v16, v15  }
0x186: {  	v4 =	vshrl.u32 v17, $0x10;
	v22 =	vshrl.u32 v21, $0x1B;
	vm13 =	vlt.u32 v18, v16  }
0x187: {  	v2 =	vadd.s32 v4, v2;
	v23 =	vshrl.u32 v18, $0x1;
	v19 =	vsel vm13, $0x1, v0  }
0x188: {  	v20 =	vshll.u32 v2, $0x4;
	v24 =	vshrl.u32 v23, $0x17;
	v3 =	vadd.s32 v19, v3  }
0x189: {  	v26 =	vshrl.u32 v2, $0x1C;
	v4 =	vor.u32 v22, v20;
	v3 =	vadd.s32 $0xFFFFFFFF, v3  }
0x18a: {  	v2 =	vxor.u32 v2, v26;
	v1 =	vxor.u32 v1, v4;
	v25 =	vshll.u32 v3, $0x8  }
0x18b: {  	v35 =	vshll.u32 v2, $0x1F;
	v28 =	vshll.u32 v1, $0x1F;
	v27 =	vor.u32 v24, v25  }
0x18c: {  	v29 =	vshrl.u32 v3, $0x18;
	v32 =	vand.u32 $0xFFFF, v3;
	v4 =	vxor.u32 v18, v27  }
0x18d: {  	v3 =	vshrl.u32 v3, $0x10;
	v36 =	vshrl.u32 v1, $0x1;
	v30 =	vand.u32 $0xFFFF, v4  }
0x18e: {  	v5 =	vxor.u32 v29, v32;
	v4 =	vshrl.u32 v4, $0x10;
	v7 =	vmul.u32 $0x109, v30  }
0x18f: {  	v3 =	vmul.u32 $0x1090000, v3;
	v6 =	vxor.u32 v1, v28;
	v31 =	vmul.u32 $0x109, v4  }
0x190: {  	v5 =	vmul.u32 $0x109, v5;
	v4 =	vmul.u32 $0x1090000, v4;
	v33 =	vshrl.u32 v7, $0x10  }
0x191: {  	v34 =	vand.u32 v1, v28;
	v6 =	vshrl.u32 v6, $0x1;
	v8 =	vadd.s32 v31, v33  }
0x192: {  	v3 =	vadd.s32 v3, v5;
	v4 =	vadd.s32 v7, v4;
	v8 =	vshrl.u32 v8, $0x10  }
0x193: {  	v6 =	vshrl.u32 v6, $0x5;
	v37 =	vshrl.u32 v4, $0x1;
	v3 =	vadd.s32 v8, v3  }
0x194: {  	v5 =	vor.u32 v36, v35;
	v8 =	vshrl.u32 v37, $0xD;
	v38 =	vshll.u32 v3, $0x12  }
0x195: {  	v2 =	vadd.s32 v2, v5;
	v40 =	vshrl.u32 v3, $0xE;
	v39 =	vor.u32 v8, v38  }
0x196: {  	v7 =	vshrl.u32 v34, $0x1F;
	v3 =	vxor.u32 v3, v40;
	v4 =	vxor.u32 v4, v39  }
0x197: {  	v2 =	vadd.s32 v7, v2;
	v44 =	vand.u32 $0xFFFF, v3;
	v41 =	vand.u32 $0xFFFF, v4  }
0x198: {  	v3 =	vshrl.u32 v3, $0x10;
	v4 =	vshrl.u32 v4, $0x10;
	v42 =	vmul.u32 $0x15, v41  }
0x199: {  	v46 =	vshll.u32 v2, $0x1A;
	v3 =	vmul.u32 $0x150000, v3;
	v43 =	vmul.u32 $0x15, v4  }
0x19a: {  	v8 =	vmul.u32 $0x15, v44;
	v4 =	vmul.u32 $0x150000, v4;
	v45 =	vshrl.u32 v42, $0x10  }
0x19b: {  	v50 =	vshrl.u32 v2, $0x6;
	v2 =	vshrl.u32 v2, $0x16;
	v7 =	vadd.s32 v43, v45  }
0x19c: {  	v3 =	vadd.s32 v8, v3;
	v4 =	vadd.s32 v42, v4;
	v47 =	vshrl.u32 v7, $0x10  }
0x19d: {  	v6 =	vor.u32 v6, v46;
	v48 =	vshrl.u32 v4, $0x1;
	v3 =	vadd.s32 v47, v3  }
0x19e: {  	v2 =	vmul.u32 $0x1D6B, v2;
	v5 =	vshrl.u32 v48, $0x1B;
	v49 =	vshll.u32 v3, $0x4  }
0x19f: {  	v9 =	vand.u32 $0xFFFF, v6;
	v51 =	vshrl.u32 v3, $0x1C;
	v5 =	vor.u32 v5, v49  }
0x1a0: {  	v52 =	vshrl.u32 v6, $0x10;
	v3 =	vxor.u32 v3, v51;
	v4 =	vxor.u32 v4, v5  }
0x1a1: {  	v53 =	vshll.u32 v3, $0x1F;
	v54 =	vshrl.u32 v4, $0x1;
	v55 =	vshll.u32 v4, $0x1F  }
0x1a2: {  	v2 =	vadd.s32 v9, v2;
	v6 =	vor.u32 v54, v53;
	v56 =	vand.u32 v4, v55  }
0x1a3: {  	v7 =	vxor.u32 v4, v55;
	v3 =	vadd.s32 v3, v6;
	v6 =	vshrl.u32 v56, $0x1F  }
0x1a4: {  	v8 =	vand.u32 $0xFFFF, v50;
	v57 =	vshrl.u32 v7, $0x1;
	v3 =	vadd.s32 v6, v3  }
0x1a5: {  	v58 =	vmul.u32 $0x375B, v8;
	v6 =	vshrl.u32 v57, $0x5;
	v59 =	vshll.u32 v3, $0x1A  }
0x1a6: {  	v5 =	vmul.u32 $0xBDC, v52;
	v60 =	vshrl.u32 v3, $0x16;
	v6 =	vor.u32 v6, v59  }
0x1a7: {  	v3 =	vshrl.u32 v3, $0x6;
	v8 =	vmul.u32 $0x1D6B, v60;
	v61 =	vshrl.u32 v6, $0x10  }
0x1a8: {  	v3 =	vand.u32 $0xFFFF, v3;
	v6 =	vand.u32 $0xFFFF, v6;
	v9 =	vmul.u32 $0xBDC, v61  }
0x1a9: {  	v2 =	vadd.s32 v5, v2;
	v3 =	vmul.u32 $0x375B, v3;
	v62 =	vadd.s32 v6, v8  }
0x1aa: {  	v2 =	vadd.s32 v58, v2;
	v5 =	vadd.s32 v9, v62  }
0x1ab: {  	v63 =	vcvt.s32.f32 v2;
	v3 =	vadd.s32 v3, v5  }
0x1ac: {  	v5 =	vcvt.s32.f32 v3  }
0x1ad: {  	v6 =	vmul.f32 $6.399997070e-05, v63  }
0x1ae: {  	v5 =	vmul.f32 $6.399997070e-05, v5  }
0x1af: {  	v6 =	vtrunc.f32 v6  }
0x1b0: {  	v6 =	vcvt.f32.s32 v6;
	v5 =	vtrunc.f32 v5  }
0x1b1: {  	v5 =	vcvt.f32.s32 v5  }
0x1b2: {  	v6 =	vmul.u32 $0xFFFFC2F7, v6  }
0x1b3: {  	v5 =	vmul.u32 $0xFFFFC2F7, v5  }
0x1b4: {  	v2 =	vadd.s32 v2, v6  }
0x1b5: {  	v6 =	vadd.s32 $0xFFFFC2F7, v2;
	v3 =	vadd.s32 v3, v5  }
0x1b6: {  	p0 =	sne.s32 s9, $0x5F00;
	vm14 =	vlt.s32 v6, $0x0;
	v5 =	vadd.s32 $0xFFFFC2F7, v3  }
.Ltmp0:
0x1b7: {  	v2 =	vsel vm14, v2, v6;
	vm15 =	vlt.s32 v5, $0x0;
	(pc) =	sbr.rel @p0 .LBB2_2-.Ltmp0, $4  }
0x1b8: {  	v1 =	vand.u32 $0x3F, v1;
	v2 =	vshll.u32 v2, $0x6;
	v3 =	vsel vm15, v3, v5  }
0x1b9: {  	v1 =	vor.u32 v1, v2;
	v2 =	vand.u32 $0x3F, v4;
	v3 =	vshll.u32 v3, $0x6  }
0x1ba: {  	[tilespmem:s10+$0x430] =	vst v1;
	v2 =	vor.u32 v2, v3  }
0x1bb: {  	s8 =	sadd.s32 $0x80, s8;
	s9 =	sadd.s32 $0x100, s9;
	[tilespmem:s11+$0x0] =	vst.msk $0xff, v2  }
0x1bc: {  	s7 =	sadd.s32 $0x1, s7  }
0x1bd: {  	p0 =	sne.s32 s7, s5  }
.Ltmp1:
0x1be: {  	_ = 	snop;
	(pc) =	sbr.rel @p0 .LBB2_1-.Ltmp1, $4  }
0x1bf: {  	[hbm4b:s4+s2] =	stream.linear.scatter [tilespmem:s2], [sflag:$0x1], $0x6000, $0x38;
	[tilespmem:$0x6000] =	vst v63  }
0x1c0: {  	_ =	swait.ge [sflag:s6], $0x6000  }
0x1c1: {  	[sflag:s6] =	ssyncset.done $0x0  }
0x1c2: {  	[sflag:s6] =	ssyncadd.s32 $0xFFFFA000  }
0x1c3: {  	_ =	sfence.sel $0x180000  }
0x1c4: {  	[bflag:$0x0] =	sbarrier.arrive $0xFFFF  }
0x1c5: {  	p0 =	sne.s32 s0, $0x0;
	_ =	strace $0x90000047  }
0x1c6: {  	s0 =	sadd.s32 @!p0 $0x100000, s1;
	[bflag:$0x2] =	sbarrier.arrive $0xFFFF  }
0x1c7: {  	[sflag:s0] =	ssyncadd.tile.s32 @!p0 $0x1;
	_ =	shalt  }
.Lfunc_end2:
_tile_overlayer_lowered:
.L_overlay_start_2:
0x1c8: {  	(tag) =	ssettag $0x2  }
0x1c9: {  	s0 =	rddreg [dreg:$0x0];
	s2 =	stileid.u32  }
0x1ca: {  	s1 =	rddreg [dreg:$0x1];
	p0 =	sne.s32 s2, $0x0  }
0x1cb: {  	s3 =	rddreg [dreg:$0x2];
	[bflag:$0x3] =	sbarrier.arrive $0xFFFF;
	s2 =	simm.s32 @!p0 $0x1C01  }
0x1cc: {  	[timem:s3], [sflag:s2] =	dma.local @!p0 [hbm:s0], s1  }
0x1cd: {  	s0 =	simm.s32 @!p0 $0x1  }
0x1ce: {  	_ =	swait.ge @!p0 [sflag:s0], s1  }
0x1cf: {  	s1 =	ssub.s32 @!p0 $0x0, s1;
	[sflag:s0] =	ssyncset.done @!p0 $0x0  }
0x1d0: {  	[sflag:s0] =	ssyncadd.s32 @!p0 s1  }
0x1d1: {  	[bflag:$0x3] =	sbarrier.arrive $0xFFFF  }
0x1d2: {  	_ =	shalt  }

</sc_bundles>
